<compile_context>
chip_gen: v7x
topology: tpu7x:2x2x1
jax: 0.10.2.dev20260603
libtpu: 0.0.44.dev20260713+nightly
codegen_flags: <defaults>
</compile_context>

<pallas_src>
import functools

import numpy as np
import jax
import jax.numpy as jnp
from jax import lax
from jax.experimental import pallas as pl
from jax.experimental.pallas import tpu as pltpu
from jax.experimental.pallas import tpu_sc as plsc

_TIME_RES = 25
_N_LEVELS = 8
_F = 4
_BASE_RES = 512
_MAX_RES = 32768
_HASHMAP = 1 << 16
_PER_LEVEL_SCALE = float(np.exp2(np.log2(_MAX_RES / _BASE_RES) / (_N_LEVELS - 1)))
_PRIME = np.uint32(2654435761).astype(np.int32)
_SCALES = [np.float32(_BASE_RES * (_PER_LEVEL_SCALE ** l) - 1.0) for l in range(_N_LEVELS)]

_N = 1048576
_NW = 32
_PTS = _N // _NW
_B = 1024
_NCH = _PTS // _B
_GROUPS_A = _B // 16
_GROUPS_B = _B // 4


def _combine_sc_body(tn_hbm, sel_hbm, wb_hbm, c_hbm, t1_v, t2_v, o_v, w_v, sel_v):
    cid = lax.axis_index("c")
    sid = lax.axis_index("s")
    wid = sid * 2 + cid

    i16 = lax.iota(jnp.int32, 16)
    i8 = i16 * 8
    zero16 = jnp.zeros((16,), jnp.float32)

    pltpu.sync_copy(wb_hbm, w_v)
    pltpu.sync_copy(sel_hbm, sel_v)
    w1v = w_v[pl.ds(0, 16)]
    w2v = w_v[pl.ds(16, 16)]
    selvec = sel_v[pl.ds(0, 16)]
    sbase1 = selvec[0] * 2097152
    sbase2 = selvec[1] * 2097152

    def z(g, _):
        o_v[pl.ds(g * 16, 16)] = zero16
        return _

    lax.fori_loop(0, 1024, z, None)

    def chunk(ch, _):
        base = wid * 65536 + ch * 8192
        pltpu.sync_copy(tn_hbm.at[pl.ds(sbase1 + base, 8192)], t1_v)
        pltpu.sync_copy(tn_hbm.at[pl.ds(sbase2 + base, 8192)], t2_v)

        def blk(k, _):
            ib = (k >> 3) * 512 + (k & 7) * 16
            ob = (k >> 3) * 1024 + (k & 7) * 128
            for f in range(4):
                v = w1v * t1_v[pl.ds(ib + f * 128, 16)] + w2v * t2_v[pl.ds(ib + f * 128, 16)]
                plsc.store_scatter(o_v, [ob + i8 + f], v)
            return _

        lax.fori_loop(0, 128, blk, None)
        pltpu.sync_copy(o_v, c_hbm.at[pl.ds(wid * 131072 + ch * 16384, 16384)])
        return _

    lax.fori_loop(0, 8, chunk, None)


@functools.cache
def _get_sc_combine():
    return functools.partial(
        pl.kernel,
        out_type=jax.ShapeDtypeStruct((_N_LEVELS * _HASHMAP * 8,), jnp.float32),
        mesh=plsc.VectorSubcoreMesh(
            core_axis_name="c", subcore_axis_name="s", num_cores=2, num_subcores=16
        ),
        compiler_params=pltpu.CompilerParams(
            needs_layout_passes=False, use_tc_tiling_on_sc=False
        ),
        scratch_types=[
            pltpu.VMEM((8192,), jnp.float32),
            pltpu.VMEM((8192,), jnp.float32),
            pltpu.VMEM((16384,), jnp.float32),
            pltpu.VMEM((32,), jnp.float32),
            pltpu.VMEM((16,), jnp.int32),
        ],
    )(_combine_sc_body)


def _sc_body(
    c_hbm, x_hbm, out_hbm, x_v, ih_v, f_v, rows_v, out_v, sem0, sem1, xsem, osem
):
    cid = lax.axis_index("c")
    sid = lax.axis_index("s")
    wid = sid * 2 + cid
    base_pt = wid * _PTS

    i16 = lax.iota(jnp.int32, 16)
    p4 = i16 >> 2
    c4 = i16 & 3
    pscat = c4 * 128 + p4

    sems = (sem0, sem1)

    def x_dma(ci, xp):
        return pltpu.make_async_copy(
            x_hbm.at[pl.ds((base_pt + ci * _B) * 2, _B * 2)], x_v.at[xp], xsem
        )

    def out_dma(ci, fg):
        px0 = base_pt + ci * _B
        return pltpu.make_async_copy(
            out_v.at[pl.ds(fg * 8192, 8192)],
            out_hbm.at[pl.ds(fg * 8388608 + px0 * 8, 8192)],
            osem,
        )

    def pass_a(lvl, parity, xp):
        scale = _SCALES[lvl]
        fbase = parity * 2048
        ihbase = parity * 32
        lb = np.int32(lvl * _HASHMAP)

        def ga(g, _):
            xb = (g >> 3) * 256 + (g & 7) * 16
            xs = x_v[xp, pl.ds(xb, 16)]
            ys = x_v[xp, pl.ds(xb + 128, 16)]
            pxf = xs * scale + 0.5
            pyf = ys * scale + 0.5
            pxi = pxf.astype(jnp.int32)
            pyi = pyf.astype(jnp.int32)
            f_v[pl.ds(fbase + g * 16, 16)] = pxf - pxi.astype(jnp.float32)
            f_v[pl.ds(fbase + 1024 + g * 16, 16)] = pyf - pyi.astype(jnp.float32)
            m0 = pyi * _PRIME
            m1 = m0 + _PRIME
            px1 = pxi + 1
            row = ihbase + (g >> 3)
            col = (g & 7) * 16
            ih_v[row, pl.ds(col, 16)] = ((pxi ^ m0) & 65535) + lb
            ih_v[row + 8, pl.ds(col, 16)] = ((px1 ^ m0) & 65535) + lb
            ih_v[row + 16, pl.ds(col, 16)] = ((pxi ^ m1) & 65535) + lb
            ih_v[row + 24, pl.ds(col, 16)] = ((px1 ^ m1) & 65535) + lb
            return _

        lax.fori_loop(0, _GROUPS_A, ga, None)

    def fire(parity):
        sem = sems[parity]

        def fj(r, _):
            src = c_hbm.at[ih_v.at[parity * 32 + r]]
            dst = rows_v.at[pl.ds(parity * 4096 + r * 128, 128)]
            pltpu.async_copy(src, dst, sem)
            return _

        lax.fori_loop(0, 32, fj, None)

    def drain(parity):
        sem = sems[parity]

        def dj(r, _):
            src = c_hbm.at[ih_v.at[parity * 32 + r]]
            dst = rows_v.at[pl.ds(parity * 4096 + r * 128, 128)]
            pltpu.make_async_copy(src, dst, sem).wait()
            return _

        lax.fori_loop(0, 32, dj, None)

    def pass_b(lvl, parity):
        rbase = parity * 4096
        fbase = parity * 2048
        obase = np.int32((lvl >> 1) * 8192 + (lvl & 1) * 512)

        def gb(q, _):
            pb = q * 4 + p4
            fxe = plsc.load_gather(f_v, [fbase + pb])
            fye = plsc.load_gather(f_v, [fbase + 1024 + pb])
            gx0 = 1.0 - fxe
            gy0 = 1.0 - fye
            r0 = plsc.load_gather(rows_v, [rbase + pb, c4])
            r1 = plsc.load_gather(rows_v, [rbase + 1024 + pb, c4])
            r2 = plsc.load_gather(rows_v, [rbase + 2048 + pb, c4])
            r3 = plsc.load_gather(rows_v, [rbase + 3072 + pb, c4])
            acc = gy0 * (gx0 * r0 + fxe * r1) + fye * (gx0 * r2 + fxe * r3)
            sbase = obase + (q >> 5) * 1024 + (q & 31) * 4
            plsc.store_scatter(out_v, [sbase + pscat], acc)
            return _

        lax.fori_loop(0, _GROUPS_B, gb, None)

    def chunk(ci, _):
        xp = ci & 1
        x_dma(ci, xp).wait()

        @pl.when(ci < _NCH - 1)
        def _():
            x_dma(ci + 1, 1 - xp).start()

        pass_a(0, 0, xp)
        fire(0)
        pass_a(1, 1, xp)
        fire(1)

        @pl.when(ci > 0)
        def _():
            for fg in range(4):
                out_dma(ci - 1, fg).wait()

        drain(0)
        pass_b(0, 0)
        for lvl in range(2, _N_LEVELS):
            pass_a(lvl, lvl % 2, xp)
            fire(lvl % 2)
            drain((lvl - 1) % 2)
            pass_b(lvl - 1, (lvl - 1) % 2)
        drain((_N_LEVELS - 1) % 2)
        pass_b(_N_LEVELS - 1, (_N_LEVELS - 1) % 2)
        for fg in range(4):
            out_dma(ci, fg).start()
        return _

    x_dma(0, 0).start()
    lax.fori_loop(0, _NCH, chunk, None)
    for fg in range(4):
        out_dma(_NCH - 1, fg).wait()


@functools.cache
def _get_sc_encode():
    return functools.partial(
        pl.kernel,
        out_type=jax.ShapeDtypeStruct((_N * 32,), jnp.float32),
        mesh=plsc.VectorSubcoreMesh(
            core_axis_name="c", subcore_axis_name="s", num_cores=2, num_subcores=16
        ),
        compiler_params=pltpu.CompilerParams(
            needs_layout_passes=False, use_tc_tiling_on_sc=False
        ),
        scratch_types=_sc_scratch_types(),
    )(_sc_body)


def _sc_scratch_types():
    return [
        pltpu.VMEM((2, 2 * _B), jnp.float32),
        pltpu.VMEM((64, 128), jnp.int32),
        pltpu.VMEM((4096,), jnp.float32),
        pltpu.VMEM((8192, 8), jnp.float32),
        pltpu.VMEM((_B * 32,), jnp.float32),
        pltpu.SemaphoreType.DMA,
        pltpu.SemaphoreType.DMA,
        pltpu.SemaphoreType.DMA,
        pltpu.SemaphoreType.DMA,
    ]


def kernel(x, t, table):
    n = x.shape[0]
    idx = t[0] * (_TIME_RES - 1)
    idx1 = jnp.floor(idx).astype(jnp.int32)
    idx2 = jnp.ceil(idx).astype(jnp.int32)
    w2 = idx - idx1.astype(idx.dtype)
    w1 = 1.0 - w2
    wb = jnp.concatenate(
        [jnp.broadcast_to(w1, (16,)), jnp.broadcast_to(w2, (16,))]
    )
    tn = (
        table.reshape(_TIME_RES, _N_LEVELS, 512, 128, 4)
        .transpose(0, 1, 2, 4, 3)
        .reshape(_TIME_RES * _N_LEVELS * _HASHMAP * 4)
    )
    sel = jnp.zeros((16,), jnp.int32).at[0].set(idx1).at[1].set(idx2)
    c = _get_sc_combine()(tn, sel, wb).reshape(_N_LEVELS * _HASHMAP, 8)
    xbi = x.reshape(8192, 128, 2).transpose(0, 2, 1).reshape(2 * n)
    out = _get_sc_encode()(c, xbi)
    out = out.reshape(4, 8192, 8, 128).transpose(1, 3, 0, 2).reshape(n, 32)
    return out

# --- scband reference (transcript-rebuilt; emitter-appended) ---
"""Pipeline reference for scband-hash-grid-t-22978075034084 (READ-ONLY COPY).

The authoritative reference and input builder live on the scoring server;
editing this copy changes nothing except your own understanding.
"""

import jax, jax.numpy as jnp
import numpy as np

TIME_RES = 25
N_LEVELS = 8
F = 4
BASE_RES = 512
MAX_RES = 32768
LOG2_HASH = 16
HASHMAP = 1 << LOG2_HASH
PER_LEVEL_SCALE = float(np.exp2(np.log2(MAX_RES / BASE_RES) / (N_LEVELS - 1)))
PRIME = np.uint32(2654435761)


def _encode_one(x, table):
    # x: [N, 2] in [0,1];  table: [N_LEVELS, HASHMAP, F]
    outs = []
    for level in range(N_LEVELS):
        scale = BASE_RES * (PER_LEVEL_SCALE ** level) - 1.0
        pos = x * scale + 0.5
        pos_f = jnp.floor(pos)
        frac = pos - pos_f
        pg = pos_f.astype(jnp.uint32)
        feat = jnp.zeros((x.shape[0], F), dtype=x.dtype)
        for dx in (0, 1):
            for dy in (0, 1):
                cx = pg[:, 0] + jnp.uint32(dx)
                cy = pg[:, 1] + jnp.uint32(dy)
                h = ((cx ^ (cy * PRIME)) % jnp.uint32(HASHMAP)).astype(jnp.int32)
                wx = frac[:, 0] if dx else (1.0 - frac[:, 0])
                wy = frac[:, 1] if dy else (1.0 - frac[:, 1])
                w = (wx * wy)[:, None]
                feat = feat + w * jnp.take(table[level], h, axis=0)
        outs.append(feat)
    return jnp.concatenate(outs, axis=-1)  # [N, N_LEVELS*F]


def setup_inputs(seed: int = 0) -> dict:
    key = jax.random.key(seed)
    k1, k2, k3 = jax.random.split(key, 3)
    N = 1048576
    x = jax.random.uniform(k1, (N, 2), dtype=jnp.float32)
    t = jax.random.uniform(k2, (1,), dtype=jnp.float32)
    # one hash table per time slice: [TIME_RES, N_LEVELS, HASHMAP, F], tcnn-style small uniform init
    table = jax.random.uniform(k3, (TIME_RES, N_LEVELS, HASHMAP, F), dtype=jnp.float32, minval=-1e-4, maxval=1e-4)
    return {"x": x, "t": t, "table": table}


def reference(x, t, table):
    idx = t[0] * (TIME_RES - 1)
    idx1 = jnp.floor(idx).astype(jnp.int32)
    idx2 = jnp.ceil(idx).astype(jnp.int32)
    w2 = idx - idx1.astype(idx.dtype)
    w1 = 1.0 - w2  # equals (idx2 - idx) when idx1 != idx2, and 1.0 when idx1 == idx2
    f1 = _encode_one(x, table[idx1])
    f2 = _encode_one(x, table[idx2])
    return w1 * f1 + w2 * f2

if __name__ == "__main__":
    import jax
    _d = setup_inputs()
    print(jax.jit(kernel)(*tuple(_d.values())))

</pallas_src>

<mosaic_0001>
#map = affine_map<(d0, d1) -> (0)>
module attributes {stable_mosaic.version = 14 : i64} {
  func.func @_combine_sc_body(%arg0: i32, %arg1: i32, %arg2: memref<52428800xf32, #tpu.memory_space<hbm>>, %arg3: memref<16xi32, #tpu.memory_space<hbm>>, %arg4: memref<32xf32, #tpu.memory_space<hbm>>, %arg5: memref<4194304xf32, #tpu.memory_space<hbm>>, %arg6: memref<8192xf32, #tpu.memory_space<vmem>>, %arg7: memref<8192xf32, #tpu.memory_space<vmem>>, %arg8: memref<16384xf32, #tpu.memory_space<vmem>>, %arg9: memref<32xf32, #tpu.memory_space<vmem>>, %arg10: memref<16xi32, #tpu.memory_space<vmem>>) attributes {dimension_semantics = [#tpu.dimension_semantics<core_parallel>, #tpu.dimension_semantics<subcore_parallel>], iteration_bounds = array<i64: 2, 16>, scalar_prefetch = 0 : i64, scratch_operands = 5 : i64, tpu.core_type = #tpu.core_type<sc_vector_subcore>, window_params = [{transform_indices = #map}, {transform_indices = #map}, {transform_indices = #map}, {transform_indices = #map}]} {
    %mul3A = arith.constant 2 : i32
    %mul3A_0 = arith.muli %arg1, %mul3A : i32
    %add3A = arith.addi %mul3A_0, %arg0 : i32
    %iota3A = tpu.iota {dimensions = array<i32: 0>} : vector<16xi32>
    %mul3A_1 = arith.constant 8 : i32
    %mul3A_2 = vector.broadcast %mul3A_1 : i32 to vector<16xi32>
    %mul3A_3 = arith.muli %iota3A, %mul3A_2 : vector<16xi32>
    %broadcast_in_dim3A = arith.constant 0.000000e+00 : f32
    %broadcast_in_dim3A_4 = vector.broadcast %broadcast_in_dim3A : f32 to vector<16xf32>
    "tpu.region"() ({
      %run_scoped3A = tpu.sem_alloc : memref<!tpu.dma_semaphore, #tpu.memory_space<semaphore_mem>>
      tpu.enqueue_dma source(%arg4 : memref<32xf32, #tpu.memory_space<hbm>>) target(%arg9 : memref<32xf32, #tpu.memory_space<vmem>>) target_semaphore(%run_scoped3A : memref<!tpu.dma_semaphore, #tpu.memory_space<semaphore_mem>>)
      tpu.wait_dma2 semaphore(%run_scoped3A : memref<!tpu.dma_semaphore, #tpu.memory_space<semaphore_mem>>) src(%arg4 : memref<32xf32, #tpu.memory_space<hbm>>) dst(%arg9 : memref<32xf32, #tpu.memory_space<vmem>>)
      tpu.yield
    }) : () -> ()
    "tpu.region"() ({
      %run_scoped3A = tpu.sem_alloc : memref<!tpu.dma_semaphore, #tpu.memory_space<semaphore_mem>>
      tpu.enqueue_dma source(%arg3 : memref<16xi32, #tpu.memory_space<hbm>>) target(%arg10 : memref<16xi32, #tpu.memory_space<vmem>>) target_semaphore(%run_scoped3A : memref<!tpu.dma_semaphore, #tpu.memory_space<semaphore_mem>>)
      tpu.wait_dma2 semaphore(%run_scoped3A : memref<!tpu.dma_semaphore, #tpu.memory_space<semaphore_mem>>) src(%arg3 : memref<16xi32, #tpu.memory_space<hbm>>) dst(%arg10 : memref<16xi32, #tpu.memory_space<vmem>>)
      tpu.yield
    }) : () -> ()
    %get3A = arith.constant 0 : index
    %get3A_5 = tpu.vector_load %arg9[%get3A] {strides = array<i32>} : memref<32xf32, #tpu.memory_space<vmem>>, vector<16xf32>,
    %get3A_6 = arith.constant 16 : index
    %get3A_7 = tpu.vector_load %arg9[%get3A_6] {strides = array<i32>} : memref<32xf32, #tpu.memory_space<vmem>>, vector<16xf32>,
    %get3A_8 = arith.constant 0 : index
    %get3A_9 = tpu.vector_load %arg10[%get3A_8] {strides = array<i32>} : memref<16xi32, #tpu.memory_space<vmem>>, vector<16xi32>,
    %slice3A = vector.extract_strided_slice %get3A_9 {offsets = [0], sizes = [1], strides = [1]} : vector<16xi32> to vector<1xi32>
    %squeeze3A = vector.extract %slice3A[0] : i32 from vector<1xi32>
    %mul3A_10 = arith.constant 2097152 : i32
    %mul3A_11 = arith.muli %squeeze3A, %mul3A_10 : i32
    %slice3A_12 = vector.extract_strided_slice %get3A_9 {offsets = [1], sizes = [1], strides = [1]} : vector<16xi32> to vector<1xi32>
    %squeeze3A_13 = vector.extract %slice3A_12[0] : i32 from vector<1xi32>
    %mul3A_14 = arith.constant 2097152 : i32
    %mul3A_15 = arith.muli %squeeze3A_13, %mul3A_14 : i32
    %scan3A = arith.constant 0 : i32
    %scan3A_16 = arith.constant 1024 : i32
    %scan3A_17 = arith.addi %scan3A, %scan3A_16 : i32
    %scan3A_18 = arith.constant 1 : i32
    scf.for %scan3A_25 = %scan3A to %scan3A_17 step %scan3A_18  : i32 {
      %mul3A_26 = arith.constant 16 : i32
      %mul3A_27 = arith.muli %scan3A_25, %mul3A_26 : i32
      %swap3A = arith.index_cast %mul3A_27 : i32 to index
      %swap3A_28 = tpu.vector_load %arg8[%swap3A] {strides = array<i32>} : memref<16384xf32, #tpu.memory_space<vmem>>, vector<16xf32>,
      tpu.vector_store %arg8[%swap3A], %broadcast_in_dim3A_4 {strides = array<i32>} : memref<16384xf32, #tpu.memory_space<vmem>>, vector<16xf32>,
    }
    %scan3A_19 = arith.constant 1024 : i32
    %scan3A_20 = arith.constant 0 : i32
    %scan3A_21 = arith.constant 8 : i32
    %scan3A_22 = arith.addi %scan3A_20, %scan3A_21 : i32
    %scan3A_23 = arith.constant 1 : i32
    scf.for %scan3A_25 = %scan3A_20 to %scan3A_22 step %scan3A_23  : i32 {
      %mul3A_26 = arith.constant 65536 : i32
      %mul3A_27 = arith.muli %add3A, %mul3A_26 : i32
      %mul3A_28 = arith.constant 8192 : i32
      %mul3A_29 = arith.muli %scan3A_25, %mul3A_28 : i32
      %add3A_30 = arith.addi %mul3A_27, %mul3A_29 : i32
      %add3A_31 = arith.addi %mul3A_11, %add3A_30 : i32
      "tpu.region"() ({
        %run_scoped3A = tpu.sem_alloc : memref<!tpu.dma_semaphore, #tpu.memory_space<semaphore_mem>>
        %dma_start3A = tpu.memref_slice %arg2[%add3A_31] : memref<52428800xf32, #tpu.memory_space<hbm>> -> memref<8192xf32, #tpu.memory_space<hbm>>
        %dma_start3A_43 = tpu.memref_slice %arg2[%add3A_31] : memref<52428800xf32, #tpu.memory_space<hbm>> -> memref<8192xf32, #tpu.memory_space<hbm>>
        tpu.enqueue_dma source(%dma_start3A_43 : memref<8192xf32, #tpu.memory_space<hbm>>) target(%arg6 : memref<8192xf32, #tpu.memory_space<vmem>>) target_semaphore(%run_scoped3A : memref<!tpu.dma_semaphore, #tpu.memory_space<semaphore_mem>>)
        %dma_wait3A = tpu.memref_slice %arg2[%add3A_31] : memref<52428800xf32, #tpu.memory_space<hbm>> -> memref<8192xf32, #tpu.memory_space<hbm>>
        %dma_wait3A_44 = tpu.memref_slice %arg2[%add3A_31] : memref<52428800xf32, #tpu.memory_space<hbm>> -> memref<8192xf32, #tpu.memory_space<hbm>>
        tpu.wait_dma2 semaphore(%run_scoped3A : memref<!tpu.dma_semaphore, #tpu.memory_space<semaphore_mem>>) src(%dma_wait3A_44 : memref<8192xf32, #tpu.memory_space<hbm>>) dst(%arg6 : memref<8192xf32, #tpu.memory_space<vmem>>)
        tpu.yield
      }) : () -> ()
      %add3A_32 = arith.addi %mul3A_15, %add3A_30 : i32
      "tpu.region"() ({
        %run_scoped3A = tpu.sem_alloc : memref<!tpu.dma_semaphore, #tpu.memory_space<semaphore_mem>>
        %dma_start3A = tpu.memref_slice %arg2[%add3A_32] : memref<52428800xf32, #tpu.memory_space<hbm>> -> memref<8192xf32, #tpu.memory_space<hbm>>
        %dma_start3A_43 = tpu.memref_slice %arg2[%add3A_32] : memref<52428800xf32, #tpu.memory_space<hbm>> -> memref<8192xf32, #tpu.memory_space<hbm>>
        tpu.enqueue_dma source(%dma_start3A_43 : memref<8192xf32, #tpu.memory_space<hbm>>) target(%arg7 : memref<8192xf32, #tpu.memory_space<vmem>>) target_semaphore(%run_scoped3A : memref<!tpu.dma_semaphore, #tpu.memory_space<semaphore_mem>>)
        %dma_wait3A = tpu.memref_slice %arg2[%add3A_32] : memref<52428800xf32, #tpu.memory_space<hbm>> -> memref<8192xf32, #tpu.memory_space<hbm>>
        %dma_wait3A_44 = tpu.memref_slice %arg2[%add3A_32] : memref<52428800xf32, #tpu.memory_space<hbm>> -> memref<8192xf32, #tpu.memory_space<hbm>>
        tpu.wait_dma2 semaphore(%run_scoped3A : memref<!tpu.dma_semaphore, #tpu.memory_space<semaphore_mem>>) src(%dma_wait3A_44 : memref<8192xf32, #tpu.memory_space<hbm>>) dst(%arg7 : memref<8192xf32, #tpu.memory_space<vmem>>)
        tpu.yield
      }) : () -> ()
      %scan3A_33 = arith.constant 0 : i32
      %scan3A_34 = arith.constant 128 : i32
      %scan3A_35 = arith.addi %scan3A_33, %scan3A_34 : i32
      %scan3A_36 = arith.constant 1 : i32
      scf.for %scan3A_43 = %scan3A_33 to %scan3A_35 step %scan3A_36  : i32 {
        %shift_right_arithmetic3A = arith.constant 3 : i32
        %shift_right_arithmetic3A_44 = arith.shrsi %scan3A_43, %shift_right_arithmetic3A : i32
        %mul3A_45 = arith.constant 512 : i32
        %mul3A_46 = arith.muli %shift_right_arithmetic3A_44, %mul3A_45 : i32
        %and3A = arith.constant 7 : i32
        %and3A_47 = arith.andi %scan3A_43, %and3A : i32
        %mul3A_48 = arith.constant 16 : i32
        %mul3A_49 = arith.muli %and3A_47, %mul3A_48 : i32
        %add3A_50 = arith.addi %mul3A_46, %mul3A_49 : i32
        %shift_right_arithmetic3A_51 = arith.constant 3 : i32
        %shift_right_arithmetic3A_52 = arith.shrsi %scan3A_43, %shift_right_arithmetic3A_51 : i32
        %mul3A_53 = arith.constant 1024 : i32
        %mul3A_54 = arith.muli %shift_right_arithmetic3A_52, %mul3A_53 : i32
        %and3A_55 = arith.constant 7 : i32
        %and3A_56 = arith.andi %scan3A_43, %and3A_55 : i32
        %mul3A_57 = arith.constant 128 : i32
        %mul3A_58 = arith.muli %and3A_56, %mul3A_57 : i32
        %add3A_59 = arith.addi %mul3A_54, %mul3A_58 : i32
        %add3A_60 = arith.constant 0 : i32
        %add3A_61 = arith.addi %add3A_50, %add3A_60 : i32
        %get3A_62 = arith.index_cast %add3A_61 : i32 to index
        %get3A_63 = tpu.vector_load %arg6[%get3A_62] {strides = array<i32>} : memref<8192xf32, #tpu.memory_space<vmem>>, vector<16xf32>,
        %mul3A_64 = arith.mulf %get3A_5, %get3A_63 : vector<16xf32>
        %add3A_65 = arith.constant 0 : i32
        %add3A_66 = arith.addi %add3A_50, %add3A_65 : i32
        %get3A_67 = arith.index_cast %add3A_66 : i32 to index
        %get3A_68 = tpu.vector_load %arg7[%get3A_67] {strides = array<i32>} : memref<8192xf32, #tpu.memory_space<vmem>>, vector<16xf32>,
        %mul3A_69 = arith.mulf %get3A_7, %get3A_68 : vector<16xf32>
        %add3A_70 = arith.addf %mul3A_64, %mul3A_69 : vector<16xf32>
        %add3A_71 = vector.broadcast %add3A_59 : i32 to vector<16xi32>
        %add3A_72 = arith.addi %add3A_71, %mul3A_3 : vector<16xi32>
        %add3A_73 = arith.constant 0 : i32
        %add3A_74 = vector.broadcast %add3A_73 : i32 to vector<16xi32>
        %add3A_75 = arith.addi %add3A_72, %add3A_74 : vector<16xi32>
        tpu.vector_store_idx %arg8[%add3A_75], %add3A_70 : memref<16384xf32, #tpu.memory_space<vmem>>[vector<16xi32>], vector<16xf32>,
        %add3A_76 = arith.constant 128 : i32
        %add3A_77 = arith.addi %add3A_50, %add3A_76 : i32
        %get3A_78 = arith.index_cast %add3A_77 : i32 to index
        %get3A_79 = tpu.vector_load %arg6[%get3A_78] {strides = array<i32>} : memref<8192xf32, #tpu.memory_space<vmem>>, vector<16xf32>,
        %mul3A_80 = arith.mulf %get3A_5, %get3A_79 : vector<16xf32>
        %add3A_81 = arith.constant 128 : i32
        %add3A_82 = arith.addi %add3A_50, %add3A_81 : i32
        %get3A_83 = arith.index_cast %add3A_82 : i32 to index
        %get3A_84 = tpu.vector_load %arg7[%get3A_83] {strides = array<i32>} : memref<8192xf32, #tpu.memory_space<vmem>>, vector<16xf32>,
        %mul3A_85 = arith.mulf %get3A_7, %get3A_84 : vector<16xf32>
        %add3A_86 = arith.addf %mul3A_80, %mul3A_85 : vector<16xf32>
        %add3A_87 = vector.broadcast %add3A_59 : i32 to vector<16xi32>
        %add3A_88 = arith.addi %add3A_87, %mul3A_3 : vector<16xi32>
        %add3A_89 = arith.constant 1 : i32
        %add3A_90 = vector.broadcast %add3A_89 : i32 to vector<16xi32>
        %add3A_91 = arith.addi %add3A_88, %add3A_90 : vector<16xi32>
        tpu.vector_store_idx %arg8[%add3A_91], %add3A_86 : memref<16384xf32, #tpu.memory_space<vmem>>[vector<16xi32>], vector<16xf32>,
        %add3A_92 = arith.constant 256 : i32
        %add3A_93 = arith.addi %add3A_50, %add3A_92 : i32
        %get3A_94 = arith.index_cast %add3A_93 : i32 to index
        %get3A_95 = tpu.vector_load %arg6[%get3A_94] {strides = array<i32>} : memref<8192xf32, #tpu.memory_space<vmem>>, vector<16xf32>,
        %mul3A_96 = arith.mulf %get3A_5, %get3A_95 : vector<16xf32>
        %add3A_97 = arith.constant 256 : i32
        %add3A_98 = arith.addi %add3A_50, %add3A_97 : i32
        %get3A_99 = arith.index_cast %add3A_98 : i32 to index
        %get3A_100 = tpu.vector_load %arg7[%get3A_99] {strides = array<i32>} : memref<8192xf32, #tpu.memory_space<vmem>>, vector<16xf32>,
        %mul3A_101 = arith.mulf %get3A_7, %get3A_100 : vector<16xf32>
        %add3A_102 = arith.addf %mul3A_96, %mul3A_101 : vector<16xf32>
        %add3A_103 = vector.broadcast %add3A_59 : i32 to vector<16xi32>
        %add3A_104 = arith.addi %add3A_103, %mul3A_3 : vector<16xi32>
        %add3A_105 = arith.constant 2 : i32
        %add3A_106 = vector.broadcast %add3A_105 : i32 to vector<16xi32>
        %add3A_107 = arith.addi %add3A_104, %add3A_106 : vector<16xi32>
        tpu.vector_store_idx %arg8[%add3A_107], %add3A_102 : memref<16384xf32, #tpu.memory_space<vmem>>[vector<16xi32>], vector<16xf32>,
        %add3A_108 = arith.constant 384 : i32
        %add3A_109 = arith.addi %add3A_50, %add3A_108 : i32
        %get3A_110 = arith.index_cast %add3A_109 : i32 to index
        %get3A_111 = tpu.vector_load %arg6[%get3A_110] {strides = array<i32>} : memref<8192xf32, #tpu.memory_space<vmem>>, vector<16xf32>,
        %mul3A_112 = arith.mulf %get3A_5, %get3A_111 : vector<16xf32>
        %add3A_113 = arith.constant 384 : i32
        %add3A_114 = arith.addi %add3A_50, %add3A_113 : i32
        %get3A_115 = arith.index_cast %add3A_114 : i32 to index
        %get3A_116 = tpu.vector_load %arg7[%get3A_115] {strides = array<i32>} : memref<8192xf32, #tpu.memory_space<vmem>>, vector<16xf32>,
        %mul3A_117 = arith.mulf %get3A_7, %get3A_116 : vector<16xf32>
        %add3A_118 = arith.addf %mul3A_112, %mul3A_117 : vector<16xf32>
        %add3A_119 = vector.broadcast %add3A_59 : i32 to vector<16xi32>
        %add3A_120 = arith.addi %add3A_119, %mul3A_3 : vector<16xi32>
        %add3A_121 = arith.constant 3 : i32
        %add3A_122 = vector.broadcast %add3A_121 : i32 to vector<16xi32>
        %add3A_123 = arith.addi %add3A_120, %add3A_122 : vector<16xi32>
        tpu.vector_store_idx %arg8[%add3A_123], %add3A_118 : memref<16384xf32, #tpu.memory_space<vmem>>[vector<16xi32>], vector<16xf32>,
      }
      %scan3A_37 = arith.constant 128 : i32
      %mul3A_38 = arith.constant 131072 : i32
      %mul3A_39 = arith.muli %add3A, %mul3A_38 : i32
      %mul3A_40 = arith.constant 16384 : i32
      %mul3A_41 = arith.muli %scan3A_25, %mul3A_40 : i32
      %add3A_42 = arith.addi %mul3A_39, %mul3A_41 : i32
      "tpu.region"() ({
        %run_scoped3A = tpu.sem_alloc : memref<!tpu.dma_semaphore, #tpu.memory_space<semaphore_mem>>
        %dma_start3A = tpu.memref_slice %arg5[%add3A_42] : memref<4194304xf32, #tpu.memory_space<hbm>> -> memref<16384xf32, #tpu.memory_space<hbm>>
        %dma_start3A_43 = tpu.memref_slice %arg5[%add3A_42] : memref<4194304xf32, #tpu.memory_space<hbm>> -> memref<16384xf32, #tpu.memory_space<hbm>>
        tpu.enqueue_dma source(%arg8 : memref<16384xf32, #tpu.memory_space<vmem>>) target(%dma_start3A_43 : memref<16384xf32, #tpu.memory_space<hbm>>) target_semaphore(%run_scoped3A : memref<!tpu.dma_semaphore, #tpu.memory_space<semaphore_mem>>)
        %dma_wait3A = tpu.memref_slice %arg5[%add3A_42] : memref<4194304xf32, #tpu.memory_space<hbm>> -> memref<16384xf32, #tpu.memory_space<hbm>>
        %dma_wait3A_44 = tpu.memref_slice %arg5[%add3A_42] : memref<4194304xf32, #tpu.memory_space<hbm>> -> memref<16384xf32, #tpu.memory_space<hbm>>
        tpu.wait_dma2 semaphore(%run_scoped3A : memref<!tpu.dma_semaphore, #tpu.memory_space<semaphore_mem>>) src(%arg8 : memref<16384xf32, #tpu.memory_space<vmem>>) dst(%dma_wait3A_44 : memref<16384xf32, #tpu.memory_space<hbm>>)
        tpu.yield
      }) : () -> ()
    }
    %scan3A_24 = arith.constant 8 : i32
    return
  }
}

#map = affine_map<(d0, d1) -> (0, 0)>
#map1 = affine_map<(d0, d1) -> (0)>
module attributes {stable_mosaic.version = 14 : i64} {
  func.func @_sc_body(%arg0: i32, %arg1: i32, %arg2: memref<524288x8xf32, #tpu.memory_space<hbm>>, %arg3: memref<2097152xf32, #tpu.memory_space<hbm>>, %arg4: memref<33554432xf32, #tpu.memory_space<hbm>>, %arg5: memref<2x2048xf32, #tpu.memory_space<vmem>>, %arg6: memref<64x128xi32, #tpu.memory_space<vmem>>, %arg7: memref<4096xf32, #tpu.memory_space<vmem>>, %arg8: memref<8192x8xf32, #tpu.memory_space<vmem>>, %arg9: memref<32768xf32, #tpu.memory_space<vmem>>, %arg10: memref<!tpu.dma_semaphore, #tpu.memory_space<semaphore_mem>>, %arg11: memref<!tpu.dma_semaphore, #tpu.memory_space<semaphore_mem>>, %arg12: memref<!tpu.dma_semaphore, #tpu.memory_space<semaphore_mem>>, %arg13: memref<!tpu.dma_semaphore, #tpu.memory_space<semaphore_mem>>) attributes {dimension_semantics = [#tpu.dimension_semantics<core_parallel>, #tpu.dimension_semantics<subcore_parallel>], iteration_bounds = array<i64: 2, 16>, scalar_prefetch = 0 : i64, scratch_operands = 9 : i64, tpu.core_type = #tpu.core_type<sc_vector_subcore>, window_params = [{transform_indices = #map}, {transform_indices = #map1}, {transform_indices = #map1}]} {
    %mul3A = arith.constant 2 : i32
    %mul3A_0 = arith.muli %arg1, %mul3A : i32
    %add3A = arith.addi %mul3A_0, %arg0 : i32
    %mul3A_1 = arith.constant 32768 : i32
    %mul3A_2 = arith.muli %add3A, %mul3A_1 : i32
    %iota3A = tpu.iota {dimensions = array<i32: 0>} : vector<16xi32>
    %shift_right_arithmetic3A = arith.constant 2 : i32
    %shift_right_arithmetic3A_3 = vector.broadcast %shift_right_arithmetic3A : i32 to vector<16xi32>
    %shift_right_arithmetic3A_4 = arith.shrsi %iota3A, %shift_right_arithmetic3A_3 : vector<16xi32>
    %and3A = arith.constant 3 : i32
    %and3A_5 = vector.broadcast %and3A : i32 to vector<16xi32>
    %and3A_6 = arith.andi %iota3A, %and3A_5 : vector<16xi32>
    %mul3A_7 = arith.constant 128 : i32
    %mul3A_8 = vector.broadcast %mul3A_7 : i32 to vector<16xi32>
    %mul3A_9 = arith.muli %and3A_6, %mul3A_8 : vector<16xi32>
    %add3A_10 = arith.addi %mul3A_9, %shift_right_arithmetic3A_4 : vector<16xi32>
    %add3A_11 = arith.constant 0 : i32
    %add3A_12 = arith.addi %mul3A_2, %add3A_11 : i32
    %mul3A_13 = arith.constant 2 : i32
    %mul3A_14 = arith.muli %add3A_12, %mul3A_13 : i32
    %dma_start3A = arith.constant 0 : i32
    %dma_start3A_15 = arith.constant 0 : i32
    %dma_start3A_16 = tpu.memref_slice %arg5[%dma_start3A, %dma_start3A_15] : memref<2x2048xf32, #tpu.memory_space<vmem>> -> memref<1x2048xf32, #tpu.memory_space<vmem>>
    %dma_start3A_17 = tpu.memref_squeeze %dma_start3A_16 : memref<1x2048xf32, #tpu.memory_space<vmem>> -> memref<2048xf32, #tpu.memory_space<vmem>>
    %dma_start3A_18 = tpu.memref_slice %arg3[%mul3A_14] : memref<2097152xf32, #tpu.memory_space<hbm>> -> memref<2048xf32, #tpu.memory_space<hbm>>
    %dma_start3A_19 = arith.constant 0 : i32
    %dma_start3A_20 = tpu.memref_slice %arg5[%dma_start3A, %dma_start3A_19] : memref<2x2048xf32, #tpu.memory_space<vmem>> -> memref<1x2048xf32, #tpu.memory_space<vmem>>
    %dma_start3A_21 = tpu.memref_squeeze %dma_start3A_20 : memref<1x2048xf32, #tpu.memory_space<vmem>> -> memref<2048xf32, #tpu.memory_space<vmem>>
    %dma_start3A_22 = tpu.memref_slice %arg3[%mul3A_14] : memref<2097152xf32, #tpu.memory_space<hbm>> -> memref<2048xf32, #tpu.memory_space<hbm>>
    tpu.enqueue_dma source(%dma_start3A_22 : memref<2048xf32, #tpu.memory_space<hbm>>) target(%dma_start3A_21 : memref<2048xf32, #tpu.memory_space<vmem>>) target_semaphore(%arg12 : memref<!tpu.dma_semaphore, #tpu.memory_space<semaphore_mem>>)
    %scan3A = arith.constant 0 : i32
    %scan3A_23 = arith.constant 32 : i32
    %scan3A_24 = arith.addi %scan3A, %scan3A_23 : i32
    %scan3A_25 = arith.constant 1 : i32
    scf.for %scan3A_74 = %scan3A to %scan3A_24 step %scan3A_25  : i32 {
      %and3A_75 = arith.constant 1 : i32
      %and3A_76 = arith.andi %scan3A_74, %and3A_75 : i32
      %mul3A_77 = arith.constant 1024 : i32
      %mul3A_78 = arith.muli %scan3A_74, %mul3A_77 : i32
      %add3A_79 = arith.addi %mul3A_2, %mul3A_78 : i32
      %mul3A_80 = arith.constant 2 : i32
      %mul3A_81 = arith.muli %add3A_79, %mul3A_80 : i32
      %dma_wait3A_82 = arith.constant 0 : i32
      %dma_wait3A_83 = tpu.memref_slice %arg5[%and3A_76, %dma_wait3A_82] : memref<2x2048xf32, #tpu.memory_space<vmem>> -> memref<1x2048xf32, #tpu.memory_space<vmem>>
      %dma_wait3A_84 = tpu.memref_squeeze %dma_wait3A_83 : memref<1x2048xf32, #tpu.memory_space<vmem>> -> memref<2048xf32, #tpu.memory_space<vmem>>
      %dma_wait3A_85 = tpu.memref_slice %arg3[%mul3A_81] : memref<2097152xf32, #tpu.memory_space<hbm>> -> memref<2048xf32, #tpu.memory_space<hbm>>
      %dma_wait3A_86 = arith.constant 0 : i32
      %dma_wait3A_87 = tpu.memref_slice %arg5[%and3A_76, %dma_wait3A_86] : memref<2x2048xf32, #tpu.memory_space<vmem>> -> memref<1x2048xf32, #tpu.memory_space<vmem>>
      %dma_wait3A_88 = tpu.memref_squeeze %dma_wait3A_87 : memref<1x2048xf32, #tpu.memory_space<vmem>> -> memref<2048xf32, #tpu.memory_space<vmem>>
      %dma_wait3A_89 = tpu.memref_slice %arg3[%mul3A_81] : memref<2097152xf32, #tpu.memory_space<hbm>> -> memref<2048xf32, #tpu.memory_space<hbm>>
      tpu.wait_dma2 semaphore(%arg12 : memref<!tpu.dma_semaphore, #tpu.memory_space<semaphore_mem>>) src(%dma_wait3A_89 : memref<2048xf32, #tpu.memory_space<hbm>>) dst(%dma_wait3A_88 : memref<2048xf32, #tpu.memory_space<vmem>>)
      %lt3A = arith.constant 31 : i32
      %lt3A_90 = arith.cmpi slt, %scan3A_74, %lt3A : i32
      %convert_element_type3A = arith.extui %lt3A_90 : i1 to i32
      %cond3A = arith.constant 0 : i32
      %cond3A_91 = arith.cmpi ne, %convert_element_type3A, %cond3A : i32
      scf.if %cond3A_91 {
        %add3A_308 = arith.constant 1 : i32
        %add3A_309 = arith.addi %scan3A_74, %add3A_308 : i32
        %sub3A = arith.constant 1 : i32
        %sub3A_310 = arith.subi %sub3A, %and3A_76 : i32
        %mul3A_311 = arith.constant 1024 : i32
        %mul3A_312 = arith.muli %add3A_309, %mul3A_311 : i32
        %add3A_313 = arith.addi %mul3A_2, %mul3A_312 : i32
        %mul3A_314 = arith.constant 2 : i32
        %mul3A_315 = arith.muli %add3A_313, %mul3A_314 : i32
        %dma_start3A_316 = arith.constant 0 : i32
        %dma_start3A_317 = tpu.memref_slice %arg5[%sub3A_310, %dma_start3A_316] : memref<2x2048xf32, #tpu.memory_space<vmem>> -> memref<1x2048xf32, #tpu.memory_space<vmem>>
        %dma_start3A_318 = tpu.memref_squeeze %dma_start3A_317 : memref<1x2048xf32, #tpu.memory_space<vmem>> -> memref<2048xf32, #tpu.memory_space<vmem>>
        %dma_start3A_319 = tpu.memref_slice %arg3[%mul3A_315] : memref<2097152xf32, #tpu.memory_space<hbm>> -> memref<2048xf32, #tpu.memory_space<hbm>>
        %dma_start3A_320 = arith.constant 0 : i32
        %dma_start3A_321 = tpu.memref_slice %arg5[%sub3A_310, %dma_start3A_320] : memref<2x2048xf32, #tpu.memory_space<vmem>> -> memref<1x2048xf32, #tpu.memory_space<vmem>>
        %dma_start3A_322 = tpu.memref_squeeze %dma_start3A_321 : memref<1x2048xf32, #tpu.memory_space<vmem>> -> memref<2048xf32, #tpu.memory_space<vmem>>
        %dma_start3A_323 = tpu.memref_slice %arg3[%mul3A_315] : memref<2097152xf32, #tpu.memory_space<hbm>> -> memref<2048xf32, #tpu.memory_space<hbm>>
        tpu.enqueue_dma source(%dma_start3A_323 : memref<2048xf32, #tpu.memory_space<hbm>>) target(%dma_start3A_322 : memref<2048xf32, #tpu.memory_space<vmem>>) target_semaphore(%arg12 : memref<!tpu.dma_semaphore, #tpu.memory_space<semaphore_mem>>)
      } else {
      }
      %scan3A_92 = arith.constant 0 : i32
      %scan3A_93 = arith.constant 64 : i32
      %scan3A_94 = arith.addi %scan3A_92, %scan3A_93 : i32
      %scan3A_95 = arith.constant 1 : i32
      scf.for %scan3A_308 = %scan3A_92 to %scan3A_94 step %scan3A_95  : i32 {
        %shift_right_arithmetic3A_309 = arith.constant 3 : i32
        %shift_right_arithmetic3A_310 = arith.shrsi %scan3A_308, %shift_right_arithmetic3A_309 : i32
        %mul3A_311 = arith.constant 256 : i32
        %mul3A_312 = arith.muli %shift_right_arithmetic3A_310, %mul3A_311 : i32
        %and3A_313 = arith.constant 7 : i32
        %and3A_314 = arith.andi %scan3A_308, %and3A_313 : i32
        %mul3A_315 = arith.constant 16 : i32
        %mul3A_316 = arith.muli %and3A_314, %mul3A_315 : i32
        %add3A_317 = arith.addi %mul3A_312, %mul3A_316 : i32
        %get3A = arith.index_cast %and3A_76 : i32 to index
        %get3A_318 = arith.index_cast %add3A_317 : i32 to index
        %get3A_319 = tpu.vector_load %arg5[%get3A, %get3A_318] {strides = array<i32>} : memref<2x2048xf32, #tpu.memory_space<vmem>>, vector<16xf32>,
        %add3A_320 = arith.constant 128 : i32
        %add3A_321 = arith.addi %add3A_317, %add3A_320 : i32
        %get3A_322 = arith.index_cast %and3A_76 : i32 to index
        %get3A_323 = arith.index_cast %add3A_321 : i32 to index
        %get3A_324 = tpu.vector_load %arg5[%get3A_322, %get3A_323] {strides = array<i32>} : memref<2x2048xf32, #tpu.memory_space<vmem>>, vector<16xf32>,
        %mul3A_325 = arith.constant 5.110000e+02 : f32
        %mul3A_326 = vector.broadcast %mul3A_325 : f32 to vector<16xf32>
        %mul3A_327 = arith.mulf %get3A_319, %mul3A_326 : vector<16xf32>
        %add3A_328 = arith.constant 5.000000e-01 : f32
        %add3A_329 = vector.broadcast %add3A_328 : f32 to vector<16xf32>
        %add3A_330 = arith.addf %mul3A_327, %add3A_329 : vector<16xf32>
        %mul3A_331 = arith.constant 5.110000e+02 : f32
        %mul3A_332 = vector.broadcast %mul3A_331 : f32 to vector<16xf32>
        %mul3A_333 = arith.mulf %get3A_324, %mul3A_332 : vector<16xf32>
        %add3A_334 = arith.constant 5.000000e-01 : f32
        %add3A_335 = vector.broadcast %add3A_334 : f32 to vector<16xf32>
        %add3A_336 = arith.addf %mul3A_333, %add3A_335 : vector<16xf32>
        %convert_element_type3A_337 = arith.fptosi %add3A_330 : vector<16xf32> to vector<16xi32>
        %convert_element_type3A_338 = arith.fptosi %add3A_336 : vector<16xf32> to vector<16xi32>
        %convert_element_type3A_339 = arith.sitofp %convert_element_type3A_337 : vector<16xi32> to vector<16xf32>
        %sub3A = arith.subf %add3A_330, %convert_element_type3A_339 : vector<16xf32>
        %mul3A_340 = arith.constant 16 : i32
        %mul3A_341 = arith.muli %scan3A_308, %mul3A_340 : i32
        %add3A_342 = arith.constant 0 : i32
        %add3A_343 = arith.addi %add3A_342, %mul3A_341 : i32
        %swap3A = arith.index_cast %add3A_343 : i32 to index
        %swap3A_344 = tpu.vector_load %arg7[%swap3A] {strides = array<i32>} : memref<4096xf32, #tpu.memory_space<vmem>>, vector<16xf32>,
        tpu.vector_store %arg7[%swap3A], %sub3A {strides = array<i32>} : memref<4096xf32, #tpu.memory_space<vmem>>, vector<16xf32>,
        %convert_element_type3A_345 = arith.sitofp %convert_element_type3A_338 : vector<16xi32> to vector<16xf32>
        %sub3A_346 = arith.subf %add3A_336, %convert_element_type3A_345 : vector<16xf32>
        %mul3A_347 = arith.constant 16 : i32
        %mul3A_348 = arith.muli %scan3A_308, %mul3A_347 : i32
        %add3A_349 = arith.constant 1024 : i32
        %add3A_350 = arith.addi %add3A_349, %mul3A_348 : i32
        %swap3A_351 = arith.index_cast %add3A_350 : i32 to index
        %swap3A_352 = tpu.vector_load %arg7[%swap3A_351] {strides = array<i32>} : memref<4096xf32, #tpu.memory_space<vmem>>, vector<16xf32>,
        tpu.vector_store %arg7[%swap3A_351], %sub3A_346 {strides = array<i32>} : memref<4096xf32, #tpu.memory_space<vmem>>, vector<16xf32>,
        %mul3A_353 = arith.constant -1640531535 : i32
        %mul3A_354 = vector.broadcast %mul3A_353 : i32 to vector<16xi32>
        %mul3A_355 = arith.muli %convert_element_type3A_338, %mul3A_354 : vector<16xi32>
        %add3A_356 = arith.constant -1640531535 : i32
        %add3A_357 = vector.broadcast %add3A_356 : i32 to vector<16xi32>
        %add3A_358 = arith.addi %mul3A_355, %add3A_357 : vector<16xi32>
        %add3A_359 = arith.constant 1 : i32
        %add3A_360 = vector.broadcast %add3A_359 : i32 to vector<16xi32>
        %add3A_361 = arith.addi %convert_element_type3A_337, %add3A_360 : vector<16xi32>
        %shift_right_arithmetic3A_362 = arith.constant 3 : i32
        %shift_right_arithmetic3A_363 = arith.shrsi %scan3A_308, %shift_right_arithmetic3A_362 : i32
        %add3A_364 = arith.constant 0 : i32
        %add3A_365 = arith.addi %add3A_364, %shift_right_arithmetic3A_363 : i32
        %and3A_366 = arith.constant 7 : i32
        %and3A_367 = arith.andi %scan3A_308, %and3A_366 : i32
        %mul3A_368 = arith.constant 16 : i32
        %mul3A_369 = arith.muli %and3A_367, %mul3A_368 : i32
        %xor3A = arith.xori %convert_element_type3A_337, %mul3A_355 : vector<16xi32>
        %and3A_370 = arith.constant 65535 : i32
        %and3A_371 = vector.broadcast %and3A_370 : i32 to vector<16xi32>
        %and3A_372 = arith.andi %xor3A, %and3A_371 : vector<16xi32>
        %add3A_373 = arith.constant 0 : i32
        %add3A_374 = vector.broadcast %add3A_373 : i32 to vector<16xi32>
        %add3A_375 = arith.addi %and3A_372, %add3A_374 : vector<16xi32>
        %swap3A_376 = arith.index_cast %add3A_365 : i32 to index
        %swap3A_377 = arith.index_cast %mul3A_369 : i32 to index
        %swap3A_378 = tpu.vector_load %arg6[%swap3A_376, %swap3A_377] {strides = array<i32>} : memref<64x128xi32, #tpu.memory_space<vmem>>, vector<16xi32>,
        tpu.vector_store %arg6[%swap3A_376, %swap3A_377], %add3A_375 {strides = array<i32>} : memref<64x128xi32, #tpu.memory_space<vmem>>, vector<16xi32>,
        %xor3A_379 = arith.xori %add3A_361, %mul3A_355 : vector<16xi32>
        %and3A_380 = arith.constant 65535 : i32
        %and3A_381 = vector.broadcast %and3A_380 : i32 to vector<16xi32>
        %and3A_382 = arith.andi %xor3A_379, %and3A_381 : vector<16xi32>
        %add3A_383 = arith.constant 0 : i32
        %add3A_384 = vector.broadcast %add3A_383 : i32 to vector<16xi32>
        %add3A_385 = arith.addi %and3A_382, %add3A_384 : vector<16xi32>
        %add3A_386 = arith.constant 8 : i32
        %add3A_387 = arith.addi %add3A_365, %add3A_386 : i32
        %swap3A_388 = arith.index_cast %add3A_387 : i32 to index
        %swap3A_389 = arith.index_cast %mul3A_369 : i32 to index
        %swap3A_390 = tpu.vector_load %arg6[%swap3A_388, %swap3A_389] {strides = array<i32>} : memref<64x128xi32, #tpu.memory_space<vmem>>, vector<16xi32>,
        tpu.vector_store %arg6[%swap3A_388, %swap3A_389], %add3A_385 {strides = array<i32>} : memref<64x128xi32, #tpu.memory_space<vmem>>, vector<16xi32>,
        %xor3A_391 = arith.xori %convert_element_type3A_337, %add3A_358 : vector<16xi32>
        %and3A_392 = arith.constant 65535 : i32
        %and3A_393 = vector.broadcast %and3A_392 : i32 to vector<16xi32>
        %and3A_394 = arith.andi %xor3A_391, %and3A_393 : vector<16xi32>
        %add3A_395 = arith.constant 0 : i32
        %add3A_396 = vector.broadcast %add3A_395 : i32 to vector<16xi32>
        %add3A_397 = arith.addi %and3A_394, %add3A_396 : vector<16xi32>
        %add3A_398 = arith.constant 16 : i32
        %add3A_399 = arith.addi %add3A_365, %add3A_398 : i32
        %swap3A_400 = arith.index_cast %add3A_399 : i32 to index
        %swap3A_401 = arith.index_cast %mul3A_369 : i32 to index
        %swap3A_402 = tpu.vector_load %arg6[%swap3A_400, %swap3A_401] {strides = array<i32>} : memref<64x128xi32, #tpu.memory_space<vmem>>, vector<16xi32>,
        tpu.vector_store %arg6[%swap3A_400, %swap3A_401], %add3A_397 {strides = array<i32>} : memref<64x128xi32, #tpu.memory_space<vmem>>, vector<16xi32>,
        %xor3A_403 = arith.xori %add3A_361, %add3A_358 : vector<16xi32>
        %and3A_404 = arith.constant 65535 : i32
        %and3A_405 = vector.broadcast %and3A_404 : i32 to vector<16xi32>
        %and3A_406 = arith.andi %xor3A_403, %and3A_405 : vector<16xi32>
        %add3A_407 = arith.constant 0 : i32
        %add3A_408 = vector.broadcast %add3A_407 : i32 to vector<16xi32>
        %add3A_409 = arith.addi %and3A_406, %add3A_408 : vector<16xi32>
        %add3A_410 = arith.constant 24 : i32
        %add3A_411 = arith.addi %add3A_365, %add3A_410 : i32
        %swap3A_412 = arith.index_cast %add3A_411 : i32 to index
        %swap3A_413 = arith.index_cast %mul3A_369 : i32 to index
        %swap3A_414 = tpu.vector_load %arg6[%swap3A_412, %swap3A_413] {strides = array<i32>} : memref<64x128xi32, #tpu.memory_space<vmem>>, vector<16xi32>,
        tpu.vector_store %arg6[%swap3A_412, %swap3A_413], %add3A_409 {strides = array<i32>} : memref<64x128xi32, #tpu.memory_space<vmem>>, vector<16xi32>,
      }
      %scan3A_96 = arith.constant 64 : i32
      %scan3A_97 = arith.constant 0 : i32
      %scan3A_98 = arith.constant 32 : i32
      %scan3A_99 = arith.addi %scan3A_97, %scan3A_98 : i32
      %scan3A_100 = arith.constant 1 : i32
      scf.for %scan3A_308 = %scan3A_97 to %scan3A_99 step %scan3A_100  : i32 {
        %add3A_309 = arith.constant 0 : i32
        %add3A_310 = arith.addi %add3A_309, %scan3A_308 : i32
        %mul3A_311 = arith.constant 128 : i32
        %mul3A_312 = arith.muli %scan3A_308, %mul3A_311 : i32
        %add3A_313 = arith.constant 0 : i32
        %add3A_314 = arith.addi %add3A_313, %mul3A_312 : i32
        %dma_start3A_315 = arith.constant 0 : i32
        %dma_start3A_316 = tpu.memref_slice %arg8[%add3A_314, %dma_start3A_315] : memref<8192x8xf32, #tpu.memory_space<vmem>> -> memref<128x8xf32, #tpu.memory_space<vmem>>
        %dma_start3A_317 = arith.constant 0 : i32
        %dma_start3A_318 = tpu.memref_slice %arg6[%add3A_310, %dma_start3A_317] : memref<64x128xi32, #tpu.memory_space<vmem>> -> memref<1x128xi32, #tpu.memory_space<vmem>>
        %dma_start3A_319 = tpu.memref_squeeze %dma_start3A_318 : memref<1x128xi32, #tpu.memory_space<vmem>> -> memref<128xi32, #tpu.memory_space<vmem>>
        %dma_start3A_320 = arith.constant 0 : i32
        %dma_start3A_321 = arith.constant 0 : i32
        %dma_start3A_322 = tpu.memref_slice %arg2[%dma_start3A_320, %dma_start3A_321] : memref<524288x8xf32, #tpu.memory_space<hbm>> -> memref<524288x8xf32, #tpu.memory_space<hbm>>
        tpu.enqueue_indirect_dma source(%dma_start3A_322 : memref<524288x8xf32, #tpu.memory_space<hbm>>) target(%dma_start3A_316 : memref<128x8xf32, #tpu.memory_space<vmem>>) offsets(%dma_start3A_319 : memref<128xi32, #tpu.memory_space<vmem>>) semaphore(%arg10 : memref<!tpu.dma_semaphore, #tpu.memory_space<semaphore_mem>>)
      }
      %scan3A_101 = arith.constant 32 : i32
      %scan3A_102 = arith.constant 0 : i32
      %scan3A_103 = arith.constant 64 : i32
      %scan3A_104 = arith.addi %scan3A_102, %scan3A_103 : i32
      %scan3A_105 = arith.constant 1 : i32
      scf.for %scan3A_308 = %scan3A_102 to %scan3A_104 step %scan3A_105  : i32 {
        %shift_right_arithmetic3A_309 = arith.constant 3 : i32
        %shift_right_arithmetic3A_310 = arith.shrsi %scan3A_308, %shift_right_arithmetic3A_309 : i32
        %mul3A_311 = arith.constant 256 : i32
        %mul3A_312 = arith.muli %shift_right_arithmetic3A_310, %mul3A_311 : i32
        %and3A_313 = arith.constant 7 : i32
        %and3A_314 = arith.andi %scan3A_308, %and3A_313 : i32
        %mul3A_315 = arith.constant 16 : i32
        %mul3A_316 = arith.muli %and3A_314, %mul3A_315 : i32
        %add3A_317 = arith.addi %mul3A_312, %mul3A_316 : i32
        %get3A = arith.index_cast %and3A_76 : i32 to index
        %get3A_318 = arith.index_cast %add3A_317 : i32 to index
        %get3A_319 = tpu.vector_load %arg5[%get3A, %get3A_318] {strides = array<i32>} : memref<2x2048xf32, #tpu.memory_space<vmem>>, vector<16xf32>,
        %add3A_320 = arith.constant 128 : i32
        %add3A_321 = arith.addi %add3A_317, %add3A_320 : i32
        %get3A_322 = arith.index_cast %and3A_76 : i32 to index
        %get3A_323 = arith.index_cast %add3A_321 : i32 to index
        %get3A_324 = tpu.vector_load %arg5[%get3A_322, %get3A_323] {strides = array<i32>} : memref<2x2048xf32, #tpu.memory_space<vmem>>, vector<16xf32>,
        %mul3A_325 = arith.constant 926.461059 : f32
        %mul3A_326 = vector.broadcast %mul3A_325 : f32 to vector<16xf32>
        %mul3A_327 = arith.mulf %get3A_319, %mul3A_326 : vector<16xf32>
        %add3A_328 = arith.constant 5.000000e-01 : f32
        %add3A_329 = vector.broadcast %add3A_328 : f32 to vector<16xf32>
        %add3A_330 = arith.addf %mul3A_327, %add3A_329 : vector<16xf32>
        %mul3A_331 = arith.constant 926.461059 : f32
        %mul3A_332 = vector.broadcast %mul3A_331 : f32 to vector<16xf32>
        %mul3A_333 = arith.mulf %get3A_324, %mul3A_332 : vector<16xf32>
        %add3A_334 = arith.constant 5.000000e-01 : f32
        %add3A_335 = vector.broadcast %add3A_334 : f32 to vector<16xf32>
        %add3A_336 = arith.addf %mul3A_333, %add3A_335 : vector<16xf32>
        %convert_element_type3A_337 = arith.fptosi %add3A_330 : vector<16xf32> to vector<16xi32>
        %convert_element_type3A_338 = arith.fptosi %add3A_336 : vector<16xf32> to vector<16xi32>
        %convert_element_type3A_339 = arith.sitofp %convert_element_type3A_337 : vector<16xi32> to vector<16xf32>
        %sub3A = arith.subf %add3A_330, %convert_element_type3A_339 : vector<16xf32>
        %mul3A_340 = arith.constant 16 : i32
        %mul3A_341 = arith.muli %scan3A_308, %mul3A_340 : i32
        %add3A_342 = arith.constant 2048 : i32
        %add3A_343 = arith.addi %add3A_342, %mul3A_341 : i32
        %swap3A = arith.index_cast %add3A_343 : i32 to index
        %swap3A_344 = tpu.vector_load %arg7[%swap3A] {strides = array<i32>} : memref<4096xf32, #tpu.memory_space<vmem>>, vector<16xf32>,
        tpu.vector_store %arg7[%swap3A], %sub3A {strides = array<i32>} : memref<4096xf32, #tpu.memory_space<vmem>>, vector<16xf32>,
        %convert_element_type3A_345 = arith.sitofp %convert_element_type3A_338 : vector<16xi32> to vector<16xf32>
        %sub3A_346 = arith.subf %add3A_336, %convert_element_type3A_345 : vector<16xf32>
        %mul3A_347 = arith.constant 16 : i32
        %mul3A_348 = arith.muli %scan3A_308, %mul3A_347 : i32
        %add3A_349 = arith.constant 3072 : i32
        %add3A_350 = arith.addi %add3A_349, %mul3A_348 : i32
        %swap3A_351 = arith.index_cast %add3A_350 : i32 to index
        %swap3A_352 = tpu.vector_load %arg7[%swap3A_351] {strides = array<i32>} : memref<4096xf32, #tpu.memory_space<vmem>>, vector<16xf32>,
        tpu.vector_store %arg7[%swap3A_351], %sub3A_346 {strides = array<i32>} : memref<4096xf32, #tpu.memory_space<vmem>>, vector<16xf32>,
        %mul3A_353 = arith.constant -1640531535 : i32
        %mul3A_354 = vector.broadcast %mul3A_353 : i32 to vector<16xi32>
        %mul3A_355 = arith.muli %convert_element_type3A_338, %mul3A_354 : vector<16xi32>
        %add3A_356 = arith.constant -1640531535 : i32
        %add3A_357 = vector.broadcast %add3A_356 : i32 to vector<16xi32>
        %add3A_358 = arith.addi %mul3A_355, %add3A_357 : vector<16xi32>
        %add3A_359 = arith.constant 1 : i32
        %add3A_360 = vector.broadcast %add3A_359 : i32 to vector<16xi32>
        %add3A_361 = arith.addi %convert_element_type3A_337, %add3A_360 : vector<16xi32>
        %shift_right_arithmetic3A_362 = arith.constant 3 : i32
        %shift_right_arithmetic3A_363 = arith.shrsi %scan3A_308, %shift_right_arithmetic3A_362 : i32
        %add3A_364 = arith.constant 32 : i32
        %add3A_365 = arith.addi %add3A_364, %shift_right_arithmetic3A_363 : i32
        %and3A_366 = arith.constant 7 : i32
        %and3A_367 = arith.andi %scan3A_308, %and3A_366 : i32
        %mul3A_368 = arith.constant 16 : i32
        %mul3A_369 = arith.muli %and3A_367, %mul3A_368 : i32
        %xor3A = arith.xori %convert_element_type3A_337, %mul3A_355 : vector<16xi32>
        %and3A_370 = arith.constant 65535 : i32
        %and3A_371 = vector.broadcast %and3A_370 : i32 to vector<16xi32>
        %and3A_372 = arith.andi %xor3A, %and3A_371 : vector<16xi32>
        %add3A_373 = arith.constant 65536 : i32
        %add3A_374 = vector.broadcast %add3A_373 : i32 to vector<16xi32>
        %add3A_375 = arith.addi %and3A_372, %add3A_374 : vector<16xi32>
        %swap3A_376 = arith.index_cast %add3A_365 : i32 to index
        %swap3A_377 = arith.index_cast %mul3A_369 : i32 to index
        %swap3A_378 = tpu.vector_load %arg6[%swap3A_376, %swap3A_377] {strides = array<i32>} : memref<64x128xi32, #tpu.memory_space<vmem>>, vector<16xi32>,
        tpu.vector_store %arg6[%swap3A_376, %swap3A_377], %add3A_375 {strides = array<i32>} : memref<64x128xi32, #tpu.memory_space<vmem>>, vector<16xi32>,
        %xor3A_379 = arith.xori %add3A_361, %mul3A_355 : vector<16xi32>
        %and3A_380 = arith.constant 65535 : i32
        %and3A_381 = vector.broadcast %and3A_380 : i32 to vector<16xi32>
        %and3A_382 = arith.andi %xor3A_379, %and3A_381 : vector<16xi32>
        %add3A_383 = arith.constant 65536 : i32
        %add3A_384 = vector.broadcast %add3A_383 : i32 to vector<16xi32>
        %add3A_385 = arith.addi %and3A_382, %add3A_384 : vector<16xi32>
        %add3A_386 = arith.constant 8 : i32
        %add3A_387 = arith.addi %add3A_365, %add3A_386 : i32
        %swap3A_388 = arith.index_cast %add3A_387 : i32 to index
        %swap3A_389 = arith.index_cast %mul3A_369 : i32 to index
        %swap3A_390 = tpu.vector_load %arg6[%swap3A_388, %swap3A_389] {strides = array<i32>} : memref<64x128xi32, #tpu.memory_space<vmem>>, vector<16xi32>,
        tpu.vector_store %arg6[%swap3A_388, %swap3A_389], %add3A_385 {strides = array<i32>} : memref<64x128xi32, #tpu.memory_space<vmem>>, vector<16xi32>,
        %xor3A_391 = arith.xori %convert_element_type3A_337, %add3A_358 : vector<16xi32>
        %and3A_392 = arith.constant 65535 : i32
        %and3A_393 = vector.broadcast %and3A_392 : i32 to vector<16xi32>
        %and3A_394 = arith.andi %xor3A_391, %and3A_393 : vector<16xi32>
        %add3A_395 = arith.constant 65536 : i32
        %add3A_396 = vector.broadcast %add3A_395 : i32 to vector<16xi32>
        %add3A_397 = arith.addi %and3A_394, %add3A_396 : vector<16xi32>
        %add3A_398 = arith.constant 16 : i32
        %add3A_399 = arith.addi %add3A_365, %add3A_398 : i32
        %swap3A_400 = arith.index_cast %add3A_399 : i32 to index
        %swap3A_401 = arith.index_cast %mul3A_369 : i32 to index
        %swap3A_402 = tpu.vector_load %arg6[%swap3A_400, %swap3A_401] {strides = array<i32>} : memref<64x128xi32, #tpu.memory_space<vmem>>, vector<16xi32>,
        tpu.vector_store %arg6[%swap3A_400, %swap3A_401], %add3A_397 {strides = array<i32>} : memref<64x128xi32, #tpu.memory_space<vmem>>, vector<16xi32>,
        %xor3A_403 = arith.xori %add3A_361, %add3A_358 : vector<16xi32>
        %and3A_404 = arith.constant 65535 : i32
        %and3A_405 = vector.broadcast %and3A_404 : i32 to vector<16xi32>
        %and3A_406 = arith.andi %xor3A_403, %and3A_405 : vector<16xi32>
        %add3A_407 = arith.constant 65536 : i32
        %add3A_408 = vector.broadcast %add3A_407 : i32 to vector<16xi32>
        %add3A_409 = arith.addi %and3A_406, %add3A_408 : vector<16xi32>
        %add3A_410 = arith.constant 24 : i32
        %add3A_411 = arith.addi %add3A_365, %add3A_410 : i32
        %swap3A_412 = arith.index_cast %add3A_411 : i32 to index
        %swap3A_413 = arith.index_cast %mul3A_369 : i32 to index
        %swap3A_414 = tpu.vector_load %arg6[%swap3A_412, %swap3A_413] {strides = array<i32>} : memref<64x128xi32, #tpu.memory_space<vmem>>, vector<16xi32>,
        tpu.vector_store %arg6[%swap3A_412, %swap3A_413], %add3A_409 {strides = array<i32>} : memref<64x128xi32, #tpu.memory_space<vmem>>, vector<16xi32>,
      }
      %scan3A_106 = arith.constant 64 : i32
      %scan3A_107 = arith.constant 0 : i32
      %scan3A_108 = arith.constant 32 : i32
      %scan3A_109 = arith.addi %scan3A_107, %scan3A_108 : i32
      %scan3A_110 = arith.constant 1 : i32
      scf.for %scan3A_308 = %scan3A_107 to %scan3A_109 step %scan3A_110  : i32 {
        %add3A_309 = arith.constant 32 : i32
        %add3A_310 = arith.addi %add3A_309, %scan3A_308 : i32
        %mul3A_311 = arith.constant 128 : i32
        %mul3A_312 = arith.muli %scan3A_308, %mul3A_311 : i32
        %add3A_313 = arith.constant 4096 : i32
        %add3A_314 = arith.addi %add3A_313, %mul3A_312 : i32
        %dma_start3A_315 = arith.constant 0 : i32
        %dma_start3A_316 = tpu.memref_slice %arg8[%add3A_314, %dma_start3A_315] : memref<8192x8xf32, #tpu.memory_space<vmem>> -> memref<128x8xf32, #tpu.memory_space<vmem>>
        %dma_start3A_317 = arith.constant 0 : i32
        %dma_start3A_318 = tpu.memref_slice %arg6[%add3A_310, %dma_start3A_317] : memref<64x128xi32, #tpu.memory_space<vmem>> -> memref<1x128xi32, #tpu.memory_space<vmem>>
        %dma_start3A_319 = tpu.memref_squeeze %dma_start3A_318 : memref<1x128xi32, #tpu.memory_space<vmem>> -> memref<128xi32, #tpu.memory_space<vmem>>
        %dma_start3A_320 = arith.constant 0 : i32
        %dma_start3A_321 = arith.constant 0 : i32
        %dma_start3A_322 = tpu.memref_slice %arg2[%dma_start3A_320, %dma_start3A_321] : memref<524288x8xf32, #tpu.memory_space<hbm>> -> memref<524288x8xf32, #tpu.memory_space<hbm>>
        tpu.enqueue_indirect_dma source(%dma_start3A_322 : memref<524288x8xf32, #tpu.memory_space<hbm>>) target(%dma_start3A_316 : memref<128x8xf32, #tpu.memory_space<vmem>>) offsets(%dma_start3A_319 : memref<128xi32, #tpu.memory_space<vmem>>) semaphore(%arg11 : memref<!tpu.dma_semaphore, #tpu.memory_space<semaphore_mem>>)
      }
      %scan3A_111 = arith.constant 32 : i32
      %gt3A = arith.constant 0 : i32
      %gt3A_112 = arith.cmpi sgt, %scan3A_74, %gt3A : i32
      %convert_element_type3A_113 = arith.extui %gt3A_112 : i1 to i32
      %cond3A_114 = arith.constant 0 : i32
      %cond3A_115 = arith.cmpi ne, %convert_element_type3A_113, %cond3A_114 : i32
      scf.if %cond3A_115 {
        %sub3A = arith.constant 1 : i32
        %sub3A_308 = arith.subi %scan3A_74, %sub3A : i32
        %mul3A_309 = arith.constant 1024 : i32
        %mul3A_310 = arith.muli %sub3A_308, %mul3A_309 : i32
        %add3A_311 = arith.addi %mul3A_2, %mul3A_310 : i32
        %mul3A_312 = arith.constant 8 : i32
        %mul3A_313 = arith.muli %add3A_311, %mul3A_312 : i32
        %add3A_314 = arith.constant 0 : i32
        %add3A_315 = arith.addi %add3A_314, %mul3A_313 : i32
        %dma_wait3A_316 = arith.constant 0 : i32
        %dma_wait3A_317 = tpu.memref_slice %arg9[%dma_wait3A_316] : memref<32768xf32, #tpu.memory_space<vmem>> -> memref<8192xf32, #tpu.memory_space<vmem>>
        %dma_wait3A_318 = tpu.memref_slice %arg4[%add3A_315] : memref<33554432xf32, #tpu.memory_space<hbm>> -> memref<8192xf32, #tpu.memory_space<hbm>>
        %dma_wait3A_319 = tpu.memref_slice %arg4[%add3A_315] : memref<33554432xf32, #tpu.memory_space<hbm>> -> memref<8192xf32, #tpu.memory_space<hbm>>
        %dma_wait3A_320 = arith.constant 0 : i32
        %dma_wait3A_321 = tpu.memref_slice %arg9[%dma_wait3A_320] : memref<32768xf32, #tpu.memory_space<vmem>> -> memref<8192xf32, #tpu.memory_space<vmem>>
        tpu.wait_dma2 semaphore(%arg13 : memref<!tpu.dma_semaphore, #tpu.memory_space<semaphore_mem>>) src(%dma_wait3A_321 : memref<8192xf32, #tpu.memory_space<vmem>>) dst(%dma_wait3A_319 : memref<8192xf32, #tpu.memory_space<hbm>>)
        %sub3A_322 = arith.constant 1 : i32
        %sub3A_323 = arith.subi %scan3A_74, %sub3A_322 : i32
        %mul3A_324 = arith.constant 1024 : i32
        %mul3A_325 = arith.muli %sub3A_323, %mul3A_324 : i32
        %add3A_326 = arith.addi %mul3A_2, %mul3A_325 : i32
        %mul3A_327 = arith.constant 8 : i32
        %mul3A_328 = arith.muli %add3A_326, %mul3A_327 : i32
        %add3A_329 = arith.constant 8388608 : i32
        %add3A_330 = arith.addi %add3A_329, %mul3A_328 : i32
        %dma_wait3A_331 = arith.constant 8192 : i32
        %dma_wait3A_332 = tpu.memref_slice %arg9[%dma_wait3A_331] : memref<32768xf32, #tpu.memory_space<vmem>> -> memref<8192xf32, #tpu.memory_space<vmem>>
        %dma_wait3A_333 = tpu.memref_slice %arg4[%add3A_330] : memref<33554432xf32, #tpu.memory_space<hbm>> -> memref<8192xf32, #tpu.memory_space<hbm>>
        %dma_wait3A_334 = tpu.memref_slice %arg4[%add3A_330] : memref<33554432xf32, #tpu.memory_space<hbm>> -> memref<8192xf32, #tpu.memory_space<hbm>>
        %dma_wait3A_335 = arith.constant 8192 : i32
        %dma_wait3A_336 = tpu.memref_slice %arg9[%dma_wait3A_335] : memref<32768xf32, #tpu.memory_space<vmem>> -> memref<8192xf32, #tpu.memory_space<vmem>>
        tpu.wait_dma2 semaphore(%arg13 : memref<!tpu.dma_semaphore, #tpu.memory_space<semaphore_mem>>) src(%dma_wait3A_336 : memref<8192xf32, #tpu.memory_space<vmem>>) dst(%dma_wait3A_334 : memref<8192xf32, #tpu.memory_space<hbm>>)
        %sub3A_337 = arith.constant 1 : i32
        %sub3A_338 = arith.subi %scan3A_74, %sub3A_337 : i32
        %mul3A_339 = arith.constant 1024 : i32
        %mul3A_340 = arith.muli %sub3A_338, %mul3A_339 : i32
        %add3A_341 = arith.addi %mul3A_2, %mul3A_340 : i32
        %mul3A_342 = arith.constant 8 : i32
        %mul3A_343 = arith.muli %add3A_341, %mul3A_342 : i32
        %add3A_344 = arith.constant 16777216 : i32
        %add3A_345 = arith.addi %add3A_344, %mul3A_343 : i32
        %dma_wait3A_346 = arith.constant 16384 : i32
        %dma_wait3A_347 = tpu.memref_slice %arg9[%dma_wait3A_346] : memref<32768xf32, #tpu.memory_space<vmem>> -> memref<8192xf32, #tpu.memory_space<vmem>>
        %dma_wait3A_348 = tpu.memref_slice %arg4[%add3A_345] : memref<33554432xf32, #tpu.memory_space<hbm>> -> memref<8192xf32, #tpu.memory_space<hbm>>
        %dma_wait3A_349 = tpu.memref_slice %arg4[%add3A_345] : memref<33554432xf32, #tpu.memory_space<hbm>> -> memref<8192xf32, #tpu.memory_space<hbm>>
        %dma_wait3A_350 = arith.constant 16384 : i32
        %dma_wait3A_351 = tpu.memref_slice %arg9[%dma_wait3A_350] : memref<32768xf32, #tpu.memory_space<vmem>> -> memref<8192xf32, #tpu.memory_space<vmem>>
        tpu.wait_dma2 semaphore(%arg13 : memref<!tpu.dma_semaphore, #tpu.memory_space<semaphore_mem>>) src(%dma_wait3A_351 : memref<8192xf32, #tpu.memory_space<vmem>>) dst(%dma_wait3A_349 : memref<8192xf32, #tpu.memory_space<hbm>>)
        %sub3A_352 = arith.constant 1 : i32
        %sub3A_353 = arith.subi %scan3A_74, %sub3A_352 : i32
        %mul3A_354 = arith.constant 1024 : i32
        %mul3A_355 = arith.muli %sub3A_353, %mul3A_354 : i32
        %add3A_356 = arith.addi %mul3A_2, %mul3A_355 : i32
        %mul3A_357 = arith.constant 8 : i32
        %mul3A_358 = arith.muli %add3A_356, %mul3A_357 : i32
        %add3A_359 = arith.constant 25165824 : i32
        %add3A_360 = arith.addi %add3A_359, %mul3A_358 : i32
        %dma_wait3A_361 = arith.constant 24576 : i32
        %dma_wait3A_362 = tpu.memref_slice %arg9[%dma_wait3A_361] : memref<32768xf32, #tpu.memory_space<vmem>> -> memref<8192xf32, #tpu.memory_space<vmem>>
        %dma_wait3A_363 = tpu.memref_slice %arg4[%add3A_360] : memref<33554432xf32, #tpu.memory_space<hbm>> -> memref<8192xf32, #tpu.memory_space<hbm>>
        %dma_wait3A_364 = tpu.memref_slice %arg4[%add3A_360] : memref<33554432xf32, #tpu.memory_space<hbm>> -> memref<8192xf32, #tpu.memory_space<hbm>>
        %dma_wait3A_365 = arith.constant 24576 : i32
        %dma_wait3A_366 = tpu.memref_slice %arg9[%dma_wait3A_365] : memref<32768xf32, #tpu.memory_space<vmem>> -> memref<8192xf32, #tpu.memory_space<vmem>>
        tpu.wait_dma2 semaphore(%arg13 : memref<!tpu.dma_semaphore, #tpu.memory_space<semaphore_mem>>) src(%dma_wait3A_366 : memref<8192xf32, #tpu.memory_space<vmem>>) dst(%dma_wait3A_364 : memref<8192xf32, #tpu.memory_space<hbm>>)
      } else {
      }
      %scan3A_116 = arith.constant 0 : i32
      %scan3A_117 = arith.constant 32 : i32
      %scan3A_118 = arith.addi %scan3A_116, %scan3A_117 : i32
      %scan3A_119 = arith.constant 1 : i32
      scf.for %scan3A_308 = %scan3A_116 to %scan3A_118 step %scan3A_119  : i32 {
        %add3A_309 = arith.constant 0 : i32
        %add3A_310 = arith.addi %add3A_309, %scan3A_308 : i32
        %mul3A_311 = arith.constant 128 : i32
        %mul3A_312 = arith.muli %scan3A_308, %mul3A_311 : i32
        %add3A_313 = arith.constant 0 : i32
        %add3A_314 = arith.addi %add3A_313, %mul3A_312 : i32
        %dma_wait3A_315 = arith.constant 0 : i32
        %dma_wait3A_316 = tpu.memref_slice %arg8[%add3A_314, %dma_wait3A_315] : memref<8192x8xf32, #tpu.memory_space<vmem>> -> memref<128x8xf32, #tpu.memory_space<vmem>>
        %dma_wait3A_317 = arith.constant 0 : i32
        %dma_wait3A_318 = tpu.memref_slice %arg6[%add3A_310, %dma_wait3A_317] : memref<64x128xi32, #tpu.memory_space<vmem>> -> memref<1x128xi32, #tpu.memory_space<vmem>>
        %dma_wait3A_319 = tpu.memref_squeeze %dma_wait3A_318 : memref<1x128xi32, #tpu.memory_space<vmem>> -> memref<128xi32, #tpu.memory_space<vmem>>
        %dma_wait3A_320 = arith.constant 0 : i32
        %dma_wait3A_321 = arith.constant 0 : i32
        %dma_wait3A_322 = tpu.memref_slice %arg2[%dma_wait3A_320, %dma_wait3A_321] : memref<524288x8xf32, #tpu.memory_space<hbm>> -> memref<524288x8xf32, #tpu.memory_space<hbm>>
        tpu.wait_indirect_dma semaphore(%arg10 : memref<!tpu.dma_semaphore, #tpu.memory_space<semaphore_mem>>) src(%dma_wait3A_322 : memref<524288x8xf32, #tpu.memory_space<hbm>>) dst(%dma_wait3A_316 : memref<128x8xf32, #tpu.memory_space<vmem>>)
      }
      %scan3A_120 = arith.constant 32 : i32
      %scan3A_121 = arith.constant 0 : i32
      %scan3A_122 = arith.constant 256 : i32
      %scan3A_123 = arith.addi %scan3A_121, %scan3A_122 : i32
      %scan3A_124 = arith.constant 1 : i32
      scf.for %scan3A_308 = %scan3A_121 to %scan3A_123 step %scan3A_124  : i32 {
        %mul3A_309 = arith.constant 4 : i32
        %mul3A_310 = arith.muli %scan3A_308, %mul3A_309 : i32
        %add3A_311 = vector.broadcast %mul3A_310 : i32 to vector<16xi32>
        %add3A_312 = arith.addi %add3A_311, %shift_right_arithmetic3A_4 : vector<16xi32>
        %add3A_313 = arith.constant 0 : i32
        %add3A_314 = vector.broadcast %add3A_313 : i32 to vector<16xi32>
        %add3A_315 = arith.addi %add3A_314, %add3A_312 : vector<16xi32>
        %gather3A = tpu.vector_load_idx %arg7[%add3A_315] : memref<4096xf32, #tpu.memory_space<vmem>>[vector<16xi32>], vector<16xf32>,
        %add3A_316 = arith.constant 1024 : i32
        %add3A_317 = vector.broadcast %add3A_316 : i32 to vector<16xi32>
        %add3A_318 = arith.addi %add3A_317, %add3A_312 : vector<16xi32>
        %gather3A_319 = tpu.vector_load_idx %arg7[%add3A_318] : memref<4096xf32, #tpu.memory_space<vmem>>[vector<16xi32>], vector<16xf32>,
        %sub3A = arith.constant 1.000000e+00 : f32
        %sub3A_320 = vector.broadcast %sub3A : f32 to vector<16xf32>
        %sub3A_321 = arith.subf %sub3A_320, %gather3A : vector<16xf32>
        %sub3A_322 = arith.constant 1.000000e+00 : f32
        %sub3A_323 = vector.broadcast %sub3A_322 : f32 to vector<16xf32>
        %sub3A_324 = arith.subf %sub3A_323, %gather3A_319 : vector<16xf32>
        %add3A_325 = arith.constant 0 : i32
        %add3A_326 = vector.broadcast %add3A_325 : i32 to vector<16xi32>
        %add3A_327 = arith.addi %add3A_326, %add3A_312 : vector<16xi32>
        %gather3A_328 = tpu.vector_load_idx %arg8[%add3A_327, %and3A_6] : memref<8192x8xf32, #tpu.memory_space<vmem>>[vector<16xi32>, vector<16xi32>], vector<16xf32>,
        %add3A_329 = arith.constant 1024 : i32
        %add3A_330 = vector.broadcast %add3A_329 : i32 to vector<16xi32>
        %add3A_331 = arith.addi %add3A_330, %add3A_312 : vector<16xi32>
        %gather3A_332 = tpu.vector_load_idx %arg8[%add3A_331, %and3A_6] : memref<8192x8xf32, #tpu.memory_space<vmem>>[vector<16xi32>, vector<16xi32>], vector<16xf32>,
        %add3A_333 = arith.constant 2048 : i32
        %add3A_334 = vector.broadcast %add3A_333 : i32 to vector<16xi32>
        %add3A_335 = arith.addi %add3A_334, %add3A_312 : vector<16xi32>
        %gather3A_336 = tpu.vector_load_idx %arg8[%add3A_335, %and3A_6] : memref<8192x8xf32, #tpu.memory_space<vmem>>[vector<16xi32>, vector<16xi32>], vector<16xf32>,
        %add3A_337 = arith.constant 3072 : i32
        %add3A_338 = vector.broadcast %add3A_337 : i32 to vector<16xi32>
        %add3A_339 = arith.addi %add3A_338, %add3A_312 : vector<16xi32>
        %gather3A_340 = tpu.vector_load_idx %arg8[%add3A_339, %and3A_6] : memref<8192x8xf32, #tpu.memory_space<vmem>>[vector<16xi32>, vector<16xi32>], vector<16xf32>,
        %mul3A_341 = arith.mulf %sub3A_321, %gather3A_328 : vector<16xf32>
        %mul3A_342 = arith.mulf %gather3A, %gather3A_332 : vector<16xf32>
        %add3A_343 = arith.addf %mul3A_341, %mul3A_342 : vector<16xf32>
        %mul3A_344 = arith.mulf %sub3A_324, %add3A_343 : vector<16xf32>
        %mul3A_345 = arith.mulf %sub3A_321, %gather3A_336 : vector<16xf32>
        %mul3A_346 = arith.mulf %gather3A, %gather3A_340 : vector<16xf32>
        %add3A_347 = arith.addf %mul3A_345, %mul3A_346 : vector<16xf32>
        %mul3A_348 = arith.mulf %gather3A_319, %add3A_347 : vector<16xf32>
        %add3A_349 = arith.addf %mul3A_344, %mul3A_348 : vector<16xf32>
        %shift_right_arithmetic3A_350 = arith.constant 5 : i32
        %shift_right_arithmetic3A_351 = arith.shrsi %scan3A_308, %shift_right_arithmetic3A_350 : i32
        %mul3A_352 = arith.constant 1024 : i32
        %mul3A_353 = arith.muli %shift_right_arithmetic3A_351, %mul3A_352 : i32
        %add3A_354 = arith.constant 0 : i32
        %add3A_355 = arith.addi %add3A_354, %mul3A_353 : i32
        %and3A_356 = arith.constant 31 : i32
        %and3A_357 = arith.andi %scan3A_308, %and3A_356 : i32
        %mul3A_358 = arith.constant 4 : i32
        %mul3A_359 = arith.muli %and3A_357, %mul3A_358 : i32
        %add3A_360 = arith.addi %add3A_355, %mul3A_359 : i32
        %add3A_361 = vector.broadcast %add3A_360 : i32 to vector<16xi32>
        %add3A_362 = arith.addi %add3A_361, %add3A_10 : vector<16xi32>
        tpu.vector_store_idx %arg9[%add3A_362], %add3A_349 : memref<32768xf32, #tpu.memory_space<vmem>>[vector<16xi32>], vector<16xf32>,
      }
      %scan3A_125 = arith.constant 256 : i32
      %scan3A_126 = arith.constant 0 : i32
      %scan3A_127 = arith.constant 64 : i32
      %scan3A_128 = arith.addi %scan3A_126, %scan3A_127 : i32
      %scan3A_129 = arith.constant 1 : i32
      scf.for %scan3A_308 = %scan3A_126 to %scan3A_128 step %scan3A_129  : i32 {
        %shift_right_arithmetic3A_309 = arith.constant 3 : i32
        %shift_right_arithmetic3A_310 = arith.shrsi %scan3A_308, %shift_right_arithmetic3A_309 : i32
        %mul3A_311 = arith.constant 256 : i32
        %mul3A_312 = arith.muli %shift_right_arithmetic3A_310, %mul3A_311 : i32
        %and3A_313 = arith.constant 7 : i32
        %and3A_314 = arith.andi %scan3A_308, %and3A_313 : i32
        %mul3A_315 = arith.constant 16 : i32
        %mul3A_316 = arith.muli %and3A_314, %mul3A_315 : i32
        %add3A_317 = arith.addi %mul3A_312, %mul3A_316 : i32
        %get3A = arith.index_cast %and3A_76 : i32 to index
        %get3A_318 = arith.index_cast %add3A_317 : i32 to index
        %get3A_319 = tpu.vector_load %arg5[%get3A, %get3A_318] {strides = array<i32>} : memref<2x2048xf32, #tpu.memory_space<vmem>>, vector<16xf32>,
        %add3A_320 = arith.constant 128 : i32
        %add3A_321 = arith.addi %add3A_317, %add3A_320 : i32
        %get3A_322 = arith.index_cast %and3A_76 : i32 to index
        %get3A_323 = arith.index_cast %add3A_321 : i32 to index
        %get3A_324 = tpu.vector_load %arg5[%get3A_322, %get3A_323] {strides = array<i32>} : memref<2x2048xf32, #tpu.memory_space<vmem>>, vector<16xf32>,
        %mul3A_325 = arith.constant 1679.04675 : f32
        %mul3A_326 = vector.broadcast %mul3A_325 : f32 to vector<16xf32>
        %mul3A_327 = arith.mulf %get3A_319, %mul3A_326 : vector<16xf32>
        %add3A_328 = arith.constant 5.000000e-01 : f32
        %add3A_329 = vector.broadcast %add3A_328 : f32 to vector<16xf32>
        %add3A_330 = arith.addf %mul3A_327, %add3A_329 : vector<16xf32>
        %mul3A_331 = arith.constant 1679.04675 : f32
        %mul3A_332 = vector.broadcast %mul3A_331 : f32 to vector<16xf32>
        %mul3A_333 = arith.mulf %get3A_324, %mul3A_332 : vector<16xf32>
        %add3A_334 = arith.constant 5.000000e-01 : f32
        %add3A_335 = vector.broadcast %add3A_334 : f32 to vector<16xf32>
        %add3A_336 = arith.addf %mul3A_333, %add3A_335 : vector<16xf32>
        %convert_element_type3A_337 = arith.fptosi %add3A_330 : vector<16xf32> to vector<16xi32>
        %convert_element_type3A_338 = arith.fptosi %add3A_336 : vector<16xf32> to vector<16xi32>
        %convert_element_type3A_339 = arith.sitofp %convert_element_type3A_337 : vector<16xi32> to vector<16xf32>
        %sub3A = arith.subf %add3A_330, %convert_element_type3A_339 : vector<16xf32>
        %mul3A_340 = arith.constant 16 : i32
        %mul3A_341 = arith.muli %scan3A_308, %mul3A_340 : i32
        %add3A_342 = arith.constant 0 : i32
        %add3A_343 = arith.addi %add3A_342, %mul3A_341 : i32
        %swap3A = arith.index_cast %add3A_343 : i32 to index
        %swap3A_344 = tpu.vector_load %arg7[%swap3A] {strides = array<i32>} : memref<4096xf32, #tpu.memory_space<vmem>>, vector<16xf32>,
        tpu.vector_store %arg7[%swap3A], %sub3A {strides = array<i32>} : memref<4096xf32, #tpu.memory_space<vmem>>, vector<16xf32>,
        %convert_element_type3A_345 = arith.sitofp %convert_element_type3A_338 : vector<16xi32> to vector<16xf32>
        %sub3A_346 = arith.subf %add3A_336, %convert_element_type3A_345 : vector<16xf32>
        %mul3A_347 = arith.constant 16 : i32
        %mul3A_348 = arith.muli %scan3A_308, %mul3A_347 : i32
        %add3A_349 = arith.constant 1024 : i32
        %add3A_350 = arith.addi %add3A_349, %mul3A_348 : i32
        %swap3A_351 = arith.index_cast %add3A_350 : i32 to index
        %swap3A_352 = tpu.vector_load %arg7[%swap3A_351] {strides = array<i32>} : memref<4096xf32, #tpu.memory_space<vmem>>, vector<16xf32>,
        tpu.vector_store %arg7[%swap3A_351], %sub3A_346 {strides = array<i32>} : memref<4096xf32, #tpu.memory_space<vmem>>, vector<16xf32>,
        %mul3A_353 = arith.constant -1640531535 : i32
        %mul3A_354 = vector.broadcast %mul3A_353 : i32 to vector<16xi32>
        %mul3A_355 = arith.muli %convert_element_type3A_338, %mul3A_354 : vector<16xi32>
        %add3A_356 = arith.constant -1640531535 : i32
        %add3A_357 = vector.broadcast %add3A_356 : i32 to vector<16xi32>
        %add3A_358 = arith.addi %mul3A_355, %add3A_357 : vector<16xi32>
        %add3A_359 = arith.constant 1 : i32
        %add3A_360 = vector.broadcast %add3A_359 : i32 to vector<16xi32>
        %add3A_361 = arith.addi %convert_element_type3A_337, %add3A_360 : vector<16xi32>
        %shift_right_arithmetic3A_362 = arith.constant 3 : i32
        %shift_right_arithmetic3A_363 = arith.shrsi %scan3A_308, %shift_right_arithmetic3A_362 : i32
        %add3A_364 = arith.constant 0 : i32
        %add3A_365 = arith.addi %add3A_364, %shift_right_arithmetic3A_363 : i32
        %and3A_366 = arith.constant 7 : i32
        %and3A_367 = arith.andi %scan3A_308, %and3A_366 : i32
        %mul3A_368 = arith.constant 16 : i32
        %mul3A_369 = arith.muli %and3A_367, %mul3A_368 : i32
        %xor3A = arith.xori %convert_element_type3A_337, %mul3A_355 : vector<16xi32>
        %and3A_370 = arith.constant 65535 : i32
        %and3A_371 = vector.broadcast %and3A_370 : i32 to vector<16xi32>
        %and3A_372 = arith.andi %xor3A, %and3A_371 : vector<16xi32>
        %add3A_373 = arith.constant 131072 : i32
        %add3A_374 = vector.broadcast %add3A_373 : i32 to vector<16xi32>
        %add3A_375 = arith.addi %and3A_372, %add3A_374 : vector<16xi32>
        %swap3A_376 = arith.index_cast %add3A_365 : i32 to index
        %swap3A_377 = arith.index_cast %mul3A_369 : i32 to index
        %swap3A_378 = tpu.vector_load %arg6[%swap3A_376, %swap3A_377] {strides = array<i32>} : memref<64x128xi32, #tpu.memory_space<vmem>>, vector<16xi32>,
        tpu.vector_store %arg6[%swap3A_376, %swap3A_377], %add3A_375 {strides = array<i32>} : memref<64x128xi32, #tpu.memory_space<vmem>>, vector<16xi32>,
        %xor3A_379 = arith.xori %add3A_361, %mul3A_355 : vector<16xi32>
        %and3A_380 = arith.constant 65535 : i32
        %and3A_381 = vector.broadcast %and3A_380 : i32 to vector<16xi32>
        %and3A_382 = arith.andi %xor3A_379, %and3A_381 : vector<16xi32>
        %add3A_383 = arith.constant 131072 : i32
        %add3A_384 = vector.broadcast %add3A_383 : i32 to vector<16xi32>
        %add3A_385 = arith.addi %and3A_382, %add3A_384 : vector<16xi32>
        %add3A_386 = arith.constant 8 : i32
        %add3A_387 = arith.addi %add3A_365, %add3A_386 : i32
        %swap3A_388 = arith.index_cast %add3A_387 : i32 to index
        %swap3A_389 = arith.index_cast %mul3A_369 : i32 to index
        %swap3A_390 = tpu.vector_load %arg6[%swap3A_388, %swap3A_389] {strides = array<i32>} : memref<64x128xi32, #tpu.memory_space<vmem>>, vector<16xi32>,
        tpu.vector_store %arg6[%swap3A_388, %swap3A_389], %add3A_385 {strides = array<i32>} : memref<64x128xi32, #tpu.memory_space<vmem>>, vector<16xi32>,
        %xor3A_391 = arith.xori %convert_element_type3A_337, %add3A_358 : vector<16xi32>
        %and3A_392 = arith.constant 65535 : i32
        %and3A_393 = vector.broadcast %and3A_392 : i32 to vector<16xi32>
        %and3A_394 = arith.andi %xor3A_391, %and3A_393 : vector<16xi32>
        %add3A_395 = arith.constant 131072 : i32
        %add3A_396 = vector.broadcast %add3A_395 : i32 to vector<16xi32>
        %add3A_397 = arith.addi %and3A_394, %add3A_396 : vector<16xi32>
        %add3A_398 = arith.constant 16 : i32
        %add3A_399 = arith.addi %add3A_365, %add3A_398 : i32
        %swap3A_400 = arith.index_cast %add3A_399 : i32 to index
        %swap3A_401 = arith.index_cast %mul3A_369 : i32 to index
        %swap3A_402 = tpu.vector_load %arg6[%swap3A_400, %swap3A_401] {strides = array<i32>} : memref<64x128xi32, #tpu.memory_space<vmem>>, vector<16xi32>,
        tpu.vector_store %arg6[%swap3A_400, %swap3A_401], %add3A_397 {strides = array<i32>} : memref<64x128xi32, #tpu.memory_space<vmem>>, vector<16xi32>,
        %xor3A_403 = arith.xori %add3A_361, %add3A_358 : vector<16xi32>
        %and3A_404 = arith.constant 65535 : i32
        %and3A_405 = vector.broadcast %and3A_404 : i32 to vector<16xi32>
        %and3A_406 = arith.andi %xor3A_403, %and3A_405 : vector<16xi32>
        %add3A_407 = arith.constant 131072 : i32
        %add3A_408 = vector.broadcast %add3A_407 : i32 to vector<16xi32>
        %add3A_409 = arith.addi %and3A_406, %add3A_408 : vector<16xi32>
        %add3A_410 = arith.constant 24 : i32
        %add3A_411 = arith.addi %add3A_365, %add3A_410 : i32
        %swap3A_412 = arith.index_cast %add3A_411 : i32 to index
        %swap3A_413 = arith.index_cast %mul3A_369 : i32 to index
        %swap3A_414 = tpu.vector_load %arg6[%swap3A_412, %swap3A_413] {strides = array<i32>} : memref<64x128xi32, #tpu.memory_space<vmem>>, vector<16xi32>,
        tpu.vector_store %arg6[%swap3A_412, %swap3A_413], %add3A_409 {strides = array<i32>} : memref<64x128xi32, #tpu.memory_space<vmem>>, vector<16xi32>,
      }
      %scan3A_130 = arith.constant 64 : i32
      %scan3A_131 = arith.constant 0 : i32
      %scan3A_132 = arith.constant 32 : i32
      %scan3A_133 = arith.addi %scan3A_131, %scan3A_132 : i32
      %scan3A_134 = arith.constant 1 : i32
      scf.for %scan3A_308 = %scan3A_131 to %scan3A_133 step %scan3A_134  : i32 {
        %add3A_309 = arith.constant 0 : i32
        %add3A_310 = arith.addi %add3A_309, %scan3A_308 : i32
        %mul3A_311 = arith.constant 128 : i32
        %mul3A_312 = arith.muli %scan3A_308, %mul3A_311 : i32
        %add3A_313 = arith.constant 0 : i32
        %add3A_314 = arith.addi %add3A_313, %mul3A_312 : i32
        %dma_start3A_315 = arith.constant 0 : i32
        %dma_start3A_316 = tpu.memref_slice %arg8[%add3A_314, %dma_start3A_315] : memref<8192x8xf32, #tpu.memory_space<vmem>> -> memref<128x8xf32, #tpu.memory_space<vmem>>
        %dma_start3A_317 = arith.constant 0 : i32
        %dma_start3A_318 = tpu.memref_slice %arg6[%add3A_310, %dma_start3A_317] : memref<64x128xi32, #tpu.memory_space<vmem>> -> memref<1x128xi32, #tpu.memory_space<vmem>>
        %dma_start3A_319 = tpu.memref_squeeze %dma_start3A_318 : memref<1x128xi32, #tpu.memory_space<vmem>> -> memref<128xi32, #tpu.memory_space<vmem>>
        %dma_start3A_320 = arith.constant 0 : i32
        %dma_start3A_321 = arith.constant 0 : i32
        %dma_start3A_322 = tpu.memref_slice %arg2[%dma_start3A_320, %dma_start3A_321] : memref<524288x8xf32, #tpu.memory_space<hbm>> -> memref<524288x8xf32, #tpu.memory_space<hbm>>
        tpu.enqueue_indirect_dma source(%dma_start3A_322 : memref<524288x8xf32, #tpu.memory_space<hbm>>) target(%dma_start3A_316 : memref<128x8xf32, #tpu.memory_space<vmem>>) offsets(%dma_start3A_319 : memref<128xi32, #tpu.memory_space<vmem>>) semaphore(%arg10 : memref<!tpu.dma_semaphore, #tpu.memory_space<semaphore_mem>>)
      }
      %scan3A_135 = arith.constant 32 : i32
      %scan3A_136 = arith.constant 0 : i32
      %scan3A_137 = arith.constant 32 : i32
      %scan3A_138 = arith.addi %scan3A_136, %scan3A_137 : i32
      %scan3A_139 = arith.constant 1 : i32
      scf.for %scan3A_308 = %scan3A_136 to %scan3A_138 step %scan3A_139  : i32 {
        %add3A_309 = arith.constant 32 : i32
        %add3A_310 = arith.addi %add3A_309, %scan3A_308 : i32
        %mul3A_311 = arith.constant 128 : i32
        %mul3A_312 = arith.muli %scan3A_308, %mul3A_311 : i32
        %add3A_313 = arith.constant 4096 : i32
        %add3A_314 = arith.addi %add3A_313, %mul3A_312 : i32
        %dma_wait3A_315 = arith.constant 0 : i32
        %dma_wait3A_316 = tpu.memref_slice %arg8[%add3A_314, %dma_wait3A_315] : memref<8192x8xf32, #tpu.memory_space<vmem>> -> memref<128x8xf32, #tpu.memory_space<vmem>>
        %dma_wait3A_317 = arith.constant 0 : i32
        %dma_wait3A_318 = tpu.memref_slice %arg6[%add3A_310, %dma_wait3A_317] : memref<64x128xi32, #tpu.memory_space<vmem>> -> memref<1x128xi32, #tpu.memory_space<vmem>>
        %dma_wait3A_319 = tpu.memref_squeeze %dma_wait3A_318 : memref<1x128xi32, #tpu.memory_space<vmem>> -> memref<128xi32, #tpu.memory_space<vmem>>
        %dma_wait3A_320 = arith.constant 0 : i32
        %dma_wait3A_321 = arith.constant 0 : i32
        %dma_wait3A_322 = tpu.memref_slice %arg2[%dma_wait3A_320, %dma_wait3A_321] : memref<524288x8xf32, #tpu.memory_space<hbm>> -> memref<524288x8xf32, #tpu.memory_space<hbm>>
        tpu.wait_indirect_dma semaphore(%arg11 : memref<!tpu.dma_semaphore, #tpu.memory_space<semaphore_mem>>) src(%dma_wait3A_322 : memref<524288x8xf32, #tpu.memory_space<hbm>>) dst(%dma_wait3A_316 : memref<128x8xf32, #tpu.memory_space<vmem>>)
      }
      %scan3A_140 = arith.constant 32 : i32
      %scan3A_141 = arith.constant 0 : i32
      %scan3A_142 = arith.constant 256 : i32
      %scan3A_143 = arith.addi %scan3A_141, %scan3A_142 : i32
      %scan3A_144 = arith.constant 1 : i32
      scf.for %scan3A_308 = %scan3A_141 to %scan3A_143 step %scan3A_144  : i32 {
        %mul3A_309 = arith.constant 4 : i32
        %mul3A_310 = arith.muli %scan3A_308, %mul3A_309 : i32
        %add3A_311 = vector.broadcast %mul3A_310 : i32 to vector<16xi32>
        %add3A_312 = arith.addi %add3A_311, %shift_right_arithmetic3A_4 : vector<16xi32>
        %add3A_313 = arith.constant 2048 : i32
        %add3A_314 = vector.broadcast %add3A_313 : i32 to vector<16xi32>
        %add3A_315 = arith.addi %add3A_314, %add3A_312 : vector<16xi32>
        %gather3A = tpu.vector_load_idx %arg7[%add3A_315] : memref<4096xf32, #tpu.memory_space<vmem>>[vector<16xi32>], vector<16xf32>,
        %add3A_316 = arith.constant 3072 : i32
        %add3A_317 = vector.broadcast %add3A_316 : i32 to vector<16xi32>
        %add3A_318 = arith.addi %add3A_317, %add3A_312 : vector<16xi32>
        %gather3A_319 = tpu.vector_load_idx %arg7[%add3A_318] : memref<4096xf32, #tpu.memory_space<vmem>>[vector<16xi32>], vector<16xf32>,
        %sub3A = arith.constant 1.000000e+00 : f32
        %sub3A_320 = vector.broadcast %sub3A : f32 to vector<16xf32>
        %sub3A_321 = arith.subf %sub3A_320, %gather3A : vector<16xf32>
        %sub3A_322 = arith.constant 1.000000e+00 : f32
        %sub3A_323 = vector.broadcast %sub3A_322 : f32 to vector<16xf32>
        %sub3A_324 = arith.subf %sub3A_323, %gather3A_319 : vector<16xf32>
        %add3A_325 = arith.constant 4096 : i32
        %add3A_326 = vector.broadcast %add3A_325 : i32 to vector<16xi32>
        %add3A_327 = arith.addi %add3A_326, %add3A_312 : vector<16xi32>
        %gather3A_328 = tpu.vector_load_idx %arg8[%add3A_327, %and3A_6] : memref<8192x8xf32, #tpu.memory_space<vmem>>[vector<16xi32>, vector<16xi32>], vector<16xf32>,
        %add3A_329 = arith.constant 5120 : i32
        %add3A_330 = vector.broadcast %add3A_329 : i32 to vector<16xi32>
        %add3A_331 = arith.addi %add3A_330, %add3A_312 : vector<16xi32>
        %gather3A_332 = tpu.vector_load_idx %arg8[%add3A_331, %and3A_6] : memref<8192x8xf32, #tpu.memory_space<vmem>>[vector<16xi32>, vector<16xi32>], vector<16xf32>,
        %add3A_333 = arith.constant 6144 : i32
        %add3A_334 = vector.broadcast %add3A_333 : i32 to vector<16xi32>
        %add3A_335 = arith.addi %add3A_334, %add3A_312 : vector<16xi32>
        %gather3A_336 = tpu.vector_load_idx %arg8[%add3A_335, %and3A_6] : memref<8192x8xf32, #tpu.memory_space<vmem>>[vector<16xi32>, vector<16xi32>], vector<16xf32>,
        %add3A_337 = arith.constant 7168 : i32
        %add3A_338 = vector.broadcast %add3A_337 : i32 to vector<16xi32>
        %add3A_339 = arith.addi %add3A_338, %add3A_312 : vector<16xi32>
        %gather3A_340 = tpu.vector_load_idx %arg8[%add3A_339, %and3A_6] : memref<8192x8xf32, #tpu.memory_space<vmem>>[vector<16xi32>, vector<16xi32>], vector<16xf32>,
        %mul3A_341 = arith.mulf %sub3A_321, %gather3A_328 : vector<16xf32>
        %mul3A_342 = arith.mulf %gather3A, %gather3A_332 : vector<16xf32>
        %add3A_343 = arith.addf %mul3A_341, %mul3A_342 : vector<16xf32>
        %mul3A_344 = arith.mulf %sub3A_324, %add3A_343 : vector<16xf32>
        %mul3A_345 = arith.mulf %sub3A_321, %gather3A_336 : vector<16xf32>
        %mul3A_346 = arith.mulf %gather3A, %gather3A_340 : vector<16xf32>
        %add3A_347 = arith.addf %mul3A_345, %mul3A_346 : vector<16xf32>
        %mul3A_348 = arith.mulf %gather3A_319, %add3A_347 : vector<16xf32>
        %add3A_349 = arith.addf %mul3A_344, %mul3A_348 : vector<16xf32>
        %shift_right_arithmetic3A_350 = arith.constant 5 : i32
        %shift_right_arithmetic3A_351 = arith.shrsi %scan3A_308, %shift_right_arithmetic3A_350 : i32
        %mul3A_352 = arith.constant 1024 : i32
        %mul3A_353 = arith.muli %shift_right_arithmetic3A_351, %mul3A_352 : i32
        %add3A_354 = arith.constant 512 : i32
        %add3A_355 = arith.addi %add3A_354, %mul3A_353 : i32
        %and3A_356 = arith.constant 31 : i32
        %and3A_357 = arith.andi %scan3A_308, %and3A_356 : i32
        %mul3A_358 = arith.constant 4 : i32
        %mul3A_359 = arith.muli %and3A_357, %mul3A_358 : i32
        %add3A_360 = arith.addi %add3A_355, %mul3A_359 : i32
        %add3A_361 = vector.broadcast %add3A_360 : i32 to vector<16xi32>
        %add3A_362 = arith.addi %add3A_361, %add3A_10 : vector<16xi32>
        tpu.vector_store_idx %arg9[%add3A_362], %add3A_349 : memref<32768xf32, #tpu.memory_space<vmem>>[vector<16xi32>], vector<16xf32>,
      }
      %scan3A_145 = arith.constant 256 : i32
      %scan3A_146 = arith.constant 0 : i32
      %scan3A_147 = arith.constant 64 : i32
      %scan3A_148 = arith.addi %scan3A_146, %scan3A_147 : i32
      %scan3A_149 = arith.constant 1 : i32
      scf.for %scan3A_308 = %scan3A_146 to %scan3A_148 step %scan3A_149  : i32 {
        %shift_right_arithmetic3A_309 = arith.constant 3 : i32
        %shift_right_arithmetic3A_310 = arith.shrsi %scan3A_308, %shift_right_arithmetic3A_309 : i32
        %mul3A_311 = arith.constant 256 : i32
        %mul3A_312 = arith.muli %shift_right_arithmetic3A_310, %mul3A_311 : i32
        %and3A_313 = arith.constant 7 : i32
        %and3A_314 = arith.andi %scan3A_308, %and3A_313 : i32
        %mul3A_315 = arith.constant 16 : i32
        %mul3A_316 = arith.muli %and3A_314, %mul3A_315 : i32
        %add3A_317 = arith.addi %mul3A_312, %mul3A_316 : i32
        %get3A = arith.index_cast %and3A_76 : i32 to index
        %get3A_318 = arith.index_cast %add3A_317 : i32 to index
        %get3A_319 = tpu.vector_load %arg5[%get3A, %get3A_318] {strides = array<i32>} : memref<2x2048xf32, #tpu.memory_space<vmem>>, vector<16xf32>,
        %add3A_320 = arith.constant 128 : i32
        %add3A_321 = arith.addi %add3A_317, %add3A_320 : i32
        %get3A_322 = arith.index_cast %and3A_76 : i32 to index
        %get3A_323 = arith.index_cast %add3A_321 : i32 to index
        %get3A_324 = tpu.vector_load %arg5[%get3A_322, %get3A_323] {strides = array<i32>} : memref<2x2048xf32, #tpu.memory_space<vmem>>, vector<16xf32>,
        %mul3A_325 = arith.constant 3042.31641 : f32
        %mul3A_326 = vector.broadcast %mul3A_325 : f32 to vector<16xf32>
        %mul3A_327 = arith.mulf %get3A_319, %mul3A_326 : vector<16xf32>
        %add3A_328 = arith.constant 5.000000e-01 : f32
        %add3A_329 = vector.broadcast %add3A_328 : f32 to vector<16xf32>
        %add3A_330 = arith.addf %mul3A_327, %add3A_329 : vector<16xf32>
        %mul3A_331 = arith.constant 3042.31641 : f32
        %mul3A_332 = vector.broadcast %mul3A_331 : f32 to vector<16xf32>
        %mul3A_333 = arith.mulf %get3A_324, %mul3A_332 : vector<16xf32>
        %add3A_334 = arith.constant 5.000000e-01 : f32
        %add3A_335 = vector.broadcast %add3A_334 : f32 to vector<16xf32>
        %add3A_336 = arith.addf %mul3A_333, %add3A_335 : vector<16xf32>
        %convert_element_type3A_337 = arith.fptosi %add3A_330 : vector<16xf32> to vector<16xi32>
        %convert_element_type3A_338 = arith.fptosi %add3A_336 : vector<16xf32> to vector<16xi32>
        %convert_element_type3A_339 = arith.sitofp %convert_element_type3A_337 : vector<16xi32> to vector<16xf32>
        %sub3A = arith.subf %add3A_330, %convert_element_type3A_339 : vector<16xf32>
        %mul3A_340 = arith.constant 16 : i32
        %mul3A_341 = arith.muli %scan3A_308, %mul3A_340 : i32
        %add3A_342 = arith.constant 2048 : i32
        %add3A_343 = arith.addi %add3A_342, %mul3A_341 : i32
        %swap3A = arith.index_cast %add3A_343 : i32 to index
        %swap3A_344 = tpu.vector_load %arg7[%swap3A] {strides = array<i32>} : memref<4096xf32, #tpu.memory_space<vmem>>, vector<16xf32>,
        tpu.vector_store %arg7[%swap3A], %sub3A {strides = array<i32>} : memref<4096xf32, #tpu.memory_space<vmem>>, vector<16xf32>,
        %convert_element_type3A_345 = arith.sitofp %convert_element_type3A_338 : vector<16xi32> to vector<16xf32>
        %sub3A_346 = arith.subf %add3A_336, %convert_element_type3A_345 : vector<16xf32>
        %mul3A_347 = arith.constant 16 : i32
        %mul3A_348 = arith.muli %scan3A_308, %mul3A_347 : i32
        %add3A_349 = arith.constant 3072 : i32
        %add3A_350 = arith.addi %add3A_349, %mul3A_348 : i32
        %swap3A_351 = arith.index_cast %add3A_350 : i32 to index
        %swap3A_352 = tpu.vector_load %arg7[%swap3A_351] {strides = array<i32>} : memref<4096xf32, #tpu.memory_space<vmem>>, vector<16xf32>,
        tpu.vector_store %arg7[%swap3A_351], %sub3A_346 {strides = array<i32>} : memref<4096xf32, #tpu.memory_space<vmem>>, vector<16xf32>,
        %mul3A_353 = arith.constant -1640531535 : i32
        %mul3A_354 = vector.broadcast %mul3A_353 : i32 to vector<16xi32>
        %mul3A_355 = arith.muli %convert_element_type3A_338, %mul3A_354 : vector<16xi32>
        %add3A_356 = arith.constant -1640531535 : i32
        %add3A_357 = vector.broadcast %add3A_356 : i32 to vector<16xi32>
        %add3A_358 = arith.addi %mul3A_355, %add3A_357 : vector<16xi32>
        %add3A_359 = arith.constant 1 : i32
        %add3A_360 = vector.broadcast %add3A_359 : i32 to vector<16xi32>
        %add3A_361 = arith.addi %convert_element_type3A_337, %add3A_360 : vector<16xi32>
        %shift_right_arithmetic3A_362 = arith.constant 3 : i32
        %shift_right_arithmetic3A_363 = arith.shrsi %scan3A_308, %shift_right_arithmetic3A_362 : i32
        %add3A_364 = arith.constant 32 : i32
        %add3A_365 = arith.addi %add3A_364, %shift_right_arithmetic3A_363 : i32
        %and3A_366 = arith.constant 7 : i32
        %and3A_367 = arith.andi %scan3A_308, %and3A_366 : i32
        %mul3A_368 = arith.constant 16 : i32
        %mul3A_369 = arith.muli %and3A_367, %mul3A_368 : i32
        %xor3A = arith.xori %convert_element_type3A_337, %mul3A_355 : vector<16xi32>
        %and3A_370 = arith.constant 65535 : i32
        %and3A_371 = vector.broadcast %and3A_370 : i32 to vector<16xi32>
        %and3A_372 = arith.andi %xor3A, %and3A_371 : vector<16xi32>
        %add3A_373 = arith.constant 196608 : i32
        %add3A_374 = vector.broadcast %add3A_373 : i32 to vector<16xi32>
        %add3A_375 = arith.addi %and3A_372, %add3A_374 : vector<16xi32>
        %swap3A_376 = arith.index_cast %add3A_365 : i32 to index
        %swap3A_377 = arith.index_cast %mul3A_369 : i32 to index
        %swap3A_378 = tpu.vector_load %arg6[%swap3A_376, %swap3A_377] {strides = array<i32>} : memref<64x128xi32, #tpu.memory_space<vmem>>, vector<16xi32>,
        tpu.vector_store %arg6[%swap3A_376, %swap3A_377], %add3A_375 {strides = array<i32>} : memref<64x128xi32, #tpu.memory_space<vmem>>, vector<16xi32>,
        %xor3A_379 = arith.xori %add3A_361, %mul3A_355 : vector<16xi32>
        %and3A_380 = arith.constant 65535 : i32
        %and3A_381 = vector.broadcast %and3A_380 : i32 to vector<16xi32>
        %and3A_382 = arith.andi %xor3A_379, %and3A_381 : vector<16xi32>
        %add3A_383 = arith.constant 196608 : i32
        %add3A_384 = vector.broadcast %add3A_383 : i32 to vector<16xi32>
        %add3A_385 = arith.addi %and3A_382, %add3A_384 : vector<16xi32>
        %add3A_386 = arith.constant 8 : i32
        %add3A_387 = arith.addi %add3A_365, %add3A_386 : i32
        %swap3A_388 = arith.index_cast %add3A_387 : i32 to index
        %swap3A_389 = arith.index_cast %mul3A_369 : i32 to index
        %swap3A_390 = tpu.vector_load %arg6[%swap3A_388, %swap3A_389] {strides = array<i32>} : memref<64x128xi32, #tpu.memory_space<vmem>>, vector<16xi32>,
        tpu.vector_store %arg6[%swap3A_388, %swap3A_389], %add3A_385 {strides = array<i32>} : memref<64x128xi32, #tpu.memory_space<vmem>>, vector<16xi32>,
        %xor3A_391 = arith.xori %convert_element_type3A_337, %add3A_358 : vector<16xi32>
        %and3A_392 = arith.constant 65535 : i32
        %and3A_393 = vector.broadcast %and3A_392 : i32 to vector<16xi32>
        %and3A_394 = arith.andi %xor3A_391, %and3A_393 : vector<16xi32>
        %add3A_395 = arith.constant 196608 : i32
        %add3A_396 = vector.broadcast %add3A_395 : i32 to vector<16xi32>
        %add3A_397 = arith.addi %and3A_394, %add3A_396 : vector<16xi32>
        %add3A_398 = arith.constant 16 : i32
        %add3A_399 = arith.addi %add3A_365, %add3A_398 : i32
        %swap3A_400 = arith.index_cast %add3A_399 : i32 to index
        %swap3A_401 = arith.index_cast %mul3A_369 : i32 to index
        %swap3A_402 = tpu.vector_load %arg6[%swap3A_400, %swap3A_401] {strides = array<i32>} : memref<64x128xi32, #tpu.memory_space<vmem>>, vector<16xi32>,
        tpu.vector_store %arg6[%swap3A_400, %swap3A_401], %add3A_397 {strides = array<i32>} : memref<64x128xi32, #tpu.memory_space<vmem>>, vector<16xi32>,
        %xor3A_403 = arith.xori %add3A_361, %add3A_358 : vector<16xi32>
        %and3A_404 = arith.constant 65535 : i32
        %and3A_405 = vector.broadcast %and3A_404 : i32 to vector<16xi32>
        %and3A_406 = arith.andi %xor3A_403, %and3A_405 : vector<16xi32>
        %add3A_407 = arith.constant 196608 : i32
        %add3A_408 = vector.broadcast %add3A_407 : i32 to vector<16xi32>
        %add3A_409 = arith.addi %and3A_406, %add3A_408 : vector<16xi32>
        %add3A_410 = arith.constant 24 : i32
        %add3A_411 = arith.addi %add3A_365, %add3A_410 : i32
        %swap3A_412 = arith.index_cast %add3A_411 : i32 to index
        %swap3A_413 = arith.index_cast %mul3A_369 : i32 to index
        %swap3A_414 = tpu.vector_load %arg6[%swap3A_412, %swap3A_413] {strides = array<i32>} : memref<64x128xi32, #tpu.memory_space<vmem>>, vector<16xi32>,
        tpu.vector_store %arg6[%swap3A_412, %swap3A_413], %add3A_409 {strides = array<i32>} : memref<64x128xi32, #tpu.memory_space<vmem>>, vector<16xi32>,
      }
      %scan3A_150 = arith.constant 64 : i32
      %scan3A_151 = arith.constant 0 : i32
      %scan3A_152 = arith.constant 32 : i32
      %scan3A_153 = arith.addi %scan3A_151, %scan3A_152 : i32
      %scan3A_154 = arith.constant 1 : i32
      scf.for %scan3A_308 = %scan3A_151 to %scan3A_153 step %scan3A_154  : i32 {
        %add3A_309 = arith.constant 32 : i32
        %add3A_310 = arith.addi %add3A_309, %scan3A_308 : i32
        %mul3A_311 = arith.constant 128 : i32
        %mul3A_312 = arith.muli %scan3A_308, %mul3A_311 : i32
        %add3A_313 = arith.constant 4096 : i32
        %add3A_314 = arith.addi %add3A_313, %mul3A_312 : i32
        %dma_start3A_315 = arith.constant 0 : i32
        %dma_start3A_316 = tpu.memref_slice %arg8[%add3A_314, %dma_start3A_315] : memref<8192x8xf32, #tpu.memory_space<vmem>> -> memref<128x8xf32, #tpu.memory_space<vmem>>
        %dma_start3A_317 = arith.constant 0 : i32
        %dma_start3A_318 = tpu.memref_slice %arg6[%add3A_310, %dma_start3A_317] : memref<64x128xi32, #tpu.memory_space<vmem>> -> memref<1x128xi32, #tpu.memory_space<vmem>>
        %dma_start3A_319 = tpu.memref_squeeze %dma_start3A_318 : memref<1x128xi32, #tpu.memory_space<vmem>> -> memref<128xi32, #tpu.memory_space<vmem>>
        %dma_start3A_320 = arith.constant 0 : i32
        %dma_start3A_321 = arith.constant 0 : i32
        %dma_start3A_322 = tpu.memref_slice %arg2[%dma_start3A_320, %dma_start3A_321] : memref<524288x8xf32, #tpu.memory_space<hbm>> -> memref<524288x8xf32, #tpu.memory_space<hbm>>
        tpu.enqueue_indirect_dma source(%dma_start3A_322 : memref<524288x8xf32, #tpu.memory_space<hbm>>) target(%dma_start3A_316 : memref<128x8xf32, #tpu.memory_space<vmem>>) offsets(%dma_start3A_319 : memref<128xi32, #tpu.memory_space<vmem>>) semaphore(%arg11 : memref<!tpu.dma_semaphore, #tpu.memory_space<semaphore_mem>>)
      }
      %scan3A_155 = arith.constant 32 : i32
      %scan3A_156 = arith.constant 0 : i32
      %scan3A_157 = arith.constant 32 : i32
      %scan3A_158 = arith.addi %scan3A_156, %scan3A_157 : i32
      %scan3A_159 = arith.constant 1 : i32
      scf.for %scan3A_308 = %scan3A_156 to %scan3A_158 step %scan3A_159  : i32 {
        %add3A_309 = arith.constant 0 : i32
        %add3A_310 = arith.addi %add3A_309, %scan3A_308 : i32
        %mul3A_311 = arith.constant 128 : i32
        %mul3A_312 = arith.muli %scan3A_308, %mul3A_311 : i32
        %add3A_313 = arith.constant 0 : i32
        %add3A_314 = arith.addi %add3A_313, %mul3A_312 : i32
        %dma_wait3A_315 = arith.constant 0 : i32
        %dma_wait3A_316 = tpu.memref_slice %arg8[%add3A_314, %dma_wait3A_315] : memref<8192x8xf32, #tpu.memory_space<vmem>> -> memref<128x8xf32, #tpu.memory_space<vmem>>
        %dma_wait3A_317 = arith.constant 0 : i32
        %dma_wait3A_318 = tpu.memref_slice %arg6[%add3A_310, %dma_wait3A_317] : memref<64x128xi32, #tpu.memory_space<vmem>> -> memref<1x128xi32, #tpu.memory_space<vmem>>
        %dma_wait3A_319 = tpu.memref_squeeze %dma_wait3A_318 : memref<1x128xi32, #tpu.memory_space<vmem>> -> memref<128xi32, #tpu.memory_space<vmem>>
        %dma_wait3A_320 = arith.constant 0 : i32
        %dma_wait3A_321 = arith.constant 0 : i32
        %dma_wait3A_322 = tpu.memref_slice %arg2[%dma_wait3A_320, %dma_wait3A_321] : memref<524288x8xf32, #tpu.memory_space<hbm>> -> memref<524288x8xf32, #tpu.memory_space<hbm>>
        tpu.wait_indirect_dma semaphore(%arg10 : memref<!tpu.dma_semaphore, #tpu.memory_space<semaphore_mem>>) src(%dma_wait3A_322 : memref<524288x8xf32, #tpu.memory_space<hbm>>) dst(%dma_wait3A_316 : memref<128x8xf32, #tpu.memory_space<vmem>>)
      }
      %scan3A_160 = arith.constant 32 : i32
      %scan3A_161 = arith.constant 0 : i32
      %scan3A_162 = arith.constant 256 : i32
      %scan3A_163 = arith.addi %scan3A_161, %scan3A_162 : i32
      %scan3A_164 = arith.constant 1 : i32
      scf.for %scan3A_308 = %scan3A_161 to %scan3A_163 step %scan3A_164  : i32 {
        %mul3A_309 = arith.constant 4 : i32
        %mul3A_310 = arith.muli %scan3A_308, %mul3A_309 : i32
        %add3A_311 = vector.broadcast %mul3A_310 : i32 to vector<16xi32>
        %add3A_312 = arith.addi %add3A_311, %shift_right_arithmetic3A_4 : vector<16xi32>
        %add3A_313 = arith.constant 0 : i32
        %add3A_314 = vector.broadcast %add3A_313 : i32 to vector<16xi32>
        %add3A_315 = arith.addi %add3A_314, %add3A_312 : vector<16xi32>
        %gather3A = tpu.vector_load_idx %arg7[%add3A_315] : memref<4096xf32, #tpu.memory_space<vmem>>[vector<16xi32>], vector<16xf32>,
        %add3A_316 = arith.constant 1024 : i32
        %add3A_317 = vector.broadcast %add3A_316 : i32 to vector<16xi32>
        %add3A_318 = arith.addi %add3A_317, %add3A_312 : vector<16xi32>
        %gather3A_319 = tpu.vector_load_idx %arg7[%add3A_318] : memref<4096xf32, #tpu.memory_space<vmem>>[vector<16xi32>], vector<16xf32>,
        %sub3A = arith.constant 1.000000e+00 : f32
        %sub3A_320 = vector.broadcast %sub3A : f32 to vector<16xf32>
        %sub3A_321 = arith.subf %sub3A_320, %gather3A : vector<16xf32>
        %sub3A_322 = arith.constant 1.000000e+00 : f32
        %sub3A_323 = vector.broadcast %sub3A_322 : f32 to vector<16xf32>
        %sub3A_324 = arith.subf %sub3A_323, %gather3A_319 : vector<16xf32>
        %add3A_325 = arith.constant 0 : i32
        %add3A_326 = vector.broadcast %add3A_325 : i32 to vector<16xi32>
        %add3A_327 = arith.addi %add3A_326, %add3A_312 : vector<16xi32>
        %gather3A_328 = tpu.vector_load_idx %arg8[%add3A_327, %and3A_6] : memref<8192x8xf32, #tpu.memory_space<vmem>>[vector<16xi32>, vector<16xi32>], vector<16xf32>,
        %add3A_329 = arith.constant 1024 : i32
        %add3A_330 = vector.broadcast %add3A_329 : i32 to vector<16xi32>
        %add3A_331 = arith.addi %add3A_330, %add3A_312 : vector<16xi32>
        %gather3A_332 = tpu.vector_load_idx %arg8[%add3A_331, %and3A_6] : memref<8192x8xf32, #tpu.memory_space<vmem>>[vector<16xi32>, vector<16xi32>], vector<16xf32>,
        %add3A_333 = arith.constant 2048 : i32
        %add3A_334 = vector.broadcast %add3A_333 : i32 to vector<16xi32>
        %add3A_335 = arith.addi %add3A_334, %add3A_312 : vector<16xi32>
        %gather3A_336 = tpu.vector_load_idx %arg8[%add3A_335, %and3A_6] : memref<8192x8xf32, #tpu.memory_space<vmem>>[vector<16xi32>, vector<16xi32>], vector<16xf32>,
        %add3A_337 = arith.constant 3072 : i32
        %add3A_338 = vector.broadcast %add3A_337 : i32 to vector<16xi32>
        %add3A_339 = arith.addi %add3A_338, %add3A_312 : vector<16xi32>
        %gather3A_340 = tpu.vector_load_idx %arg8[%add3A_339, %and3A_6] : memref<8192x8xf32, #tpu.memory_space<vmem>>[vector<16xi32>, vector<16xi32>], vector<16xf32>,
        %mul3A_341 = arith.mulf %sub3A_321, %gather3A_328 : vector<16xf32>
        %mul3A_342 = arith.mulf %gather3A, %gather3A_332 : vector<16xf32>
        %add3A_343 = arith.addf %mul3A_341, %mul3A_342 : vector<16xf32>
        %mul3A_344 = arith.mulf %sub3A_324, %add3A_343 : vector<16xf32>
        %mul3A_345 = arith.mulf %sub3A_321, %gather3A_336 : vector<16xf32>
        %mul3A_346 = arith.mulf %gather3A, %gather3A_340 : vector<16xf32>
        %add3A_347 = arith.addf %mul3A_345, %mul3A_346 : vector<16xf32>
        %mul3A_348 = arith.mulf %gather3A_319, %add3A_347 : vector<16xf32>
        %add3A_349 = arith.addf %mul3A_344, %mul3A_348 : vector<16xf32>
        %shift_right_arithmetic3A_350 = arith.constant 5 : i32
        %shift_right_arithmetic3A_351 = arith.shrsi %scan3A_308, %shift_right_arithmetic3A_350 : i32
        %mul3A_352 = arith.constant 1024 : i32
        %mul3A_353 = arith.muli %shift_right_arithmetic3A_351, %mul3A_352 : i32
        %add3A_354 = arith.constant 8192 : i32
        %add3A_355 = arith.addi %add3A_354, %mul3A_353 : i32
        %and3A_356 = arith.constant 31 : i32
        %and3A_357 = arith.andi %scan3A_308, %and3A_356 : i32
        %mul3A_358 = arith.constant 4 : i32
        %mul3A_359 = arith.muli %and3A_357, %mul3A_358 : i32
        %add3A_360 = arith.addi %add3A_355, %mul3A_359 : i32
        %add3A_361 = vector.broadcast %add3A_360 : i32 to vector<16xi32>
        %add3A_362 = arith.addi %add3A_361, %add3A_10 : vector<16xi32>
        tpu.vector_store_idx %arg9[%add3A_362], %add3A_349 : memref<32768xf32, #tpu.memory_space<vmem>>[vector<16xi32>], vector<16xf32>,
      }
      %scan3A_165 = arith.constant 256 : i32
      %scan3A_166 = arith.constant 0 : i32
      %scan3A_167 = arith.constant 64 : i32
      %scan3A_168 = arith.addi %scan3A_166, %scan3A_167 : i32
      %scan3A_169 = arith.constant 1 : i32
      scf.for %scan3A_308 = %scan3A_166 to %scan3A_168 step %scan3A_169  : i32 {
        %shift_right_arithmetic3A_309 = arith.constant 3 : i32
        %shift_right_arithmetic3A_310 = arith.shrsi %scan3A_308, %shift_right_arithmetic3A_309 : i32
        %mul3A_311 = arith.constant 256 : i32
        %mul3A_312 = arith.muli %shift_right_arithmetic3A_310, %mul3A_311 : i32
        %and3A_313 = arith.constant 7 : i32
        %and3A_314 = arith.andi %scan3A_308, %and3A_313 : i32
        %mul3A_315 = arith.constant 16 : i32
        %mul3A_316 = arith.muli %and3A_314, %mul3A_315 : i32
        %add3A_317 = arith.addi %mul3A_312, %mul3A_316 : i32
        %get3A = arith.index_cast %and3A_76 : i32 to index
        %get3A_318 = arith.index_cast %add3A_317 : i32 to index
        %get3A_319 = tpu.vector_load %arg5[%get3A, %get3A_318] {strides = array<i32>} : memref<2x2048xf32, #tpu.memory_space<vmem>>, vector<16xf32>,
        %add3A_320 = arith.constant 128 : i32
        %add3A_321 = arith.addi %add3A_317, %add3A_320 : i32
        %get3A_322 = arith.index_cast %and3A_76 : i32 to index
        %get3A_323 = arith.index_cast %add3A_321 : i32 to index
        %get3A_324 = tpu.vector_load %arg5[%get3A_322, %get3A_323] {strides = array<i32>} : memref<2x2048xf32, #tpu.memory_space<vmem>>, vector<16xf32>,
        %mul3A_325 = arith.constant 5511.80713 : f32
        %mul3A_326 = vector.broadcast %mul3A_325 : f32 to vector<16xf32>
        %mul3A_327 = arith.mulf %get3A_319, %mul3A_326 : vector<16xf32>
        %add3A_328 = arith.constant 5.000000e-01 : f32
        %add3A_329 = vector.broadcast %add3A_328 : f32 to vector<16xf32>
        %add3A_330 = arith.addf %mul3A_327, %add3A_329 : vector<16xf32>
        %mul3A_331 = arith.constant 5511.80713 : f32
        %mul3A_332 = vector.broadcast %mul3A_331 : f32 to vector<16xf32>
        %mul3A_333 = arith.mulf %get3A_324, %mul3A_332 : vector<16xf32>
        %add3A_334 = arith.constant 5.000000e-01 : f32
        %add3A_335 = vector.broadcast %add3A_334 : f32 to vector<16xf32>
        %add3A_336 = arith.addf %mul3A_333, %add3A_335 : vector<16xf32>
        %convert_element_type3A_337 = arith.fptosi %add3A_330 : vector<16xf32> to vector<16xi32>
        %convert_element_type3A_338 = arith.fptosi %add3A_336 : vector<16xf32> to vector<16xi32>
        %convert_element_type3A_339 = arith.sitofp %convert_element_type3A_337 : vector<16xi32> to vector<16xf32>
        %sub3A = arith.subf %add3A_330, %convert_element_type3A_339 : vector<16xf32>
        %mul3A_340 = arith.constant 16 : i32
        %mul3A_341 = arith.muli %scan3A_308, %mul3A_340 : i32
        %add3A_342 = arith.constant 0 : i32
        %add3A_343 = arith.addi %add3A_342, %mul3A_341 : i32
        %swap3A = arith.index_cast %add3A_343 : i32 to index
        %swap3A_344 = tpu.vector_load %arg7[%swap3A] {strides = array<i32>} : memref<4096xf32, #tpu.memory_space<vmem>>, vector<16xf32>,
        tpu.vector_store %arg7[%swap3A], %sub3A {strides = array<i32>} : memref<4096xf32, #tpu.memory_space<vmem>>, vector<16xf32>,
        %convert_element_type3A_345 = arith.sitofp %convert_element_type3A_338 : vector<16xi32> to vector<16xf32>
        %sub3A_346 = arith.subf %add3A_336, %convert_element_type3A_345 : vector<16xf32>
        %mul3A_347 = arith.constant 16 : i32
        %mul3A_348 = arith.muli %scan3A_308, %mul3A_347 : i32
        %add3A_349 = arith.constant 1024 : i32
        %add3A_350 = arith.addi %add3A_349, %mul3A_348 : i32
        %swap3A_351 = arith.index_cast %add3A_350 : i32 to index
        %swap3A_352 = tpu.vector_load %arg7[%swap3A_351] {strides = array<i32>} : memref<4096xf32, #tpu.memory_space<vmem>>, vector<16xf32>,
        tpu.vector_store %arg7[%swap3A_351], %sub3A_346 {strides = array<i32>} : memref<4096xf32, #tpu.memory_space<vmem>>, vector<16xf32>,
        %mul3A_353 = arith.constant -1640531535 : i32
        %mul3A_354 = vector.broadcast %mul3A_353 : i32 to vector<16xi32>
        %mul3A_355 = arith.muli %convert_element_type3A_338, %mul3A_354 : vector<16xi32>
        %add3A_356 = arith.constant -1640531535 : i32
        %add3A_357 = vector.broadcast %add3A_356 : i32 to vector<16xi32>
        %add3A_358 = arith.addi %mul3A_355, %add3A_357 : vector<16xi32>
        %add3A_359 = arith.constant 1 : i32
        %add3A_360 = vector.broadcast %add3A_359 : i32 to vector<16xi32>
        %add3A_361 = arith.addi %convert_element_type3A_337, %add3A_360 : vector<16xi32>
        %shift_right_arithmetic3A_362 = arith.constant 3 : i32
        %shift_right_arithmetic3A_363 = arith.shrsi %scan3A_308, %shift_right_arithmetic3A_362 : i32
        %add3A_364 = arith.constant 0 : i32
        %add3A_365 = arith.addi %add3A_364, %shift_right_arithmetic3A_363 : i32
        %and3A_366 = arith.constant 7 : i32
        %and3A_367 = arith.andi %scan3A_308, %and3A_366 : i32
        %mul3A_368 = arith.constant 16 : i32
        %mul3A_369 = arith.muli %and3A_367, %mul3A_368 : i32
        %xor3A = arith.xori %convert_element_type3A_337, %mul3A_355 : vector<16xi32>
        %and3A_370 = arith.constant 65535 : i32
        %and3A_371 = vector.broadcast %and3A_370 : i32 to vector<16xi32>
        %and3A_372 = arith.andi %xor3A, %and3A_371 : vector<16xi32>
        %add3A_373 = arith.constant 262144 : i32
        %add3A_374 = vector.broadcast %add3A_373 : i32 to vector<16xi32>
        %add3A_375 = arith.addi %and3A_372, %add3A_374 : vector<16xi32>
        %swap3A_376 = arith.index_cast %add3A_365 : i32 to index
        %swap3A_377 = arith.index_cast %mul3A_369 : i32 to index
        %swap3A_378 = tpu.vector_load %arg6[%swap3A_376, %swap3A_377] {strides = array<i32>} : memref<64x128xi32, #tpu.memory_space<vmem>>, vector<16xi32>,
        tpu.vector_store %arg6[%swap3A_376, %swap3A_377], %add3A_375 {strides = array<i32>} : memref<64x128xi32, #tpu.memory_space<vmem>>, vector<16xi32>,
        %xor3A_379 = arith.xori %add3A_361, %mul3A_355 : vector<16xi32>
        %and3A_380 = arith.constant 65535 : i32
        %and3A_381 = vector.broadcast %and3A_380 : i32 to vector<16xi32>
        %and3A_382 = arith.andi %xor3A_379, %and3A_381 : vector<16xi32>
        %add3A_383 = arith.constant 262144 : i32
        %add3A_384 = vector.broadcast %add3A_383 : i32 to vector<16xi32>
        %add3A_385 = arith.addi %and3A_382, %add3A_384 : vector<16xi32>
        %add3A_386 = arith.constant 8 : i32
        %add3A_387 = arith.addi %add3A_365, %add3A_386 : i32
        %swap3A_388 = arith.index_cast %add3A_387 : i32 to index
        %swap3A_389 = arith.index_cast %mul3A_369 : i32 to index
        %swap3A_390 = tpu.vector_load %arg6[%swap3A_388, %swap3A_389] {strides = array<i32>} : memref<64x128xi32, #tpu.memory_space<vmem>>, vector<16xi32>,
        tpu.vector_store %arg6[%swap3A_388, %swap3A_389], %add3A_385 {strides = array<i32>} : memref<64x128xi32, #tpu.memory_space<vmem>>, vector<16xi32>,
        %xor3A_391 = arith.xori %convert_element_type3A_337, %add3A_358 : vector<16xi32>
        %and3A_392 = arith.constant 65535 : i32
        %and3A_393 = vector.broadcast %and3A_392 : i32 to vector<16xi32>
        %and3A_394 = arith.andi %xor3A_391, %and3A_393 : vector<16xi32>
        %add3A_395 = arith.constant 262144 : i32
        %add3A_396 = vector.broadcast %add3A_395 : i32 to vector<16xi32>
        %add3A_397 = arith.addi %and3A_394, %add3A_396 : vector<16xi32>
        %add3A_398 = arith.constant 16 : i32
        %add3A_399 = arith.addi %add3A_365, %add3A_398 : i32
        %swap3A_400 = arith.index_cast %add3A_399 : i32 to index
        %swap3A_401 = arith.index_cast %mul3A_369 : i32 to index
        %swap3A_402 = tpu.vector_load %arg6[%swap3A_400, %swap3A_401] {strides = array<i32>} : memref<64x128xi32, #tpu.memory_space<vmem>>, vector<16xi32>,
        tpu.vector_store %arg6[%swap3A_400, %swap3A_401], %add3A_397 {strides = array<i32>} : memref<64x128xi32, #tpu.memory_space<vmem>>, vector<16xi32>,
        %xor3A_403 = arith.xori %add3A_361, %add3A_358 : vector<16xi32>
        %and3A_404 = arith.constant 65535 : i32
        %and3A_405 = vector.broadcast %and3A_404 : i32 to vector<16xi32>
        %and3A_406 = arith.andi %xor3A_403, %and3A_405 : vector<16xi32>
        %add3A_407 = arith.constant 262144 : i32
        %add3A_408 = vector.broadcast %add3A_407 : i32 to vector<16xi32>
        %add3A_409 = arith.addi %and3A_406, %add3A_408 : vector<16xi32>
        %add3A_410 = arith.constant 24 : i32
        %add3A_411 = arith.addi %add3A_365, %add3A_410 : i32
        %swap3A_412 = arith.index_cast %add3A_411 : i32 to index
        %swap3A_413 = arith.index_cast %mul3A_369 : i32 to index
        %swap3A_414 = tpu.vector_load %arg6[%swap3A_412, %swap3A_413] {strides = array<i32>} : memref<64x128xi32, #tpu.memory_space<vmem>>, vector<16xi32>,
        tpu.vector_store %arg6[%swap3A_412, %swap3A_413], %add3A_409 {strides = array<i32>} : memref<64x128xi32, #tpu.memory_space<vmem>>, vector<16xi32>,
      }
      %scan3A_170 = arith.constant 64 : i32
      %scan3A_171 = arith.constant 0 : i32
      %scan3A_172 = arith.constant 32 : i32
      %scan3A_173 = arith.addi %scan3A_171, %scan3A_172 : i32
      %scan3A_174 = arith.constant 1 : i32
      scf.for %scan3A_308 = %scan3A_171 to %scan3A_173 step %scan3A_174  : i32 {
        %add3A_309 = arith.constant 0 : i32
        %add3A_310 = arith.addi %add3A_309, %scan3A_308 : i32
        %mul3A_311 = arith.constant 128 : i32
        %mul3A_312 = arith.muli %scan3A_308, %mul3A_311 : i32
        %add3A_313 = arith.constant 0 : i32
        %add3A_314 = arith.addi %add3A_313, %mul3A_312 : i32
        %dma_start3A_315 = arith.constant 0 : i32
        %dma_start3A_316 = tpu.memref_slice %arg8[%add3A_314, %dma_start3A_315] : memref<8192x8xf32, #tpu.memory_space<vmem>> -> memref<128x8xf32, #tpu.memory_space<vmem>>
        %dma_start3A_317 = arith.constant 0 : i32
        %dma_start3A_318 = tpu.memref_slice %arg6[%add3A_310, %dma_start3A_317] : memref<64x128xi32, #tpu.memory_space<vmem>> -> memref<1x128xi32, #tpu.memory_space<vmem>>
        %dma_start3A_319 = tpu.memref_squeeze %dma_start3A_318 : memref<1x128xi32, #tpu.memory_space<vmem>> -> memref<128xi32, #tpu.memory_space<vmem>>
        %dma_start3A_320 = arith.constant 0 : i32
        %dma_start3A_321 = arith.constant 0 : i32
        %dma_start3A_322 = tpu.memref_slice %arg2[%dma_start3A_320, %dma_start3A_321] : memref<524288x8xf32, #tpu.memory_space<hbm>> -> memref<524288x8xf32, #tpu.memory_space<hbm>>
        tpu.enqueue_indirect_dma source(%dma_start3A_322 : memref<524288x8xf32, #tpu.memory_space<hbm>>) target(%dma_start3A_316 : memref<128x8xf32, #tpu.memory_space<vmem>>) offsets(%dma_start3A_319 : memref<128xi32, #tpu.memory_space<vmem>>) semaphore(%arg10 : memref<!tpu.dma_semaphore, #tpu.memory_space<semaphore_mem>>)
      }
      %scan3A_175 = arith.constant 32 : i32
      %scan3A_176 = arith.constant 0 : i32
      %scan3A_177 = arith.constant 32 : i32
      %scan3A_178 = arith.addi %scan3A_176, %scan3A_177 : i32
      %scan3A_179 = arith.constant 1 : i32
      scf.for %scan3A_308 = %scan3A_176 to %scan3A_178 step %scan3A_179  : i32 {
        %add3A_309 = arith.constant 32 : i32
        %add3A_310 = arith.addi %add3A_309, %scan3A_308 : i32
        %mul3A_311 = arith.constant 128 : i32
        %mul3A_312 = arith.muli %scan3A_308, %mul3A_311 : i32
        %add3A_313 = arith.constant 4096 : i32
        %add3A_314 = arith.addi %add3A_313, %mul3A_312 : i32
        %dma_wait3A_315 = arith.constant 0 : i32
        %dma_wait3A_316 = tpu.memref_slice %arg8[%add3A_314, %dma_wait3A_315] : memref<8192x8xf32, #tpu.memory_space<vmem>> -> memref<128x8xf32, #tpu.memory_space<vmem>>
        %dma_wait3A_317 = arith.constant 0 : i32
        %dma_wait3A_318 = tpu.memref_slice %arg6[%add3A_310, %dma_wait3A_317] : memref<64x128xi32, #tpu.memory_space<vmem>> -> memref<1x128xi32, #tpu.memory_space<vmem>>
        %dma_wait3A_319 = tpu.memref_squeeze %dma_wait3A_318 : memref<1x128xi32, #tpu.memory_space<vmem>> -> memref<128xi32, #tpu.memory_space<vmem>>
        %dma_wait3A_320 = arith.constant 0 : i32
        %dma_wait3A_321 = arith.constant 0 : i32
        %dma_wait3A_322 = tpu.memref_slice %arg2[%dma_wait3A_320, %dma_wait3A_321] : memref<524288x8xf32, #tpu.memory_space<hbm>> -> memref<524288x8xf32, #tpu.memory_space<hbm>>
        tpu.wait_indirect_dma semaphore(%arg11 : memref<!tpu.dma_semaphore, #tpu.memory_space<semaphore_mem>>) src(%dma_wait3A_322 : memref<524288x8xf32, #tpu.memory_space<hbm>>) dst(%dma_wait3A_316 : memref<128x8xf32, #tpu.memory_space<vmem>>)
      }
      %scan3A_180 = arith.constant 32 : i32
      %scan3A_181 = arith.constant 0 : i32
      %scan3A_182 = arith.constant 256 : i32
      %scan3A_183 = arith.addi %scan3A_181, %scan3A_182 : i32
      %scan3A_184 = arith.constant 1 : i32
      scf.for %scan3A_308 = %scan3A_181 to %scan3A_183 step %scan3A_184  : i32 {
        %mul3A_309 = arith.constant 4 : i32
        %mul3A_310 = arith.muli %scan3A_308, %mul3A_309 : i32
        %add3A_311 = vector.broadcast %mul3A_310 : i32 to vector<16xi32>
        %add3A_312 = arith.addi %add3A_311, %shift_right_arithmetic3A_4 : vector<16xi32>
        %add3A_313 = arith.constant 2048 : i32
        %add3A_314 = vector.broadcast %add3A_313 : i32 to vector<16xi32>
        %add3A_315 = arith.addi %add3A_314, %add3A_312 : vector<16xi32>
        %gather3A = tpu.vector_load_idx %arg7[%add3A_315] : memref<4096xf32, #tpu.memory_space<vmem>>[vector<16xi32>], vector<16xf32>,
        %add3A_316 = arith.constant 3072 : i32
        %add3A_317 = vector.broadcast %add3A_316 : i32 to vector<16xi32>
        %add3A_318 = arith.addi %add3A_317, %add3A_312 : vector<16xi32>
        %gather3A_319 = tpu.vector_load_idx %arg7[%add3A_318] : memref<4096xf32, #tpu.memory_space<vmem>>[vector<16xi32>], vector<16xf32>,
        %sub3A = arith.constant 1.000000e+00 : f32
        %sub3A_320 = vector.broadcast %sub3A : f32 to vector<16xf32>
        %sub3A_321 = arith.subf %sub3A_320, %gather3A : vector<16xf32>
        %sub3A_322 = arith.constant 1.000000e+00 : f32
        %sub3A_323 = vector.broadcast %sub3A_322 : f32 to vector<16xf32>
        %sub3A_324 = arith.subf %sub3A_323, %gather3A_319 : vector<16xf32>
        %add3A_325 = arith.constant 4096 : i32
        %add3A_326 = vector.broadcast %add3A_325 : i32 to vector<16xi32>
        %add3A_327 = arith.addi %add3A_326, %add3A_312 : vector<16xi32>
        %gather3A_328 = tpu.vector_load_idx %arg8[%add3A_327, %and3A_6] : memref<8192x8xf32, #tpu.memory_space<vmem>>[vector<16xi32>, vector<16xi32>], vector<16xf32>,
        %add3A_329 = arith.constant 5120 : i32
        %add3A_330 = vector.broadcast %add3A_329 : i32 to vector<16xi32>
        %add3A_331 = arith.addi %add3A_330, %add3A_312 : vector<16xi32>
        %gather3A_332 = tpu.vector_load_idx %arg8[%add3A_331, %and3A_6] : memref<8192x8xf32, #tpu.memory_space<vmem>>[vector<16xi32>, vector<16xi32>], vector<16xf32>,
        %add3A_333 = arith.constant 6144 : i32
        %add3A_334 = vector.broadcast %add3A_333 : i32 to vector<16xi32>
        %add3A_335 = arith.addi %add3A_334, %add3A_312 : vector<16xi32>
        %gather3A_336 = tpu.vector_load_idx %arg8[%add3A_335, %and3A_6] : memref<8192x8xf32, #tpu.memory_space<vmem>>[vector<16xi32>, vector<16xi32>], vector<16xf32>,
        %add3A_337 = arith.constant 7168 : i32
        %add3A_338 = vector.broadcast %add3A_337 : i32 to vector<16xi32>
        %add3A_339 = arith.addi %add3A_338, %add3A_312 : vector<16xi32>
        %gather3A_340 = tpu.vector_load_idx %arg8[%add3A_339, %and3A_6] : memref<8192x8xf32, #tpu.memory_space<vmem>>[vector<16xi32>, vector<16xi32>], vector<16xf32>,
        %mul3A_341 = arith.mulf %sub3A_321, %gather3A_328 : vector<16xf32>
        %mul3A_342 = arith.mulf %gather3A, %gather3A_332 : vector<16xf32>
        %add3A_343 = arith.addf %mul3A_341, %mul3A_342 : vector<16xf32>
        %mul3A_344 = arith.mulf %sub3A_324, %add3A_343 : vector<16xf32>
        %mul3A_345 = arith.mulf %sub3A_321, %gather3A_336 : vector<16xf32>
        %mul3A_346 = arith.mulf %gather3A, %gather3A_340 : vector<16xf32>
        %add3A_347 = arith.addf %mul3A_345, %mul3A_346 : vector<16xf32>
        %mul3A_348 = arith.mulf %gather3A_319, %add3A_347 : vector<16xf32>
        %add3A_349 = arith.addf %mul3A_344, %mul3A_348 : vector<16xf32>
        %shift_right_arithmetic3A_350 = arith.constant 5 : i32
        %shift_right_arithmetic3A_351 = arith.shrsi %scan3A_308, %shift_right_arithmetic3A_350 : i32
        %mul3A_352 = arith.constant 1024 : i32
        %mul3A_353 = arith.muli %shift_right_arithmetic3A_351, %mul3A_352 : i32
        %add3A_354 = arith.constant 8704 : i32
        %add3A_355 = arith.addi %add3A_354, %mul3A_353 : i32
        %and3A_356 = arith.constant 31 : i32
        %and3A_357 = arith.andi %scan3A_308, %and3A_356 : i32
        %mul3A_358 = arith.constant 4 : i32
        %mul3A_359 = arith.muli %and3A_357, %mul3A_358 : i32
        %add3A_360 = arith.addi %add3A_355, %mul3A_359 : i32
        %add3A_361 = vector.broadcast %add3A_360 : i32 to vector<16xi32>
        %add3A_362 = arith.addi %add3A_361, %add3A_10 : vector<16xi32>
        tpu.vector_store_idx %arg9[%add3A_362], %add3A_349 : memref<32768xf32, #tpu.memory_space<vmem>>[vector<16xi32>], vector<16xf32>,
      }
      %scan3A_185 = arith.constant 256 : i32
      %scan3A_186 = arith.constant 0 : i32
      %scan3A_187 = arith.constant 64 : i32
      %scan3A_188 = arith.addi %scan3A_186, %scan3A_187 : i32
      %scan3A_189 = arith.constant 1 : i32
      scf.for %scan3A_308 = %scan3A_186 to %scan3A_188 step %scan3A_189  : i32 {
        %shift_right_arithmetic3A_309 = arith.constant 3 : i32
        %shift_right_arithmetic3A_310 = arith.shrsi %scan3A_308, %shift_right_arithmetic3A_309 : i32
        %mul3A_311 = arith.constant 256 : i32
        %mul3A_312 = arith.muli %shift_right_arithmetic3A_310, %mul3A_311 : i32
        %and3A_313 = arith.constant 7 : i32
        %and3A_314 = arith.andi %scan3A_308, %and3A_313 : i32
        %mul3A_315 = arith.constant 16 : i32
        %mul3A_316 = arith.muli %and3A_314, %mul3A_315 : i32
        %add3A_317 = arith.addi %mul3A_312, %mul3A_316 : i32
        %get3A = arith.index_cast %and3A_76 : i32 to index
        %get3A_318 = arith.index_cast %add3A_317 : i32 to index
        %get3A_319 = tpu.vector_load %arg5[%get3A, %get3A_318] {strides = array<i32>} : memref<2x2048xf32, #tpu.memory_space<vmem>>, vector<16xf32>,
        %add3A_320 = arith.constant 128 : i32
        %add3A_321 = arith.addi %add3A_317, %add3A_320 : i32
        %get3A_322 = arith.index_cast %and3A_76 : i32 to index
        %get3A_323 = arith.index_cast %add3A_321 : i32 to index
        %get3A_324 = tpu.vector_load %arg5[%get3A_322, %get3A_323] {strides = array<i32>} : memref<2x2048xf32, #tpu.memory_space<vmem>>, vector<16xf32>,
        %mul3A_325 = arith.constant 9.985160e+03 : f32
        %mul3A_326 = vector.broadcast %mul3A_325 : f32 to vector<16xf32>
        %mul3A_327 = arith.mulf %get3A_319, %mul3A_326 : vector<16xf32>
        %add3A_328 = arith.constant 5.000000e-01 : f32
        %add3A_329 = vector.broadcast %add3A_328 : f32 to vector<16xf32>
        %add3A_330 = arith.addf %mul3A_327, %add3A_329 : vector<16xf32>
        %mul3A_331 = arith.constant 9.985160e+03 : f32
        %mul3A_332 = vector.broadcast %mul3A_331 : f32 to vector<16xf32>
        %mul3A_333 = arith.mulf %get3A_324, %mul3A_332 : vector<16xf32>
        %add3A_334 = arith.constant 5.000000e-01 : f32
        %add3A_335 = vector.broadcast %add3A_334 : f32 to vector<16xf32>
        %add3A_336 = arith.addf %mul3A_333, %add3A_335 : vector<16xf32>
        %convert_element_type3A_337 = arith.fptosi %add3A_330 : vector<16xf32> to vector<16xi32>
        %convert_element_type3A_338 = arith.fptosi %add3A_336 : vector<16xf32> to vector<16xi32>
        %convert_element_type3A_339 = arith.sitofp %convert_element_type3A_337 : vector<16xi32> to vector<16xf32>
        %sub3A = arith.subf %add3A_330, %convert_element_type3A_339 : vector<16xf32>
        %mul3A_340 = arith.constant 16 : i32
        %mul3A_341 = arith.muli %scan3A_308, %mul3A_340 : i32
        %add3A_342 = arith.constant 2048 : i32
        %add3A_343 = arith.addi %add3A_342, %mul3A_341 : i32
        %swap3A = arith.index_cast %add3A_343 : i32 to index
        %swap3A_344 = tpu.vector_load %arg7[%swap3A] {strides = array<i32>} : memref<4096xf32, #tpu.memory_space<vmem>>, vector<16xf32>,
        tpu.vector_store %arg7[%swap3A], %sub3A {strides = array<i32>} : memref<4096xf32, #tpu.memory_space<vmem>>, vector<16xf32>,
        %convert_element_type3A_345 = arith.sitofp %convert_element_type3A_338 : vector<16xi32> to vector<16xf32>
        %sub3A_346 = arith.subf %add3A_336, %convert_element_type3A_345 : vector<16xf32>
        %mul3A_347 = arith.constant 16 : i32
        %mul3A_348 = arith.muli %scan3A_308, %mul3A_347 : i32
        %add3A_349 = arith.constant 3072 : i32
        %add3A_350 = arith.addi %add3A_349, %mul3A_348 : i32
        %swap3A_351 = arith.index_cast %add3A_350 : i32 to index
        %swap3A_352 = tpu.vector_load %arg7[%swap3A_351] {strides = array<i32>} : memref<4096xf32, #tpu.memory_space<vmem>>, vector<16xf32>,
        tpu.vector_store %arg7[%swap3A_351], %sub3A_346 {strides = array<i32>} : memref<4096xf32, #tpu.memory_space<vmem>>, vector<16xf32>,
        %mul3A_353 = arith.constant -1640531535 : i32
        %mul3A_354 = vector.broadcast %mul3A_353 : i32 to vector<16xi32>
        %mul3A_355 = arith.muli %convert_element_type3A_338, %mul3A_354 : vector<16xi32>
        %add3A_356 = arith.constant -1640531535 : i32
        %add3A_357 = vector.broadcast %add3A_356 : i32 to vector<16xi32>
        %add3A_358 = arith.addi %mul3A_355, %add3A_357 : vector<16xi32>
        %add3A_359 = arith.constant 1 : i32
        %add3A_360 = vector.broadcast %add3A_359 : i32 to vector<16xi32>
        %add3A_361 = arith.addi %convert_element_type3A_337, %add3A_360 : vector<16xi32>
        %shift_right_arithmetic3A_362 = arith.constant 3 : i32
        %shift_right_arithmetic3A_363 = arith.shrsi %scan3A_308, %shift_right_arithmetic3A_362 : i32
        %add3A_364 = arith.constant 32 : i32
        %add3A_365 = arith.addi %add3A_364, %shift_right_arithmetic3A_363 : i32
        %and3A_366 = arith.constant 7 : i32
        %and3A_367 = arith.andi %scan3A_308, %and3A_366 : i32
        %mul3A_368 = arith.constant 16 : i32
        %mul3A_369 = arith.muli %and3A_367, %mul3A_368 : i32
        %xor3A = arith.xori %convert_element_type3A_337, %mul3A_355 : vector<16xi32>
        %and3A_370 = arith.constant 65535 : i32
        %and3A_371 = vector.broadcast %and3A_370 : i32 to vector<16xi32>
        %and3A_372 = arith.andi %xor3A, %and3A_371 : vector<16xi32>
        %add3A_373 = arith.constant 327680 : i32
        %add3A_374 = vector.broadcast %add3A_373 : i32 to vector<16xi32>
        %add3A_375 = arith.addi %and3A_372, %add3A_374 : vector<16xi32>
        %swap3A_376 = arith.index_cast %add3A_365 : i32 to index
        %swap3A_377 = arith.index_cast %mul3A_369 : i32 to index
        %swap3A_378 = tpu.vector_load %arg6[%swap3A_376, %swap3A_377] {strides = array<i32>} : memref<64x128xi32, #tpu.memory_space<vmem>>, vector<16xi32>,
        tpu.vector_store %arg6[%swap3A_376, %swap3A_377], %add3A_375 {strides = array<i32>} : memref<64x128xi32, #tpu.memory_space<vmem>>, vector<16xi32>,
        %xor3A_379 = arith.xori %add3A_361, %mul3A_355 : vector<16xi32>
        %and3A_380 = arith.constant 65535 : i32
        %and3A_381 = vector.broadcast %and3A_380 : i32 to vector<16xi32>
        %and3A_382 = arith.andi %xor3A_379, %and3A_381 : vector<16xi32>
        %add3A_383 = arith.constant 327680 : i32
        %add3A_384 = vector.broadcast %add3A_383 : i32 to vector<16xi32>
        %add3A_385 = arith.addi %and3A_382, %add3A_384 : vector<16xi32>
        %add3A_386 = arith.constant 8 : i32
        %add3A_387 = arith.addi %add3A_365, %add3A_386 : i32
        %swap3A_388 = arith.index_cast %add3A_387 : i32 to index
        %swap3A_389 = arith.index_cast %mul3A_369 : i32 to index
        %swap3A_390 = tpu.vector_load %arg6[%swap3A_388, %swap3A_389] {strides = array<i32>} : memref<64x128xi32, #tpu.memory_space<vmem>>, vector<16xi32>,
        tpu.vector_store %arg6[%swap3A_388, %swap3A_389], %add3A_385 {strides = array<i32>} : memref<64x128xi32, #tpu.memory_space<vmem>>, vector<16xi32>,
        %xor3A_391 = arith.xori %convert_element_type3A_337, %add3A_358 : vector<16xi32>
        %and3A_392 = arith.constant 65535 : i32
        %and3A_393 = vector.broadcast %and3A_392 : i32 to vector<16xi32>
        %and3A_394 = arith.andi %xor3A_391, %and3A_393 : vector<16xi32>
        %add3A_395 = arith.constant 327680 : i32
        %add3A_396 = vector.broadcast %add3A_395 : i32 to vector<16xi32>
        %add3A_397 = arith.addi %and3A_394, %add3A_396 : vector<16xi32>
        %add3A_398 = arith.constant 16 : i32
        %add3A_399 = arith.addi %add3A_365, %add3A_398 : i32
        %swap3A_400 = arith.index_cast %add3A_399 : i32 to index
        %swap3A_401 = arith.index_cast %mul3A_369 : i32 to index
        %swap3A_402 = tpu.vector_load %arg6[%swap3A_400, %swap3A_401] {strides = array<i32>} : memref<64x128xi32, #tpu.memory_space<vmem>>, vector<16xi32>,
        tpu.vector_store %arg6[%swap3A_400, %swap3A_401], %add3A_397 {strides = array<i32>} : memref<64x128xi32, #tpu.memory_space<vmem>>, vector<16xi32>,
        %xor3A_403 = arith.xori %add3A_361, %add3A_358 : vector<16xi32>
        %and3A_404 = arith.constant 65535 : i32
        %and3A_405 = vector.broadcast %and3A_404 : i32 to vector<16xi32>
        %and3A_406 = arith.andi %xor3A_403, %and3A_405 : vector<16xi32>
        %add3A_407 = arith.constant 327680 : i32
        %add3A_408 = vector.broadcast %add3A_407 : i32 to vector<16xi32>
        %add3A_409 = arith.addi %and3A_406, %add3A_408 : vector<16xi32>
        %add3A_410 = arith.constant 24 : i32
        %add3A_411 = arith.addi %add3A_365, %add3A_410 : i32
        %swap3A_412 = arith.index_cast %add3A_411 : i32 to index
        %swap3A_413 = arith.index_cast %mul3A_369 : i32 to index
        %swap3A_414 = tpu.vector_load %arg6[%swap3A_412, %swap3A_413] {strides = array<i32>} : memref<64x128xi32, #tpu.memory_space<vmem>>, vector<16xi32>,
        tpu.vector_store %arg6[%swap3A_412, %swap3A_413], %add3A_409 {strides = array<i32>} : memref<64x128xi32, #tpu.memory_space<vmem>>, vector<16xi32>,
      }
      %scan3A_190 = arith.constant 64 : i32
      %scan3A_191 = arith.constant 0 : i32
      %scan3A_192 = arith.constant 32 : i32
      %scan3A_193 = arith.addi %scan3A_191, %scan3A_192 : i32
      %scan3A_194 = arith.constant 1 : i32
      scf.for %scan3A_308 = %scan3A_191 to %scan3A_193 step %scan3A_194  : i32 {
        %add3A_309 = arith.constant 32 : i32
        %add3A_310 = arith.addi %add3A_309, %scan3A_308 : i32
        %mul3A_311 = arith.constant 128 : i32
        %mul3A_312 = arith.muli %scan3A_308, %mul3A_311 : i32
        %add3A_313 = arith.constant 4096 : i32
        %add3A_314 = arith.addi %add3A_313, %mul3A_312 : i32
        %dma_start3A_315 = arith.constant 0 : i32
        %dma_start3A_316 = tpu.memref_slice %arg8[%add3A_314, %dma_start3A_315] : memref<8192x8xf32, #tpu.memory_space<vmem>> -> memref<128x8xf32, #tpu.memory_space<vmem>>
        %dma_start3A_317 = arith.constant 0 : i32
        %dma_start3A_318 = tpu.memref_slice %arg6[%add3A_310, %dma_start3A_317] : memref<64x128xi32, #tpu.memory_space<vmem>> -> memref<1x128xi32, #tpu.memory_space<vmem>>
        %dma_start3A_319 = tpu.memref_squeeze %dma_start3A_318 : memref<1x128xi32, #tpu.memory_space<vmem>> -> memref<128xi32, #tpu.memory_space<vmem>>
        %dma_start3A_320 = arith.constant 0 : i32
        %dma_start3A_321 = arith.constant 0 : i32
        %dma_start3A_322 = tpu.memref_slice %arg2[%dma_start3A_320, %dma_start3A_321] : memref<524288x8xf32, #tpu.memory_space<hbm>> -> memref<524288x8xf32, #tpu.memory_space<hbm>>
        tpu.enqueue_indirect_dma source(%dma_start3A_322 : memref<524288x8xf32, #tpu.memory_space<hbm>>) target(%dma_start3A_316 : memref<128x8xf32, #tpu.memory_space<vmem>>) offsets(%dma_start3A_319 : memref<128xi32, #tpu.memory_space<vmem>>) semaphore(%arg11 : memref<!tpu.dma_semaphore, #tpu.memory_space<semaphore_mem>>)
      }
      %scan3A_195 = arith.constant 32 : i32
      %scan3A_196 = arith.constant 0 : i32
      %scan3A_197 = arith.constant 32 : i32
      %scan3A_198 = arith.addi %scan3A_196, %scan3A_197 : i32
      %scan3A_199 = arith.constant 1 : i32
      scf.for %scan3A_308 = %scan3A_196 to %scan3A_198 step %scan3A_199  : i32 {
        %add3A_309 = arith.constant 0 : i32
        %add3A_310 = arith.addi %add3A_309, %scan3A_308 : i32
        %mul3A_311 = arith.constant 128 : i32
        %mul3A_312 = arith.muli %scan3A_308, %mul3A_311 : i32
        %add3A_313 = arith.constant 0 : i32
        %add3A_314 = arith.addi %add3A_313, %mul3A_312 : i32
        %dma_wait3A_315 = arith.constant 0 : i32
        %dma_wait3A_316 = tpu.memref_slice %arg8[%add3A_314, %dma_wait3A_315] : memref<8192x8xf32, #tpu.memory_space<vmem>> -> memref<128x8xf32, #tpu.memory_space<vmem>>
        %dma_wait3A_317 = arith.constant 0 : i32
        %dma_wait3A_318 = tpu.memref_slice %arg6[%add3A_310, %dma_wait3A_317] : memref<64x128xi32, #tpu.memory_space<vmem>> -> memref<1x128xi32, #tpu.memory_space<vmem>>
        %dma_wait3A_319 = tpu.memref_squeeze %dma_wait3A_318 : memref<1x128xi32, #tpu.memory_space<vmem>> -> memref<128xi32, #tpu.memory_space<vmem>>
        %dma_wait3A_320 = arith.constant 0 : i32
        %dma_wait3A_321 = arith.constant 0 : i32
        %dma_wait3A_322 = tpu.memref_slice %arg2[%dma_wait3A_320, %dma_wait3A_321] : memref<524288x8xf32, #tpu.memory_space<hbm>> -> memref<524288x8xf32, #tpu.memory_space<hbm>>
        tpu.wait_indirect_dma semaphore(%arg10 : memref<!tpu.dma_semaphore, #tpu.memory_space<semaphore_mem>>) src(%dma_wait3A_322 : memref<524288x8xf32, #tpu.memory_space<hbm>>) dst(%dma_wait3A_316 : memref<128x8xf32, #tpu.memory_space<vmem>>)
      }
      %scan3A_200 = arith.constant 32 : i32
      %scan3A_201 = arith.constant 0 : i32
      %scan3A_202 = arith.constant 256 : i32
      %scan3A_203 = arith.addi %scan3A_201, %scan3A_202 : i32
      %scan3A_204 = arith.constant 1 : i32
      scf.for %scan3A_308 = %scan3A_201 to %scan3A_203 step %scan3A_204  : i32 {
        %mul3A_309 = arith.constant 4 : i32
        %mul3A_310 = arith.muli %scan3A_308, %mul3A_309 : i32
        %add3A_311 = vector.broadcast %mul3A_310 : i32 to vector<16xi32>
        %add3A_312 = arith.addi %add3A_311, %shift_right_arithmetic3A_4 : vector<16xi32>
        %add3A_313 = arith.constant 0 : i32
        %add3A_314 = vector.broadcast %add3A_313 : i32 to vector<16xi32>
        %add3A_315 = arith.addi %add3A_314, %add3A_312 : vector<16xi32>
        %gather3A = tpu.vector_load_idx %arg7[%add3A_315] : memref<4096xf32, #tpu.memory_space<vmem>>[vector<16xi32>], vector<16xf32>,
        %add3A_316 = arith.constant 1024 : i32
        %add3A_317 = vector.broadcast %add3A_316 : i32 to vector<16xi32>
        %add3A_318 = arith.addi %add3A_317, %add3A_312 : vector<16xi32>
        %gather3A_319 = tpu.vector_load_idx %arg7[%add3A_318] : memref<4096xf32, #tpu.memory_space<vmem>>[vector<16xi32>], vector<16xf32>,
        %sub3A = arith.constant 1.000000e+00 : f32
        %sub3A_320 = vector.broadcast %sub3A : f32 to vector<16xf32>
        %sub3A_321 = arith.subf %sub3A_320, %gather3A : vector<16xf32>
        %sub3A_322 = arith.constant 1.000000e+00 : f32
        %sub3A_323 = vector.broadcast %sub3A_322 : f32 to vector<16xf32>
        %sub3A_324 = arith.subf %sub3A_323, %gather3A_319 : vector<16xf32>
        %add3A_325 = arith.constant 0 : i32
        %add3A_326 = vector.broadcast %add3A_325 : i32 to vector<16xi32>
        %add3A_327 = arith.addi %add3A_326, %add3A_312 : vector<16xi32>
        %gather3A_328 = tpu.vector_load_idx %arg8[%add3A_327, %and3A_6] : memref<8192x8xf32, #tpu.memory_space<vmem>>[vector<16xi32>, vector<16xi32>], vector<16xf32>,
        %add3A_329 = arith.constant 1024 : i32
        %add3A_330 = vector.broadcast %add3A_329 : i32 to vector<16xi32>
        %add3A_331 = arith.addi %add3A_330, %add3A_312 : vector<16xi32>
        %gather3A_332 = tpu.vector_load_idx %arg8[%add3A_331, %and3A_6] : memref<8192x8xf32, #tpu.memory_space<vmem>>[vector<16xi32>, vector<16xi32>], vector<16xf32>,
        %add3A_333 = arith.constant 2048 : i32
        %add3A_334 = vector.broadcast %add3A_333 : i32 to vector<16xi32>
        %add3A_335 = arith.addi %add3A_334, %add3A_312 : vector<16xi32>
        %gather3A_336 = tpu.vector_load_idx %arg8[%add3A_335, %and3A_6] : memref<8192x8xf32, #tpu.memory_space<vmem>>[vector<16xi32>, vector<16xi32>], vector<16xf32>,
        %add3A_337 = arith.constant 3072 : i32
        %add3A_338 = vector.broadcast %add3A_337 : i32 to vector<16xi32>
        %add3A_339 = arith.addi %add3A_338, %add3A_312 : vector<16xi32>
        %gather3A_340 = tpu.vector_load_idx %arg8[%add3A_339, %and3A_6] : memref<8192x8xf32, #tpu.memory_space<vmem>>[vector<16xi32>, vector<16xi32>], vector<16xf32>,
        %mul3A_341 = arith.mulf %sub3A_321, %gather3A_328 : vector<16xf32>
        %mul3A_342 = arith.mulf %gather3A, %gather3A_332 : vector<16xf32>
        %add3A_343 = arith.addf %mul3A_341, %mul3A_342 : vector<16xf32>
        %mul3A_344 = arith.mulf %sub3A_324, %add3A_343 : vector<16xf32>
        %mul3A_345 = arith.mulf %sub3A_321, %gather3A_336 : vector<16xf32>
        %mul3A_346 = arith.mulf %gather3A, %gather3A_340 : vector<16xf32>
        %add3A_347 = arith.addf %mul3A_345, %mul3A_346 : vector<16xf32>
        %mul3A_348 = arith.mulf %gather3A_319, %add3A_347 : vector<16xf32>
        %add3A_349 = arith.addf %mul3A_344, %mul3A_348 : vector<16xf32>
        %shift_right_arithmetic3A_350 = arith.constant 5 : i32
        %shift_right_arithmetic3A_351 = arith.shrsi %scan3A_308, %shift_right_arithmetic3A_350 : i32
        %mul3A_352 = arith.constant 1024 : i32
        %mul3A_353 = arith.muli %shift_right_arithmetic3A_351, %mul3A_352 : i32
        %add3A_354 = arith.constant 16384 : i32
        %add3A_355 = arith.addi %add3A_354, %mul3A_353 : i32
        %and3A_356 = arith.constant 31 : i32
        %and3A_357 = arith.andi %scan3A_308, %and3A_356 : i32
        %mul3A_358 = arith.constant 4 : i32
        %mul3A_359 = arith.muli %and3A_357, %mul3A_358 : i32
        %add3A_360 = arith.addi %add3A_355, %mul3A_359 : i32
        %add3A_361 = vector.broadcast %add3A_360 : i32 to vector<16xi32>
        %add3A_362 = arith.addi %add3A_361, %add3A_10 : vector<16xi32>
        tpu.vector_store_idx %arg9[%add3A_362], %add3A_349 : memref<32768xf32, #tpu.memory_space<vmem>>[vector<16xi32>], vector<16xf32>,
      }
      %scan3A_205 = arith.constant 256 : i32
      %scan3A_206 = arith.constant 0 : i32
      %scan3A_207 = arith.constant 64 : i32
      %scan3A_208 = arith.addi %scan3A_206, %scan3A_207 : i32
      %scan3A_209 = arith.constant 1 : i32
      scf.for %scan3A_308 = %scan3A_206 to %scan3A_208 step %scan3A_209  : i32 {
        %shift_right_arithmetic3A_309 = arith.constant 3 : i32
        %shift_right_arithmetic3A_310 = arith.shrsi %scan3A_308, %shift_right_arithmetic3A_309 : i32
        %mul3A_311 = arith.constant 256 : i32
        %mul3A_312 = arith.muli %shift_right_arithmetic3A_310, %mul3A_311 : i32
        %and3A_313 = arith.constant 7 : i32
        %and3A_314 = arith.andi %scan3A_308, %and3A_313 : i32
        %mul3A_315 = arith.constant 16 : i32
        %mul3A_316 = arith.muli %and3A_314, %mul3A_315 : i32
        %add3A_317 = arith.addi %mul3A_312, %mul3A_316 : i32
        %get3A = arith.index_cast %and3A_76 : i32 to index
        %get3A_318 = arith.index_cast %add3A_317 : i32 to index
        %get3A_319 = tpu.vector_load %arg5[%get3A, %get3A_318] {strides = array<i32>} : memref<2x2048xf32, #tpu.memory_space<vmem>>, vector<16xf32>,
        %add3A_320 = arith.constant 128 : i32
        %add3A_321 = arith.addi %add3A_317, %add3A_320 : i32
        %get3A_322 = arith.index_cast %and3A_76 : i32 to index
        %get3A_323 = arith.index_cast %add3A_321 : i32 to index
        %get3A_324 = tpu.vector_load %arg5[%get3A_322, %get3A_323] {strides = array<i32>} : memref<2x2048xf32, #tpu.memory_space<vmem>>, vector<16xf32>,
        %mul3A_325 = arith.constant 18088.4023 : f32
        %mul3A_326 = vector.broadcast %mul3A_325 : f32 to vector<16xf32>
        %mul3A_327 = arith.mulf %get3A_319, %mul3A_326 : vector<16xf32>
        %add3A_328 = arith.constant 5.000000e-01 : f32
        %add3A_329 = vector.broadcast %add3A_328 : f32 to vector<16xf32>
        %add3A_330 = arith.addf %mul3A_327, %add3A_329 : vector<16xf32>
        %mul3A_331 = arith.constant 18088.4023 : f32
        %mul3A_332 = vector.broadcast %mul3A_331 : f32 to vector<16xf32>
        %mul3A_333 = arith.mulf %get3A_324, %mul3A_332 : vector<16xf32>
        %add3A_334 = arith.constant 5.000000e-01 : f32
        %add3A_335 = vector.broadcast %add3A_334 : f32 to vector<16xf32>
        %add3A_336 = arith.addf %mul3A_333, %add3A_335 : vector<16xf32>
        %convert_element_type3A_337 = arith.fptosi %add3A_330 : vector<16xf32> to vector<16xi32>
        %convert_element_type3A_338 = arith.fptosi %add3A_336 : vector<16xf32> to vector<16xi32>
        %convert_element_type3A_339 = arith.sitofp %convert_element_type3A_337 : vector<16xi32> to vector<16xf32>
        %sub3A = arith.subf %add3A_330, %convert_element_type3A_339 : vector<16xf32>
        %mul3A_340 = arith.constant 16 : i32
        %mul3A_341 = arith.muli %scan3A_308, %mul3A_340 : i32
        %add3A_342 = arith.constant 0 : i32
        %add3A_343 = arith.addi %add3A_342, %mul3A_341 : i32
        %swap3A = arith.index_cast %add3A_343 : i32 to index
        %swap3A_344 = tpu.vector_load %arg7[%swap3A] {strides = array<i32>} : memref<4096xf32, #tpu.memory_space<vmem>>, vector<16xf32>,
        tpu.vector_store %arg7[%swap3A], %sub3A {strides = array<i32>} : memref<4096xf32, #tpu.memory_space<vmem>>, vector<16xf32>,
        %convert_element_type3A_345 = arith.sitofp %convert_element_type3A_338 : vector<16xi32> to vector<16xf32>
        %sub3A_346 = arith.subf %add3A_336, %convert_element_type3A_345 : vector<16xf32>
        %mul3A_347 = arith.constant 16 : i32
        %mul3A_348 = arith.muli %scan3A_308, %mul3A_347 : i32
        %add3A_349 = arith.constant 1024 : i32
        %add3A_350 = arith.addi %add3A_349, %mul3A_348 : i32
        %swap3A_351 = arith.index_cast %add3A_350 : i32 to index
        %swap3A_352 = tpu.vector_load %arg7[%swap3A_351] {strides = array<i32>} : memref<4096xf32, #tpu.memory_space<vmem>>, vector<16xf32>,
        tpu.vector_store %arg7[%swap3A_351], %sub3A_346 {strides = array<i32>} : memref<4096xf32, #tpu.memory_space<vmem>>, vector<16xf32>,
        %mul3A_353 = arith.constant -1640531535 : i32
        %mul3A_354 = vector.broadcast %mul3A_353 : i32 to vector<16xi32>
        %mul3A_355 = arith.muli %convert_element_type3A_338, %mul3A_354 : vector<16xi32>
        %add3A_356 = arith.constant -1640531535 : i32
        %add3A_357 = vector.broadcast %add3A_356 : i32 to vector<16xi32>
        %add3A_358 = arith.addi %mul3A_355, %add3A_357 : vector<16xi32>
        %add3A_359 = arith.constant 1 : i32
        %add3A_360 = vector.broadcast %add3A_359 : i32 to vector<16xi32>
        %add3A_361 = arith.addi %convert_element_type3A_337, %add3A_360 : vector<16xi32>
        %shift_right_arithmetic3A_362 = arith.constant 3 : i32
        %shift_right_arithmetic3A_363 = arith.shrsi %scan3A_308, %shift_right_arithmetic3A_362 : i32
        %add3A_364 = arith.constant 0 : i32
        %add3A_365 = arith.addi %add3A_364, %shift_right_arithmetic3A_363 : i32
        %and3A_366 = arith.constant 7 : i32
        %and3A_367 = arith.andi %scan3A_308, %and3A_366 : i32
        %mul3A_368 = arith.constant 16 : i32
        %mul3A_369 = arith.muli %and3A_367, %mul3A_368 : i32
        %xor3A = arith.xori %convert_element_type3A_337, %mul3A_355 : vector<16xi32>
        %and3A_370 = arith.constant 65535 : i32
        %and3A_371 = vector.broadcast %and3A_370 : i32 to vector<16xi32>
        %and3A_372 = arith.andi %xor3A, %and3A_371 : vector<16xi32>
        %add3A_373 = arith.constant 393216 : i32
        %add3A_374 = vector.broadcast %add3A_373 : i32 to vector<16xi32>
        %add3A_375 = arith.addi %and3A_372, %add3A_374 : vector<16xi32>
        %swap3A_376 = arith.index_cast %add3A_365 : i32 to index
        %swap3A_377 = arith.index_cast %mul3A_369 : i32 to index
        %swap3A_378 = tpu.vector_load %arg6[%swap3A_376, %swap3A_377] {strides = array<i32>} : memref<64x128xi32, #tpu.memory_space<vmem>>, vector<16xi32>,
        tpu.vector_store %arg6[%swap3A_376, %swap3A_377], %add3A_375 {strides = array<i32>} : memref<64x128xi32, #tpu.memory_space<vmem>>, vector<16xi32>,
        %xor3A_379 = arith.xori %add3A_361, %mul3A_355 : vector<16xi32>
        %and3A_380 = arith.constant 65535 : i32
        %and3A_381 = vector.broadcast %and3A_380 : i32 to vector<16xi32>
        %and3A_382 = arith.andi %xor3A_379, %and3A_381 : vector<16xi32>
        %add3A_383 = arith.constant 393216 : i32
        %add3A_384 = vector.broadcast %add3A_383 : i32 to vector<16xi32>
        %add3A_385 = arith.addi %and3A_382, %add3A_384 : vector<16xi32>
        %add3A_386 = arith.constant 8 : i32
        %add3A_387 = arith.addi %add3A_365, %add3A_386 : i32
        %swap3A_388 = arith.index_cast %add3A_387 : i32 to index
        %swap3A_389 = arith.index_cast %mul3A_369 : i32 to index
        %swap3A_390 = tpu.vector_load %arg6[%swap3A_388, %swap3A_389] {strides = array<i32>} : memref<64x128xi32, #tpu.memory_space<vmem>>, vector<16xi32>,
        tpu.vector_store %arg6[%swap3A_388, %swap3A_389], %add3A_385 {strides = array<i32>} : memref<64x128xi32, #tpu.memory_space<vmem>>, vector<16xi32>,
        %xor3A_391 = arith.xori %convert_element_type3A_337, %add3A_358 : vector<16xi32>
        %and3A_392 = arith.constant 65535 : i32
        %and3A_393 = vector.broadcast %and3A_392 : i32 to vector<16xi32>
        %and3A_394 = arith.andi %xor3A_391, %and3A_393 : vector<16xi32>
        %add3A_395 = arith.constant 393216 : i32
        %add3A_396 = vector.broadcast %add3A_395 : i32 to vector<16xi32>
        %add3A_397 = arith.addi %and3A_394, %add3A_396 : vector<16xi32>
        %add3A_398 = arith.constant 16 : i32
        %add3A_399 = arith.addi %add3A_365, %add3A_398 : i32
        %swap3A_400 = arith.index_cast %add3A_399 : i32 to index
        %swap3A_401 = arith.index_cast %mul3A_369 : i32 to index
        %swap3A_402 = tpu.vector_load %arg6[%swap3A_400, %swap3A_401] {strides = array<i32>} : memref<64x128xi32, #tpu.memory_space<vmem>>, vector<16xi32>,
        tpu.vector_store %arg6[%swap3A_400, %swap3A_401], %add3A_397 {strides = array<i32>} : memref<64x128xi32, #tpu.memory_space<vmem>>, vector<16xi32>,
        %xor3A_403 = arith.xori %add3A_361, %add3A_358 : vector<16xi32>
        %and3A_404 = arith.constant 65535 : i32
        %and3A_405 = vector.broadcast %and3A_404 : i32 to vector<16xi32>
        %and3A_406 = arith.andi %xor3A_403, %and3A_405 : vector<16xi32>
        %add3A_407 = arith.constant 393216 : i32
        %add3A_408 = vector.broadcast %add3A_407 : i32 to vector<16xi32>
        %add3A_409 = arith.addi %and3A_406, %add3A_408 : vector<16xi32>
        %add3A_410 = arith.constant 24 : i32
        %add3A_411 = arith.addi %add3A_365, %add3A_410 : i32
        %swap3A_412 = arith.index_cast %add3A_411 : i32 to index
        %swap3A_413 = arith.index_cast %mul3A_369 : i32 to index
        %swap3A_414 = tpu.vector_load %arg6[%swap3A_412, %swap3A_413] {strides = array<i32>} : memref<64x128xi32, #tpu.memory_space<vmem>>, vector<16xi32>,
        tpu.vector_store %arg6[%swap3A_412, %swap3A_413], %add3A_409 {strides = array<i32>} : memref<64x128xi32, #tpu.memory_space<vmem>>, vector<16xi32>,
      }
      %scan3A_210 = arith.constant 64 : i32
      %scan3A_211 = arith.constant 0 : i32
      %scan3A_212 = arith.constant 32 : i32
      %scan3A_213 = arith.addi %scan3A_211, %scan3A_212 : i32
      %scan3A_214 = arith.constant 1 : i32
      scf.for %scan3A_308 = %scan3A_211 to %scan3A_213 step %scan3A_214  : i32 {
        %add3A_309 = arith.constant 0 : i32
        %add3A_310 = arith.addi %add3A_309, %scan3A_308 : i32
        %mul3A_311 = arith.constant 128 : i32
        %mul3A_312 = arith.muli %scan3A_308, %mul3A_311 : i32
        %add3A_313 = arith.constant 0 : i32
        %add3A_314 = arith.addi %add3A_313, %mul3A_312 : i32
        %dma_start3A_315 = arith.constant 0 : i32
        %dma_start3A_316 = tpu.memref_slice %arg8[%add3A_314, %dma_start3A_315] : memref<8192x8xf32, #tpu.memory_space<vmem>> -> memref<128x8xf32, #tpu.memory_space<vmem>>
        %dma_start3A_317 = arith.constant 0 : i32
        %dma_start3A_318 = tpu.memref_slice %arg6[%add3A_310, %dma_start3A_317] : memref<64x128xi32, #tpu.memory_space<vmem>> -> memref<1x128xi32, #tpu.memory_space<vmem>>
        %dma_start3A_319 = tpu.memref_squeeze %dma_start3A_318 : memref<1x128xi32, #tpu.memory_space<vmem>> -> memref<128xi32, #tpu.memory_space<vmem>>
        %dma_start3A_320 = arith.constant 0 : i32
        %dma_start3A_321 = arith.constant 0 : i32
        %dma_start3A_322 = tpu.memref_slice %arg2[%dma_start3A_320, %dma_start3A_321] : memref<524288x8xf32, #tpu.memory_space<hbm>> -> memref<524288x8xf32, #tpu.memory_space<hbm>>
        tpu.enqueue_indirect_dma source(%dma_start3A_322 : memref<524288x8xf32, #tpu.memory_space<hbm>>) target(%dma_start3A_316 : memref<128x8xf32, #tpu.memory_space<vmem>>) offsets(%dma_start3A_319 : memref<128xi32, #tpu.memory_space<vmem>>) semaphore(%arg10 : memref<!tpu.dma_semaphore, #tpu.memory_space<semaphore_mem>>)
      }
      %scan3A_215 = arith.constant 32 : i32
      %scan3A_216 = arith.constant 0 : i32
      %scan3A_217 = arith.constant 32 : i32
      %scan3A_218 = arith.addi %scan3A_216, %scan3A_217 : i32
      %scan3A_219 = arith.constant 1 : i32
      scf.for %scan3A_308 = %scan3A_216 to %scan3A_218 step %scan3A_219  : i32 {
        %add3A_309 = arith.constant 32 : i32
        %add3A_310 = arith.addi %add3A_309, %scan3A_308 : i32
        %mul3A_311 = arith.constant 128 : i32
        %mul3A_312 = arith.muli %scan3A_308, %mul3A_311 : i32
        %add3A_313 = arith.constant 4096 : i32
        %add3A_314 = arith.addi %add3A_313, %mul3A_312 : i32
        %dma_wait3A_315 = arith.constant 0 : i32
        %dma_wait3A_316 = tpu.memref_slice %arg8[%add3A_314, %dma_wait3A_315] : memref<8192x8xf32, #tpu.memory_space<vmem>> -> memref<128x8xf32, #tpu.memory_space<vmem>>
        %dma_wait3A_317 = arith.constant 0 : i32
        %dma_wait3A_318 = tpu.memref_slice %arg6[%add3A_310, %dma_wait3A_317] : memref<64x128xi32, #tpu.memory_space<vmem>> -> memref<1x128xi32, #tpu.memory_space<vmem>>
        %dma_wait3A_319 = tpu.memref_squeeze %dma_wait3A_318 : memref<1x128xi32, #tpu.memory_space<vmem>> -> memref<128xi32, #tpu.memory_space<vmem>>
        %dma_wait3A_320 = arith.constant 0 : i32
        %dma_wait3A_321 = arith.constant 0 : i32
        %dma_wait3A_322 = tpu.memref_slice %arg2[%dma_wait3A_320, %dma_wait3A_321] : memref<524288x8xf32, #tpu.memory_space<hbm>> -> memref<524288x8xf32, #tpu.memory_space<hbm>>
        tpu.wait_indirect_dma semaphore(%arg11 : memref<!tpu.dma_semaphore, #tpu.memory_space<semaphore_mem>>) src(%dma_wait3A_322 : memref<524288x8xf32, #tpu.memory_space<hbm>>) dst(%dma_wait3A_316 : memref<128x8xf32, #tpu.memory_space<vmem>>)
      }
      %scan3A_220 = arith.constant 32 : i32
      %scan3A_221 = arith.constant 0 : i32
      %scan3A_222 = arith.constant 256 : i32
      %scan3A_223 = arith.addi %scan3A_221, %scan3A_222 : i32
      %scan3A_224 = arith.constant 1 : i32
      scf.for %scan3A_308 = %scan3A_221 to %scan3A_223 step %scan3A_224  : i32 {
        %mul3A_309 = arith.constant 4 : i32
        %mul3A_310 = arith.muli %scan3A_308, %mul3A_309 : i32
        %add3A_311 = vector.broadcast %mul3A_310 : i32 to vector<16xi32>
        %add3A_312 = arith.addi %add3A_311, %shift_right_arithmetic3A_4 : vector<16xi32>
        %add3A_313 = arith.constant 2048 : i32
        %add3A_314 = vector.broadcast %add3A_313 : i32 to vector<16xi32>
        %add3A_315 = arith.addi %add3A_314, %add3A_312 : vector<16xi32>
        %gather3A = tpu.vector_load_idx %arg7[%add3A_315] : memref<4096xf32, #tpu.memory_space<vmem>>[vector<16xi32>], vector<16xf32>,
        %add3A_316 = arith.constant 3072 : i32
        %add3A_317 = vector.broadcast %add3A_316 : i32 to vector<16xi32>
        %add3A_318 = arith.addi %add3A_317, %add3A_312 : vector<16xi32>
        %gather3A_319 = tpu.vector_load_idx %arg7[%add3A_318] : memref<4096xf32, #tpu.memory_space<vmem>>[vector<16xi32>], vector<16xf32>,
        %sub3A = arith.constant 1.000000e+00 : f32
        %sub3A_320 = vector.broadcast %sub3A : f32 to vector<16xf32>
        %sub3A_321 = arith.subf %sub3A_320, %gather3A : vector<16xf32>
        %sub3A_322 = arith.constant 1.000000e+00 : f32
        %sub3A_323 = vector.broadcast %sub3A_322 : f32 to vector<16xf32>
        %sub3A_324 = arith.subf %sub3A_323, %gather3A_319 : vector<16xf32>
        %add3A_325 = arith.constant 4096 : i32
        %add3A_326 = vector.broadcast %add3A_325 : i32 to vector<16xi32>
        %add3A_327 = arith.addi %add3A_326, %add3A_312 : vector<16xi32>
        %gather3A_328 = tpu.vector_load_idx %arg8[%add3A_327, %and3A_6] : memref<8192x8xf32, #tpu.memory_space<vmem>>[vector<16xi32>, vector<16xi32>], vector<16xf32>,
        %add3A_329 = arith.constant 5120 : i32
        %add3A_330 = vector.broadcast %add3A_329 : i32 to vector<16xi32>
        %add3A_331 = arith.addi %add3A_330, %add3A_312 : vector<16xi32>
        %gather3A_332 = tpu.vector_load_idx %arg8[%add3A_331, %and3A_6] : memref<8192x8xf32, #tpu.memory_space<vmem>>[vector<16xi32>, vector<16xi32>], vector<16xf32>,
        %add3A_333 = arith.constant 6144 : i32
        %add3A_334 = vector.broadcast %add3A_333 : i32 to vector<16xi32>
        %add3A_335 = arith.addi %add3A_334, %add3A_312 : vector<16xi32>
        %gather3A_336 = tpu.vector_load_idx %arg8[%add3A_335, %and3A_6] : memref<8192x8xf32, #tpu.memory_space<vmem>>[vector<16xi32>, vector<16xi32>], vector<16xf32>,
        %add3A_337 = arith.constant 7168 : i32
        %add3A_338 = vector.broadcast %add3A_337 : i32 to vector<16xi32>
        %add3A_339 = arith.addi %add3A_338, %add3A_312 : vector<16xi32>
        %gather3A_340 = tpu.vector_load_idx %arg8[%add3A_339, %and3A_6] : memref<8192x8xf32, #tpu.memory_space<vmem>>[vector<16xi32>, vector<16xi32>], vector<16xf32>,
        %mul3A_341 = arith.mulf %sub3A_321, %gather3A_328 : vector<16xf32>
        %mul3A_342 = arith.mulf %gather3A, %gather3A_332 : vector<16xf32>
        %add3A_343 = arith.addf %mul3A_341, %mul3A_342 : vector<16xf32>
        %mul3A_344 = arith.mulf %sub3A_324, %add3A_343 : vector<16xf32>
        %mul3A_345 = arith.mulf %sub3A_321, %gather3A_336 : vector<16xf32>
        %mul3A_346 = arith.mulf %gather3A, %gather3A_340 : vector<16xf32>
        %add3A_347 = arith.addf %mul3A_345, %mul3A_346 : vector<16xf32>
        %mul3A_348 = arith.mulf %gather3A_319, %add3A_347 : vector<16xf32>
        %add3A_349 = arith.addf %mul3A_344, %mul3A_348 : vector<16xf32>
        %shift_right_arithmetic3A_350 = arith.constant 5 : i32
        %shift_right_arithmetic3A_351 = arith.shrsi %scan3A_308, %shift_right_arithmetic3A_350 : i32
        %mul3A_352 = arith.constant 1024 : i32
        %mul3A_353 = arith.muli %shift_right_arithmetic3A_351, %mul3A_352 : i32
        %add3A_354 = arith.constant 16896 : i32
        %add3A_355 = arith.addi %add3A_354, %mul3A_353 : i32
        %and3A_356 = arith.constant 31 : i32
        %and3A_357 = arith.andi %scan3A_308, %and3A_356 : i32
        %mul3A_358 = arith.constant 4 : i32
        %mul3A_359 = arith.muli %and3A_357, %mul3A_358 : i32
        %add3A_360 = arith.addi %add3A_355, %mul3A_359 : i32
        %add3A_361 = vector.broadcast %add3A_360 : i32 to vector<16xi32>
        %add3A_362 = arith.addi %add3A_361, %add3A_10 : vector<16xi32>
        tpu.vector_store_idx %arg9[%add3A_362], %add3A_349 : memref<32768xf32, #tpu.memory_space<vmem>>[vector<16xi32>], vector<16xf32>,
      }
      %scan3A_225 = arith.constant 256 : i32
      %scan3A_226 = arith.constant 0 : i32
      %scan3A_227 = arith.constant 64 : i32
      %scan3A_228 = arith.addi %scan3A_226, %scan3A_227 : i32
      %scan3A_229 = arith.constant 1 : i32
      scf.for %scan3A_308 = %scan3A_226 to %scan3A_228 step %scan3A_229  : i32 {
        %shift_right_arithmetic3A_309 = arith.constant 3 : i32
        %shift_right_arithmetic3A_310 = arith.shrsi %scan3A_308, %shift_right_arithmetic3A_309 : i32
        %mul3A_311 = arith.constant 256 : i32
        %mul3A_312 = arith.muli %shift_right_arithmetic3A_310, %mul3A_311 : i32
        %and3A_313 = arith.constant 7 : i32
        %and3A_314 = arith.andi %scan3A_308, %and3A_313 : i32
        %mul3A_315 = arith.constant 16 : i32
        %mul3A_316 = arith.muli %and3A_314, %mul3A_315 : i32
        %add3A_317 = arith.addi %mul3A_312, %mul3A_316 : i32
        %get3A = arith.index_cast %and3A_76 : i32 to index
        %get3A_318 = arith.index_cast %add3A_317 : i32 to index
        %get3A_319 = tpu.vector_load %arg5[%get3A, %get3A_318] {strides = array<i32>} : memref<2x2048xf32, #tpu.memory_space<vmem>>, vector<16xf32>,
        %add3A_320 = arith.constant 128 : i32
        %add3A_321 = arith.addi %add3A_317, %add3A_320 : i32
        %get3A_322 = arith.index_cast %and3A_76 : i32 to index
        %get3A_323 = arith.index_cast %add3A_321 : i32 to index
        %get3A_324 = tpu.vector_load %arg5[%get3A_322, %get3A_323] {strides = array<i32>} : memref<2x2048xf32, #tpu.memory_space<vmem>>, vector<16xf32>,
        %mul3A_325 = arith.constant 3.276700e+04 : f32
        %mul3A_326 = vector.broadcast %mul3A_325 : f32 to vector<16xf32>
        %mul3A_327 = arith.mulf %get3A_319, %mul3A_326 : vector<16xf32>
        %add3A_328 = arith.constant 5.000000e-01 : f32
        %add3A_329 = vector.broadcast %add3A_328 : f32 to vector<16xf32>
        %add3A_330 = arith.addf %mul3A_327, %add3A_329 : vector<16xf32>
        %mul3A_331 = arith.constant 3.276700e+04 : f32
        %mul3A_332 = vector.broadcast %mul3A_331 : f32 to vector<16xf32>
        %mul3A_333 = arith.mulf %get3A_324, %mul3A_332 : vector<16xf32>
        %add3A_334 = arith.constant 5.000000e-01 : f32
        %add3A_335 = vector.broadcast %add3A_334 : f32 to vector<16xf32>
        %add3A_336 = arith.addf %mul3A_333, %add3A_335 : vector<16xf32>
        %convert_element_type3A_337 = arith.fptosi %add3A_330 : vector<16xf32> to vector<16xi32>
        %convert_element_type3A_338 = arith.fptosi %add3A_336 : vector<16xf32> to vector<16xi32>
        %convert_element_type3A_339 = arith.sitofp %convert_element_type3A_337 : vector<16xi32> to vector<16xf32>
        %sub3A = arith.subf %add3A_330, %convert_element_type3A_339 : vector<16xf32>
        %mul3A_340 = arith.constant 16 : i32
        %mul3A_341 = arith.muli %scan3A_308, %mul3A_340 : i32
        %add3A_342 = arith.constant 2048 : i32
        %add3A_343 = arith.addi %add3A_342, %mul3A_341 : i32
        %swap3A = arith.index_cast %add3A_343 : i32 to index
        %swap3A_344 = tpu.vector_load %arg7[%swap3A] {strides = array<i32>} : memref<4096xf32, #tpu.memory_space<vmem>>, vector<16xf32>,
        tpu.vector_store %arg7[%swap3A], %sub3A {strides = array<i32>} : memref<4096xf32, #tpu.memory_space<vmem>>, vector<16xf32>,
        %convert_element_type3A_345 = arith.sitofp %convert_element_type3A_338 : vector<16xi32> to vector<16xf32>
        %sub3A_346 = arith.subf %add3A_336, %convert_element_type3A_345 : vector<16xf32>
        %mul3A_347 = arith.constant 16 : i32
        %mul3A_348 = arith.muli %scan3A_308, %mul3A_347 : i32
        %add3A_349 = arith.constant 3072 : i32
        %add3A_350 = arith.addi %add3A_349, %mul3A_348 : i32
        %swap3A_351 = arith.index_cast %add3A_350 : i32 to index
        %swap3A_352 = tpu.vector_load %arg7[%swap3A_351] {strides = array<i32>} : memref<4096xf32, #tpu.memory_space<vmem>>, vector<16xf32>,
        tpu.vector_store %arg7[%swap3A_351], %sub3A_346 {strides = array<i32>} : memref<4096xf32, #tpu.memory_space<vmem>>, vector<16xf32>,
        %mul3A_353 = arith.constant -1640531535 : i32
        %mul3A_354 = vector.broadcast %mul3A_353 : i32 to vector<16xi32>
        %mul3A_355 = arith.muli %convert_element_type3A_338, %mul3A_354 : vector<16xi32>
        %add3A_356 = arith.constant -1640531535 : i32
        %add3A_357 = vector.broadcast %add3A_356 : i32 to vector<16xi32>
        %add3A_358 = arith.addi %mul3A_355, %add3A_357 : vector<16xi32>
        %add3A_359 = arith.constant 1 : i32
        %add3A_360 = vector.broadcast %add3A_359 : i32 to vector<16xi32>
        %add3A_361 = arith.addi %convert_element_type3A_337, %add3A_360 : vector<16xi32>
        %shift_right_arithmetic3A_362 = arith.constant 3 : i32
        %shift_right_arithmetic3A_363 = arith.shrsi %scan3A_308, %shift_right_arithmetic3A_362 : i32
        %add3A_364 = arith.constant 32 : i32
        %add3A_365 = arith.addi %add3A_364, %shift_right_arithmetic3A_363 : i32
        %and3A_366 = arith.constant 7 : i32
        %and3A_367 = arith.andi %scan3A_308, %and3A_366 : i32
        %mul3A_368 = arith.constant 16 : i32
        %mul3A_369 = arith.muli %and3A_367, %mul3A_368 : i32
        %xor3A = arith.xori %convert_element_type3A_337, %mul3A_355 : vector<16xi32>
        %and3A_370 = arith.constant 65535 : i32
        %and3A_371 = vector.broadcast %and3A_370 : i32 to vector<16xi32>
        %and3A_372 = arith.andi %xor3A, %and3A_371 : vector<16xi32>
        %add3A_373 = arith.constant 458752 : i32
        %add3A_374 = vector.broadcast %add3A_373 : i32 to vector<16xi32>
        %add3A_375 = arith.addi %and3A_372, %add3A_374 : vector<16xi32>
        %swap3A_376 = arith.index_cast %add3A_365 : i32 to index
        %swap3A_377 = arith.index_cast %mul3A_369 : i32 to index
        %swap3A_378 = tpu.vector_load %arg6[%swap3A_376, %swap3A_377] {strides = array<i32>} : memref<64x128xi32, #tpu.memory_space<vmem>>, vector<16xi32>,
        tpu.vector_store %arg6[%swap3A_376, %swap3A_377], %add3A_375 {strides = array<i32>} : memref<64x128xi32, #tpu.memory_space<vmem>>, vector<16xi32>,
        %xor3A_379 = arith.xori %add3A_361, %mul3A_355 : vector<16xi32>
        %and3A_380 = arith.constant 65535 : i32
        %and3A_381 = vector.broadcast %and3A_380 : i32 to vector<16xi32>
        %and3A_382 = arith.andi %xor3A_379, %and3A_381 : vector<16xi32>
        %add3A_383 = arith.constant 458752 : i32
        %add3A_384 = vector.broadcast %add3A_383 : i32 to vector<16xi32>
        %add3A_385 = arith.addi %and3A_382, %add3A_384 : vector<16xi32>
        %add3A_386 = arith.constant 8 : i32
        %add3A_387 = arith.addi %add3A_365, %add3A_386 : i32
        %swap3A_388 = arith.index_cast %add3A_387 : i32 to index
        %swap3A_389 = arith.index_cast %mul3A_369 : i32 to index
        %swap3A_390 = tpu.vector_load %arg6[%swap3A_388, %swap3A_389] {strides = array<i32>} : memref<64x128xi32, #tpu.memory_space<vmem>>, vector<16xi32>,
        tpu.vector_store %arg6[%swap3A_388, %swap3A_389], %add3A_385 {strides = array<i32>} : memref<64x128xi32, #tpu.memory_space<vmem>>, vector<16xi32>,
        %xor3A_391 = arith.xori %convert_element_type3A_337, %add3A_358 : vector<16xi32>
        %and3A_392 = arith.constant 65535 : i32
        %and3A_393 = vector.broadcast %and3A_392 : i32 to vector<16xi32>
        %and3A_394 = arith.andi %xor3A_391, %and3A_393 : vector<16xi32>
        %add3A_395 = arith.constant 458752 : i32
        %add3A_396 = vector.broadcast %add3A_395 : i32 to vector<16xi32>
        %add3A_397 = arith.addi %and3A_394, %add3A_396 : vector<16xi32>
        %add3A_398 = arith.constant 16 : i32
        %add3A_399 = arith.addi %add3A_365, %add3A_398 : i32
        %swap3A_400 = arith.index_cast %add3A_399 : i32 to index
        %swap3A_401 = arith.index_cast %mul3A_369 : i32 to index
        %swap3A_402 = tpu.vector_load %arg6[%swap3A_400, %swap3A_401] {strides = array<i32>} : memref<64x128xi32, #tpu.memory_space<vmem>>, vector<16xi32>,
        tpu.vector_store %arg6[%swap3A_400, %swap3A_401], %add3A_397 {strides = array<i32>} : memref<64x128xi32, #tpu.memory_space<vmem>>, vector<16xi32>,
        %xor3A_403 = arith.xori %add3A_361, %add3A_358 : vector<16xi32>
        %and3A_404 = arith.constant 65535 : i32
        %and3A_405 = vector.broadcast %and3A_404 : i32 to vector<16xi32>
        %and3A_406 = arith.andi %xor3A_403, %and3A_405 : vector<16xi32>
        %add3A_407 = arith.constant 458752 : i32
        %add3A_408 = vector.broadcast %add3A_407 : i32 to vector<16xi32>
        %add3A_409 = arith.addi %and3A_406, %add3A_408 : vector<16xi32>
        %add3A_410 = arith.constant 24 : i32
        %add3A_411 = arith.addi %add3A_365, %add3A_410 : i32
        %swap3A_412 = arith.index_cast %add3A_411 : i32 to index
        %swap3A_413 = arith.index_cast %mul3A_369 : i32 to index
        %swap3A_414 = tpu.vector_load %arg6[%swap3A_412, %swap3A_413] {strides = array<i32>} : memref<64x128xi32, #tpu.memory_space<vmem>>, vector<16xi32>,
        tpu.vector_store %arg6[%swap3A_412, %swap3A_413], %add3A_409 {strides = array<i32>} : memref<64x128xi32, #tpu.memory_space<vmem>>, vector<16xi32>,
      }
      %scan3A_230 = arith.constant 64 : i32
      %scan3A_231 = arith.constant 0 : i32
      %scan3A_232 = arith.constant 32 : i32
      %scan3A_233 = arith.addi %scan3A_231, %scan3A_232 : i32
      %scan3A_234 = arith.constant 1 : i32
      scf.for %scan3A_308 = %scan3A_231 to %scan3A_233 step %scan3A_234  : i32 {
        %add3A_309 = arith.constant 32 : i32
        %add3A_310 = arith.addi %add3A_309, %scan3A_308 : i32
        %mul3A_311 = arith.constant 128 : i32
        %mul3A_312 = arith.muli %scan3A_308, %mul3A_311 : i32
        %add3A_313 = arith.constant 4096 : i32
        %add3A_314 = arith.addi %add3A_313, %mul3A_312 : i32
        %dma_start3A_315 = arith.constant 0 : i32
        %dma_start3A_316 = tpu.memref_slice %arg8[%add3A_314, %dma_start3A_315] : memref<8192x8xf32, #tpu.memory_space<vmem>> -> memref<128x8xf32, #tpu.memory_space<vmem>>
        %dma_start3A_317 = arith.constant 0 : i32
        %dma_start3A_318 = tpu.memref_slice %arg6[%add3A_310, %dma_start3A_317] : memref<64x128xi32, #tpu.memory_space<vmem>> -> memref<1x128xi32, #tpu.memory_space<vmem>>
        %dma_start3A_319 = tpu.memref_squeeze %dma_start3A_318 : memref<1x128xi32, #tpu.memory_space<vmem>> -> memref<128xi32, #tpu.memory_space<vmem>>
        %dma_start3A_320 = arith.constant 0 : i32
        %dma_start3A_321 = arith.constant 0 : i32
        %dma_start3A_322 = tpu.memref_slice %arg2[%dma_start3A_320, %dma_start3A_321] : memref<524288x8xf32, #tpu.memory_space<hbm>> -> memref<524288x8xf32, #tpu.memory_space<hbm>>
        tpu.enqueue_indirect_dma source(%dma_start3A_322 : memref<524288x8xf32, #tpu.memory_space<hbm>>) target(%dma_start3A_316 : memref<128x8xf32, #tpu.memory_space<vmem>>) offsets(%dma_start3A_319 : memref<128xi32, #tpu.memory_space<vmem>>) semaphore(%arg11 : memref<!tpu.dma_semaphore, #tpu.memory_space<semaphore_mem>>)
      }
      %scan3A_235 = arith.constant 32 : i32
      %scan3A_236 = arith.constant 0 : i32
      %scan3A_237 = arith.constant 32 : i32
      %scan3A_238 = arith.addi %scan3A_236, %scan3A_237 : i32
      %scan3A_239 = arith.constant 1 : i32
      scf.for %scan3A_308 = %scan3A_236 to %scan3A_238 step %scan3A_239  : i32 {
        %add3A_309 = arith.constant 0 : i32
        %add3A_310 = arith.addi %add3A_309, %scan3A_308 : i32
        %mul3A_311 = arith.constant 128 : i32
        %mul3A_312 = arith.muli %scan3A_308, %mul3A_311 : i32
        %add3A_313 = arith.constant 0 : i32
        %add3A_314 = arith.addi %add3A_313, %mul3A_312 : i32
        %dma_wait3A_315 = arith.constant 0 : i32
        %dma_wait3A_316 = tpu.memref_slice %arg8[%add3A_314, %dma_wait3A_315] : memref<8192x8xf32, #tpu.memory_space<vmem>> -> memref<128x8xf32, #tpu.memory_space<vmem>>
        %dma_wait3A_317 = arith.constant 0 : i32
        %dma_wait3A_318 = tpu.memref_slice %arg6[%add3A_310, %dma_wait3A_317] : memref<64x128xi32, #tpu.memory_space<vmem>> -> memref<1x128xi32, #tpu.memory_space<vmem>>
        %dma_wait3A_319 = tpu.memref_squeeze %dma_wait3A_318 : memref<1x128xi32, #tpu.memory_space<vmem>> -> memref<128xi32, #tpu.memory_space<vmem>>
        %dma_wait3A_320 = arith.constant 0 : i32
        %dma_wait3A_321 = arith.constant 0 : i32
        %dma_wait3A_322 = tpu.memref_slice %arg2[%dma_wait3A_320, %dma_wait3A_321] : memref<524288x8xf32, #tpu.memory_space<hbm>> -> memref<524288x8xf32, #tpu.memory_space<hbm>>
        tpu.wait_indirect_dma semaphore(%arg10 : memref<!tpu.dma_semaphore, #tpu.memory_space<semaphore_mem>>) src(%dma_wait3A_322 : memref<524288x8xf32, #tpu.memory_space<hbm>>) dst(%dma_wait3A_316 : memref<128x8xf32, #tpu.memory_space<vmem>>)
      }
      %scan3A_240 = arith.constant 32 : i32
      %scan3A_241 = arith.constant 0 : i32
      %scan3A_242 = arith.constant 256 : i32
      %scan3A_243 = arith.addi %scan3A_241, %scan3A_242 : i32
      %scan3A_244 = arith.constant 1 : i32
      scf.for %scan3A_308 = %scan3A_241 to %scan3A_243 step %scan3A_244  : i32 {
        %mul3A_309 = arith.constant 4 : i32
        %mul3A_310 = arith.muli %scan3A_308, %mul3A_309 : i32
        %add3A_311 = vector.broadcast %mul3A_310 : i32 to vector<16xi32>
        %add3A_312 = arith.addi %add3A_311, %shift_right_arithmetic3A_4 : vector<16xi32>
        %add3A_313 = arith.constant 0 : i32
        %add3A_314 = vector.broadcast %add3A_313 : i32 to vector<16xi32>
        %add3A_315 = arith.addi %add3A_314, %add3A_312 : vector<16xi32>
        %gather3A = tpu.vector_load_idx %arg7[%add3A_315] : memref<4096xf32, #tpu.memory_space<vmem>>[vector<16xi32>], vector<16xf32>,
        %add3A_316 = arith.constant 1024 : i32
        %add3A_317 = vector.broadcast %add3A_316 : i32 to vector<16xi32>
        %add3A_318 = arith.addi %add3A_317, %add3A_312 : vector<16xi32>
        %gather3A_319 = tpu.vector_load_idx %arg7[%add3A_318] : memref<4096xf32, #tpu.memory_space<vmem>>[vector<16xi32>], vector<16xf32>,
        %sub3A = arith.constant 1.000000e+00 : f32
        %sub3A_320 = vector.broadcast %sub3A : f32 to vector<16xf32>
        %sub3A_321 = arith.subf %sub3A_320, %gather3A : vector<16xf32>
        %sub3A_322 = arith.constant 1.000000e+00 : f32
        %sub3A_323 = vector.broadcast %sub3A_322 : f32 to vector<16xf32>
        %sub3A_324 = arith.subf %sub3A_323, %gather3A_319 : vector<16xf32>
        %add3A_325 = arith.constant 0 : i32
        %add3A_326 = vector.broadcast %add3A_325 : i32 to vector<16xi32>
        %add3A_327 = arith.addi %add3A_326, %add3A_312 : vector<16xi32>
        %gather3A_328 = tpu.vector_load_idx %arg8[%add3A_327, %and3A_6] : memref<8192x8xf32, #tpu.memory_space<vmem>>[vector<16xi32>, vector<16xi32>], vector<16xf32>,
        %add3A_329 = arith.constant 1024 : i32
        %add3A_330 = vector.broadcast %add3A_329 : i32 to vector<16xi32>
        %add3A_331 = arith.addi %add3A_330, %add3A_312 : vector<16xi32>
        %gather3A_332 = tpu.vector_load_idx %arg8[%add3A_331, %and3A_6] : memref<8192x8xf32, #tpu.memory_space<vmem>>[vector<16xi32>, vector<16xi32>], vector<16xf32>,
        %add3A_333 = arith.constant 2048 : i32
        %add3A_334 = vector.broadcast %add3A_333 : i32 to vector<16xi32>
        %add3A_335 = arith.addi %add3A_334, %add3A_312 : vector<16xi32>
        %gather3A_336 = tpu.vector_load_idx %arg8[%add3A_335, %and3A_6] : memref<8192x8xf32, #tpu.memory_space<vmem>>[vector<16xi32>, vector<16xi32>], vector<16xf32>,
        %add3A_337 = arith.constant 3072 : i32
        %add3A_338 = vector.broadcast %add3A_337 : i32 to vector<16xi32>
        %add3A_339 = arith.addi %add3A_338, %add3A_312 : vector<16xi32>
        %gather3A_340 = tpu.vector_load_idx %arg8[%add3A_339, %and3A_6] : memref<8192x8xf32, #tpu.memory_space<vmem>>[vector<16xi32>, vector<16xi32>], vector<16xf32>,
        %mul3A_341 = arith.mulf %sub3A_321, %gather3A_328 : vector<16xf32>
        %mul3A_342 = arith.mulf %gather3A, %gather3A_332 : vector<16xf32>
        %add3A_343 = arith.addf %mul3A_341, %mul3A_342 : vector<16xf32>
        %mul3A_344 = arith.mulf %sub3A_324, %add3A_343 : vector<16xf32>
        %mul3A_345 = arith.mulf %sub3A_321, %gather3A_336 : vector<16xf32>
        %mul3A_346 = arith.mulf %gather3A, %gather3A_340 : vector<16xf32>
        %add3A_347 = arith.addf %mul3A_345, %mul3A_346 : vector<16xf32>
        %mul3A_348 = arith.mulf %gather3A_319, %add3A_347 : vector<16xf32>
        %add3A_349 = arith.addf %mul3A_344, %mul3A_348 : vector<16xf32>
        %shift_right_arithmetic3A_350 = arith.constant 5 : i32
        %shift_right_arithmetic3A_351 = arith.shrsi %scan3A_308, %shift_right_arithmetic3A_350 : i32
        %mul3A_352 = arith.constant 1024 : i32
        %mul3A_353 = arith.muli %shift_right_arithmetic3A_351, %mul3A_352 : i32
        %add3A_354 = arith.constant 24576 : i32
        %add3A_355 = arith.addi %add3A_354, %mul3A_353 : i32
        %and3A_356 = arith.constant 31 : i32
        %and3A_357 = arith.andi %scan3A_308, %and3A_356 : i32
        %mul3A_358 = arith.constant 4 : i32
        %mul3A_359 = arith.muli %and3A_357, %mul3A_358 : i32
        %add3A_360 = arith.addi %add3A_355, %mul3A_359 : i32
        %add3A_361 = vector.broadcast %add3A_360 : i32 to vector<16xi32>
        %add3A_362 = arith.addi %add3A_361, %add3A_10 : vector<16xi32>
        tpu.vector_store_idx %arg9[%add3A_362], %add3A_349 : memref<32768xf32, #tpu.memory_space<vmem>>[vector<16xi32>], vector<16xf32>,
      }
      %scan3A_245 = arith.constant 256 : i32
      %scan3A_246 = arith.constant 0 : i32
      %scan3A_247 = arith.constant 32 : i32
      %scan3A_248 = arith.addi %scan3A_246, %scan3A_247 : i32
      %scan3A_249 = arith.constant 1 : i32
      scf.for %scan3A_308 = %scan3A_246 to %scan3A_248 step %scan3A_249  : i32 {
        %add3A_309 = arith.constant 32 : i32
        %add3A_310 = arith.addi %add3A_309, %scan3A_308 : i32
        %mul3A_311 = arith.constant 128 : i32
        %mul3A_312 = arith.muli %scan3A_308, %mul3A_311 : i32
        %add3A_313 = arith.constant 4096 : i32
        %add3A_314 = arith.addi %add3A_313, %mul3A_312 : i32
        %dma_wait3A_315 = arith.constant 0 : i32
        %dma_wait3A_316 = tpu.memref_slice %arg8[%add3A_314, %dma_wait3A_315] : memref<8192x8xf32, #tpu.memory_space<vmem>> -> memref<128x8xf32, #tpu.memory_space<vmem>>
        %dma_wait3A_317 = arith.constant 0 : i32
        %dma_wait3A_318 = tpu.memref_slice %arg6[%add3A_310, %dma_wait3A_317] : memref<64x128xi32, #tpu.memory_space<vmem>> -> memref<1x128xi32, #tpu.memory_space<vmem>>
        %dma_wait3A_319 = tpu.memref_squeeze %dma_wait3A_318 : memref<1x128xi32, #tpu.memory_space<vmem>> -> memref<128xi32, #tpu.memory_space<vmem>>
        %dma_wait3A_320 = arith.constant 0 : i32
        %dma_wait3A_321 = arith.constant 0 : i32
        %dma_wait3A_322 = tpu.memref_slice %arg2[%dma_wait3A_320, %dma_wait3A_321] : memref<524288x8xf32, #tpu.memory_space<hbm>> -> memref<524288x8xf32, #tpu.memory_space<hbm>>
        tpu.wait_indirect_dma semaphore(%arg11 : memref<!tpu.dma_semaphore, #tpu.memory_space<semaphore_mem>>) src(%dma_wait3A_322 : memref<524288x8xf32, #tpu.memory_space<hbm>>) dst(%dma_wait3A_316 : memref<128x8xf32, #tpu.memory_space<vmem>>)
      }
      %scan3A_250 = arith.constant 32 : i32
      %scan3A_251 = arith.constant 0 : i32
      %scan3A_252 = arith.constant 256 : i32
      %scan3A_253 = arith.addi %scan3A_251, %scan3A_252 : i32
      %scan3A_254 = arith.constant 1 : i32
      scf.for %scan3A_308 = %scan3A_251 to %scan3A_253 step %scan3A_254  : i32 {
        %mul3A_309 = arith.constant 4 : i32
        %mul3A_310 = arith.muli %scan3A_308, %mul3A_309 : i32
        %add3A_311 = vector.broadcast %mul3A_310 : i32 to vector<16xi32>
        %add3A_312 = arith.addi %add3A_311, %shift_right_arithmetic3A_4 : vector<16xi32>
        %add3A_313 = arith.constant 2048 : i32
        %add3A_314 = vector.broadcast %add3A_313 : i32 to vector<16xi32>
        %add3A_315 = arith.addi %add3A_314, %add3A_312 : vector<16xi32>
        %gather3A = tpu.vector_load_idx %arg7[%add3A_315] : memref<4096xf32, #tpu.memory_space<vmem>>[vector<16xi32>], vector<16xf32>,
        %add3A_316 = arith.constant 3072 : i32
        %add3A_317 = vector.broadcast %add3A_316 : i32 to vector<16xi32>
        %add3A_318 = arith.addi %add3A_317, %add3A_312 : vector<16xi32>
        %gather3A_319 = tpu.vector_load_idx %arg7[%add3A_318] : memref<4096xf32, #tpu.memory_space<vmem>>[vector<16xi32>], vector<16xf32>,
        %sub3A = arith.constant 1.000000e+00 : f32
        %sub3A_320 = vector.broadcast %sub3A : f32 to vector<16xf32>
        %sub3A_321 = arith.subf %sub3A_320, %gather3A : vector<16xf32>
        %sub3A_322 = arith.constant 1.000000e+00 : f32
        %sub3A_323 = vector.broadcast %sub3A_322 : f32 to vector<16xf32>
        %sub3A_324 = arith.subf %sub3A_323, %gather3A_319 : vector<16xf32>
        %add3A_325 = arith.constant 4096 : i32
        %add3A_326 = vector.broadcast %add3A_325 : i32 to vector<16xi32>
        %add3A_327 = arith.addi %add3A_326, %add3A_312 : vector<16xi32>
        %gather3A_328 = tpu.vector_load_idx %arg8[%add3A_327, %and3A_6] : memref<8192x8xf32, #tpu.memory_space<vmem>>[vector<16xi32>, vector<16xi32>], vector<16xf32>,
        %add3A_329 = arith.constant 5120 : i32
        %add3A_330 = vector.broadcast %add3A_329 : i32 to vector<16xi32>
        %add3A_331 = arith.addi %add3A_330, %add3A_312 : vector<16xi32>
        %gather3A_332 = tpu.vector_load_idx %arg8[%add3A_331, %and3A_6] : memref<8192x8xf32, #tpu.memory_space<vmem>>[vector<16xi32>, vector<16xi32>], vector<16xf32>,
        %add3A_333 = arith.constant 6144 : i32
        %add3A_334 = vector.broadcast %add3A_333 : i32 to vector<16xi32>
        %add3A_335 = arith.addi %add3A_334, %add3A_312 : vector<16xi32>
        %gather3A_336 = tpu.vector_load_idx %arg8[%add3A_335, %and3A_6] : memref<8192x8xf32, #tpu.memory_space<vmem>>[vector<16xi32>, vector<16xi32>], vector<16xf32>,
        %add3A_337 = arith.constant 7168 : i32
        %add3A_338 = vector.broadcast %add3A_337 : i32 to vector<16xi32>
        %add3A_339 = arith.addi %add3A_338, %add3A_312 : vector<16xi32>
        %gather3A_340 = tpu.vector_load_idx %arg8[%add3A_339, %and3A_6] : memref<8192x8xf32, #tpu.memory_space<vmem>>[vector<16xi32>, vector<16xi32>], vector<16xf32>,
        %mul3A_341 = arith.mulf %sub3A_321, %gather3A_328 : vector<16xf32>
        %mul3A_342 = arith.mulf %gather3A, %gather3A_332 : vector<16xf32>
        %add3A_343 = arith.addf %mul3A_341, %mul3A_342 : vector<16xf32>
        %mul3A_344 = arith.mulf %sub3A_324, %add3A_343 : vector<16xf32>
        %mul3A_345 = arith.mulf %sub3A_321, %gather3A_336 : vector<16xf32>
        %mul3A_346 = arith.mulf %gather3A, %gather3A_340 : vector<16xf32>
        %add3A_347 = arith.addf %mul3A_345, %mul3A_346 : vector<16xf32>
        %mul3A_348 = arith.mulf %gather3A_319, %add3A_347 : vector<16xf32>
        %add3A_349 = arith.addf %mul3A_344, %mul3A_348 : vector<16xf32>
        %shift_right_arithmetic3A_350 = arith.constant 5 : i32
        %shift_right_arithmetic3A_351 = arith.shrsi %scan3A_308, %shift_right_arithmetic3A_350 : i32
        %mul3A_352 = arith.constant 1024 : i32
        %mul3A_353 = arith.muli %shift_right_arithmetic3A_351, %mul3A_352 : i32
        %add3A_354 = arith.constant 25088 : i32
        %add3A_355 = arith.addi %add3A_354, %mul3A_353 : i32
        %and3A_356 = arith.constant 31 : i32
        %and3A_357 = arith.andi %scan3A_308, %and3A_356 : i32
        %mul3A_358 = arith.constant 4 : i32
        %mul3A_359 = arith.muli %and3A_357, %mul3A_358 : i32
        %add3A_360 = arith.addi %add3A_355, %mul3A_359 : i32
        %add3A_361 = vector.broadcast %add3A_360 : i32 to vector<16xi32>
        %add3A_362 = arith.addi %add3A_361, %add3A_10 : vector<16xi32>
        tpu.vector_store_idx %arg9[%add3A_362], %add3A_349 : memref<32768xf32, #tpu.memory_space<vmem>>[vector<16xi32>], vector<16xf32>,
      }
      %scan3A_255 = arith.constant 256 : i32
      %mul3A_256 = arith.constant 1024 : i32
      %mul3A_257 = arith.muli %scan3A_74, %mul3A_256 : i32
      %add3A_258 = arith.addi %mul3A_2, %mul3A_257 : i32
      %mul3A_259 = arith.constant 8 : i32
      %mul3A_260 = arith.muli %add3A_258, %mul3A_259 : i32
      %add3A_261 = arith.constant 0 : i32
      %add3A_262 = arith.addi %add3A_261, %mul3A_260 : i32
      %dma_start3A_263 = arith.constant 0 : i32
      %dma_start3A_264 = tpu.memref_slice %arg9[%dma_start3A_263] : memref<32768xf32, #tpu.memory_space<vmem>> -> memref<8192xf32, #tpu.memory_space<vmem>>
      %dma_start3A_265 = tpu.memref_slice %arg4[%add3A_262] : memref<33554432xf32, #tpu.memory_space<hbm>> -> memref<8192xf32, #tpu.memory_space<hbm>>
      %dma_start3A_266 = tpu.memref_slice %arg4[%add3A_262] : memref<33554432xf32, #tpu.memory_space<hbm>> -> memref<8192xf32, #tpu.memory_space<hbm>>
      %dma_start3A_267 = arith.constant 0 : i32
      %dma_start3A_268 = tpu.memref_slice %arg9[%dma_start3A_267] : memref<32768xf32, #tpu.memory_space<vmem>> -> memref<8192xf32, #tpu.memory_space<vmem>>
      tpu.enqueue_dma source(%dma_start3A_268 : memref<8192xf32, #tpu.memory_space<vmem>>) target(%dma_start3A_266 : memref<8192xf32, #tpu.memory_space<hbm>>) target_semaphore(%arg13 : memref<!tpu.dma_semaphore, #tpu.memory_space<semaphore_mem>>)
      %mul3A_269 = arith.constant 1024 : i32
      %mul3A_270 = arith.muli %scan3A_74, %mul3A_269 : i32
      %add3A_271 = arith.addi %mul3A_2, %mul3A_270 : i32
      %mul3A_272 = arith.constant 8 : i32
      %mul3A_273 = arith.muli %add3A_271, %mul3A_272 : i32
      %add3A_274 = arith.constant 8388608 : i32
      %add3A_275 = arith.addi %add3A_274, %mul3A_273 : i32
      %dma_start3A_276 = arith.constant 8192 : i32
      %dma_start3A_277 = tpu.memref_slice %arg9[%dma_start3A_276] : memref<32768xf32, #tpu.memory_space<vmem>> -> memref<8192xf32, #tpu.memory_space<vmem>>
      %dma_start3A_278 = tpu.memref_slice %arg4[%add3A_275] : memref<33554432xf32, #tpu.memory_space<hbm>> -> memref<8192xf32, #tpu.memory_space<hbm>>
      %dma_start3A_279 = tpu.memref_slice %arg4[%add3A_275] : memref<33554432xf32, #tpu.memory_space<hbm>> -> memref<8192xf32, #tpu.memory_space<hbm>>
      %dma_start3A_280 = arith.constant 8192 : i32
      %dma_start3A_281 = tpu.memref_slice %arg9[%dma_start3A_280] : memref<32768xf32, #tpu.memory_space<vmem>> -> memref<8192xf32, #tpu.memory_space<vmem>>
      tpu.enqueue_dma source(%dma_start3A_281 : memref<8192xf32, #tpu.memory_space<vmem>>) target(%dma_start3A_279 : memref<8192xf32, #tpu.memory_space<hbm>>) target_semaphore(%arg13 : memref<!tpu.dma_semaphore, #tpu.memory_space<semaphore_mem>>)
      %mul3A_282 = arith.constant 1024 : i32
      %mul3A_283 = arith.muli %scan3A_74, %mul3A_282 : i32
      %add3A_284 = arith.addi %mul3A_2, %mul3A_283 : i32
      %mul3A_285 = arith.constant 8 : i32
      %mul3A_286 = arith.muli %add3A_284, %mul3A_285 : i32
      %add3A_287 = arith.constant 16777216 : i32
      %add3A_288 = arith.addi %add3A_287, %mul3A_286 : i32
      %dma_start3A_289 = arith.constant 16384 : i32
      %dma_start3A_290 = tpu.memref_slice %arg9[%dma_start3A_289] : memref<32768xf32, #tpu.memory_space<vmem>> -> memref<8192xf32, #tpu.memory_space<vmem>>
      %dma_start3A_291 = tpu.memref_slice %arg4[%add3A_288] : memref<33554432xf32, #tpu.memory_space<hbm>> -> memref<8192xf32, #tpu.memory_space<hbm>>
      %dma_start3A_292 = tpu.memref_slice %arg4[%add3A_288] : memref<33554432xf32, #tpu.memory_space<hbm>> -> memref<8192xf32, #tpu.memory_space<hbm>>
      %dma_start3A_293 = arith.constant 16384 : i32
      %dma_start3A_294 = tpu.memref_slice %arg9[%dma_start3A_293] : memref<32768xf32, #tpu.memory_space<vmem>> -> memref<8192xf32, #tpu.memory_space<vmem>>
      tpu.enqueue_dma source(%dma_start3A_294 : memref<8192xf32, #tpu.memory_space<vmem>>) target(%dma_start3A_292 : memref<8192xf32, #tpu.memory_space<hbm>>) target_semaphore(%arg13 : memref<!tpu.dma_semaphore, #tpu.memory_space<semaphore_mem>>)
      %mul3A_295 = arith.constant 1024 : i32
      %mul3A_296 = arith.muli %scan3A_74, %mul3A_295 : i32
      %add3A_297 = arith.addi %mul3A_2, %mul3A_296 : i32
      %mul3A_298 = arith.constant 8 : i32
      %mul3A_299 = arith.muli %add3A_297, %mul3A_298 : i32
      %add3A_300 = arith.constant 25165824 : i32
      %add3A_301 = arith.addi %add3A_300, %mul3A_299 : i32
      %dma_start3A_302 = arith.constant 24576 : i32
      %dma_start3A_303 = tpu.memref_slice %arg9[%dma_start3A_302] : memref<32768xf32, #tpu.memory_space<vmem>> -> memref<8192xf32, #tpu.memory_space<vmem>>
      %dma_start3A_304 = tpu.memref_slice %arg4[%add3A_301] : memref<33554432xf32, #tpu.memory_space<hbm>> -> memref<8192xf32, #tpu.memory_space<hbm>>
      %dma_start3A_305 = tpu.memref_slice %arg4[%add3A_301] : memref<33554432xf32, #tpu.memory_space<hbm>> -> memref<8192xf32, #tpu.memory_space<hbm>>
      %dma_start3A_306 = arith.constant 24576 : i32
      %dma_start3A_307 = tpu.memref_slice %arg9[%dma_start3A_306] : memref<32768xf32, #tpu.memory_space<vmem>> -> memref<8192xf32, #tpu.memory_space<vmem>>
      tpu.enqueue_dma source(%dma_start3A_307 : memref<8192xf32, #tpu.memory_space<vmem>>) target(%dma_start3A_305 : memref<8192xf32, #tpu.memory_space<hbm>>) target_semaphore(%arg13 : memref<!tpu.dma_semaphore, #tpu.memory_space<semaphore_mem>>)
    }
    %scan3A_26 = arith.constant 32 : i32
    %add3A_27 = arith.constant 31744 : i32
    %add3A_28 = arith.addi %mul3A_2, %add3A_27 : i32
    %mul3A_29 = arith.constant 8 : i32
    %mul3A_30 = arith.muli %add3A_28, %mul3A_29 : i32
    %add3A_31 = arith.constant 0 : i32
    %add3A_32 = arith.addi %add3A_31, %mul3A_30 : i32
    %dma_wait3A = arith.constant 0 : i32
    %dma_wait3A_33 = tpu.memref_slice %arg9[%dma_wait3A] : memref<32768xf32, #tpu.memory_space<vmem>> -> memref<8192xf32, #tpu.memory_space<vmem>>
    %dma_wait3A_34 = tpu.memref_slice %arg4[%add3A_32] : memref<33554432xf32, #tpu.memory_space<hbm>> -> memref<8192xf32, #tpu.memory_space<hbm>>
    %dma_wait3A_35 = tpu.memref_slice %arg4[%add3A_32] : memref<33554432xf32, #tpu.memory_space<hbm>> -> memref<8192xf32, #tpu.memory_space<hbm>>
    %dma_wait3A_36 = arith.constant 0 : i32
    %dma_wait3A_37 = tpu.memref_slice %arg9[%dma_wait3A_36] : memref<32768xf32, #tpu.memory_space<vmem>> -> memref<8192xf32, #tpu.memory_space<vmem>>
    tpu.wait_dma2 semaphore(%arg13 : memref<!tpu.dma_semaphore, #tpu.memory_space<semaphore_mem>>) src(%dma_wait3A_37 : memref<8192xf32, #tpu.memory_space<vmem>>) dst(%dma_wait3A_35 : memref<8192xf32, #tpu.memory_space<hbm>>)
    %add3A_38 = arith.constant 31744 : i32
    %add3A_39 = arith.addi %mul3A_2, %add3A_38 : i32
    %mul3A_40 = arith.constant 8 : i32
    %mul3A_41 = arith.muli %add3A_39, %mul3A_40 : i32
    %add3A_42 = arith.constant 8388608 : i32
    %add3A_43 = arith.addi %add3A_42, %mul3A_41 : i32
    %dma_wait3A_44 = arith.constant 8192 : i32
    %dma_wait3A_45 = tpu.memref_slice %arg9[%dma_wait3A_44] : memref<32768xf32, #tpu.memory_space<vmem>> -> memref<8192xf32, #tpu.memory_space<vmem>>
    %dma_wait3A_46 = tpu.memref_slice %arg4[%add3A_43] : memref<33554432xf32, #tpu.memory_space<hbm>> -> memref<8192xf32, #tpu.memory_space<hbm>>
    %dma_wait3A_47 = tpu.memref_slice %arg4[%add3A_43] : memref<33554432xf32, #tpu.memory_space<hbm>> -> memref<8192xf32, #tpu.memory_space<hbm>>
    %dma_wait3A_48 = arith.constant 8192 : i32
    %dma_wait3A_49 = tpu.memref_slice %arg9[%dma_wait3A_48] : memref<32768xf32, #tpu.memory_space<vmem>> -> memref<8192xf32, #tpu.memory_space<vmem>>
    tpu.wait_dma2 semaphore(%arg13 : memref<!tpu.dma_semaphore, #tpu.memory_space<semaphore_mem>>) src(%dma_wait3A_49 : memref<8192xf32, #tpu.memory_space<vmem>>) dst(%dma_wait3A_47 : memref<8192xf32, #tpu.memory_space<hbm>>)
    %add3A_50 = arith.constant 31744 : i32
    %add3A_51 = arith.addi %mul3A_2, %add3A_50 : i32
    %mul3A_52 = arith.constant 8 : i32
    %mul3A_53 = arith.muli %add3A_51, %mul3A_52 : i32
    %add3A_54 = arith.constant 16777216 : i32
    %add3A_55 = arith.addi %add3A_54, %mul3A_53 : i32
    %dma_wait3A_56 = arith.constant 16384 : i32
    %dma_wait3A_57 = tpu.memref_slice %arg9[%dma_wait3A_56] : memref<32768xf32, #tpu.memory_space<vmem>> -> memref<8192xf32, #tpu.memory_space<vmem>>
    %dma_wait3A_58 = tpu.memref_slice %arg4[%add3A_55] : memref<33554432xf32, #tpu.memory_space<hbm>> -> memref<8192xf32, #tpu.memory_space<hbm>>
    %dma_wait3A_59 = tpu.memref_slice %arg4[%add3A_55] : memref<33554432xf32, #tpu.memory_space<hbm>> -> memref<8192xf32, #tpu.memory_space<hbm>>
    %dma_wait3A_60 = arith.constant 16384 : i32
    %dma_wait3A_61 = tpu.memref_slice %arg9[%dma_wait3A_60] : memref<32768xf32, #tpu.memory_space<vmem>> -> memref<8192xf32, #tpu.memory_space<vmem>>
    tpu.wait_dma2 semaphore(%arg13 : memref<!tpu.dma_semaphore, #tpu.memory_space<semaphore_mem>>) src(%dma_wait3A_61 : memref<8192xf32, #tpu.memory_space<vmem>>) dst(%dma_wait3A_59 : memref<8192xf32, #tpu.memory_space<hbm>>)
    %add3A_62 = arith.constant 31744 : i32
    %add3A_63 = arith.addi %mul3A_2, %add3A_62 : i32
    %mul3A_64 = arith.constant 8 : i32
    %mul3A_65 = arith.muli %add3A_63, %mul3A_64 : i32
    %add3A_66 = arith.constant 25165824 : i32
    %add3A_67 = arith.addi %add3A_66, %mul3A_65 : i32
    %dma_wait3A_68 = arith.constant 24576 : i32
    %dma_wait3A_69 = tpu.memref_slice %arg9[%dma_wait3A_68] : memref<32768xf32, #tpu.memory_space<vmem>> -> memref<8192xf32, #tpu.memory_space<vmem>>
    %dma_wait3A_70 = tpu.memref_slice %arg4[%add3A_67] : memref<33554432xf32, #tpu.memory_space<hbm>> -> memref<8192xf32, #tpu.memory_space<hbm>>
    %dma_wait3A_71 = tpu.memref_slice %arg4[%add3A_67] : memref<33554432xf32, #tpu.memory_space<hbm>> -> memref<8192xf32, #tpu.memory_space<hbm>>
    %dma_wait3A_72 = arith.constant 24576 : i32
    %dma_wait3A_73 = tpu.memref_slice %arg9[%dma_wait3A_72] : memref<32768xf32, #tpu.memory_space<vmem>> -> memref<8192xf32, #tpu.memory_space<vmem>>
    tpu.wait_dma2 semaphore(%arg13 : memref<!tpu.dma_semaphore, #tpu.memory_space<semaphore_mem>>) src(%dma_wait3A_73 : memref<8192xf32, #tpu.memory_space<vmem>>) dst(%dma_wait3A_71 : memref<8192xf32, #tpu.memory_space<hbm>>)
    return
  }
}

</mosaic_0001>

<sc_bundles>
// kernel: kernel.4.cloned.1.call-start
scs
__scs_entry_jumppad:
0x0: {  	(pc) =	sbr.rel $0x88, $3  }
0x1: {  	(tag) =	ssettag $0x0;
	lr =	simm.s32 $0x1  }
0x2: {  	[smem:$0x3F9E] =	sst lr;
	_ =	strace $0xD0000000  }
0x3: {  	_ = 	snop  }
0x4: {  	_ = 	snop  }
0x5: {  	_ = 	snop  }
0x6: {  	_ = 	snop  }
0x7: {  	_ = 	snop  }
__scs_overlays_trampoline_lowered:
0x8: {  	[smem:$0x3FAD] =	sst s0  }
0x9: {  	[smem:$0x3FAE] =	sst s1  }
0xa: {  	[smem:$0x3FAF] =	sst s2  }
0xb: {  	[smem:$0x3FB0] =	sst s3  }
0xc: {  	[smem:$0x3FB1] =	sst s4  }
0xd: {  	[smem:$0x3FB2] =	sst s5  }
0xe: {  	[smem:$0x3FB3] =	sst s6  }
0xf: {  	[smem:$0x3FB4] =	sst s7  }
0x10: {  	[smem:$0x3FB5] =	sst s8  }
0x11: {  	[smem:$0x3FB6] =	sst s9;
	s0 =	simm.s32 @!p0 $0x0  }
0x12: {  	s1 =	sld [smem:$0x3F9C];
	s0 =	simm.s32 @p0 $0x1  }
0x13: {  	[smem:$0x3FB7] =	sst s0;
	s0 =	simm.s32 @!p1 $0x0  }
0x14: {  	s2 =	sld [smem:$0x3F9B];
	s0 =	simm.s32 @p1 $0x1  }
0x15: {  	[smem:$0x3FB8] =	sst s0;
	s0 =	simm.s32 @!p2 $0x0  }
0x16: {  	s3 =	sld [smem:$0x3FDB];
	s0 =	simm.s32 @p2 $0x1  }
0x17: {  	s4 =	simm.s32 $0x1BF5;
	[smem:$0x3FBA] =	sst s0  }
0x18: {  	s0 =	sld [smem:$0x3F9D];
	_ =	swait.ge [sflag:s4], $0x0  }
0x19: {  	s7 =	sld [smem:$0x3F9E]  }
0x1a: {  	s8 =	sadd.s32 $0xFFFFE003, lr  }
0x1b: {  	s9 =	sadd.s32 $0xFFFFFEF7, lr;
	s5 =	simm.s32 $0xFFFFFFFF;
	p2 =	slt.u32 s8, $0xFFFFF086  }
0x1c: {  	p1 =	slt.u32 s9, $0xF7A;
	s5 =	simm.s32 @!p2 $0x0  }
0x1d: {  	s5 =	simm.s32 @p1 $0x1;
	p0 =	seq.s32 s7, s2  }
0x1e: {  	s7 =	smul.u32 @!p0 $0xF7A, s2;
	p2 =	seq.s32 @!p0 s5, $0x0  }
0x1f: {  	s9 =	smul.u32 $0xF7A, s1;
	s8 =	simm.s32 @!p0 $0x1BF5;
	p2 =	por !p2, p0  }
0x20: {  	[sflag:s8] =	ssyncset.s32 @!p0 $0xFFFFF086;
	s6 =	sadd.s32 @!p0 s3, s7;
	s7 =	simm.s32 @!p0 $0x108  }
0x21: {  	s3 =	sadd.s32 s3, s9;
	s6 =	sadd.s32 @!p0 $0x88, s6;
	s7 =	simm.s32 @p2 $0x1082  }
0x22: {  	[simem:s7], [sflag:s8] =	dma.local @!p0 [hbm:s6], $0xF7A  }
0x23: {  	s9 =	sor.u32 $0xD0000000, s2;
	s6 =	simm.s32 $0x108;
	_ =	swait.ge @!p0 [sflag:s8], $0x0  }
0x24: {  	s3 =	sadd.s32 $0x88, s3;
	s6 =	simm.s32 @!p1 $0x1082;
	[sflag:s4] =	ssyncset.s32 $0xFFFFF086  }
0x25: {  	[simem:s6], [sflag:s4] =	dma.local [hbm:s3], $0xF7A  }
0x26: {  	[smem:$0x3F9E] =	sst s1;
	(tag) =	ssettag s2;
	_ =	strace s9  }
0x27: {  	s1 =	sld [smem:$0x3FAE]  }
0x28: {  	s2 =	sld [smem:$0x3FAF]  }
0x29: {  	s4 =	sld [smem:$0x3FB1]  }
0x2a: {  	p0 =	seq.s32 s5, $0x0;
	s5 =	sld [smem:$0x3FB2]  }
0x2b: {  	s6 =	sld [smem:$0x3FB3]  }
0x2c: {  	s7 =	sld [smem:$0x3FB4]  }
0x2d: {  	s3 =	simm.s32 $0x108;
	s8 =	sld [smem:$0x3FB5]  }
0x2e: {  	s3 =	simm.s32 @!p0 $0x1082;
	s9 =	sld [smem:$0x3FB6]  }
0x2f: {  	lr =	sadd.s32 s0, s3;
	s0 =	sld [smem:$0x3FAD]  }
0x30: {  	s3 =	sld [smem:$0x3FB0]  }
0x31: {  	[smem:$0x3FB9] =	sst s10  }
0x32: {  	s10 =	sld [smem:$0x3FB7];
	_ =	sdelay $0x3  }
0x33: {  	p0 =	seq.s32 s10, $0x1;
	s10 =	sld [smem:$0x3FB9];
	_ =	sdelay $0x3  }
0x34: {  	[smem:$0x3FB9] =	sst s10  }
0x35: {  	s10 =	sld [smem:$0x3FB8];
	_ =	sdelay $0x3  }
0x36: {  	p1 =	seq.s32 s10, $0x1;
	s10 =	sld [smem:$0x3FB9];
	_ =	sdelay $0x3  }
0x37: {  	[smem:$0x3FB9] =	sst s10  }
0x38: {  	s10 =	sld [smem:$0x3FBA]  }
0x39: {  	_ = 	snop;
	(pc) =	sbr.ind lr, $3  }
0x3a: {  	_ = 	snop  }
0x3b: {  	_ = 	snop  }
0x3c: {  	p2 =	seq.s32 s10, $0x1;
	s10 =	sld [smem:$0x3FB9]  }
0x3d: {  	_ =	shalt  }
0x3e: {  	_ =	shalt  }
0x3f: {  	_ =	shalt  }
0x40: {  	_ =	shalt  }
0x41: {  	_ =	shalt  }
0x42: {  	_ =	shalt  }
0x43: {  	_ =	shalt  }
0x44: {  	_ =	shalt  }
0x45: {  	_ =	shalt  }
0x46: {  	_ =	shalt  }
0x47: {  	_ =	shalt  }
0x48: {  	_ =	shalt  }
0x49: {  	_ =	shalt  }
0x4a: {  	_ =	shalt  }
0x4b: {  	_ =	shalt  }
0x4c: {  	_ =	shalt  }
0x4d: {  	_ =	shalt  }
0x4e: {  	_ =	shalt  }
0x4f: {  	_ =	shalt  }
0x50: {  	_ =	shalt  }
0x51: {  	_ =	shalt  }
0x52: {  	_ =	shalt  }
0x53: {  	_ =	shalt  }
0x54: {  	_ =	shalt  }
0x55: {  	_ =	shalt  }
0x56: {  	_ =	shalt  }
0x57: {  	_ =	shalt  }
0x58: {  	_ =	shalt  }
0x59: {  	_ =	shalt  }
0x5a: {  	_ =	shalt  }
0x5b: {  	_ =	shalt  }
0x5c: {  	_ =	shalt  }
0x5d: {  	_ =	shalt  }
0x5e: {  	_ =	shalt  }
0x5f: {  	_ =	shalt  }
0x60: {  	_ =	shalt  }
0x61: {  	_ =	shalt  }
0x62: {  	_ =	shalt  }
0x63: {  	_ =	shalt  }
0x64: {  	_ =	shalt  }
0x65: {  	_ =	shalt  }
0x66: {  	_ =	shalt  }
0x67: {  	_ =	shalt  }
0x68: {  	_ =	shalt  }
0x69: {  	_ =	shalt  }
0x6a: {  	_ =	shalt  }
0x6b: {  	_ =	shalt  }
0x6c: {  	_ =	shalt  }
0x6d: {  	_ =	shalt  }
0x6e: {  	_ =	shalt  }
0x6f: {  	_ =	shalt  }
0x70: {  	_ =	shalt  }
0x71: {  	_ =	shalt  }
0x72: {  	_ =	shalt  }
0x73: {  	_ =	shalt  }
0x74: {  	_ =	shalt  }
0x75: {  	_ =	shalt  }
0x76: {  	_ =	shalt  }
0x77: {  	_ =	shalt  }
0x78: {  	_ =	shalt  }
0x79: {  	_ =	shalt  }
0x7a: {  	_ =	shalt  }
0x7b: {  	_ =	shalt  }
0x7c: {  	_ =	shalt  }
0x7d: {  	_ =	shalt  }
0x7e: {  	_ =	shalt  }
0x7f: {  	_ =	shalt  }
0x80: {  	_ =	shalt  }
0x81: {  	_ =	shalt  }
0x82: {  	_ =	shalt  }
0x83: {  	_ =	shalt  }
0x84: {  	_ =	shalt  }
0x85: {  	_ =	shalt  }
0x86: {  	_ =	shalt  }
0x87: {  	_ =	shalt  }
.Lfunc_end0:
.L_simem_size_0:
called_computation_lowered:
.L_overlay_start_0:
0x88: {  	s2 =	sld [smem:$0x3FD9]  }
0x89: {  	s3 =	sld [smem:$0x3FFE];
	_ =	sdelay $0x1  }
0x8a: {  	s1 =	srdreg.scid  }
0x8b: {  	s0 =	sand.u32 $0x1, s1  }
0x8c: {  	s17 =	sshll.u32 s0, $0xA;
	s2 =	sadd.s32 s3, s2  }
0x8d: {  	s2 =	sadd.s32 s2, s17  }
0x8e: {  	[smem:$0x3FC5] =	sst s2  }
0x8f: {  	_ = 	snop  }
0x90: {  	s2 =	sld [smem:$0x3FC7]  }
0x91: {  	s18 =	sld [smem:$0x3FD0];
	(tm) =	ssettm $0x1  }
0x92: {  	s4 =	sld [smem:$0x3FFB];
	_ =	sdelay $0x3  }
0x93: {  	_ =	strace s4  }
0x94: {  	s4 =	sld [smem:$0x3FFC];
	_ =	sdelay $0x3  }
0x95: {  	_ =	strace s4  }
0x96: {  	s4 =	sld [smem:$0x3FFD];
	_ =	sdelay $0x3  }
0x97: {  	_ =	strace s4  }
0x98: {  	_ =	strace $0x8FFFFFFF  }
0x99: {  	s19 =	sld [smem:$0x3FDB];
	_ =	sdelay $0x1  }
0x9a: {  	s5 =	simm.s32 $_scs_section_size  }
0x9b: {  	s6 =	simm.s32 $_size__tile_overlayer_lowered;
	s7 =	simm.s32 $_tile_overlayer_lowered  }
0x9c: {  	s22 =	simm.s32 $0x1BFF;
	s21 =	sshll.u32 s7, $0x1;
	s4 =	sadd.s32 s5, s19  }
0x9d: {  	s8 =	simm.s32 $0x0;
	s20 =	sshll.u32 s6, $0x1;
	s6 =	sadd.s32 s21, s4  }
0x9e: {  	[timem:s8], [sflag:s22] =	dma.local [hbm:s6], s20  }
0x9f: {  	_ =	swait.ge [sflag:s22], s20  }
0xa0: {  	s5 =	ssub.s32 $0x0, s20;
	[sflag:s22] =	ssyncset.done $0x0  }
0xa1: {  	[sflag:s22] =	ssyncadd.s32 s5;
	_ =	sdelay $0x1  }
0xa2: {  	s23 =	simm.s32 $0x1B8B  }
0xa3: {  	_ =	swait.ge [sflag:s23], $0x1  }
0xa4: {  	[sflag:s23] =	ssyncset.done $0x0  }
0xa5: {  	s25 =	simm.s32 $0x1B8E;
	s24 =	sld [smem:$0x3FFE];
	[sflag:s23] =	ssyncadd.s32 $0xFFFFFFFF  }
0xa6: {  	s26 =	simm.s32 $execute0_lowered;
	[smem:$0x3FD2] =	sst s25  }
0xa7: {  	s6 =	sshll.u32 s26, $0x1;
	_ =	strace $0x80000046;
	[dreg:$0x1] =	wrdreg $0xFFFFFFFF  }
0xa8: {  	s28 =	simm.s32 $_size_execute0_lowered;
	s4 =	sadd.s32 s4, s6;
	[dreg:$0x0] =	wrdreg $0x0  }
0xa9: {  	s6 =	sshll.u32 s28, $0x1;
	[dreg:$0x2] =	wrdreg s4  }
0xaa: {  	[dreg:$0x3] =	wrdreg s6  }
0xab: {  	[dreg:$0x4] =	wrdreg $0xC0  }
0xac: {  	_ =	task [dreg:s8], $0x5FFFF  }
0xad: {  	[dreg:$0x1] =	wrdreg $0xFFFFFFFF  }
0xae: {  	[dreg:$0x0] =	wrdreg $0x60  }
0xaf: {  	[dreg:$0x2] =	wrdreg s2  }
0xb0: {  	[dreg:$0x3] =	wrdreg s18  }
0xb1: {  	[dreg:$0x4] =	wrdreg s24  }
0xb2: {  	[dreg:$0x5] =	wrdreg $0x9  }
0xb3: {  	_ =	task.clear_ibuf [dreg:s8], $0x6FFFF;
	_ =	strace $0x90000046  }
0xb4: {  	s29 =	simm.s32 $0x9;
	_ =	strace $0x80000048  }
0xb5: {  	_ =	swait.ge [sflag:s29], $0x1  }
0xb6: {  	[sflag:s29] =	ssyncadd.s32 $0xFFFFFFFF  }
0xb7: {  	_ =	strace $0x90000048  }
0xb8: {  	_ =	sfence  }
0xb9: {  	s30 =	sld [smem:$0x0];
	_ =	sdelay $0x2  }
0xba: {  	s31 =	sshll.u32 s1, $0xD;
	s1 =	sshrl.u32 s1, $0x2  }
0xbb: {  	s3 =	sand.u32 $0x4000, s31;
	s1 =	sadd.s32 s1, s30  }
0xbc: {  	s0 =	sor.u32 s3, s0;
	s1 =	sshll.u32 s1, $0x11  }
0xbd: {  	s0 =	sor.u32 s1, s0  }
0xbe: {  	s0 =	sadd.s32 $0x8F2B, s0  }
0xbf: {  	[sflag:s0] =	ssyncadd.remote.s32 $0x1  }
0xc0: {  	_ =	sfence.sel $0xFFFF  }
0xc1: {  	[dreg:$0x0] =	wrdreg $0xFFFFFFFF;
	(pc) =	sbr.abs _section_cstart, $3  }
0xc2: {  	[dreg:$0x1] =	wrdreg $0xFFFFFFFF  }
0xc3: {  	_ =	task.clear_ibuf [dreg:s8], $0x2FFFF;
	_ =	strace $0x9FFFFFFF  }
0xc4: {  	(tm) =	ssettm $0x7FFFFFFF  }
0xc5: {  	_ =	shalt  }
tec
execute0_lowered:
.L_overlay_start_1:
0x0: {  	(tag) =	ssettag $0x1  }
0x1: {  	s1 =	rddreg [dreg:$0x0]  }
0x2: {  	s3 =	rddreg [dreg:$0x1]  }
0x3: {  	s6 =	rddreg [dreg:$0x2]  }
0x4: {  	s0 =	rddreg [dreg:$0x3]  }
0x5: {  	s5 =	srdreg.scid;
	s2 =	stileid.u32;
	s4 =	simm.s32 $0x0  }
0x6: {  	s11 =	simm.s32 $0x8020;
	s12 =	simm.s32 $0x2000;
	s13 =	simm.s32 $0x4000  }
0x7: {  	s14 =	simm.s32 $0x0;
	s5 =	sand.u32 $0x1, s5;
	s7 =	sshll.u32 s2, $0x1  }
0x8: {  	s17 =	simm.s32 $0x0;
	[smem:$0x7FF] =	sst s4;
	s7 =	sor.u32 s5, s7  }
0x9: {  	v0 =	vlaneseq.u32;
	s8 =	ssub.s32 $0x2, s5;
	_ =	strace $0x80000047;
	s9 =	sshll.u32 s7, $0xE  }
0xa: {  	v0 =	vmul.u32 $0x8, v0;
	s5 =	sadd.s32 $0xE00, s6;
	s10 =	sshrl.u32 s8, $0x1;
	s9 =	sadd.s32 s9, s6  }
0xb: {  	v1 =	vimm.f32 $0.0e+00;
	s8 =	ssub.s32 s8, s10;
	s6 =	sshll.u32 s7, $0x10;
	s10 =	simm.s32 $0x1  }
0xc: {  	v2 =	vor.u32 $0x1, v0;
	v3 =	vor.u32 $0x2, v0;
	v4 =	vor.u32 $0x3, v0;
	s7 =	sadd.s32 $0x1000, s9;
	s8 =	smax.u32 s8, $0x1;
	s9 =	simm.s32 $0x8000  }
.LBB2_1:
0xd: {  	[tilespmem:s9], [sflag:$0x1] =	stream.linear.gather [hbm4b:s5+s4], $0x20, $0x38;
	[tilespmem:$0x8030] =	vst v63  }
0xe: {  	_ =	swait.ge [sflag:s10], $0x20  }
0xf: {  	[sflag:s10] =	ssyncset.done $0x0  }
0x10: {  	[sflag:s10] =	ssyncadd.s32 $0xFFFFFFE0  }
0x11: {  	[tilespmem:s11], [sflag:$0x1] =	stream.linear.gather [hbm4b:s3+s4], $0x10, $0x38;
	[tilespmem:$0x8030] =	vst v63  }
0x12: {  	_ =	swait.ge [sflag:s10], $0x10  }
0x13: {  	[sflag:s10] =	ssyncset.done $0x0  }
0x14: {  	[sflag:s10] =	ssyncadd.s32 $0xFFFFFFF0  }
0x15: {  	v6 =	vld [tilespmem:$0x8010];
	_ =	sdelay $0x2  }
0x16: {  	v5 =	vld [tilespmem:$0x8000]  }
0x17: {  	s15 =	simm.s32 $0x40;
	s16 =	simm.s32 $0x0;
	v7 =	vld [tilespmem:$0x8020]  }
.LBB2_2:
0x18: {  	p0 =	sne.s32 s15, $0xFFC0;
	[tilespmem:s16+$0x4000] =	vst v1;
	s16 =	smov.u32 s15;
	s15 =	sadd.s32 $0x40, s15  }
.Ltmp0:
0x19: {  	(pc) =	sbr.rel @p0 .LBB2_2-.Ltmp0, $2  }
0x1a: {  	_ =	sdelay $0x2  }
0x1b: {  	s16 =	sshra.s32 s16, $0x2  }
0x1c: {  	v7 =	vshll.u32 v7, $0x15  }
0x1d: {  	(v2sf) =	vpush v7, $0x0  }
0x1e: {  	(v2sf) =	vpush v7, $0x1;
	_ =	sdelay $0xd  }
0x1f: {  	s15 =	spop (v2sf)  }
0x20: {  	[tilespmem:s16+$0x4000] =	vst v1;
	s18 =	simm.s32 $0x0;
	s16 =	spop (v2sf)  }
.LBB2_4:
0x21: {  	s19 =	sshll.u32 s18, $0xD  }
0x22: {  	s19 =	sadd.s32 s6, s19  }
0x23: {  	s20 =	sadd.s32 s15, s19  }
0x24: {  	s20 =	sshrl.u32 s20, $0x3  }
0x25: {  	s20 =	sadd.s32 s1, s20  }
0x26: {  	[tilespmem:s17], [sflag:$0x1] =	stream.linear.gather [hbm4b:s20+s17], $0x2000, $0x38;
	[tilespmem:$0x8030] =	vst v63  }
0x27: {  	s19 =	sadd.s32 s16, s19;
	_ =	swait.ge [sflag:s10], $0x2000  }
0x28: {  	s19 =	sshrl.u32 s19, $0x3;
	[sflag:s10] =	ssyncset.done $0x0  }
0x29: {  	s19 =	sadd.s32 s1, s19;
	[sflag:s10] =	ssyncadd.s32 $0xFFFFE000  }
0x2a: {  	[tilespmem:s12], [sflag:$0x1] =	stream.linear.gather [hbm4b:s19+s17], $0x2000, $0x38;
	[tilespmem:$0x8030] =	vst v63  }
0x2b: {  	s29 =	sand.u32 $0x7, s17;
	_ =	swait.ge [sflag:s10], $0x2000  }
0x2c: {  	s30 =	simm.s32 $0x0;
	s21 =	sshll.u32 s29, $0x4;
	[sflag:s10] =	ssyncset.done $0x0  }
0x2d: {  	s20 =	sor.u32 s21, s30;
	[sflag:s10] =	ssyncadd.s32 $0xFFFFE000  }
0x2e: {  	v7 =	vld [tilespmem:s20+$0x0]  }
0x2f: {  	v8 =	vld [tilespmem:s20+$0x2000];
	_ =	sdelay $0x1  }
0x30: {  	s31 =	simm.s32 $0x0;
	s19 =	sshll.u32 s29, $0x7  }
0x31: {  	s21 =	sor.u32 s19, s31  }
0x32: {  	v9 =	vor.u32 s21, v0  }
0x33: {  	v7 =	vmul.f32 v7, v5;
	v8 =	vmul.f32 v8, v6;
	_ =	sdelay $0x1  }
0x34: {  	v7 =	vadd.f32 v8, v7;
	_ =	sdelay $0x1  }
0x35: {  	[tilespmem:v9+s13+$0x0] =	vst.idx.msk $0xffff, v7  }
0x36: {  	v7 =	vld [tilespmem:s20+$0x80]  }
0x37: {  	v8 =	vld [tilespmem:s20+$0x2080];
	_ =	sdelay $0x3  }
0x38: {  	v9 =	vor.u32 s21, v2  }
0x39: {  	v7 =	vmul.f32 v7, v5;
	v8 =	vmul.f32 v8, v6;
	_ =	sdelay $0x1  }
0x3a: {  	v7 =	vadd.f32 v8, v7;
	_ =	sdelay $0x1  }
0x3b: {  	[tilespmem:v9+s13+$0x0] =	vst.idx.msk $0xffff, v7  }
0x3c: {  	v7 =	vld [tilespmem:s20+$0x100]  }
0x3d: {  	v8 =	vld [tilespmem:s20+$0x2100];
	_ =	sdelay $0x3  }
0x3e: {  	v9 =	vor.u32 s21, v3  }
0x3f: {  	v7 =	vmul.f32 v7, v5;
	v8 =	vmul.f32 v8, v6;
	_ =	sdelay $0x1  }
0x40: {  	v7 =	vadd.f32 v8, v7;
	_ =	sdelay $0x1  }
0x41: {  	[tilespmem:v9+s13+$0x0] =	vst.idx.msk $0xffff, v7  }
0x42: {  	v9 =	vld [tilespmem:s20+$0x180]  }
0x43: {  	v8 =	vld [tilespmem:s20+$0x2180];
	_ =	sdelay $0x3  }
0x44: {  	s19 =	simm.s32 $0x1;
	v7 =	vor.u32 s21, v4;
	v9 =	vmul.f32 v9, v5  }
.LBB2_5:
0x45: {  	p0 =	sne.s32 s19, $0x7F;
	v8 =	vmul.f32 v8, v6;
	s20 =	smov.u32 s19;
	s19 =	sadd.s32 $0x1, s19  }
0x46: {  	_ = 	snop  }
0x47: {  	s21 =	sshrl.u32 s20, $0x3;
	s20 =	sand.u32 $0x7, s20;
	v8 =	vadd.f32 v8, v9  }
0x48: {  	s22 =	sshll.u32 s21, $0x9;
	s23 =	sshll.u32 s20, $0x4;
	s21 =	sshll.u32 s21, $0xA  }
0x49: {  	s20 =	sshll.u32 s20, $0x7;
	s22 =	sor.u32 s23, s22;
	[tilespmem:v7+s13+$0x0] =	vst.idx.msk $0xffff, v8  }
0x4a: {  	s20 =	sor.u32 s20, s21;
	v7 =	vld [tilespmem:s22+$0x0]  }
0x4b: {  	v8 =	vld [tilespmem:s22+$0x2000];
	_ =	sdelay $0x2  }
0x4c: {  	v9 =	vor.u32 s20, v0  }
0x4d: {  	v7 =	vmul.f32 v7, v5  }
0x4e: {  	v8 =	vmul.f32 v8, v6;
	_ =	sdelay $0x1  }
0x4f: {  	v7 =	vadd.f32 v8, v7;
	_ =	sdelay $0x1  }
0x50: {  	[tilespmem:v9+s13+$0x0] =	vst.idx.msk $0xffff, v7  }
0x51: {  	v7 =	vld [tilespmem:s22+$0x80]  }
0x52: {  	v8 =	vld [tilespmem:s22+$0x2080];
	_ =	sdelay $0x1  }
0x53: {  	v9 =	vor.u32 s20, v2;
	_ =	sdelay $0x1  }
0x54: {  	v7 =	vmul.f32 v7, v5  }
0x55: {  	v8 =	vmul.f32 v8, v6;
	_ =	sdelay $0x1  }
0x56: {  	v7 =	vadd.f32 v8, v7;
	_ =	sdelay $0x1  }
0x57: {  	[tilespmem:v9+s13+$0x0] =	vst.idx.msk $0xffff, v7  }
0x58: {  	v7 =	vld [tilespmem:s22+$0x100]  }
0x59: {  	v8 =	vld [tilespmem:s22+$0x2100]  }
0x5a: {  	v9 =	vor.u32 s20, v3;
	_ =	sdelay $0x2  }
0x5b: {  	v7 =	vmul.f32 v7, v5  }
0x5c: {  	v8 =	vmul.f32 v8, v6;
	_ =	sdelay $0x1  }
0x5d: {  	v7 =	vadd.f32 v8, v7;
	_ =	sdelay $0x1  }
0x5e: {  	[tilespmem:v9+s13+$0x0] =	vst.idx.msk $0xffff, v7  }
0x5f: {  	v9 =	vld [tilespmem:s22+$0x180]  }
.Ltmp1:
0x60: {  	v7 =	vor.u32 s20, v4;
	v8 =	vld [tilespmem:s22+$0x2180];
	(pc) =	sbr.rel @p0 .LBB2_5-.Ltmp1, $2  }
0x61: {  	_ =	sdelay $0x2  }
0x62: {  	v9 =	vmul.f32 v9, v5  }
0x63: {  	v8 =	vmul.f32 v8, v6;
	_ =	sdelay $0x1  }
0x64: {  	s19 =	sshll.u32 s18, $0xB;
	s18 =	sadd.s32 $0x1, s18;
	v8 =	vadd.f32 v8, v9  }
0x65: {  	p0 =	sne.s32 s18, $0x8  }
.Ltmp2:
0x66: {  	s19 =	sadd.s32 s19, s7;
	[tilespmem:v7+s13+$0x0] =	vst.idx.msk $0xffff, v8;
	(pc) =	sbr.rel @p0 .LBB2_4-.Ltmp2, $4  }
0x67: {  	[hbm4b:s19+s4] =	stream.linear.scatter [tilespmem:s13], [sflag:$0x1], $0x4000, $0x38;
	[tilespmem:$0x8030] =	vst v63  }
0x68: {  	_ =	swait.ge [sflag:s10], $0x4000  }
0x69: {  	[sflag:s10] =	ssyncset.done $0x0  }
0x6a: {  	[sflag:s10] =	ssyncadd.s32 $0xFFFFC000  }
0x6b: {  	s14 =	sadd.s32 $0x1, s14  }
0x6c: {  	p0 =	sne.s32 s14, s8  }
.Ltmp3:
0x6d: {  	_ = 	snop;
	(pc) =	sbr.rel @p0 .LBB2_1-.Ltmp3, $1  }
0x6e: {  	_ =	sdelay $0x3  }
0x6f: {  	_ =	sfence.sel $0x180000  }
0x70: {  	[bflag:$0x0] =	sbarrier.arrive $0xFFFF  }
0x71: {  	p0 =	sne.s32 s2, $0x0;
	_ =	strace $0x90000047  }
0x72: {  	s0 =	sadd.s32 @!p0 $0x100000, s0;
	[bflag:$0x2] =	sbarrier.arrive $0xFFFF  }
0x73: {  	[sflag:s0] =	ssyncadd.tile.s32 @!p0 $0x1;
	_ =	shalt  }
.Lfunc_end2:
_tile_overlayer_lowered:
.L_overlay_start_2:
0x74: {  	(tag) =	ssettag $0x2  }
0x75: {  	s0 =	rddreg [dreg:$0x0];
	s2 =	stileid.u32  }
0x76: {  	s1 =	rddreg [dreg:$0x1];
	p0 =	sne.s32 s2, $0x0  }
0x77: {  	s3 =	rddreg [dreg:$0x2];
	[bflag:$0x3] =	sbarrier.arrive $0xFFFF;
	s2 =	simm.s32 @!p0 $0x1C01  }
0x78: {  	[timem:s3], [sflag:s2] =	dma.local @!p0 [hbm:s0], s1  }
0x79: {  	s0 =	simm.s32 @!p0 $0x1  }
0x7a: {  	_ =	swait.ge @!p0 [sflag:s0], s1  }
0x7b: {  	s1 =	ssub.s32 @!p0 $0x0, s1;
	[sflag:s0] =	ssyncset.done @!p0 $0x0  }
0x7c: {  	[sflag:s0] =	ssyncadd.s32 @!p0 s1  }
0x7d: {  	[bflag:$0x3] =	sbarrier.arrive $0xFFFF  }
0x7e: {  	_ =	shalt  }

// kernel: kernel.7.cloned.1.call-start
scs
__scs_entry_jumppad:
0x0: {  	(pc) =	sbr.rel $0x88, $3  }
0x1: {  	(tag) =	ssettag $0x0;
	lr =	simm.s32 $0x1  }
0x2: {  	[smem:$0x3F9E] =	sst lr;
	_ =	strace $0xD0000000  }
0x3: {  	_ = 	snop  }
0x4: {  	_ = 	snop  }
0x5: {  	_ = 	snop  }
0x6: {  	_ = 	snop  }
0x7: {  	_ = 	snop  }
__scs_overlays_trampoline_lowered:
0x8: {  	[smem:$0x3FAD] =	sst s0  }
0x9: {  	[smem:$0x3FAE] =	sst s1  }
0xa: {  	[smem:$0x3FAF] =	sst s2  }
0xb: {  	[smem:$0x3FB0] =	sst s3  }
0xc: {  	[smem:$0x3FB1] =	sst s4  }
0xd: {  	[smem:$0x3FB2] =	sst s5  }
0xe: {  	[smem:$0x3FB3] =	sst s6  }
0xf: {  	[smem:$0x3FB4] =	sst s7  }
0x10: {  	[smem:$0x3FB5] =	sst s8  }
0x11: {  	[smem:$0x3FB6] =	sst s9;
	s0 =	simm.s32 @!p0 $0x0  }
0x12: {  	s1 =	sld [smem:$0x3F9C];
	s0 =	simm.s32 @p0 $0x1  }
0x13: {  	[smem:$0x3FB7] =	sst s0;
	s0 =	simm.s32 @!p1 $0x0  }
0x14: {  	s2 =	sld [smem:$0x3F9B];
	s0 =	simm.s32 @p1 $0x1  }
0x15: {  	[smem:$0x3FB8] =	sst s0;
	s0 =	simm.s32 @!p2 $0x0  }
0x16: {  	s3 =	sld [smem:$0x3FDB];
	s0 =	simm.s32 @p2 $0x1  }
0x17: {  	s4 =	simm.s32 $0x1BF5;
	[smem:$0x3FBA] =	sst s0  }
0x18: {  	s0 =	sld [smem:$0x3F9D];
	_ =	swait.ge [sflag:s4], $0x0  }
0x19: {  	s7 =	sld [smem:$0x3F9E]  }
0x1a: {  	s8 =	sadd.s32 $0xFFFFE003, lr  }
0x1b: {  	s9 =	sadd.s32 $0xFFFFFEF7, lr;
	s5 =	simm.s32 $0xFFFFFFFF;
	p2 =	slt.u32 s8, $0xFFFFF086  }
0x1c: {  	p1 =	slt.u32 s9, $0xF7A;
	s5 =	simm.s32 @!p2 $0x0  }
0x1d: {  	s5 =	simm.s32 @p1 $0x1;
	p0 =	seq.s32 s7, s2  }
0x1e: {  	s7 =	smul.u32 @!p0 $0xF7A, s2;
	p2 =	seq.s32 @!p0 s5, $0x0  }
0x1f: {  	s9 =	smul.u32 $0xF7A, s1;
	s8 =	simm.s32 @!p0 $0x1BF5;
	p2 =	por !p2, p0  }
0x20: {  	[sflag:s8] =	ssyncset.s32 @!p0 $0xFFFFF086;
	s6 =	sadd.s32 @!p0 s3, s7;
	s7 =	simm.s32 @!p0 $0x108  }
0x21: {  	s3 =	sadd.s32 s3, s9;
	s6 =	sadd.s32 @!p0 $0x88, s6;
	s7 =	simm.s32 @p2 $0x1082  }
0x22: {  	[simem:s7], [sflag:s8] =	dma.local @!p0 [hbm:s6], $0xF7A  }
0x23: {  	s9 =	sor.u32 $0xD0000000, s2;
	s6 =	simm.s32 $0x108;
	_ =	swait.ge @!p0 [sflag:s8], $0x0  }
0x24: {  	s3 =	sadd.s32 $0x88, s3;
	s6 =	simm.s32 @!p1 $0x1082;
	[sflag:s4] =	ssyncset.s32 $0xFFFFF086  }
0x25: {  	[simem:s6], [sflag:s4] =	dma.local [hbm:s3], $0xF7A  }
0x26: {  	[smem:$0x3F9E] =	sst s1;
	(tag) =	ssettag s2;
	_ =	strace s9  }
0x27: {  	s1 =	sld [smem:$0x3FAE]  }
0x28: {  	s2 =	sld [smem:$0x3FAF]  }
0x29: {  	s4 =	sld [smem:$0x3FB1]  }
0x2a: {  	p0 =	seq.s32 s5, $0x0;
	s5 =	sld [smem:$0x3FB2]  }
0x2b: {  	s6 =	sld [smem:$0x3FB3]  }
0x2c: {  	s7 =	sld [smem:$0x3FB4]  }
0x2d: {  	s3 =	simm.s32 $0x108;
	s8 =	sld [smem:$0x3FB5]  }
0x2e: {  	s3 =	simm.s32 @!p0 $0x1082;
	s9 =	sld [smem:$0x3FB6]  }
0x2f: {  	lr =	sadd.s32 s0, s3;
	s0 =	sld [smem:$0x3FAD]  }
0x30: {  	s3 =	sld [smem:$0x3FB0]  }
0x31: {  	[smem:$0x3FB9] =	sst s10  }
0x32: {  	s10 =	sld [smem:$0x3FB7];
	_ =	sdelay $0x3  }
0x33: {  	p0 =	seq.s32 s10, $0x1;
	s10 =	sld [smem:$0x3FB9];
	_ =	sdelay $0x3  }
0x34: {  	[smem:$0x3FB9] =	sst s10  }
0x35: {  	s10 =	sld [smem:$0x3FB8];
	_ =	sdelay $0x3  }
0x36: {  	p1 =	seq.s32 s10, $0x1;
	s10 =	sld [smem:$0x3FB9];
	_ =	sdelay $0x3  }
0x37: {  	[smem:$0x3FB9] =	sst s10  }
0x38: {  	s10 =	sld [smem:$0x3FBA]  }
0x39: {  	_ = 	snop;
	(pc) =	sbr.ind lr, $3  }
0x3a: {  	_ = 	snop  }
0x3b: {  	_ = 	snop  }
0x3c: {  	p2 =	seq.s32 s10, $0x1;
	s10 =	sld [smem:$0x3FB9]  }
0x3d: {  	_ =	shalt  }
0x3e: {  	_ =	shalt  }
0x3f: {  	_ =	shalt  }
0x40: {  	_ =	shalt  }
0x41: {  	_ =	shalt  }
0x42: {  	_ =	shalt  }
0x43: {  	_ =	shalt  }
0x44: {  	_ =	shalt  }
0x45: {  	_ =	shalt  }
0x46: {  	_ =	shalt  }
0x47: {  	_ =	shalt  }
0x48: {  	_ =	shalt  }
0x49: {  	_ =	shalt  }
0x4a: {  	_ =	shalt  }
0x4b: {  	_ =	shalt  }
0x4c: {  	_ =	shalt  }
0x4d: {  	_ =	shalt  }
0x4e: {  	_ =	shalt  }
0x4f: {  	_ =	shalt  }
0x50: {  	_ =	shalt  }
0x51: {  	_ =	shalt  }
0x52: {  	_ =	shalt  }
0x53: {  	_ =	shalt  }
0x54: {  	_ =	shalt  }
0x55: {  	_ =	shalt  }
0x56: {  	_ =	shalt  }
0x57: {  	_ =	shalt  }
0x58: {  	_ =	shalt  }
0x59: {  	_ =	shalt  }
0x5a: {  	_ =	shalt  }
0x5b: {  	_ =	shalt  }
0x5c: {  	_ =	shalt  }
0x5d: {  	_ =	shalt  }
0x5e: {  	_ =	shalt  }
0x5f: {  	_ =	shalt  }
0x60: {  	_ =	shalt  }
0x61: {  	_ =	shalt  }
0x62: {  	_ =	shalt  }
0x63: {  	_ =	shalt  }
0x64: {  	_ =	shalt  }
0x65: {  	_ =	shalt  }
0x66: {  	_ =	shalt  }
0x67: {  	_ =	shalt  }
0x68: {  	_ =	shalt  }
0x69: {  	_ =	shalt  }
0x6a: {  	_ =	shalt  }
0x6b: {  	_ =	shalt  }
0x6c: {  	_ =	shalt  }
0x6d: {  	_ =	shalt  }
0x6e: {  	_ =	shalt  }
0x6f: {  	_ =	shalt  }
0x70: {  	_ =	shalt  }
0x71: {  	_ =	shalt  }
0x72: {  	_ =	shalt  }
0x73: {  	_ =	shalt  }
0x74: {  	_ =	shalt  }
0x75: {  	_ =	shalt  }
0x76: {  	_ =	shalt  }
0x77: {  	_ =	shalt  }
0x78: {  	_ =	shalt  }
0x79: {  	_ =	shalt  }
0x7a: {  	_ =	shalt  }
0x7b: {  	_ =	shalt  }
0x7c: {  	_ =	shalt  }
0x7d: {  	_ =	shalt  }
0x7e: {  	_ =	shalt  }
0x7f: {  	_ =	shalt  }
0x80: {  	_ =	shalt  }
0x81: {  	_ =	shalt  }
0x82: {  	_ =	shalt  }
0x83: {  	_ =	shalt  }
0x84: {  	_ =	shalt  }
0x85: {  	_ =	shalt  }
0x86: {  	_ =	shalt  }
0x87: {  	_ =	shalt  }
.Lfunc_end0:
.L_simem_size_0:
called_computation.1_lowered:
.L_overlay_start_0:
0x88: {  	s2 =	sld [smem:$0x3FD9]  }
0x89: {  	s3 =	sld [smem:$0x3FFE];
	_ =	sdelay $0x1  }
0x8a: {  	s1 =	srdreg.scid  }
0x8b: {  	s0 =	sand.u32 $0x1, s1  }
0x8c: {  	s17 =	sshll.u32 s0, $0xA;
	s2 =	sadd.s32 s3, s2  }
0x8d: {  	s2 =	sadd.s32 s2, s17  }
0x8e: {  	[smem:$0x3FC5] =	sst s2  }
0x8f: {  	_ = 	snop  }
0x90: {  	s2 =	sld [smem:$0x3FC9]  }
0x91: {  	s18 =	sld [smem:$0x3FD0];
	(tm) =	ssettm $0x1  }
0x92: {  	s4 =	sld [smem:$0x3FFB];
	_ =	sdelay $0x3  }
0x93: {  	_ =	strace s4  }
0x94: {  	s4 =	sld [smem:$0x3FFC];
	_ =	sdelay $0x3  }
0x95: {  	_ =	strace s4  }
0x96: {  	s4 =	sld [smem:$0x3FFD];
	_ =	sdelay $0x3  }
0x97: {  	_ =	strace s4  }
0x98: {  	_ =	strace $0x8FFFFFFF  }
0x99: {  	s19 =	sld [smem:$0x3FDB];
	_ =	sdelay $0x1  }
0x9a: {  	s5 =	simm.s32 $_scs_section_size  }
0x9b: {  	s6 =	simm.s32 $_size__tile_overlayer_lowered;
	s7 =	simm.s32 $_tile_overlayer_lowered  }
0x9c: {  	s22 =	simm.s32 $0x1BFF;
	s21 =	sshll.u32 s7, $0x1;
	s4 =	sadd.s32 s5, s19  }
0x9d: {  	s8 =	simm.s32 $0x0;
	s20 =	sshll.u32 s6, $0x1;
	s6 =	sadd.s32 s21, s4  }
0x9e: {  	[timem:s8], [sflag:s22] =	dma.local [hbm:s6], s20  }
0x9f: {  	_ =	swait.ge [sflag:s22], s20  }
0xa0: {  	s5 =	ssub.s32 $0x0, s20;
	[sflag:s22] =	ssyncset.done $0x0  }
0xa1: {  	[sflag:s22] =	ssyncadd.s32 s5;
	_ =	sdelay $0x1  }
0xa2: {  	s23 =	simm.s32 $0x1B8B  }
0xa3: {  	_ =	swait.ge [sflag:s23], $0x1  }
0xa4: {  	[sflag:s23] =	ssyncset.done $0x0  }
0xa5: {  	s25 =	simm.s32 $0x1B8E;
	s24 =	sld [smem:$0x3FFE];
	[sflag:s23] =	ssyncadd.s32 $0xFFFFFFFF  }
0xa6: {  	s26 =	simm.s32 $execute0_lowered;
	[smem:$0x3FD2] =	sst s25  }
0xa7: {  	s6 =	sshll.u32 s26, $0x1;
	_ =	strace $0x80000049;
	[dreg:$0x1] =	wrdreg $0xFFFFFFFF  }
0xa8: {  	s28 =	simm.s32 $_size_execute0_lowered;
	s4 =	sadd.s32 s4, s6;
	[dreg:$0x0] =	wrdreg $0x0  }
0xa9: {  	s6 =	sshll.u32 s28, $0x1;
	[dreg:$0x2] =	wrdreg s4  }
0xaa: {  	[dreg:$0x3] =	wrdreg s6  }
0xab: {  	[dreg:$0x4] =	wrdreg $0xC0  }
0xac: {  	_ =	task [dreg:s8], $0x5FFFF  }
0xad: {  	[dreg:$0x1] =	wrdreg $0xFFFFFFFF  }
0xae: {  	[dreg:$0x0] =	wrdreg $0x60  }
0xaf: {  	[dreg:$0x2] =	wrdreg s24  }
0xb0: {  	[dreg:$0x3] =	wrdreg s2  }
0xb1: {  	[dreg:$0x4] =	wrdreg s18  }
0xb2: {  	[dreg:$0x5] =	wrdreg $0x9  }
0xb3: {  	_ =	task.clear_ibuf [dreg:s8], $0x6FFFF;
	_ =	strace $0x90000049  }
0xb4: {  	s29 =	simm.s32 $0x9;
	_ =	strace $0x8000004B  }
0xb5: {  	_ =	swait.ge [sflag:s29], $0x1  }
0xb6: {  	[sflag:s29] =	ssyncadd.s32 $0xFFFFFFFF  }
0xb7: {  	_ =	strace $0x9000004B  }
0xb8: {  	_ =	sfence  }
0xb9: {  	s30 =	sld [smem:$0x0];
	_ =	sdelay $0x2  }
0xba: {  	s31 =	sshll.u32 s1, $0xD;
	s1 =	sshrl.u32 s1, $0x2  }
0xbb: {  	s3 =	sand.u32 $0x4000, s31;
	s1 =	sadd.s32 s1, s30  }
0xbc: {  	s0 =	sor.u32 s3, s0;
	s1 =	sshll.u32 s1, $0x11  }
0xbd: {  	s0 =	sor.u32 s1, s0  }
0xbe: {  	s0 =	sadd.s32 $0x8F2B, s0  }
0xbf: {  	[sflag:s0] =	ssyncadd.remote.s32 $0x1  }
0xc0: {  	_ =	sfence.sel $0xFFFF  }
0xc1: {  	[dreg:$0x0] =	wrdreg $0xFFFFFFFF;
	(pc) =	sbr.abs _section_cstart, $3  }
0xc2: {  	[dreg:$0x1] =	wrdreg $0xFFFFFFFF  }
0xc3: {  	_ =	task.clear_ibuf [dreg:s8], $0x2FFFF;
	_ =	strace $0x9FFFFFFF  }
0xc4: {  	(tm) =	ssettm $0x7FFFFFFF  }
0xc5: {  	_ =	shalt  }
tec
execute0_lowered:
.L_overlay_start_1:
0x0: {  	(tag) =	ssettag $0x1  }
0x1: {  	s0 =	rddreg [dreg:$0x0]  }
0x2: {  	s1 =	rddreg [dreg:$0x1]  }
0x3: {  	s7 =	rddreg [dreg:$0x2]  }
0x4: {  	s2 =	srdreg.scid;
	s3 =	stileid.u32  }
0x5: {  	s4 =	simm.s32 $0x0;
	s11 =	simm.s32 $0x0;
	s13 =	simm.s32 $0x80;
	v0 =	vimm.s32 $0x183;
	vm0 =	vcmask $0x300  }
0x6: {  	s15 =	simm.s32 $0x4000;
	vm14 =	vcmask $0x704;
	s8 =	simm.s32 $0x1D00;
	s9 =	simm.s32 $0xA800;
	v0 =	vsel vm0, $0x0, v0  }
0x7: {  	vm15 =	vcmask $0xB08;
	s10 =	simm.s32 $0x1D80;
	s12 =	simm.s32 $0xAC00;
	s14 =	simm.s32 $0x1E00;
	v0 =	vsel vm14, $0x80, v0  }
0x8: {  	vm4 =	vcmask $0xF0C;
	s16 =	simm.s32 $0xB000;
	s17 =	simm.s32 $0x1E80;
	s18 =	simm.s32 $0xB400;
	v0 =	vsel vm15, $0x100, v0  }
0x9: {  	vm5 =	vcmask $0x1310;
	vm6 =	vcmask $0x1714;
	s19 =	simm.s32 $0x1F00;
	s20 =	simm.s32 $0xB800;
	s21 =	simm.s32 $0x1F80;
	v0 =	vsel vm4, $0x180, v0  }
0xa: {  	vm7 =	vcmask $0x1B18;
	vm8 =	vcmask $0x1F1C;
	s22 =	simm.s32 $0xBC00;
	s23 =	simm.s32 $0x3000;
	s24 =	simm.s32 $0x14000;
	v0 =	vsel vm5, $0x1, v0  }
0xb: {  	vm9 =	vcmask $0x2320;
	vm10 =	vcmask $0x2724;
	s2 =	sand.u32 $0x1, s2;
	s3 =	sshll.u32 s3, $0x1;
	[smem:$0x7FF] =	sst s4;
	v0 =	vsel vm6, $0x81, v0  }
0xc: {  	v4 =	vlaneseq.u32;
	vm11 =	vcmask $0x2B28;
	s4 =	sadd.s32 $0x1000, s0;
	s29 =	sadd.s32 $0x100000, s7;
	s30 =	sadd.s32 $0x200000, s7;
	v0 =	vsel vm7, $0x101, v0  }
0xd: {  	vm12 =	vcmask $0x2F2C;
	vm13 =	vcmask $0x3330;
	s31 =	sadd.s32 $0x300000, s7;
	_ =	strace $0x8000004A;
	[dreg:$0x7] =	wrdreg s29;
	v0 =	vsel vm8, $0x181, v0  }
0xe: {  	s7 =	simm.s32 $0xA400;
	s5 =	ssub.s32 $0x2, s2;
	[dreg:$0x8] =	wrdreg s30;
	vm14 =	vcmask $0x3734;
	vm15 =	vcmask $0x3B38;
	v0 =	vsel vm9, $0x2, v0  }
0xf: {  	s2 =	sor.u32 s2, s3;
	[dreg:$0x9] =	wrdreg s31;
	s3 =	simm.s32 $0x1;
	v1 =	vsel vm10, $0x82, v0;
	v0 =	vshrl.u32 v4, $0x2;
	v4 =	vand.u32 $0x3, v4  }
0x10: {  	s25 =	sshrl.u32 s5, $0x1;
	s6 =	sshll.u32 s2, $0xD;
	s28 =	sshll.u32 s2, $0xF;
	v1 =	vsel vm11, $0x102, v1;
	v11 =	vmul.u32 $0x8, v0;
	v6 =	vor.u32 $0x800, v0  }
0x11: {  	s2 =	simm.s32 $0xA000;
	s1 =	sadd.s32 s1, s6;
	[dreg:$0x6] =	wrdreg s28;
	v7 =	vor.u32 $0xC00, v0;
	v2 =	vsel vm12, $0x182, v1;
	v1 =	vor.u32 $0x400, v0  }
0x12: {  	s26 =	ssub.s32 s5, s25;
	[dreg:$0x4] =	wrdreg s1;
	s1 =	sadd.s32 $0x100, s1;
	v3 =	vsel vm13, $0x3, v2;
	v2 =	vor.u32 $0x6000, v11;
	v8 =	vor.u32 $0x8000, v11  }
0x13: {  	s6 =	simm.s32 $0x1C80;
	s0 =	smax.u32 s26, $0x1;
	[dreg:$0x5] =	wrdreg s1;
	v9 =	vor.u32 $0xE000, v11;
	v10 =	vor.u32 $0xC000, v11;
	v5 =	vsel vm14, $0x83, v3  }
0x14: {  	s25 =	simm.s32 $0x2;
	s5 =	simm.s32 $0x0;
	[dreg:$0xa] =	wrdreg s0;
	v3 =	vor.u32 $0x4000, v11;
	v11 =	vor.u32 $0xA000, v11;
	v5 =	vsel vm15, $0x103, v5  }
.LBB2_1:
0x15: {  	[dreg:$0xb] =	wrdreg s5  }
0x16: {  	s0 =	rddreg [dreg:$0x4];
	s26 =	simm.s32 $0x0  }
0x17: {  	[tilespmem:s11], [sflag:$0x3] =	stream.linear.gather [hbm4b:s0+s11], $0x800, $0x38;
	[tilespmem:$0x1C000] =	vst v63  }
.LBB2_2:
0x18: {  	s1 =	simm.s32 $0x3  }
0x19: {  	s0 =	sand.u32 $0x1, s26;
	p0 =	seq.s32 s26, $0x1F;
	_ =	swait.ge [sflag:s1], $0x800  }
0x1a: {  	s11 =	sshll.u32 @!p0 s26, $0x8;
	s28 =	simm.s32 @!p0 $0x0;
	[sflag:s1] =	ssyncset.done $0x0  }
0x1b: {  	s5 =	rddreg [dreg:$0x5];
	[sflag:s1] =	ssyncadd.s32 $0xFFFFF800;
	s1 =	sshll.u32 @!p0 s0, $0xB  }
0x1c: {  	s11 =	sadd.s32 @!p0 s11, s5;
	s5 =	simm.s32 $0x0;
	s1 =	sxor.u32 @!p0 $0x800, s1  }
0x1d: {  	[tilespmem:s1], [sflag:$0x3] =	stream.linear.gather @!p0 [hbm4b:s11+s28], $0x800, $0x38;
	[tilespmem:$0x1C000] =	vst v63  }
0x1e: {  	s28 =	sshll.u32 s0, $0xB;
	s11 =	simm.s32 $0x0;
	s1 =	sand.u32 $0x3FFFFF00, s5  }
0x1f: {  	s0 =	sand.u32 $0x70, s11;
	s1 =	sadd.s32 s1, s28  }
0x20: {  	s1 =	sadd.s32 s0, s1  }
0x21: {  	v12 =	vld [tilespmem:s1+$0x0]  }
0x22: {  	v13 =	vld [tilespmem:s1+$0x80];
	_ =	sdelay $0x3  }
0x23: {  	v12 =	vmul.f32 $5.110000000e+02, v12  }
0x24: {  	v13 =	vmul.f32 $5.110000000e+02, v13  }
0x25: {  	v12 =	vadd.f32 $5.000000000e-01, v12  }
0x26: {  	v13 =	vadd.f32 $5.000000000e-01, v13  }
0x27: {  	v14 =	vtrunc.f32 v12  }
0x28: {  	v15 =	vtrunc.f32 v13;
	v14 =	vcvt.f32.s32 v14  }
0x29: {  	v15 =	vcvt.f32.s32 v15  }
0x2a: {  	v16 =	vcvt.s32.f32 v14  }
0x2b: {  	v17 =	vcvt.s32.f32 v15  }
0x2c: {  	v15 =	vmul.u32 $0x9E3779B1, v15;
	v12 =	vsub.f32 v12, v16  }
0x2d: {  	s29 =	simm.s32 $0x3400;
	s5 =	simm.s32 $0x0;
	v63 =	vadd.s32 $0x1, v14;
	v13 =	vsub.f32 v13, v17  }
0x2e: {  	s1 =	sand.u32 $0x3FFFFF80, s5;
	v62 =	vadd.s32 $0x9E3779B1, v15;
	v18 =	vxor.u32 v63, v15;
	[tilespmem:s29+$0xFFFFFC00] =	vst v12  }
0x2f: {  	s1 =	sor.u32 s0, s1;
	v18 =	vand.u32 $0xFFFF, v18;
	v12 =	vxor.u32 v14, v62;
	[tilespmem:s29+$0x0] =	vst v13  }
0x30: {  	s30 =	simm.s32 $0x1;
	s11 =	simm.s32 $0x20;
	v13 =	vxor.u32 v63, v62;
	v14 =	vxor.u32 v14, v15;
	v12 =	vand.u32 $0xFFFF, v12;
	[tilespmem:s1+$0x1400] =	vst v18  }
0x31: {  	s31 =	simm.s32 $0x10;
	s11 =	sand.u32 $0x3FFFFF00, s11;
	s0 =	simm.s32 $0x2;
	v13 =	vand.u32 $0xFFFF, v13;
	[tilespmem:s1+$0x1800] =	vst v12;
	v12 =	vand.u32 $0xFFFF, v14  }
.LBB2_3:
0x32: {  	p0 =	sne.s32 s0, $0x3F;
	s5 =	sand.u32 $0x70, s31;
	s11 =	sadd.s32 s11, s28;
	[tilespmem:s1+$0x1C00] =	vst v13  }
0x33: {  	s11 =	sadd.s32 s5, s11;
	[tilespmem:s1+$0x1000] =	vst v12  }
0x34: {  	v12 =	vld [tilespmem:s11+$0x0]  }
0x35: {  	v13 =	vld [tilespmem:s11+$0x80];
	_ =	sdelay $0x3  }
0x36: {  	v12 =	vmul.f32 $5.110000000e+02, v12  }
0x37: {  	v13 =	vmul.f32 $5.110000000e+02, v13  }
0x38: {  	v12 =	vadd.f32 $5.000000000e-01, v12  }
0x39: {  	v13 =	vadd.f32 $5.000000000e-01, v13  }
0x3a: {  	v14 =	vtrunc.f32 v12  }
0x3b: {  	v14 =	vcvt.f32.s32 v14;
	v15 =	vtrunc.f32 v13  }
0x3c: {  	v15 =	vcvt.f32.s32 v15  }
0x3d: {  	v16 =	vcvt.s32.f32 v14;
	v17 =	vadd.s32 $0x1, v14  }
0x3e: {  	v18 =	vcvt.s32.f32 v15;
	v15 =	vmul.u32 $0x9E3779B1, v15  }
0x3f: {  	v12 =	vsub.f32 v12, v16  }
.Ltmp0:
0x40: {  	s29 =	sadd.s32 $0x10, s29;
	s1 =	sshll.u32 s30, $0x4;
	v13 =	vsub.f32 v13, v18;
	v16 =	vadd.s32 $0x9E3779B1, v15;
	v18 =	vxor.u32 v17, v15;
	(pc) =	sbr.rel @p0 .LBB2_3-.Ltmp0, $4  }
0x41: {  	s30 =	smov.u32 s0;
	s1 =	sand.u32 $0x3FFFFF80, s1;
	[tilespmem:s29+$0xFFFFFC00] =	vst v12;
	v18 =	vand.u32 $0xFFFF, v18;
	v12 =	vxor.u32 v14, v16;
	v16 =	vxor.u32 v17, v16  }
0x42: {  	s1 =	sor.u32 s5, s1;
	v14 =	vxor.u32 v14, v15;
	[tilespmem:s29+$0x0] =	vst v13;
	v15 =	vand.u32 $0xFFFF, v12;
	v13 =	vand.u32 $0xFFFF, v16  }
0x43: {  	s5 =	sshll.u32 s0, $0x5;
	v12 =	vand.u32 $0xFFFF, v14;
	[tilespmem:s1+$0x1800] =	vst v15  }
0x44: {  	s31 =	sadd.s32 $0x10, s31;
	s0 =	sadd.s32 $0x1, s0;
	s11 =	sand.u32 $0x3FFFFF00, s5;
	[tilespmem:s1+$0x1400] =	vst v18  }
0x45: {  	s0 =	sand.u32 $0x70, s31;
	s5 =	sadd.s32 s11, s28;
	[tilespmem:s1+$0x1C00] =	vst v13  }
0x46: {  	[tilespmem:s1+$0x1000] =	vst v12;
	s5 =	sadd.s32 s0, s5  }
0x47: {  	v12 =	vld [tilespmem:s5+$0x0]  }
0x48: {  	v13 =	vld [tilespmem:s5+$0x80];
	_ =	sdelay $0x3  }
0x49: {  	v12 =	vmul.f32 $5.110000000e+02, v12  }
0x4a: {  	v13 =	vmul.f32 $5.110000000e+02, v13  }
0x4b: {  	v12 =	vadd.f32 $5.000000000e-01, v12  }
0x4c: {  	v13 =	vadd.f32 $5.000000000e-01, v13  }
0x4d: {  	v14 =	vtrunc.f32 v12  }
0x4e: {  	v15 =	vtrunc.f32 v13;
	v14 =	vcvt.f32.s32 v14  }
0x4f: {  	v15 =	vcvt.f32.s32 v15  }
0x50: {  	v16 =	vcvt.s32.f32 v14  }
0x51: {  	v17 =	vcvt.s32.f32 v15  }
0x52: {  	v15 =	vmul.u32 $0x9E3779B1, v15;
	v12 =	vsub.f32 v12, v16  }
0x53: {  	s11 =	sadd.s32 $0x10, s29;
	s5 =	sshll.u32 s30, $0x4;
	v59 =	vadd.s32 $0x1, v14;
	v13 =	vsub.f32 v13, v17  }
0x54: {  	s1 =	sand.u32 $0x3FFFFF80, s5;
	v58 =	vadd.s32 $0x9E3779B1, v15;
	v18 =	vxor.u32 v59, v15;
	[tilespmem:s11+$0xFFFFFC00] =	vst v12  }
0x55: {  	s0 =	sor.u32 s0, s1;
	v12 =	vxor.u32 v14, v58;
	[tilespmem:s11+$0x0] =	vst v13;
	v13 =	vand.u32 $0xFFFF, v18  }
0x56: {  	v16 =	vxor.u32 v59, v58;
	v12 =	vand.u32 $0xFFFF, v12;
	[tilespmem:s0+$0x1400] =	vst v13  }
0x57: {  	[tilespmem:s0+$0x1800] =	vst v12;
	v12 =	vxor.u32 v14, v15;
	v14 =	vand.u32 $0xFFFF, v16  }
0x58: {  	v12 =	vand.u32 $0xFFFF, v12;
	[tilespmem:s0+$0x1C00] =	vst v14  }
0x59: {  	s1 =	simm.s32 $0x1000;
	[tilespmem:s0+$0x1000] =	vst v12  }
0x5a: {  	[tilespmem:s15], [sflag:$0x1] =	stream.indirect.gather [hbm4b:s4+s13], $0x8, s1, s13, $0xb8;
	[tilespmem:$0x1C000] =	vst v63  }
0x5b: {  	s5 =	simm.s32 $0x1080;
	s11 =	simm.s32 $0x4400  }
0x5c: {  	[tilespmem:s11], [sflag:$0x1] =	stream.indirect.gather [hbm4b:s4+s13], $0x8, s5, s13, $0xb8;
	[tilespmem:$0x1C000] =	vst v63  }
0x5d: {  	s5 =	simm.s32 $0x1100;
	s11 =	simm.s32 $0x4800  }
0x5e: {  	[tilespmem:s11], [sflag:$0x1] =	stream.indirect.gather [hbm4b:s4+s13], $0x8, s5, s13, $0xb8;
	[tilespmem:$0x1C000] =	vst v63  }
0x5f: {  	s5 =	simm.s32 $0x1180;
	s11 =	simm.s32 $0x4C00  }
0x60: {  	[tilespmem:s11], [sflag:$0x1] =	stream.indirect.gather [hbm4b:s4+s13], $0x8, s5, s13, $0xb8;
	[tilespmem:$0x1C000] =	vst v63  }
0x61: {  	s5 =	simm.s32 $0x1200;
	s11 =	simm.s32 $0x5000  }
0x62: {  	[tilespmem:s11], [sflag:$0x1] =	stream.indirect.gather [hbm4b:s4+s13], $0x8, s5, s13, $0xb8;
	[tilespmem:$0x1C000] =	vst v63  }
0x63: {  	s5 =	simm.s32 $0x1280;
	s11 =	simm.s32 $0x5400  }
0x64: {  	[tilespmem:s11], [sflag:$0x1] =	stream.indirect.gather [hbm4b:s4+s13], $0x8, s5, s13, $0xb8;
	[tilespmem:$0x1C000] =	vst v63  }
0x65: {  	s5 =	simm.s32 $0x1300;
	s11 =	simm.s32 $0x5800  }
0x66: {  	[tilespmem:s11], [sflag:$0x1] =	stream.indirect.gather [hbm4b:s4+s13], $0x8, s5, s13, $0xb8;
	[tilespmem:$0x1C000] =	vst v63  }
0x67: {  	s5 =	simm.s32 $0x1380;
	s11 =	simm.s32 $0x5C00  }
0x68: {  	[tilespmem:s11], [sflag:$0x1] =	stream.indirect.gather [hbm4b:s4+s13], $0x8, s5, s13, $0xb8;
	[tilespmem:$0x1C000] =	vst v63  }
0x69: {  	s5 =	simm.s32 $0x1400;
	s11 =	simm.s32 $0x6000  }
0x6a: {  	[tilespmem:s11], [sflag:$0x1] =	stream.indirect.gather [hbm4b:s4+s13], $0x8, s5, s13, $0xb8;
	[tilespmem:$0x1C000] =	vst v63  }
0x6b: {  	s5 =	simm.s32 $0x1480;
	s11 =	simm.s32 $0x6400  }
0x6c: {  	[tilespmem:s11], [sflag:$0x1] =	stream.indirect.gather [hbm4b:s4+s13], $0x8, s5, s13, $0xb8;
	[tilespmem:$0x1C000] =	vst v63  }
0x6d: {  	s5 =	simm.s32 $0x1500;
	s11 =	simm.s32 $0x6800  }
0x6e: {  	[tilespmem:s11], [sflag:$0x1] =	stream.indirect.gather [hbm4b:s4+s13], $0x8, s5, s13, $0xb8;
	[tilespmem:$0x1C000] =	vst v63  }
0x6f: {  	s5 =	simm.s32 $0x1580;
	s11 =	simm.s32 $0x6C00  }
0x70: {  	[tilespmem:s11], [sflag:$0x1] =	stream.indirect.gather [hbm4b:s4+s13], $0x8, s5, s13, $0xb8;
	[tilespmem:$0x1C000] =	vst v63  }
0x71: {  	s5 =	simm.s32 $0x1600;
	s11 =	simm.s32 $0x7000  }
0x72: {  	[tilespmem:s11], [sflag:$0x1] =	stream.indirect.gather [hbm4b:s4+s13], $0x8, s5, s13, $0xb8;
	[tilespmem:$0x1C000] =	vst v63  }
0x73: {  	s5 =	simm.s32 $0x1680;
	s11 =	simm.s32 $0x7400  }
0x74: {  	[tilespmem:s11], [sflag:$0x1] =	stream.indirect.gather [hbm4b:s4+s13], $0x8, s5, s13, $0xb8;
	[tilespmem:$0x1C000] =	vst v63  }
0x75: {  	s5 =	simm.s32 $0x1700;
	s11 =	simm.s32 $0x7800  }
0x76: {  	[tilespmem:s11], [sflag:$0x1] =	stream.indirect.gather [hbm4b:s4+s13], $0x8, s5, s13, $0xb8;
	[tilespmem:$0x1C000] =	vst v63  }
0x77: {  	s5 =	simm.s32 $0x1780;
	s11 =	simm.s32 $0x7C00  }
0x78: {  	[tilespmem:s11], [sflag:$0x1] =	stream.indirect.gather [hbm4b:s4+s13], $0x8, s5, s13, $0xb8;
	[tilespmem:$0x1C000] =	vst v63  }
0x79: {  	s5 =	simm.s32 $0x1800;
	s11 =	simm.s32 $0x8000  }
0x7a: {  	[tilespmem:s11], [sflag:$0x1] =	stream.indirect.gather [hbm4b:s4+s13], $0x8, s5, s13, $0xb8;
	[tilespmem:$0x1C000] =	vst v63  }
0x7b: {  	s5 =	simm.s32 $0x1880;
	s11 =	simm.s32 $0x8400  }
0x7c: {  	[tilespmem:s11], [sflag:$0x1] =	stream.indirect.gather [hbm4b:s4+s13], $0x8, s5, s13, $0xb8;
	[tilespmem:$0x1C000] =	vst v63  }
0x7d: {  	s5 =	simm.s32 $0x1900;
	s11 =	simm.s32 $0x8800  }
0x7e: {  	[tilespmem:s11], [sflag:$0x1] =	stream.indirect.gather [hbm4b:s4+s13], $0x8, s5, s13, $0xb8;
	[tilespmem:$0x1C000] =	vst v63  }
0x7f: {  	s5 =	simm.s32 $0x1980;
	s11 =	simm.s32 $0x8C00  }
0x80: {  	[tilespmem:s11], [sflag:$0x1] =	stream.indirect.gather [hbm4b:s4+s13], $0x8, s5, s13, $0xb8;
	[tilespmem:$0x1C000] =	vst v63  }
0x81: {  	s5 =	simm.s32 $0x1A00;
	s11 =	simm.s32 $0x9000  }
0x82: {  	[tilespmem:s11], [sflag:$0x1] =	stream.indirect.gather [hbm4b:s4+s13], $0x8, s5, s13, $0xb8;
	[tilespmem:$0x1C000] =	vst v63  }
0x83: {  	s5 =	simm.s32 $0x1A80;
	s11 =	simm.s32 $0x9400  }
0x84: {  	[tilespmem:s11], [sflag:$0x1] =	stream.indirect.gather [hbm4b:s4+s13], $0x8, s5, s13, $0xb8;
	[tilespmem:$0x1C000] =	vst v63  }
0x85: {  	s5 =	simm.s32 $0x1B00;
	s11 =	simm.s32 $0x9800  }
0x86: {  	[tilespmem:s11], [sflag:$0x1] =	stream.indirect.gather [hbm4b:s4+s13], $0x8, s5, s13, $0xb8;
	[tilespmem:$0x1C000] =	vst v63  }
0x87: {  	s5 =	simm.s32 $0x1B80;
	s11 =	simm.s32 $0x9C00  }
0x88: {  	[tilespmem:s11], [sflag:$0x1] =	stream.indirect.gather [hbm4b:s4+s13], $0x8, s5, s13, $0xb8;
	[tilespmem:$0x1C000] =	vst v63  }
0x89: {  	s1 =	simm.s32 $0x1C00  }
0x8a: {  	[tilespmem:s2], [sflag:$0x1] =	stream.indirect.gather [hbm4b:s4+s13], $0x8, s1, s13, $0xb8;
	[tilespmem:$0x1C000] =	vst v63  }
0x8b: {  	_ = 	snop  }
0x8c: {  	[tilespmem:s7], [sflag:$0x1] =	stream.indirect.gather [hbm4b:s4+s13], $0x8, s6, s13, $0xb8;
	[tilespmem:$0x1C000] =	vst v63  }
0x8d: {  	_ = 	snop  }
0x8e: {  	[tilespmem:s9], [sflag:$0x1] =	stream.indirect.gather [hbm4b:s4+s13], $0x8, s8, s13, $0xb8;
	[tilespmem:$0x1C000] =	vst v63  }
0x8f: {  	_ = 	snop  }
0x90: {  	[tilespmem:s12], [sflag:$0x1] =	stream.indirect.gather [hbm4b:s4+s13], $0x8, s10, s13, $0xb8;
	[tilespmem:$0x1C000] =	vst v63  }
0x91: {  	s5 =	simm.s32 $0x0  }
0x92: {  	[tilespmem:s16], [sflag:$0x1] =	stream.indirect.gather [hbm4b:s4+s13], $0x8, s14, s13, $0xb8;
	[tilespmem:$0x1C000] =	vst v63  }
0x93: {  	s11 =	simm.s32 $0x0;
	s0 =	sand.u32 $0x3FFFFF00, s5  }
0x94: {  	[tilespmem:s18], [sflag:$0x1] =	stream.indirect.gather [hbm4b:s4+s13], $0x8, s17, s13, $0xb8;
	[tilespmem:$0x1C000] =	vst v63  }
0x95: {  	s1 =	sand.u32 $0x70, s11;
	s0 =	sadd.s32 s0, s28  }
0x96: {  	[tilespmem:s20], [sflag:$0x1] =	stream.indirect.gather [hbm4b:s4+s13], $0x8, s19, s13, $0xb8;
	[tilespmem:$0x1C000] =	vst v63  }
0x97: {  	s0 =	sadd.s32 s1, s0  }
0x98: {  	[tilespmem:s22], [sflag:$0x1] =	stream.indirect.gather [hbm4b:s4+s13], $0x8, s21, s13, $0xb8;
	[tilespmem:$0x1C000] =	vst v63  }
0x99: {  	v12 =	vld [tilespmem:s0+$0x0]  }
0x9a: {  	v13 =	vld [tilespmem:s0+$0x80];
	_ =	sdelay $0x4  }
0x9b: {  	v12 =	vmul.f32 $9.264610590e+02, v12;
	v13 =	vmul.f32 $9.264610590e+02, v13;
	_ =	sdelay $0x1  }
0x9c: {  	v12 =	vadd.f32 $5.000000000e-01, v12;
	v13 =	vadd.f32 $5.000000000e-01, v13;
	_ =	sdelay $0x1  }
0x9d: {  	v14 =	vtrunc.f32 v12;
	v15 =	vtrunc.f32 v13  }
0x9e: {  	v14 =	vcvt.f32.s32 v14;
	v15 =	vcvt.f32.s32 v15;
	_ =	sdelay $0x1  }
0x9f: {  	v60 =	vcvt.s32.f32 v14;
	v61 =	vmul.u32 $0x9E3779B1, v15  }
0xa0: {  	v15 =	vcvt.s32.f32 v15  }
0xa1: {  	v62 =	vadd.s32 $0x1, v14;
	v12 =	vsub.f32 v12, v60;
	v63 =	vadd.s32 $0x9E3779B1, v61  }
0xa2: {  	s29 =	simm.s32 $0x3C00;
	s5 =	simm.s32 $0x0;
	v19 =	vxor.u32 v62, v61;
	v13 =	vsub.f32 v13, v15;
	v15 =	vxor.u32 v14, v63  }
0xa3: {  	s0 =	sand.u32 $0x3FFFFF80, s5;
	v19 =	vand.u32 $0xFFFF, v19;
	[tilespmem:s29+$0xFFFFFC00] =	vst v12;
	v12 =	vand.u32 $0xFFFF, v15  }
0xa4: {  	s1 =	sor.u32 s1, s0;
	v15 =	vxor.u32 v62, v63;
	[tilespmem:s29+$0x0] =	vst v13;
	v13 =	vxor.u32 v14, v61;
	v14 =	vor.u32 $0x10000, v19  }
0xa5: {  	s31 =	simm.s32 $0x2;
	s11 =	simm.s32 $0x20;
	v12 =	vor.u32 $0x10000, v12;
	v15 =	vand.u32 $0xFFFF, v15;
	v13 =	vand.u32 $0xFFFF, v13;
	[tilespmem:s1+$0x2400] =	vst v14  }
0xa6: {  	s30 =	simm.s32 $0x1;
	s11 =	sand.u32 $0x3FFFFF00, s11;
	s0 =	simm.s32 $0x10;
	[tilespmem:s1+$0x2800] =	vst v12;
	v12 =	vor.u32 $0x10000, v15;
	v13 =	vor.u32 $0x10000, v13  }
.LBB2_5:
0xa7: {  	p0 =	sne.s32 s31, $0x3F;
	s5 =	sand.u32 $0x70, s0;
	s11 =	sadd.s32 s11, s28;
	[tilespmem:s1+$0x2C00] =	vst v12  }
0xa8: {  	s11 =	sadd.s32 s5, s11;
	[tilespmem:s1+$0x2000] =	vst v13  }
0xa9: {  	v12 =	vld [tilespmem:s11+$0x0]  }
0xaa: {  	v13 =	vld [tilespmem:s11+$0x80];
	_ =	sdelay $0x4  }
0xab: {  	v12 =	vmul.f32 $9.264610590e+02, v12;
	v13 =	vmul.f32 $9.264610590e+02, v13;
	_ =	sdelay $0x1  }
0xac: {  	v12 =	vadd.f32 $5.000000000e-01, v12;
	v13 =	vadd.f32 $5.000000000e-01, v13;
	_ =	sdelay $0x1  }
0xad: {  	v14 =	vtrunc.f32 v12;
	v15 =	vtrunc.f32 v13  }
0xae: {  	v14 =	vcvt.f32.s32 v14;
	v15 =	vcvt.f32.s32 v15;
	_ =	sdelay $0x1  }
0xaf: {  	v16 =	vcvt.s32.f32 v14;
	v18 =	vadd.s32 $0x1, v14;
	v17 =	vmul.u32 $0x9E3779B1, v15  }
0xb0: {  	v15 =	vcvt.s32.f32 v15  }
0xb1: {  	v12 =	vsub.f32 v12, v16;
	v16 =	vadd.s32 $0x9E3779B1, v17;
	v19 =	vxor.u32 v18, v17  }
.Ltmp1:
0xb2: {  	s29 =	sadd.s32 $0x10, s29;
	s1 =	sshll.u32 s30, $0x4;
	v13 =	vsub.f32 v13, v15;
	v15 =	vand.u32 $0xFFFF, v19;
	v19 =	vxor.u32 v14, v16;
	(pc) =	sbr.rel @p0 .LBB2_5-.Ltmp1, $4  }
0xb3: {  	s30 =	smov.u32 s31;
	s1 =	sand.u32 $0x3FFFFF80, s1;
	v16 =	vxor.u32 v18, v16;
	[tilespmem:s29+$0xFFFFFC00] =	vst v12;
	v15 =	vor.u32 $0x10000, v15;
	v12 =	vand.u32 $0xFFFF, v19  }
0xb4: {  	s1 =	sor.u32 s5, s1;
	[tilespmem:s29+$0x0] =	vst v13;
	v13 =	vxor.u32 v14, v17;
	v12 =	vor.u32 $0x10000, v12;
	v14 =	vand.u32 $0xFFFF, v16  }
0xb5: {  	s5 =	sshll.u32 s31, $0x5;
	v13 =	vand.u32 $0xFFFF, v13;
	[tilespmem:s1+$0x2800] =	vst v12;
	v12 =	vor.u32 $0x10000, v14  }
0xb6: {  	s0 =	sadd.s32 $0x10, s0;
	s31 =	sadd.s32 $0x1, s31;
	s11 =	sand.u32 $0x3FFFFF00, s5;
	v13 =	vor.u32 $0x10000, v13;
	[tilespmem:s1+$0x2400] =	vst v15  }
0xb7: {  	s0 =	sand.u32 $0x70, s0;
	s5 =	sadd.s32 s11, s28;
	[tilespmem:s1+$0x2C00] =	vst v12  }
0xb8: {  	[tilespmem:s1+$0x2000] =	vst v13;
	s5 =	sadd.s32 s0, s5  }
0xb9: {  	v12 =	vld [tilespmem:s5+$0x0]  }
0xba: {  	v13 =	vld [tilespmem:s5+$0x80];
	_ =	sdelay $0x3  }
0xbb: {  	v12 =	vmul.f32 $9.264610590e+02, v12  }
0xbc: {  	v13 =	vmul.f32 $9.264610590e+02, v13  }
0xbd: {  	v12 =	vadd.f32 $5.000000000e-01, v12  }
0xbe: {  	v13 =	vadd.f32 $5.000000000e-01, v13  }
0xbf: {  	v14 =	vtrunc.f32 v12  }
0xc0: {  	v15 =	vtrunc.f32 v13;
	v14 =	vcvt.f32.s32 v14  }
0xc1: {  	v15 =	vcvt.f32.s32 v15  }
0xc2: {  	v16 =	vcvt.s32.f32 v14  }
0xc3: {  	v17 =	vmul.u32 $0x9E3779B1, v15;
	v15 =	vcvt.s32.f32 v15  }
0xc4: {  	v18 =	vadd.s32 $0x1, v14;
	v12 =	vsub.f32 v12, v16  }
0xc5: {  	s11 =	sshll.u32 s30, $0x4;
	s30 =	sadd.s32 $0x10, s29;
	v56 =	vadd.s32 $0x9E3779B1, v17;
	v13 =	vsub.f32 v13, v15;
	v19 =	vxor.u32 v18, v17  }
0xc6: {  	s1 =	sand.u32 $0x3FFFFF80, s11;
	v57 =	vxor.u32 v14, v56;
	v59 =	vand.u32 $0xFFFF, v19;
	[tilespmem:s30+$0xFFFFFC00] =	vst v12  }
0xc7: {  	s0 =	sor.u32 s0, s1;
	v16 =	vxor.u32 v18, v56;
	v58 =	vand.u32 $0xFFFF, v57;
	[tilespmem:s30+$0x0] =	vst v13;
	v60 =	vor.u32 $0x10000, v59  }
0xc8: {  	v14 =	vxor.u32 v14, v17;
	v61 =	vand.u32 $0xFFFF, v16;
	v12 =	vor.u32 $0x10000, v58;
	[tilespmem:s0+$0x2400] =	vst v60  }
0xc9: {  	v62 =	vand.u32 $0xFFFF, v14;
	v63 =	vor.u32 $0x10000, v61;
	[tilespmem:s0+$0x2800] =	vst v12  }
0xca: {  	v12 =	vor.u32 $0x10000, v62;
	[tilespmem:s0+$0x2C00] =	vst v63  }
0xcb: {  	s31 =	simm.s32 $0x2000;
	s1 =	simm.s32 $0x200;
	[tilespmem:s0+$0x2000] =	vst v12;
	s0 =	simm.s32 $0xC000  }
0xcc: {  	[tilespmem:s0], [sflag:$0x2] =	stream.indirect.gather [hbm4b:s4+s13], $0x8, s31, s13, $0xb8;
	[tilespmem:$0x1C000] =	vst v63  }
.LBB2_7:
0xcd: {  	p0 =	sne.s32 s1, $0x3E00  }
.Ltmp2:
0xce: {  	_ = 	snop;
	(pc) =	sbr.rel @p0 .LBB2_7-.Ltmp2, $4  }
0xcf: {  	_ = 	snop  }
0xd0: {  	s5 =	sshra.s32 s1, $0x2;
	s1 =	sadd.s32 $0x200, s1  }
0xd1: {  	s0 =	sadd.s32 $0x400, s0;
	s5 =	sadd.s32 $0x2000, s5  }
0xd2: {  	[tilespmem:s0], [sflag:$0x2] =	stream.indirect.gather [hbm4b:s4+s13], $0x8, s5, s13, $0xb8;
	[tilespmem:$0x1C000] =	vst v63  }
0xd3: {  	p0 =	seq.s32 s26, $0x0  }
0xd4: {  	s0 =	simm.s32 @!p0 $0x4  }
0xd5: {  	_ =	swait.ge @!p0 [sflag:s0], $0x2000  }
0xd6: {  	[sflag:s0] =	ssyncset.done @!p0 $0x0  }
0xd7: {  	[sflag:s0] =	ssyncadd.s32 @!p0 $0xFFFFE000  }
0xd8: {  	_ =	swait.ge @!p0 [sflag:s0], $0x2000  }
0xd9: {  	[sflag:s0] =	ssyncset.done @!p0 $0x0  }
0xda: {  	[sflag:s0] =	ssyncadd.s32 @!p0 $0xFFFFE000  }
0xdb: {  	_ =	swait.ge @!p0 [sflag:s0], $0x2000  }
0xdc: {  	[sflag:s0] =	ssyncset.done @!p0 $0x0  }
0xdd: {  	[sflag:s0] =	ssyncadd.s32 @!p0 $0xFFFFE000  }
0xde: {  	_ =	swait.ge @!p0 [sflag:s0], $0x2000  }
0xdf: {  	[sflag:s0] =	ssyncset.done @!p0 $0x0  }
0xe0: {  	[sflag:s0] =	ssyncadd.s32 @!p0 $0xFFFFE000  }
0xe1: {  	_ =	swait.ge [sflag:s3], $0x400  }
0xe2: {  	[sflag:s3] =	ssyncset.done $0x0  }
0xe3: {  	[sflag:s3] =	ssyncadd.s32 $0xFFFFFC00  }
0xe4: {  	_ =	swait.ge [sflag:s3], $0x400  }
0xe5: {  	[sflag:s3] =	ssyncset.done $0x0  }
0xe6: {  	[sflag:s3] =	ssyncadd.s32 $0xFFFFFC00  }
0xe7: {  	_ =	swait.ge [sflag:s3], $0x400  }
0xe8: {  	[sflag:s3] =	ssyncset.done $0x0  }
0xe9: {  	[sflag:s3] =	ssyncadd.s32 $0xFFFFFC00  }
0xea: {  	_ =	swait.ge [sflag:s3], $0x400  }
0xeb: {  	[sflag:s3] =	ssyncset.done $0x0  }
0xec: {  	[sflag:s3] =	ssyncadd.s32 $0xFFFFFC00  }
0xed: {  	_ =	swait.ge [sflag:s3], $0x400  }
0xee: {  	[sflag:s3] =	ssyncset.done $0x0  }
0xef: {  	[sflag:s3] =	ssyncadd.s32 $0xFFFFFC00  }
0xf0: {  	_ =	swait.ge [sflag:s3], $0x400  }
0xf1: {  	[sflag:s3] =	ssyncset.done $0x0  }
0xf2: {  	[sflag:s3] =	ssyncadd.s32 $0xFFFFFC00  }
0xf3: {  	_ =	swait.ge [sflag:s3], $0x400  }
0xf4: {  	[sflag:s3] =	ssyncset.done $0x0  }
0xf5: {  	[sflag:s3] =	ssyncadd.s32 $0xFFFFFC00  }
0xf6: {  	_ =	swait.ge [sflag:s3], $0x400  }
0xf7: {  	[sflag:s3] =	ssyncset.done $0x0  }
0xf8: {  	[sflag:s3] =	ssyncadd.s32 $0xFFFFFC00  }
0xf9: {  	_ =	swait.ge [sflag:s3], $0x400  }
0xfa: {  	[sflag:s3] =	ssyncset.done $0x0  }
0xfb: {  	[sflag:s3] =	ssyncadd.s32 $0xFFFFFC00  }
0xfc: {  	_ =	swait.ge [sflag:s3], $0x400  }
0xfd: {  	[sflag:s3] =	ssyncset.done $0x0  }
0xfe: {  	[sflag:s3] =	ssyncadd.s32 $0xFFFFFC00  }
0xff: {  	_ =	swait.ge [sflag:s3], $0x400  }
0x100: {  	[sflag:s3] =	ssyncset.done $0x0  }
0x101: {  	[sflag:s3] =	ssyncadd.s32 $0xFFFFFC00  }
0x102: {  	_ =	swait.ge [sflag:s3], $0x400  }
0x103: {  	[sflag:s3] =	ssyncset.done $0x0  }
0x104: {  	[sflag:s3] =	ssyncadd.s32 $0xFFFFFC00  }
0x105: {  	_ =	swait.ge [sflag:s3], $0x400  }
0x106: {  	[sflag:s3] =	ssyncset.done $0x0  }
0x107: {  	[sflag:s3] =	ssyncadd.s32 $0xFFFFFC00  }
0x108: {  	_ =	swait.ge [sflag:s3], $0x400  }
0x109: {  	[sflag:s3] =	ssyncset.done $0x0  }
0x10a: {  	[sflag:s3] =	ssyncadd.s32 $0xFFFFFC00  }
0x10b: {  	_ =	swait.ge [sflag:s3], $0x400  }
0x10c: {  	[sflag:s3] =	ssyncset.done $0x0  }
0x10d: {  	[sflag:s3] =	ssyncadd.s32 $0xFFFFFC00  }
0x10e: {  	_ =	swait.ge [sflag:s3], $0x400  }
0x10f: {  	[sflag:s3] =	ssyncset.done $0x0  }
0x110: {  	[sflag:s3] =	ssyncadd.s32 $0xFFFFFC00  }
0x111: {  	_ =	swait.ge [sflag:s3], $0x400  }
0x112: {  	[sflag:s3] =	ssyncset.done $0x0  }
0x113: {  	[sflag:s3] =	ssyncadd.s32 $0xFFFFFC00  }
0x114: {  	_ =	swait.ge [sflag:s3], $0x400  }
0x115: {  	[sflag:s3] =	ssyncset.done $0x0  }
0x116: {  	[sflag:s3] =	ssyncadd.s32 $0xFFFFFC00  }
0x117: {  	_ =	swait.ge [sflag:s3], $0x400  }
0x118: {  	[sflag:s3] =	ssyncset.done $0x0  }
0x119: {  	[sflag:s3] =	ssyncadd.s32 $0xFFFFFC00  }
0x11a: {  	_ =	swait.ge [sflag:s3], $0x400  }
0x11b: {  	[sflag:s3] =	ssyncset.done $0x0  }
0x11c: {  	[sflag:s3] =	ssyncadd.s32 $0xFFFFFC00  }
0x11d: {  	_ =	swait.ge [sflag:s3], $0x400  }
0x11e: {  	[sflag:s3] =	ssyncset.done $0x0  }
0x11f: {  	[sflag:s3] =	ssyncadd.s32 $0xFFFFFC00  }
0x120: {  	_ =	swait.ge [sflag:s3], $0x400  }
0x121: {  	[sflag:s3] =	ssyncset.done $0x0  }
0x122: {  	[sflag:s3] =	ssyncadd.s32 $0xFFFFFC00  }
0x123: {  	_ =	swait.ge [sflag:s3], $0x400  }
0x124: {  	[sflag:s3] =	ssyncset.done $0x0  }
0x125: {  	[sflag:s3] =	ssyncadd.s32 $0xFFFFFC00  }
0x126: {  	_ =	swait.ge [sflag:s3], $0x400  }
0x127: {  	[sflag:s3] =	ssyncset.done $0x0  }
0x128: {  	[sflag:s3] =	ssyncadd.s32 $0xFFFFFC00  }
0x129: {  	_ =	swait.ge [sflag:s3], $0x400  }
0x12a: {  	[sflag:s3] =	ssyncset.done $0x0  }
0x12b: {  	[sflag:s3] =	ssyncadd.s32 $0xFFFFFC00  }
0x12c: {  	_ =	swait.ge [sflag:s3], $0x400  }
0x12d: {  	[sflag:s3] =	ssyncset.done $0x0  }
0x12e: {  	[sflag:s3] =	ssyncadd.s32 $0xFFFFFC00  }
0x12f: {  	_ =	swait.ge [sflag:s3], $0x400  }
0x130: {  	[sflag:s3] =	ssyncset.done $0x0  }
0x131: {  	[sflag:s3] =	ssyncadd.s32 $0xFFFFFC00  }
0x132: {  	_ =	swait.ge [sflag:s3], $0x400  }
0x133: {  	[sflag:s3] =	ssyncset.done $0x0  }
0x134: {  	[sflag:s3] =	ssyncadd.s32 $0xFFFFFC00  }
0x135: {  	_ =	swait.ge [sflag:s3], $0x400  }
0x136: {  	[sflag:s3] =	ssyncset.done $0x0  }
0x137: {  	[sflag:s3] =	ssyncadd.s32 $0xFFFFFC00  }
0x138: {  	_ =	swait.ge [sflag:s3], $0x400  }
0x139: {  	s29 =	simm.s32 $0x0;
	[sflag:s3] =	ssyncset.done $0x0  }
0x13a: {  	v12 =	vor.u32 s29, v0;
	[sflag:s3] =	ssyncadd.s32 $0xFFFFFC00  }
0x13b: {  	v13 =	vshll.u32 v12, $0x3;
	_ =	swait.ge [sflag:s3], $0x400  }
0x13c: {  	v14 =	vor.u32 s29, v1;
	v15 =	vmov s29;
	v13 =	vor.u32 v4, v13;
	[sflag:s3] =	ssyncset.done $0x0  }
0x13d: {  	v16 =	vshll.u32 v14, $0x3;
	v15 =	vshll.u32 v15, $0x3;
	[sflag:s3] =	ssyncadd.s32 $0xFFFFFC00  }
0x13e: {  	v16 =	vor.u32 v4, v16;
	v17 =	vadd.s32 v3, v15;
	v15 =	vadd.s32 v2, v15;
	_ =	swait.ge [sflag:s3], $0x400  }
0x13f: {  	v15 =	vor.u32 v4, v15;
	[sflag:s3] =	ssyncset.done $0x0  }
0x140: {  	v17 =	vor.u32 v4, v17;
	[sflag:s3] =	ssyncadd.s32 $0xFFFFFC00  }
0x141: {  	v13 =	vld.idx.msk [tilespmem:v13+s15+$0x0], $0xffff  }
0x142: {  	v12 =	vld.idx.msk [tilespmem:v12+s23+$0x0], $0xffff  }
0x143: {  	v16 =	vld.idx.msk [tilespmem:v16+s15+$0x0], $0xffff  }
0x144: {  	v15 =	vld.idx.msk [tilespmem:v15+s15+$0x0], $0xffff  }
0x145: {  	v17 =	vld.idx.msk [tilespmem:v17+s15+$0x0], $0xffff  }
0x146: {  	v18 =	vld.idx.msk [tilespmem:v14+s23+$0x0], $0xffff;
	_ =	sdelay $0x1  }
0x147: {  	v14 =	vsub.f32 $1.000000000e+00, v12  }
0x148: {  	v16 =	vmul.f32 v16, v12;
	v15 =	vmul.f32 v15, v12  }
0x149: {  	s30 =	simm.s32 $0x4;
	v19 =	vmul.f32 v13, v14;
	v14 =	vmul.f32 v17, v14  }
0x14a: {  	s11 =	sand.u32 $0x1C00, s29;
	s1 =	sand.u32 $0x7C, s29;
	v20 =	vmov s30;
	v17 =	vsub.f32 $1.000000000e+00, v18  }
0x14b: {  	s0 =	sor.u32 s1, s11;
	v13 =	vor.u32 s30, v0;
	v16 =	vadd.f32 v16, v19;
	v19 =	vadd.f32 v15, v14  }
0x14c: {  	v12 =	vor.u32 s30, v1;
	v15 =	vshll.u32 v13, $0x3;
	v14 =	vor.u32 s0, v5  }
0x14d: {  	v15 =	vor.u32 v4, v15;
	v16 =	vmul.f32 v16, v17;
	v18 =	vmul.f32 v19, v18  }
0x14e: {  	s31 =	simm.s32 $0x0;
	s0 =	simm.s32 $0x8;
	v19 =	vshll.u32 v12, $0x3;
	v17 =	vshll.u32 v20, $0x3  }
.LBB2_9:
0x14f: {  	p0 =	sne.s32 s0, $0x3FC;
	v19 =	vor.u32 v4, v19;
	v20 =	vadd.s32 v3, v17;
	v16 =	vadd.f32 v18, v16  }
0x150: {  	v17 =	vadd.s32 v2, v17;
	v18 =	vor.u32 v4, v20  }
0x151: {  	v17 =	vor.u32 v4, v17;
	[tilespmem:v14+s24+$0x0] =	vst.idx.msk $0xffff, v16  }
0x152: {  	v14 =	vld.idx.msk [tilespmem:v15+s15+$0x0], $0xffff  }
0x153: {  	v13 =	vld.idx.msk [tilespmem:v13+s23+$0x0], $0xffff  }
0x154: {  	v15 =	vld.idx.msk [tilespmem:v19+s15+$0x0], $0xffff  }
0x155: {  	v16 =	vld.idx.msk [tilespmem:v18+s15+$0x0], $0xffff  }
0x156: {  	v17 =	vld.idx.msk [tilespmem:v17+s15+$0x0], $0xffff  }
0x157: {  	v18 =	vld.idx.msk [tilespmem:v12+s23+$0x0], $0xffff;
	_ =	sdelay $0x1  }
0x158: {  	v12 =	vsub.f32 $1.000000000e+00, v13;
	_ =	sdelay $0x1  }
0x159: {  	v15 =	vmul.f32 v15, v13;
	v14 =	vmul.f32 v14, v12  }
0x15a: {  	s31 =	sadd.s32 $0x20, s31;
	v16 =	vmul.f32 v16, v12;
	v17 =	vmul.f32 v17, v13  }
.Ltmp3:
0x15b: {  	s5 =	sand.u32 $0x7C, s30;
	s1 =	sand.u32 $0x1C00, s31;
	v13 =	vor.u32 s0, v0;
	v19 =	vsub.f32 $1.000000000e+00, v18;
	(pc) =	sbr.rel @p0 .LBB2_9-.Ltmp3, $4  }
0x15c: {  	s30 =	smov.u32 s0;
	s1 =	sor.u32 s5, s1;
	v12 =	vor.u32 s0, v1;
	v20 =	vadd.f32 v15, v14;
	v17 =	vadd.f32 v17, v16  }
0x15d: {  	v21 =	vmov s0;
	v15 =	vshll.u32 v13, $0x3;
	v14 =	vor.u32 s1, v5  }
0x15e: {  	v15 =	vor.u32 v4, v15;
	v16 =	vmul.f32 v20, v19;
	v18 =	vmul.f32 v17, v18  }
0x15f: {  	s0 =	sadd.s32 $0x4, s0;
	v19 =	vshll.u32 v12, $0x3;
	v17 =	vshll.u32 v21, $0x3  }
0x160: {  	_ =	sdelay $0x1  }
0x161: {  	v19 =	vor.u32 v4, v19;
	v20 =	vadd.s32 v3, v17;
	v16 =	vadd.f32 v18, v16  }
0x162: {  	v56 =	vadd.s32 v2, v17;
	v55 =	vor.u32 v4, v20  }
0x163: {  	v17 =	vor.u32 v4, v56;
	[tilespmem:v14+s24+$0x0] =	vst.idx.msk $0xffff, v16  }
0x164: {  	v14 =	vld.idx.msk [tilespmem:v15+s15+$0x0], $0xffff  }
0x165: {  	v13 =	vld.idx.msk [tilespmem:v13+s23+$0x0], $0xffff  }
0x166: {  	v15 =	vld.idx.msk [tilespmem:v19+s15+$0x0], $0xffff  }
0x167: {  	v16 =	vld.idx.msk [tilespmem:v55+s15+$0x0], $0xffff  }
0x168: {  	v17 =	vld.idx.msk [tilespmem:v17+s15+$0x0], $0xffff  }
0x169: {  	v12 =	vld.idx.msk [tilespmem:v12+s23+$0x0], $0xffff  }
0x16a: {  	v57 =	vsub.f32 $1.000000000e+00, v13;
	_ =	sdelay $0x1  }
0x16b: {  	v14 =	vmul.f32 v14, v57;
	v15 =	vmul.f32 v15, v13  }
0x16c: {  	s0 =	sadd.s32 $0x20, s31;
	v16 =	vmul.f32 v16, v57;
	v13 =	vmul.f32 v17, v13  }
0x16d: {  	s1 =	sand.u32 $0x7C, s30;
	s0 =	sand.u32 $0x1C00, s0;
	v58 =	vsub.f32 $1.000000000e+00, v12  }
0x16e: {  	s0 =	sor.u32 s1, s0;
	v14 =	vadd.f32 v15, v14;
	v13 =	vadd.f32 v13, v16  }
0x16f: {  	v15 =	vor.u32 s0, v5  }
0x170: {  	v14 =	vmul.f32 v14, v58;
	v12 =	vmul.f32 v13, v12  }
0x171: {  	s5 =	simm.s32 $0x0  }
0x172: {  	s0 =	sand.u32 $0x3FFFFF00, s5;
	v12 =	vadd.f32 v12, v14  }
0x173: {  	s11 =	sand.u32 $0x70, s29;
	s0 =	sadd.s32 s0, s28  }
0x174: {  	s0 =	sadd.s32 s11, s0;
	[tilespmem:v15+s24+$0x0] =	vst.idx.msk $0xffff, v12  }
0x175: {  	v12 =	vld [tilespmem:s0+$0x0]  }
0x176: {  	v13 =	vld [tilespmem:s0+$0x80];
	_ =	sdelay $0x4  }
0x177: {  	v12 =	vmul.f32 $1.679046750e+03, v12;
	v13 =	vmul.f32 $1.679046750e+03, v13;
	_ =	sdelay $0x1  }
0x178: {  	v12 =	vadd.f32 $5.000000000e-01, v12;
	v13 =	vadd.f32 $5.000000000e-01, v13;
	_ =	sdelay $0x1  }
0x179: {  	v14 =	vtrunc.f32 v12;
	v15 =	vtrunc.f32 v13  }
0x17a: {  	v14 =	vcvt.f32.s32 v14;
	v15 =	vcvt.f32.s32 v15;
	_ =	sdelay $0x1  }
0x17b: {  	v59 =	vcvt.s32.f32 v14;
	v60 =	vmul.u32 $0x9E3779B1, v15  }
0x17c: {  	v15 =	vcvt.s32.f32 v15  }
0x17d: {  	v61 =	vadd.s32 $0x1, v14;
	v12 =	vsub.f32 v12, v59;
	v62 =	vadd.s32 $0x9E3779B1, v60  }
0x17e: {  	s29 =	simm.s32 $0x3400;
	s5 =	simm.s32 $0x0;
	v63 =	vxor.u32 v61, v60;
	v13 =	vsub.f32 v13, v15;
	v15 =	vxor.u32 v14, v62  }
0x17f: {  	s0 =	sand.u32 $0x3FFFFF80, s5;
	v19 =	vand.u32 $0xFFFF, v63;
	[tilespmem:s29+$0xFFFFFC00] =	vst v12;
	v12 =	vand.u32 $0xFFFF, v15  }
0x180: {  	s1 =	sor.u32 s11, s0;
	v15 =	vxor.u32 v61, v62;
	[tilespmem:s29+$0x0] =	vst v13;
	v13 =	vxor.u32 v14, v60;
	v14 =	vor.u32 $0x20000, v19  }
0x181: {  	s30 =	simm.s32 $0x1;
	s11 =	simm.s32 $0x20;
	v12 =	vor.u32 $0x20000, v12;
	v15 =	vand.u32 $0xFFFF, v15;
	v13 =	vand.u32 $0xFFFF, v13;
	[tilespmem:s1+$0x1400] =	vst v14  }
0x182: {  	s31 =	simm.s32 $0x2;
	s0 =	simm.s32 $0x10;
	s11 =	sand.u32 $0x3FFFFF00, s11;
	[tilespmem:s1+$0x1800] =	vst v12;
	v12 =	vor.u32 $0x20000, v15;
	v13 =	vor.u32 $0x20000, v13  }
.LBB2_11:
0x183: {  	p0 =	sne.s32 s31, $0x3F;
	s5 =	sand.u32 $0x70, s0;
	s11 =	sadd.s32 s11, s28;
	[tilespmem:s1+$0x1C00] =	vst v12  }
0x184: {  	s11 =	sadd.s32 s5, s11;
	[tilespmem:s1+$0x1000] =	vst v13  }
0x185: {  	v12 =	vld [tilespmem:s11+$0x0]  }
0x186: {  	v13 =	vld [tilespmem:s11+$0x80];
	_ =	sdelay $0x4  }
0x187: {  	v12 =	vmul.f32 $1.679046750e+03, v12;
	v13 =	vmul.f32 $1.679046750e+03, v13;
	_ =	sdelay $0x1  }
0x188: {  	v12 =	vadd.f32 $5.000000000e-01, v12;
	v13 =	vadd.f32 $5.000000000e-01, v13;
	_ =	sdelay $0x1  }
0x189: {  	v14 =	vtrunc.f32 v12;
	v15 =	vtrunc.f32 v13  }
0x18a: {  	v14 =	vcvt.f32.s32 v14;
	v15 =	vcvt.f32.s32 v15;
	_ =	sdelay $0x1  }
0x18b: {  	v16 =	vcvt.s32.f32 v14;
	v18 =	vadd.s32 $0x1, v14;
	v17 =	vmul.u32 $0x9E3779B1, v15  }
0x18c: {  	v15 =	vcvt.s32.f32 v15  }
0x18d: {  	v12 =	vsub.f32 v12, v16;
	v16 =	vadd.s32 $0x9E3779B1, v17;
	v19 =	vxor.u32 v18, v17  }
.Ltmp4:
0x18e: {  	s29 =	sadd.s32 $0x10, s29;
	s1 =	sshll.u32 s30, $0x4;
	v13 =	vsub.f32 v13, v15;
	v15 =	vand.u32 $0xFFFF, v19;
	v19 =	vxor.u32 v14, v16;
	(pc) =	sbr.rel @p0 .LBB2_11-.Ltmp4, $4  }
0x18f: {  	s30 =	smov.u32 s31;
	s1 =	sand.u32 $0x3FFFFF80, s1;
	v16 =	vxor.u32 v18, v16;
	[tilespmem:s29+$0xFFFFFC00] =	vst v12;
	v15 =	vor.u32 $0x20000, v15;
	v12 =	vand.u32 $0xFFFF, v19  }
0x190: {  	s1 =	sor.u32 s5, s1;
	[tilespmem:s29+$0x0] =	vst v13;
	v13 =	vxor.u32 v14, v17;
	v12 =	vor.u32 $0x20000, v12;
	v14 =	vand.u32 $0xFFFF, v16  }
0x191: {  	s5 =	sshll.u32 s31, $0x5;
	v13 =	vand.u32 $0xFFFF, v13;
	[tilespmem:s1+$0x1800] =	vst v12;
	v12 =	vor.u32 $0x20000, v14  }
0x192: {  	s0 =	sadd.s32 $0x10, s0;
	s31 =	sadd.s32 $0x1, s31;
	s11 =	sand.u32 $0x3FFFFF00, s5;
	v13 =	vor.u32 $0x20000, v13;
	[tilespmem:s1+$0x1400] =	vst v15  }
0x193: {  	s0 =	sand.u32 $0x70, s0;
	s5 =	sadd.s32 s11, s28;
	[tilespmem:s1+$0x1C00] =	vst v12  }
0x194: {  	[tilespmem:s1+$0x1000] =	vst v13;
	s11 =	sadd.s32 s0, s5  }
0x195: {  	v12 =	vld [tilespmem:s11+$0x0]  }
0x196: {  	v13 =	vld [tilespmem:s11+$0x80];
	_ =	sdelay $0x4  }
0x197: {  	v12 =	vmul.f32 $1.679046750e+03, v12;
	v13 =	vmul.f32 $1.679046750e+03, v13;
	_ =	sdelay $0x1  }
0x198: {  	v12 =	vadd.f32 $5.000000000e-01, v12;
	v13 =	vadd.f32 $5.000000000e-01, v13;
	_ =	sdelay $0x1  }
0x199: {  	v14 =	vtrunc.f32 v12;
	v15 =	vtrunc.f32 v13  }
0x19a: {  	v14 =	vcvt.f32.s32 v14;
	v15 =	vcvt.f32.s32 v15;
	_ =	sdelay $0x1  }
0x19b: {  	v16 =	vcvt.s32.f32 v14;
	v17 =	vmul.u32 $0x9E3779B1, v15  }
0x19c: {  	v15 =	vcvt.s32.f32 v15  }
0x19d: {  	v12 =	vsub.f32 v12, v16;
	v16 =	vadd.s32 $0x9E3779B1, v17  }
0x19e: {  	s5 =	sshll.u32 s30, $0x4;
	s11 =	sadd.s32 $0x10, s29;
	v18 =	vadd.s32 $0x1, v14;
	v13 =	vsub.f32 v13, v15;
	v15 =	vxor.u32 v14, v16  }
0x19f: {  	s1 =	sand.u32 $0x3FFFFF80, s5;
	v19 =	vxor.u32 v18, v17;
	[tilespmem:s11+$0xFFFFFC00] =	vst v12;
	v12 =	vand.u32 $0xFFFF, v15  }
0x1a0: {  	s0 =	sor.u32 s0, s1;
	v16 =	vxor.u32 v18, v16;
	v15 =	vand.u32 $0xFFFF, v19;
	[tilespmem:s11+$0x0] =	vst v13;
	v12 =	vor.u32 $0x20000, v12  }
0x1a1: {  	v14 =	vxor.u32 v14, v17;
	v13 =	vor.u32 $0x20000, v15;
	v15 =	vand.u32 $0xFFFF, v16;
	[tilespmem:s0+$0x1800] =	vst v12  }
0x1a2: {  	v12 =	vand.u32 $0xFFFF, v14;
	v14 =	vor.u32 $0x20000, v15;
	[tilespmem:s0+$0x1400] =	vst v13  }
0x1a3: {  	v12 =	vor.u32 $0x20000, v12;
	[tilespmem:s0+$0x1C00] =	vst v14  }
0x1a4: {  	s1 =	simm.s32 $0x1000;
	[tilespmem:s0+$0x1000] =	vst v12  }
0x1a5: {  	[tilespmem:s15], [sflag:$0x1] =	stream.indirect.gather [hbm4b:s4+s13], $0x8, s1, s13, $0xb8;
	[tilespmem:$0x1C000] =	vst v63  }
0x1a6: {  	s5 =	simm.s32 $0x1080;
	s11 =	simm.s32 $0x4400  }
0x1a7: {  	[tilespmem:s11], [sflag:$0x1] =	stream.indirect.gather [hbm4b:s4+s13], $0x8, s5, s13, $0xb8;
	[tilespmem:$0x1C000] =	vst v63  }
0x1a8: {  	s5 =	simm.s32 $0x1100;
	s11 =	simm.s32 $0x4800  }
0x1a9: {  	[tilespmem:s11], [sflag:$0x1] =	stream.indirect.gather [hbm4b:s4+s13], $0x8, s5, s13, $0xb8;
	[tilespmem:$0x1C000] =	vst v63  }
0x1aa: {  	s5 =	simm.s32 $0x1180;
	s11 =	simm.s32 $0x4C00  }
0x1ab: {  	[tilespmem:s11], [sflag:$0x1] =	stream.indirect.gather [hbm4b:s4+s13], $0x8, s5, s13, $0xb8;
	[tilespmem:$0x1C000] =	vst v63  }
0x1ac: {  	s5 =	simm.s32 $0x1200;
	s11 =	simm.s32 $0x5000  }
0x1ad: {  	[tilespmem:s11], [sflag:$0x1] =	stream.indirect.gather [hbm4b:s4+s13], $0x8, s5, s13, $0xb8;
	[tilespmem:$0x1C000] =	vst v63  }
0x1ae: {  	s5 =	simm.s32 $0x1280;
	s11 =	simm.s32 $0x5400  }
0x1af: {  	[tilespmem:s11], [sflag:$0x1] =	stream.indirect.gather [hbm4b:s4+s13], $0x8, s5, s13, $0xb8;
	[tilespmem:$0x1C000] =	vst v63  }
0x1b0: {  	s5 =	simm.s32 $0x1300;
	s11 =	simm.s32 $0x5800  }
0x1b1: {  	[tilespmem:s11], [sflag:$0x1] =	stream.indirect.gather [hbm4b:s4+s13], $0x8, s5, s13, $0xb8;
	[tilespmem:$0x1C000] =	vst v63  }
0x1b2: {  	s5 =	simm.s32 $0x1380;
	s11 =	simm.s32 $0x5C00  }
0x1b3: {  	[tilespmem:s11], [sflag:$0x1] =	stream.indirect.gather [hbm4b:s4+s13], $0x8, s5, s13, $0xb8;
	[tilespmem:$0x1C000] =	vst v63  }
0x1b4: {  	s5 =	simm.s32 $0x1400;
	s11 =	simm.s32 $0x6000  }
0x1b5: {  	[tilespmem:s11], [sflag:$0x1] =	stream.indirect.gather [hbm4b:s4+s13], $0x8, s5, s13, $0xb8;
	[tilespmem:$0x1C000] =	vst v63  }
0x1b6: {  	s5 =	simm.s32 $0x1480;
	s11 =	simm.s32 $0x6400  }
0x1b7: {  	[tilespmem:s11], [sflag:$0x1] =	stream.indirect.gather [hbm4b:s4+s13], $0x8, s5, s13, $0xb8;
	[tilespmem:$0x1C000] =	vst v63  }
0x1b8: {  	s5 =	simm.s32 $0x1500;
	s11 =	simm.s32 $0x6800  }
0x1b9: {  	[tilespmem:s11], [sflag:$0x1] =	stream.indirect.gather [hbm4b:s4+s13], $0x8, s5, s13, $0xb8;
	[tilespmem:$0x1C000] =	vst v63  }
0x1ba: {  	s5 =	simm.s32 $0x1580;
	s11 =	simm.s32 $0x6C00  }
0x1bb: {  	[tilespmem:s11], [sflag:$0x1] =	stream.indirect.gather [hbm4b:s4+s13], $0x8, s5, s13, $0xb8;
	[tilespmem:$0x1C000] =	vst v63  }
0x1bc: {  	s5 =	simm.s32 $0x1600;
	s11 =	simm.s32 $0x7000  }
0x1bd: {  	[tilespmem:s11], [sflag:$0x1] =	stream.indirect.gather [hbm4b:s4+s13], $0x8, s5, s13, $0xb8;
	[tilespmem:$0x1C000] =	vst v63  }
0x1be: {  	s5 =	simm.s32 $0x1680;
	s11 =	simm.s32 $0x7400  }
0x1bf: {  	[tilespmem:s11], [sflag:$0x1] =	stream.indirect.gather [hbm4b:s4+s13], $0x8, s5, s13, $0xb8;
	[tilespmem:$0x1C000] =	vst v63  }
0x1c0: {  	s5 =	simm.s32 $0x1700;
	s11 =	simm.s32 $0x7800  }
0x1c1: {  	[tilespmem:s11], [sflag:$0x1] =	stream.indirect.gather [hbm4b:s4+s13], $0x8, s5, s13, $0xb8;
	[tilespmem:$0x1C000] =	vst v63  }
0x1c2: {  	s5 =	simm.s32 $0x1780;
	s11 =	simm.s32 $0x7C00  }
0x1c3: {  	[tilespmem:s11], [sflag:$0x1] =	stream.indirect.gather [hbm4b:s4+s13], $0x8, s5, s13, $0xb8;
	[tilespmem:$0x1C000] =	vst v63  }
0x1c4: {  	s5 =	simm.s32 $0x1800;
	s11 =	simm.s32 $0x8000  }
0x1c5: {  	[tilespmem:s11], [sflag:$0x1] =	stream.indirect.gather [hbm4b:s4+s13], $0x8, s5, s13, $0xb8;
	[tilespmem:$0x1C000] =	vst v63  }
0x1c6: {  	s5 =	simm.s32 $0x1880;
	s11 =	simm.s32 $0x8400  }
0x1c7: {  	[tilespmem:s11], [sflag:$0x1] =	stream.indirect.gather [hbm4b:s4+s13], $0x8, s5, s13, $0xb8;
	[tilespmem:$0x1C000] =	vst v63  }
0x1c8: {  	s5 =	simm.s32 $0x1900;
	s11 =	simm.s32 $0x8800  }
0x1c9: {  	[tilespmem:s11], [sflag:$0x1] =	stream.indirect.gather [hbm4b:s4+s13], $0x8, s5, s13, $0xb8;
	[tilespmem:$0x1C000] =	vst v63  }
0x1ca: {  	s5 =	simm.s32 $0x1980;
	s11 =	simm.s32 $0x8C00  }
0x1cb: {  	[tilespmem:s11], [sflag:$0x1] =	stream.indirect.gather [hbm4b:s4+s13], $0x8, s5, s13, $0xb8;
	[tilespmem:$0x1C000] =	vst v63  }
0x1cc: {  	s5 =	simm.s32 $0x1A00;
	s11 =	simm.s32 $0x9000  }
0x1cd: {  	[tilespmem:s11], [sflag:$0x1] =	stream.indirect.gather [hbm4b:s4+s13], $0x8, s5, s13, $0xb8;
	[tilespmem:$0x1C000] =	vst v63  }
0x1ce: {  	s5 =	simm.s32 $0x1A80;
	s11 =	simm.s32 $0x9400  }
0x1cf: {  	[tilespmem:s11], [sflag:$0x1] =	stream.indirect.gather [hbm4b:s4+s13], $0x8, s5, s13, $0xb8;
	[tilespmem:$0x1C000] =	vst v63  }
0x1d0: {  	s5 =	simm.s32 $0x1B00;
	s11 =	simm.s32 $0x9800  }
0x1d1: {  	[tilespmem:s11], [sflag:$0x1] =	stream.indirect.gather [hbm4b:s4+s13], $0x8, s5, s13, $0xb8;
	[tilespmem:$0x1C000] =	vst v63  }
0x1d2: {  	s5 =	simm.s32 $0x1B80;
	s11 =	simm.s32 $0x9C00  }
0x1d3: {  	[tilespmem:s11], [sflag:$0x1] =	stream.indirect.gather [hbm4b:s4+s13], $0x8, s5, s13, $0xb8;
	[tilespmem:$0x1C000] =	vst v63  }
0x1d4: {  	s1 =	simm.s32 $0x1C00  }
0x1d5: {  	[tilespmem:s2], [sflag:$0x1] =	stream.indirect.gather [hbm4b:s4+s13], $0x8, s1, s13, $0xb8;
	[tilespmem:$0x1C000] =	vst v63  }
0x1d6: {  	_ = 	snop  }
0x1d7: {  	[tilespmem:s7], [sflag:$0x1] =	stream.indirect.gather [hbm4b:s4+s13], $0x8, s6, s13, $0xb8;
	[tilespmem:$0x1C000] =	vst v63  }
0x1d8: {  	_ = 	snop  }
0x1d9: {  	[tilespmem:s9], [sflag:$0x1] =	stream.indirect.gather [hbm4b:s4+s13], $0x8, s8, s13, $0xb8;
	[tilespmem:$0x1C000] =	vst v63  }
0x1da: {  	_ = 	snop  }
0x1db: {  	[tilespmem:s12], [sflag:$0x1] =	stream.indirect.gather [hbm4b:s4+s13], $0x8, s10, s13, $0xb8;
	[tilespmem:$0x1C000] =	vst v63  }
0x1dc: {  	_ = 	snop  }
0x1dd: {  	[tilespmem:s16], [sflag:$0x1] =	stream.indirect.gather [hbm4b:s4+s13], $0x8, s14, s13, $0xb8;
	[tilespmem:$0x1C000] =	vst v63  }
0x1de: {  	_ = 	snop  }
0x1df: {  	[tilespmem:s18], [sflag:$0x1] =	stream.indirect.gather [hbm4b:s4+s13], $0x8, s17, s13, $0xb8;
	[tilespmem:$0x1C000] =	vst v63  }
0x1e0: {  	_ = 	snop  }
0x1e1: {  	[tilespmem:s20], [sflag:$0x1] =	stream.indirect.gather [hbm4b:s4+s13], $0x8, s19, s13, $0xb8;
	[tilespmem:$0x1C000] =	vst v63  }
0x1e2: {  	_ = 	snop  }
0x1e3: {  	[tilespmem:s22], [sflag:$0x1] =	stream.indirect.gather [hbm4b:s4+s13], $0x8, s21, s13, $0xb8;
	[tilespmem:$0x1C000] =	vst v63  }
0x1e4: {  	_ =	swait.ge [sflag:s25], $0x400  }
0x1e5: {  	[sflag:s25] =	ssyncset.done $0x0  }
0x1e6: {  	[sflag:s25] =	ssyncadd.s32 $0xFFFFFC00  }
0x1e7: {  	_ =	swait.ge [sflag:s25], $0x400  }
0x1e8: {  	[sflag:s25] =	ssyncset.done $0x0  }
0x1e9: {  	[sflag:s25] =	ssyncadd.s32 $0xFFFFFC00  }
0x1ea: {  	_ =	swait.ge [sflag:s25], $0x400  }
0x1eb: {  	[sflag:s25] =	ssyncset.done $0x0  }
0x1ec: {  	[sflag:s25] =	ssyncadd.s32 $0xFFFFFC00  }
0x1ed: {  	_ =	swait.ge [sflag:s25], $0x400  }
0x1ee: {  	[sflag:s25] =	ssyncset.done $0x0  }
0x1ef: {  	[sflag:s25] =	ssyncadd.s32 $0xFFFFFC00  }
0x1f0: {  	_ =	swait.ge [sflag:s25], $0x400  }
0x1f1: {  	[sflag:s25] =	ssyncset.done $0x0  }
0x1f2: {  	[sflag:s25] =	ssyncadd.s32 $0xFFFFFC00  }
0x1f3: {  	_ =	swait.ge [sflag:s25], $0x400  }
0x1f4: {  	[sflag:s25] =	ssyncset.done $0x0  }
0x1f5: {  	[sflag:s25] =	ssyncadd.s32 $0xFFFFFC00  }
0x1f6: {  	_ =	swait.ge [sflag:s25], $0x400  }
0x1f7: {  	[sflag:s25] =	ssyncset.done $0x0  }
0x1f8: {  	[sflag:s25] =	ssyncadd.s32 $0xFFFFFC00  }
0x1f9: {  	_ =	swait.ge [sflag:s25], $0x400  }
0x1fa: {  	[sflag:s25] =	ssyncset.done $0x0  }
0x1fb: {  	[sflag:s25] =	ssyncadd.s32 $0xFFFFFC00  }
0x1fc: {  	_ =	swait.ge [sflag:s25], $0x400  }
0x1fd: {  	[sflag:s25] =	ssyncset.done $0x0  }
0x1fe: {  	[sflag:s25] =	ssyncadd.s32 $0xFFFFFC00  }
0x1ff: {  	_ =	swait.ge [sflag:s25], $0x400  }
0x200: {  	[sflag:s25] =	ssyncset.done $0x0  }
0x201: {  	[sflag:s25] =	ssyncadd.s32 $0xFFFFFC00  }
0x202: {  	_ =	swait.ge [sflag:s25], $0x400  }
0x203: {  	[sflag:s25] =	ssyncset.done $0x0  }
0x204: {  	[sflag:s25] =	ssyncadd.s32 $0xFFFFFC00  }
0x205: {  	_ =	swait.ge [sflag:s25], $0x400  }
0x206: {  	[sflag:s25] =	ssyncset.done $0x0  }
0x207: {  	[sflag:s25] =	ssyncadd.s32 $0xFFFFFC00  }
0x208: {  	_ =	swait.ge [sflag:s25], $0x400  }
0x209: {  	[sflag:s25] =	ssyncset.done $0x0  }
0x20a: {  	[sflag:s25] =	ssyncadd.s32 $0xFFFFFC00  }
0x20b: {  	_ =	swait.ge [sflag:s25], $0x400  }
0x20c: {  	[sflag:s25] =	ssyncset.done $0x0  }
0x20d: {  	[sflag:s25] =	ssyncadd.s32 $0xFFFFFC00  }
0x20e: {  	_ =	swait.ge [sflag:s25], $0x400  }
0x20f: {  	[sflag:s25] =	ssyncset.done $0x0  }
0x210: {  	[sflag:s25] =	ssyncadd.s32 $0xFFFFFC00  }
0x211: {  	_ =	swait.ge [sflag:s25], $0x400  }
0x212: {  	[sflag:s25] =	ssyncset.done $0x0  }
0x213: {  	[sflag:s25] =	ssyncadd.s32 $0xFFFFFC00  }
0x214: {  	_ =	swait.ge [sflag:s25], $0x400  }
0x215: {  	[sflag:s25] =	ssyncset.done $0x0  }
0x216: {  	[sflag:s25] =	ssyncadd.s32 $0xFFFFFC00  }
0x217: {  	_ =	swait.ge [sflag:s25], $0x400  }
0x218: {  	[sflag:s25] =	ssyncset.done $0x0  }
0x219: {  	[sflag:s25] =	ssyncadd.s32 $0xFFFFFC00  }
0x21a: {  	_ =	swait.ge [sflag:s25], $0x400  }
0x21b: {  	[sflag:s25] =	ssyncset.done $0x0  }
0x21c: {  	[sflag:s25] =	ssyncadd.s32 $0xFFFFFC00  }
0x21d: {  	_ =	swait.ge [sflag:s25], $0x400  }
0x21e: {  	[sflag:s25] =	ssyncset.done $0x0  }
0x21f: {  	[sflag:s25] =	ssyncadd.s32 $0xFFFFFC00  }
0x220: {  	_ =	swait.ge [sflag:s25], $0x400  }
0x221: {  	[sflag:s25] =	ssyncset.done $0x0  }
0x222: {  	[sflag:s25] =	ssyncadd.s32 $0xFFFFFC00  }
0x223: {  	_ =	swait.ge [sflag:s25], $0x400  }
0x224: {  	[sflag:s25] =	ssyncset.done $0x0  }
0x225: {  	[sflag:s25] =	ssyncadd.s32 $0xFFFFFC00  }
0x226: {  	_ =	swait.ge [sflag:s25], $0x400  }
0x227: {  	[sflag:s25] =	ssyncset.done $0x0  }
0x228: {  	[sflag:s25] =	ssyncadd.s32 $0xFFFFFC00  }
0x229: {  	_ =	swait.ge [sflag:s25], $0x400  }
0x22a: {  	[sflag:s25] =	ssyncset.done $0x0  }
0x22b: {  	[sflag:s25] =	ssyncadd.s32 $0xFFFFFC00  }
0x22c: {  	_ =	swait.ge [sflag:s25], $0x400  }
0x22d: {  	[sflag:s25] =	ssyncset.done $0x0  }
0x22e: {  	[sflag:s25] =	ssyncadd.s32 $0xFFFFFC00  }
0x22f: {  	_ =	swait.ge [sflag:s25], $0x400  }
0x230: {  	[sflag:s25] =	ssyncset.done $0x0  }
0x231: {  	[sflag:s25] =	ssyncadd.s32 $0xFFFFFC00  }
0x232: {  	_ =	swait.ge [sflag:s25], $0x400  }
0x233: {  	[sflag:s25] =	ssyncset.done $0x0  }
0x234: {  	[sflag:s25] =	ssyncadd.s32 $0xFFFFFC00  }
0x235: {  	_ =	swait.ge [sflag:s25], $0x400  }
0x236: {  	[sflag:s25] =	ssyncset.done $0x0  }
0x237: {  	[sflag:s25] =	ssyncadd.s32 $0xFFFFFC00  }
0x238: {  	_ =	swait.ge [sflag:s25], $0x400  }
0x239: {  	[sflag:s25] =	ssyncset.done $0x0  }
0x23a: {  	[sflag:s25] =	ssyncadd.s32 $0xFFFFFC00  }
0x23b: {  	s29 =	simm.s32 $0x0;
	_ =	swait.ge [sflag:s25], $0x400  }
0x23c: {  	v12 =	vmov s29;
	[sflag:s25] =	ssyncset.done $0x0  }
0x23d: {  	v12 =	vshll.u32 v12, $0x3;
	[sflag:s25] =	ssyncadd.s32 $0xFFFFFC00  }
0x23e: {  	v13 =	vadd.s32 v8, v12;
	_ =	swait.ge [sflag:s25], $0x400  }
0x23f: {  	v13 =	vor.u32 v4, v13;
	[sflag:s25] =	ssyncset.done $0x0  }
0x240: {  	v14 =	vor.u32 s29, v6;
	v15 =	vadd.s32 v11, v12;
	[sflag:s25] =	ssyncadd.s32 $0xFFFFFC00  }
0x241: {  	v16 =	vadd.s32 v10, v12;
	v12 =	vadd.s32 v9, v12;
	v15 =	vor.u32 v4, v15;
	_ =	swait.ge [sflag:s25], $0x400  }
0x242: {  	v12 =	vor.u32 v4, v12;
	[sflag:s25] =	ssyncset.done $0x0  }
0x243: {  	v16 =	vor.u32 v4, v16;
	[sflag:s25] =	ssyncadd.s32 $0xFFFFFC00  }
0x244: {  	v17 =	vor.u32 s29, v7;
	v13 =	vld.idx.msk [tilespmem:v13+s15+$0x0], $0xffff  }
0x245: {  	v14 =	vld.idx.msk [tilespmem:v14+s23+$0x0], $0xffff  }
0x246: {  	v15 =	vld.idx.msk [tilespmem:v15+s15+$0x0], $0xffff  }
0x247: {  	v12 =	vld.idx.msk [tilespmem:v12+s15+$0x0], $0xffff  }
0x248: {  	v16 =	vld.idx.msk [tilespmem:v16+s15+$0x0], $0xffff  }
0x249: {  	v17 =	vld.idx.msk [tilespmem:v17+s23+$0x0], $0xffff;
	_ =	sdelay $0x1  }
0x24a: {  	v18 =	vsub.f32 $1.000000000e+00, v14  }
0x24b: {  	v15 =	vmul.f32 v15, v14;
	v14 =	vmul.f32 v12, v14  }
0x24c: {  	s30 =	simm.s32 $0x4;
	s5 =	sand.u32 $0x1C00, s29;
	s11 =	sand.u32 $0x7C, s29;
	v13 =	vmul.f32 v13, v18;
	v16 =	vmul.f32 v16, v18  }
0x24d: {  	s0 =	sor.u32 s5, s11;
	v12 =	vmov s30;
	v18 =	vsub.f32 $1.000000000e+00, v17  }
0x24e: {  	s0 =	sor.u32 $0x200, s0;
	v12 =	vshll.u32 v12, $0x3;
	v15 =	vadd.f32 v15, v13;
	v19 =	vadd.f32 v14, v16  }
0x24f: {  	v13 =	vadd.s32 v8, v12;
	v14 =	vor.u32 s0, v5  }
0x250: {  	v13 =	vor.u32 v4, v13;
	v16 =	vmul.f32 v15, v18;
	v17 =	vmul.f32 v19, v17  }
0x251: {  	s31 =	simm.s32 $0x0;
	s0 =	simm.s32 $0x8;
	v15 =	vor.u32 s30, v6;
	v18 =	vadd.s32 v11, v12  }
.LBB2_13:
0x252: {  	p0 =	sne.s32 s0, $0x3FC;
	v18 =	vor.u32 v4, v18;
	v19 =	vadd.s32 v10, v12;
	v16 =	vadd.f32 v17, v16  }
0x253: {  	v12 =	vadd.s32 v9, v12;
	v17 =	vor.u32 v4, v19  }
0x254: {  	v12 =	vor.u32 v4, v12;
	[tilespmem:v14+s24+$0x0] =	vst.idx.msk $0xffff, v16  }
0x255: {  	v14 =	vor.u32 s30, v7;
	v13 =	vld.idx.msk [tilespmem:v13+s15+$0x0], $0xffff  }
0x256: {  	v15 =	vld.idx.msk [tilespmem:v15+s23+$0x0], $0xffff  }
0x257: {  	v16 =	vld.idx.msk [tilespmem:v18+s15+$0x0], $0xffff  }
0x258: {  	v17 =	vld.idx.msk [tilespmem:v17+s15+$0x0], $0xffff  }
0x259: {  	v12 =	vld.idx.msk [tilespmem:v12+s15+$0x0], $0xffff  }
0x25a: {  	v18 =	vld.idx.msk [tilespmem:v14+s23+$0x0], $0xffff;
	_ =	sdelay $0x1  }
0x25b: {  	v14 =	vsub.f32 $1.000000000e+00, v15;
	_ =	sdelay $0x1  }
0x25c: {  	s31 =	sadd.s32 $0x20, s31;
	v16 =	vmul.f32 v16, v15;
	v13 =	vmul.f32 v13, v14  }
0x25d: {  	s5 =	sand.u32 $0x7C, s30;
	s1 =	sand.u32 $0x1C00, s31;
	s30 =	smov.u32 s0;
	v14 =	vmul.f32 v17, v14;
	v15 =	vmul.f32 v12, v15  }
.Ltmp5:
0x25e: {  	s1 =	sor.u32 s1, s5;
	v12 =	vmov s0;
	v17 =	vsub.f32 $1.000000000e+00, v18;
	(pc) =	sbr.rel @p0 .LBB2_13-.Ltmp5, $4  }
0x25f: {  	s1 =	sor.u32 $0x200, s1;
	v12 =	vshll.u32 v12, $0x3;
	v16 =	vadd.f32 v16, v13;
	v15 =	vadd.f32 v15, v14  }
0x260: {  	v13 =	vadd.s32 v8, v12;
	v14 =	vor.u32 s1, v5  }
0x261: {  	v13 =	vor.u32 v4, v13;
	v16 =	vmul.f32 v16, v17;
	v17 =	vmul.f32 v15, v18  }
0x262: {  	s0 =	sadd.s32 $0x4, s0;
	v15 =	vor.u32 s30, v6;
	v18 =	vadd.s32 v11, v12  }
0x263: {  	_ =	sdelay $0x1  }
0x264: {  	v18 =	vor.u32 v4, v18;
	v19 =	vadd.s32 v10, v12;
	v16 =	vadd.f32 v17, v16  }
0x265: {  	v12 =	vadd.s32 v9, v12;
	v56 =	vor.u32 v4, v19  }
0x266: {  	v12 =	vor.u32 v4, v12;
	[tilespmem:v14+s24+$0x0] =	vst.idx.msk $0xffff, v16  }
0x267: {  	v14 =	vor.u32 s30, v7;
	v13 =	vld.idx.msk [tilespmem:v13+s15+$0x0], $0xffff  }
0x268: {  	v15 =	vld.idx.msk [tilespmem:v15+s23+$0x0], $0xffff  }
0x269: {  	v16 =	vld.idx.msk [tilespmem:v18+s15+$0x0], $0xffff  }
0x26a: {  	v17 =	vld.idx.msk [tilespmem:v56+s15+$0x0], $0xffff  }
0x26b: {  	v12 =	vld.idx.msk [tilespmem:v12+s15+$0x0], $0xffff  }
0x26c: {  	v14 =	vld.idx.msk [tilespmem:v14+s23+$0x0], $0xffff  }
0x26d: {  	v57 =	vsub.f32 $1.000000000e+00, v15;
	_ =	sdelay $0x1  }
0x26e: {  	s0 =	sadd.s32 $0x20, s31;
	v13 =	vmul.f32 v13, v57;
	v16 =	vmul.f32 v16, v15  }
0x26f: {  	s1 =	sand.u32 $0x7C, s30;
	s0 =	sand.u32 $0x1C00, s0;
	v17 =	vmul.f32 v17, v57;
	v12 =	vmul.f32 v12, v15  }
0x270: {  	s0 =	sor.u32 s0, s1;
	v15 =	vsub.f32 $1.000000000e+00, v14  }
0x271: {  	s0 =	sor.u32 $0x200, s0;
	v13 =	vadd.f32 v16, v13;
	v12 =	vadd.f32 v12, v17  }
0x272: {  	v58 =	vor.u32 s0, v5  }
0x273: {  	v13 =	vmul.f32 v13, v15;
	v12 =	vmul.f32 v12, v14  }
0x274: {  	s5 =	simm.s32 $0x0  }
0x275: {  	s0 =	sand.u32 $0x3FFFFF00, s5;
	v12 =	vadd.f32 v12, v13  }
0x276: {  	s11 =	sand.u32 $0x70, s29;
	s0 =	sadd.s32 s0, s28  }
0x277: {  	s0 =	sadd.s32 s11, s0;
	[tilespmem:v58+s24+$0x0] =	vst.idx.msk $0xffff, v12  }
0x278: {  	v12 =	vld [tilespmem:s0+$0x0]  }
0x279: {  	v13 =	vld [tilespmem:s0+$0x80];
	_ =	sdelay $0x4  }
0x27a: {  	v12 =	vmul.f32 $3.042316410e+03, v12;
	v13 =	vmul.f32 $3.042316410e+03, v13;
	_ =	sdelay $0x1  }
0x27b: {  	v12 =	vadd.f32 $5.000000000e-01, v12;
	v13 =	vadd.f32 $5.000000000e-01, v13;
	_ =	sdelay $0x1  }
0x27c: {  	v14 =	vtrunc.f32 v12;
	v15 =	vtrunc.f32 v13  }
0x27d: {  	v14 =	vcvt.f32.s32 v14;
	v15 =	vcvt.f32.s32 v15;
	_ =	sdelay $0x1  }
0x27e: {  	v59 =	vcvt.s32.f32 v14;
	v60 =	vmul.u32 $0x9E3779B1, v15  }
0x27f: {  	v15 =	vcvt.s32.f32 v15  }
0x280: {  	v61 =	vadd.s32 $0x1, v14;
	v12 =	vsub.f32 v12, v59;
	v62 =	vadd.s32 $0x9E3779B1, v60  }
0x281: {  	s29 =	simm.s32 $0x3C00;
	s5 =	simm.s32 $0x0;
	v63 =	vxor.u32 v61, v60;
	v13 =	vsub.f32 v13, v15;
	v15 =	vxor.u32 v14, v62  }
0x282: {  	s0 =	sand.u32 $0x3FFFFF80, s5;
	v19 =	vand.u32 $0xFFFF, v63;
	[tilespmem:s29+$0xFFFFFC00] =	vst v12;
	v12 =	vand.u32 $0xFFFF, v15  }
0x283: {  	s1 =	sor.u32 s11, s0;
	v15 =	vxor.u32 v61, v62;
	[tilespmem:s29+$0x0] =	vst v13;
	v13 =	vxor.u32 v14, v60;
	v14 =	vor.u32 $0x30000, v19  }
0x284: {  	s31 =	simm.s32 $0x2;
	s11 =	simm.s32 $0x20;
	v12 =	vor.u32 $0x30000, v12;
	v15 =	vand.u32 $0xFFFF, v15;
	v13 =	vand.u32 $0xFFFF, v13;
	[tilespmem:s1+$0x2400] =	vst v14  }
0x285: {  	s30 =	simm.s32 $0x1;
	s0 =	simm.s32 $0x10;
	s11 =	sand.u32 $0x3FFFFF00, s11;
	[tilespmem:s1+$0x2800] =	vst v12;
	v12 =	vor.u32 $0x30000, v15;
	v13 =	vor.u32 $0x30000, v13  }
.LBB2_15:
0x286: {  	p0 =	sne.s32 s31, $0x3F;
	s5 =	sand.u32 $0x70, s0;
	s11 =	sadd.s32 s11, s28;
	[tilespmem:s1+$0x2C00] =	vst v12  }
0x287: {  	s11 =	sadd.s32 s5, s11;
	[tilespmem:s1+$0x2000] =	vst v13  }
0x288: {  	v12 =	vld [tilespmem:s11+$0x0]  }
0x289: {  	v13 =	vld [tilespmem:s11+$0x80];
	_ =	sdelay $0x4  }
0x28a: {  	v12 =	vmul.f32 $3.042316410e+03, v12;
	v13 =	vmul.f32 $3.042316410e+03, v13;
	_ =	sdelay $0x1  }
0x28b: {  	v12 =	vadd.f32 $5.000000000e-01, v12;
	v13 =	vadd.f32 $5.000000000e-01, v13;
	_ =	sdelay $0x1  }
0x28c: {  	v14 =	vtrunc.f32 v12;
	v15 =	vtrunc.f32 v13  }
0x28d: {  	v14 =	vcvt.f32.s32 v14;
	v15 =	vcvt.f32.s32 v15;
	_ =	sdelay $0x1  }
0x28e: {  	v16 =	vcvt.s32.f32 v14;
	v18 =	vadd.s32 $0x1, v14;
	v17 =	vmul.u32 $0x9E3779B1, v15  }
0x28f: {  	v15 =	vcvt.s32.f32 v15  }
0x290: {  	v12 =	vsub.f32 v12, v16;
	v16 =	vadd.s32 $0x9E3779B1, v17;
	v19 =	vxor.u32 v18, v17  }
.Ltmp6:
0x291: {  	s29 =	sadd.s32 $0x10, s29;
	s1 =	sshll.u32 s30, $0x4;
	v13 =	vsub.f32 v13, v15;
	v15 =	vand.u32 $0xFFFF, v19;
	v19 =	vxor.u32 v14, v16;
	(pc) =	sbr.rel @p0 .LBB2_15-.Ltmp6, $4  }
0x292: {  	s30 =	smov.u32 s31;
	s1 =	sand.u32 $0x3FFFFF80, s1;
	v16 =	vxor.u32 v18, v16;
	[tilespmem:s29+$0xFFFFFC00] =	vst v12;
	v15 =	vor.u32 $0x30000, v15;
	v12 =	vand.u32 $0xFFFF, v19  }
0x293: {  	s1 =	sor.u32 s5, s1;
	[tilespmem:s29+$0x0] =	vst v13;
	v13 =	vxor.u32 v14, v17;
	v12 =	vor.u32 $0x30000, v12;
	v14 =	vand.u32 $0xFFFF, v16  }
0x294: {  	s5 =	sshll.u32 s31, $0x5;
	v13 =	vand.u32 $0xFFFF, v13;
	[tilespmem:s1+$0x2800] =	vst v12;
	v12 =	vor.u32 $0x30000, v14  }
0x295: {  	s0 =	sadd.s32 $0x10, s0;
	s31 =	sadd.s32 $0x1, s31;
	s11 =	sand.u32 $0x3FFFFF00, s5;
	v13 =	vor.u32 $0x30000, v13;
	[tilespmem:s1+$0x2400] =	vst v15  }
0x296: {  	s0 =	sand.u32 $0x70, s0;
	s5 =	sadd.s32 s11, s28;
	[tilespmem:s1+$0x2C00] =	vst v12  }
0x297: {  	[tilespmem:s1+$0x2000] =	vst v13;
	s5 =	sadd.s32 s0, s5  }
0x298: {  	v12 =	vld [tilespmem:s5+$0x0]  }
0x299: {  	v13 =	vld [tilespmem:s5+$0x80];
	_ =	sdelay $0x3  }
0x29a: {  	v12 =	vmul.f32 $3.042316410e+03, v12  }
0x29b: {  	v13 =	vmul.f32 $3.042316410e+03, v13  }
0x29c: {  	v12 =	vadd.f32 $5.000000000e-01, v12  }
0x29d: {  	v13 =	vadd.f32 $5.000000000e-01, v13  }
0x29e: {  	v14 =	vtrunc.f32 v12  }
0x29f: {  	v15 =	vtrunc.f32 v13;
	v14 =	vcvt.f32.s32 v14  }
0x2a0: {  	v15 =	vcvt.f32.s32 v15  }
0x2a1: {  	v16 =	vcvt.s32.f32 v14  }
0x2a2: {  	v17 =	vmul.u32 $0x9E3779B1, v15;
	v15 =	vcvt.s32.f32 v15  }
0x2a3: {  	v18 =	vadd.s32 $0x1, v14;
	v12 =	vsub.f32 v12, v16  }
0x2a4: {  	s11 =	sshll.u32 s30, $0x4;
	s30 =	sadd.s32 $0x10, s29;
	v56 =	vadd.s32 $0x9E3779B1, v17;
	v13 =	vsub.f32 v13, v15;
	v19 =	vxor.u32 v18, v17  }
0x2a5: {  	s1 =	sand.u32 $0x3FFFFF80, s11;
	v57 =	vxor.u32 v14, v56;
	v59 =	vand.u32 $0xFFFF, v19;
	[tilespmem:s30+$0xFFFFFC00] =	vst v12  }
0x2a6: {  	s0 =	sor.u32 s0, s1;
	v16 =	vxor.u32 v18, v56;
	v58 =	vand.u32 $0xFFFF, v57;
	[tilespmem:s30+$0x0] =	vst v13;
	v60 =	vor.u32 $0x30000, v59  }
0x2a7: {  	v14 =	vxor.u32 v14, v17;
	v61 =	vand.u32 $0xFFFF, v16;
	v12 =	vor.u32 $0x30000, v58;
	[tilespmem:s0+$0x2400] =	vst v60  }
0x2a8: {  	v62 =	vand.u32 $0xFFFF, v14;
	v63 =	vor.u32 $0x30000, v61;
	[tilespmem:s0+$0x2800] =	vst v12  }
0x2a9: {  	v12 =	vor.u32 $0x30000, v62;
	[tilespmem:s0+$0x2C00] =	vst v63  }
0x2aa: {  	s31 =	simm.s32 $0x2000;
	s1 =	simm.s32 $0x200;
	[tilespmem:s0+$0x2000] =	vst v12;
	s0 =	simm.s32 $0xC000  }
0x2ab: {  	[tilespmem:s0], [sflag:$0x2] =	stream.indirect.gather [hbm4b:s4+s13], $0x8, s31, s13, $0xb8;
	[tilespmem:$0x1C000] =	vst v63  }
.LBB2_17:
0x2ac: {  	p0 =	sne.s32 s1, $0x3E00  }
.Ltmp7:
0x2ad: {  	_ = 	snop;
	(pc) =	sbr.rel @p0 .LBB2_17-.Ltmp7, $4  }
0x2ae: {  	_ = 	snop  }
0x2af: {  	s5 =	sshra.s32 s1, $0x2;
	s1 =	sadd.s32 $0x200, s1  }
0x2b0: {  	s0 =	sadd.s32 $0x400, s0;
	s5 =	sadd.s32 $0x2000, s5  }
0x2b1: {  	[tilespmem:s0], [sflag:$0x2] =	stream.indirect.gather [hbm4b:s4+s13], $0x8, s5, s13, $0xb8;
	[tilespmem:$0x1C000] =	vst v63  }
0x2b2: {  	_ =	swait.ge [sflag:s3], $0x400  }
0x2b3: {  	[sflag:s3] =	ssyncset.done $0x0  }
0x2b4: {  	[sflag:s3] =	ssyncadd.s32 $0xFFFFFC00  }
0x2b5: {  	_ =	swait.ge [sflag:s3], $0x400  }
0x2b6: {  	[sflag:s3] =	ssyncset.done $0x0  }
0x2b7: {  	[sflag:s3] =	ssyncadd.s32 $0xFFFFFC00  }
0x2b8: {  	_ =	swait.ge [sflag:s3], $0x400  }
0x2b9: {  	[sflag:s3] =	ssyncset.done $0x0  }
0x2ba: {  	[sflag:s3] =	ssyncadd.s32 $0xFFFFFC00  }
0x2bb: {  	_ =	swait.ge [sflag:s3], $0x400  }
0x2bc: {  	[sflag:s3] =	ssyncset.done $0x0  }
0x2bd: {  	[sflag:s3] =	ssyncadd.s32 $0xFFFFFC00  }
0x2be: {  	_ =	swait.ge [sflag:s3], $0x400  }
0x2bf: {  	[sflag:s3] =	ssyncset.done $0x0  }
0x2c0: {  	[sflag:s3] =	ssyncadd.s32 $0xFFFFFC00  }
0x2c1: {  	_ =	swait.ge [sflag:s3], $0x400  }
0x2c2: {  	[sflag:s3] =	ssyncset.done $0x0  }
0x2c3: {  	[sflag:s3] =	ssyncadd.s32 $0xFFFFFC00  }
0x2c4: {  	_ =	swait.ge [sflag:s3], $0x400  }
0x2c5: {  	[sflag:s3] =	ssyncset.done $0x0  }
0x2c6: {  	[sflag:s3] =	ssyncadd.s32 $0xFFFFFC00  }
0x2c7: {  	_ =	swait.ge [sflag:s3], $0x400  }
0x2c8: {  	[sflag:s3] =	ssyncset.done $0x0  }
0x2c9: {  	[sflag:s3] =	ssyncadd.s32 $0xFFFFFC00  }
0x2ca: {  	_ =	swait.ge [sflag:s3], $0x400  }
0x2cb: {  	[sflag:s3] =	ssyncset.done $0x0  }
0x2cc: {  	[sflag:s3] =	ssyncadd.s32 $0xFFFFFC00  }
0x2cd: {  	_ =	swait.ge [sflag:s3], $0x400  }
0x2ce: {  	[sflag:s3] =	ssyncset.done $0x0  }
0x2cf: {  	[sflag:s3] =	ssyncadd.s32 $0xFFFFFC00  }
0x2d0: {  	_ =	swait.ge [sflag:s3], $0x400  }
0x2d1: {  	[sflag:s3] =	ssyncset.done $0x0  }
0x2d2: {  	[sflag:s3] =	ssyncadd.s32 $0xFFFFFC00  }
0x2d3: {  	_ =	swait.ge [sflag:s3], $0x400  }
0x2d4: {  	[sflag:s3] =	ssyncset.done $0x0  }
0x2d5: {  	[sflag:s3] =	ssyncadd.s32 $0xFFFFFC00  }
0x2d6: {  	_ =	swait.ge [sflag:s3], $0x400  }
0x2d7: {  	[sflag:s3] =	ssyncset.done $0x0  }
0x2d8: {  	[sflag:s3] =	ssyncadd.s32 $0xFFFFFC00  }
0x2d9: {  	_ =	swait.ge [sflag:s3], $0x400  }
0x2da: {  	[sflag:s3] =	ssyncset.done $0x0  }
0x2db: {  	[sflag:s3] =	ssyncadd.s32 $0xFFFFFC00  }
0x2dc: {  	_ =	swait.ge [sflag:s3], $0x400  }
0x2dd: {  	[sflag:s3] =	ssyncset.done $0x0  }
0x2de: {  	[sflag:s3] =	ssyncadd.s32 $0xFFFFFC00  }
0x2df: {  	_ =	swait.ge [sflag:s3], $0x400  }
0x2e0: {  	[sflag:s3] =	ssyncset.done $0x0  }
0x2e1: {  	[sflag:s3] =	ssyncadd.s32 $0xFFFFFC00  }
0x2e2: {  	_ =	swait.ge [sflag:s3], $0x400  }
0x2e3: {  	[sflag:s3] =	ssyncset.done $0x0  }
0x2e4: {  	[sflag:s3] =	ssyncadd.s32 $0xFFFFFC00  }
0x2e5: {  	_ =	swait.ge [sflag:s3], $0x400  }
0x2e6: {  	[sflag:s3] =	ssyncset.done $0x0  }
0x2e7: {  	[sflag:s3] =	ssyncadd.s32 $0xFFFFFC00  }
0x2e8: {  	_ =	swait.ge [sflag:s3], $0x400  }
0x2e9: {  	[sflag:s3] =	ssyncset.done $0x0  }
0x2ea: {  	[sflag:s3] =	ssyncadd.s32 $0xFFFFFC00  }
0x2eb: {  	_ =	swait.ge [sflag:s3], $0x400  }
0x2ec: {  	[sflag:s3] =	ssyncset.done $0x0  }
0x2ed: {  	[sflag:s3] =	ssyncadd.s32 $0xFFFFFC00  }
0x2ee: {  	_ =	swait.ge [sflag:s3], $0x400  }
0x2ef: {  	[sflag:s3] =	ssyncset.done $0x0  }
0x2f0: {  	[sflag:s3] =	ssyncadd.s32 $0xFFFFFC00  }
0x2f1: {  	_ =	swait.ge [sflag:s3], $0x400  }
0x2f2: {  	[sflag:s3] =	ssyncset.done $0x0  }
0x2f3: {  	[sflag:s3] =	ssyncadd.s32 $0xFFFFFC00  }
0x2f4: {  	_ =	swait.ge [sflag:s3], $0x400  }
0x2f5: {  	[sflag:s3] =	ssyncset.done $0x0  }
0x2f6: {  	[sflag:s3] =	ssyncadd.s32 $0xFFFFFC00  }
0x2f7: {  	_ =	swait.ge [sflag:s3], $0x400  }
0x2f8: {  	[sflag:s3] =	ssyncset.done $0x0  }
0x2f9: {  	[sflag:s3] =	ssyncadd.s32 $0xFFFFFC00  }
0x2fa: {  	_ =	swait.ge [sflag:s3], $0x400  }
0x2fb: {  	[sflag:s3] =	ssyncset.done $0x0  }
0x2fc: {  	[sflag:s3] =	ssyncadd.s32 $0xFFFFFC00  }
0x2fd: {  	_ =	swait.ge [sflag:s3], $0x400  }
0x2fe: {  	[sflag:s3] =	ssyncset.done $0x0  }
0x2ff: {  	[sflag:s3] =	ssyncadd.s32 $0xFFFFFC00  }
0x300: {  	_ =	swait.ge [sflag:s3], $0x400  }
0x301: {  	[sflag:s3] =	ssyncset.done $0x0  }
0x302: {  	[sflag:s3] =	ssyncadd.s32 $0xFFFFFC00  }
0x303: {  	_ =	swait.ge [sflag:s3], $0x400  }
0x304: {  	[sflag:s3] =	ssyncset.done $0x0  }
0x305: {  	[sflag:s3] =	ssyncadd.s32 $0xFFFFFC00  }
0x306: {  	_ =	swait.ge [sflag:s3], $0x400  }
0x307: {  	[sflag:s3] =	ssyncset.done $0x0  }
0x308: {  	[sflag:s3] =	ssyncadd.s32 $0xFFFFFC00  }
0x309: {  	_ =	swait.ge [sflag:s3], $0x400  }
0x30a: {  	s29 =	simm.s32 $0x0;
	[sflag:s3] =	ssyncset.done $0x0  }
0x30b: {  	v12 =	vor.u32 s29, v0;
	[sflag:s3] =	ssyncadd.s32 $0xFFFFFC00  }
0x30c: {  	v13 =	vshll.u32 v12, $0x3;
	_ =	swait.ge [sflag:s3], $0x400  }
0x30d: {  	v14 =	vor.u32 s29, v1;
	v15 =	vmov s29;
	v13 =	vor.u32 v4, v13;
	[sflag:s3] =	ssyncset.done $0x0  }
0x30e: {  	v16 =	vshll.u32 v14, $0x3;
	v15 =	vshll.u32 v15, $0x3;
	[sflag:s3] =	ssyncadd.s32 $0xFFFFFC00  }
0x30f: {  	v16 =	vor.u32 v4, v16;
	v17 =	vadd.s32 v3, v15;
	v15 =	vadd.s32 v2, v15;
	_ =	swait.ge [sflag:s3], $0x400  }
0x310: {  	v15 =	vor.u32 v4, v15;
	[sflag:s3] =	ssyncset.done $0x0  }
0x311: {  	v17 =	vor.u32 v4, v17;
	[sflag:s3] =	ssyncadd.s32 $0xFFFFFC00  }
0x312: {  	v13 =	vld.idx.msk [tilespmem:v13+s15+$0x0], $0xffff  }
0x313: {  	v12 =	vld.idx.msk [tilespmem:v12+s23+$0x0], $0xffff  }
0x314: {  	v16 =	vld.idx.msk [tilespmem:v16+s15+$0x0], $0xffff  }
0x315: {  	v15 =	vld.idx.msk [tilespmem:v15+s15+$0x0], $0xffff  }
0x316: {  	v17 =	vld.idx.msk [tilespmem:v17+s15+$0x0], $0xffff  }
0x317: {  	v18 =	vld.idx.msk [tilespmem:v14+s23+$0x0], $0xffff;
	_ =	sdelay $0x1  }
0x318: {  	v14 =	vsub.f32 $1.000000000e+00, v12  }
0x319: {  	v16 =	vmul.f32 v16, v12;
	v15 =	vmul.f32 v15, v12  }
0x31a: {  	s30 =	simm.s32 $0x4;
	s0 =	sand.u32 $0x1C00, s29;
	s1 =	sand.u32 $0x7C, s29;
	v19 =	vmul.f32 v13, v14;
	v14 =	vmul.f32 v17, v14  }
0x31b: {  	v20 =	vmov s30;
	s0 =	sor.u32 s0, s1;
	v17 =	vsub.f32 $1.000000000e+00, v18  }
0x31c: {  	s0 =	sor.u32 $0x2000, s0;
	v13 =	vor.u32 s30, v0;
	v16 =	vadd.f32 v16, v19;
	v19 =	vadd.f32 v15, v14  }
0x31d: {  	v12 =	vor.u32 s30, v1;
	v15 =	vshll.u32 v13, $0x3;
	v14 =	vor.u32 s0, v5  }
0x31e: {  	v15 =	vor.u32 v4, v15;
	v16 =	vmul.f32 v16, v17;
	v18 =	vmul.f32 v19, v18  }
0x31f: {  	s31 =	simm.s32 $0x0;
	s0 =	simm.s32 $0x8;
	v19 =	vshll.u32 v12, $0x3;
	v17 =	vshll.u32 v20, $0x3  }
.LBB2_19:
0x320: {  	p0 =	sne.s32 s0, $0x3FC;
	v19 =	vor.u32 v4, v19;
	v20 =	vadd.s32 v3, v17;
	v16 =	vadd.f32 v18, v16  }
0x321: {  	v17 =	vadd.s32 v2, v17;
	v18 =	vor.u32 v4, v20  }
0x322: {  	v17 =	vor.u32 v4, v17;
	[tilespmem:v14+s24+$0x0] =	vst.idx.msk $0xffff, v16  }
0x323: {  	v14 =	vld.idx.msk [tilespmem:v15+s15+$0x0], $0xffff  }
0x324: {  	v13 =	vld.idx.msk [tilespmem:v13+s23+$0x0], $0xffff  }
0x325: {  	v15 =	vld.idx.msk [tilespmem:v19+s15+$0x0], $0xffff  }
0x326: {  	v16 =	vld.idx.msk [tilespmem:v18+s15+$0x0], $0xffff  }
0x327: {  	v17 =	vld.idx.msk [tilespmem:v17+s15+$0x0], $0xffff  }
0x328: {  	v18 =	vld.idx.msk [tilespmem:v12+s23+$0x0], $0xffff;
	_ =	sdelay $0x1  }
0x329: {  	v12 =	vsub.f32 $1.000000000e+00, v13;
	_ =	sdelay $0x1  }
0x32a: {  	s31 =	sadd.s32 $0x20, s31;
	v15 =	vmul.f32 v15, v13;
	v14 =	vmul.f32 v14, v12  }
0x32b: {  	s5 =	sand.u32 $0x7C, s30;
	s30 =	smov.u32 s0;
	s1 =	sand.u32 $0x1C00, s31;
	v16 =	vmul.f32 v16, v12;
	v17 =	vmul.f32 v17, v13  }
.Ltmp8:
0x32c: {  	s1 =	sor.u32 s1, s5;
	v13 =	vor.u32 s0, v0;
	v19 =	vsub.f32 $1.000000000e+00, v18;
	(pc) =	sbr.rel @p0 .LBB2_19-.Ltmp8, $4  }
0x32d: {  	s1 =	sor.u32 $0x2000, s1;
	v12 =	vor.u32 s0, v1;
	v20 =	vadd.f32 v15, v14;
	v17 =	vadd.f32 v17, v16  }
0x32e: {  	v21 =	vmov s0;
	v15 =	vshll.u32 v13, $0x3;
	v14 =	vor.u32 s1, v5  }
0x32f: {  	v15 =	vor.u32 v4, v15;
	v16 =	vmul.f32 v20, v19;
	v18 =	vmul.f32 v17, v18  }
0x330: {  	s0 =	sadd.s32 $0x4, s0;
	v19 =	vshll.u32 v12, $0x3;
	v17 =	vshll.u32 v21, $0x3  }
0x331: {  	_ =	sdelay $0x1  }
0x332: {  	v19 =	vor.u32 v4, v19;
	v20 =	vadd.s32 v3, v17;
	v16 =	vadd.f32 v18, v16  }
0x333: {  	v56 =	vadd.s32 v2, v17;
	v55 =	vor.u32 v4, v20  }
0x334: {  	v17 =	vor.u32 v4, v56;
	[tilespmem:v14+s24+$0x0] =	vst.idx.msk $0xffff, v16  }
0x335: {  	v14 =	vld.idx.msk [tilespmem:v15+s15+$0x0], $0xffff  }
0x336: {  	v13 =	vld.idx.msk [tilespmem:v13+s23+$0x0], $0xffff  }
0x337: {  	v15 =	vld.idx.msk [tilespmem:v19+s15+$0x0], $0xffff  }
0x338: {  	v16 =	vld.idx.msk [tilespmem:v55+s15+$0x0], $0xffff  }
0x339: {  	v17 =	vld.idx.msk [tilespmem:v17+s15+$0x0], $0xffff  }
0x33a: {  	v12 =	vld.idx.msk [tilespmem:v12+s23+$0x0], $0xffff  }
0x33b: {  	v57 =	vsub.f32 $1.000000000e+00, v13;
	_ =	sdelay $0x1  }
0x33c: {  	s0 =	sadd.s32 $0x20, s31;
	v14 =	vmul.f32 v14, v57;
	v15 =	vmul.f32 v15, v13  }
0x33d: {  	s1 =	sand.u32 $0x7C, s30;
	s0 =	sand.u32 $0x1C00, s0;
	v16 =	vmul.f32 v16, v57;
	v13 =	vmul.f32 v17, v13  }
0x33e: {  	s0 =	sor.u32 s0, s1;
	v58 =	vsub.f32 $1.000000000e+00, v12  }
0x33f: {  	s0 =	sor.u32 $0x2000, s0;
	v14 =	vadd.f32 v15, v14;
	v13 =	vadd.f32 v13, v16  }
0x340: {  	v15 =	vor.u32 s0, v5  }
0x341: {  	v14 =	vmul.f32 v14, v58;
	v12 =	vmul.f32 v13, v12  }
0x342: {  	s5 =	simm.s32 $0x0  }
0x343: {  	s0 =	sand.u32 $0x3FFFFF00, s5;
	v12 =	vadd.f32 v12, v14  }
0x344: {  	s11 =	sand.u32 $0x70, s29;
	s0 =	sadd.s32 s0, s28  }
0x345: {  	s0 =	sadd.s32 s11, s0;
	[tilespmem:v15+s24+$0x0] =	vst.idx.msk $0xffff, v12  }
0x346: {  	v12 =	vld [tilespmem:s0+$0x0]  }
0x347: {  	v13 =	vld [tilespmem:s0+$0x80];
	_ =	sdelay $0x4  }
0x348: {  	v12 =	vmul.f32 $5.511807130e+03, v12;
	v13 =	vmul.f32 $5.511807130e+03, v13;
	_ =	sdelay $0x1  }
0x349: {  	v12 =	vadd.f32 $5.000000000e-01, v12;
	v13 =	vadd.f32 $5.000000000e-01, v13;
	_ =	sdelay $0x1  }
0x34a: {  	v14 =	vtrunc.f32 v12;
	v15 =	vtrunc.f32 v13  }
0x34b: {  	v14 =	vcvt.f32.s32 v14;
	v15 =	vcvt.f32.s32 v15;
	_ =	sdelay $0x1  }
0x34c: {  	v59 =	vcvt.s32.f32 v14;
	v60 =	vmul.u32 $0x9E3779B1, v15  }
0x34d: {  	v15 =	vcvt.s32.f32 v15  }
0x34e: {  	v61 =	vadd.s32 $0x1, v14;
	v12 =	vsub.f32 v12, v59;
	v62 =	vadd.s32 $0x9E3779B1, v60  }
0x34f: {  	s29 =	simm.s32 $0x3400;
	s5 =	simm.s32 $0x0;
	v63 =	vxor.u32 v61, v60;
	v13 =	vsub.f32 v13, v15;
	v15 =	vxor.u32 v14, v62  }
0x350: {  	s0 =	sand.u32 $0x3FFFFF80, s5;
	v19 =	vand.u32 $0xFFFF, v63;
	[tilespmem:s29+$0xFFFFFC00] =	vst v12;
	v12 =	vand.u32 $0xFFFF, v15  }
0x351: {  	s1 =	sor.u32 s11, s0;
	v15 =	vxor.u32 v61, v62;
	[tilespmem:s29+$0x0] =	vst v13;
	v13 =	vxor.u32 v14, v60;
	v14 =	vor.u32 $0x40000, v19  }
0x352: {  	s30 =	simm.s32 $0x1;
	s11 =	simm.s32 $0x20;
	v12 =	vor.u32 $0x40000, v12;
	v15 =	vand.u32 $0xFFFF, v15;
	v13 =	vand.u32 $0xFFFF, v13;
	[tilespmem:s1+$0x1400] =	vst v14  }
0x353: {  	s31 =	simm.s32 $0x2;
	s0 =	simm.s32 $0x10;
	s11 =	sand.u32 $0x3FFFFF00, s11;
	[tilespmem:s1+$0x1800] =	vst v12;
	v12 =	vor.u32 $0x40000, v15;
	v13 =	vor.u32 $0x40000, v13  }
.LBB2_21:
0x354: {  	p0 =	sne.s32 s31, $0x3F;
	s5 =	sand.u32 $0x70, s0;
	s11 =	sadd.s32 s11, s28;
	[tilespmem:s1+$0x1C00] =	vst v12  }
0x355: {  	s11 =	sadd.s32 s5, s11;
	[tilespmem:s1+$0x1000] =	vst v13  }
0x356: {  	v12 =	vld [tilespmem:s11+$0x0]  }
0x357: {  	v13 =	vld [tilespmem:s11+$0x80];
	_ =	sdelay $0x4  }
0x358: {  	v12 =	vmul.f32 $5.511807130e+03, v12;
	v13 =	vmul.f32 $5.511807130e+03, v13;
	_ =	sdelay $0x1  }
0x359: {  	v12 =	vadd.f32 $5.000000000e-01, v12;
	v13 =	vadd.f32 $5.000000000e-01, v13;
	_ =	sdelay $0x1  }
0x35a: {  	v14 =	vtrunc.f32 v12;
	v15 =	vtrunc.f32 v13  }
0x35b: {  	v14 =	vcvt.f32.s32 v14;
	v15 =	vcvt.f32.s32 v15;
	_ =	sdelay $0x1  }
0x35c: {  	v16 =	vcvt.s32.f32 v14;
	v18 =	vadd.s32 $0x1, v14;
	v17 =	vmul.u32 $0x9E3779B1, v15  }
0x35d: {  	v15 =	vcvt.s32.f32 v15  }
0x35e: {  	v12 =	vsub.f32 v12, v16;
	v16 =	vadd.s32 $0x9E3779B1, v17;
	v19 =	vxor.u32 v18, v17  }
.Ltmp9:
0x35f: {  	s29 =	sadd.s32 $0x10, s29;
	s1 =	sshll.u32 s30, $0x4;
	v13 =	vsub.f32 v13, v15;
	v15 =	vand.u32 $0xFFFF, v19;
	v19 =	vxor.u32 v14, v16;
	(pc) =	sbr.rel @p0 .LBB2_21-.Ltmp9, $4  }
0x360: {  	s30 =	smov.u32 s31;
	s1 =	sand.u32 $0x3FFFFF80, s1;
	v16 =	vxor.u32 v18, v16;
	[tilespmem:s29+$0xFFFFFC00] =	vst v12;
	v15 =	vor.u32 $0x40000, v15;
	v12 =	vand.u32 $0xFFFF, v19  }
0x361: {  	s1 =	sor.u32 s5, s1;
	[tilespmem:s29+$0x0] =	vst v13;
	v13 =	vxor.u32 v14, v17;
	v12 =	vor.u32 $0x40000, v12;
	v14 =	vand.u32 $0xFFFF, v16  }
0x362: {  	s5 =	sshll.u32 s31, $0x5;
	v13 =	vand.u32 $0xFFFF, v13;
	[tilespmem:s1+$0x1800] =	vst v12;
	v12 =	vor.u32 $0x40000, v14  }
0x363: {  	s0 =	sadd.s32 $0x10, s0;
	s31 =	sadd.s32 $0x1, s31;
	s11 =	sand.u32 $0x3FFFFF00, s5;
	v13 =	vor.u32 $0x40000, v13;
	[tilespmem:s1+$0x1400] =	vst v15  }
0x364: {  	s0 =	sand.u32 $0x70, s0;
	s5 =	sadd.s32 s11, s28;
	[tilespmem:s1+$0x1C00] =	vst v12  }
0x365: {  	[tilespmem:s1+$0x1000] =	vst v13;
	s11 =	sadd.s32 s0, s5  }
0x366: {  	v12 =	vld [tilespmem:s11+$0x0]  }
0x367: {  	v13 =	vld [tilespmem:s11+$0x80];
	_ =	sdelay $0x4  }
0x368: {  	v12 =	vmul.f32 $5.511807130e+03, v12;
	v13 =	vmul.f32 $5.511807130e+03, v13;
	_ =	sdelay $0x1  }
0x369: {  	v12 =	vadd.f32 $5.000000000e-01, v12;
	v13 =	vadd.f32 $5.000000000e-01, v13;
	_ =	sdelay $0x1  }
0x36a: {  	v14 =	vtrunc.f32 v12;
	v15 =	vtrunc.f32 v13  }
0x36b: {  	v14 =	vcvt.f32.s32 v14;
	v15 =	vcvt.f32.s32 v15;
	_ =	sdelay $0x1  }
0x36c: {  	v16 =	vcvt.s32.f32 v14;
	v17 =	vmul.u32 $0x9E3779B1, v15  }
0x36d: {  	v15 =	vcvt.s32.f32 v15  }
0x36e: {  	v12 =	vsub.f32 v12, v16;
	v16 =	vadd.s32 $0x9E3779B1, v17  }
0x36f: {  	s5 =	sshll.u32 s30, $0x4;
	s11 =	sadd.s32 $0x10, s29;
	v18 =	vadd.s32 $0x1, v14;
	v13 =	vsub.f32 v13, v15;
	v15 =	vxor.u32 v14, v16  }
0x370: {  	s1 =	sand.u32 $0x3FFFFF80, s5;
	v19 =	vxor.u32 v18, v17;
	[tilespmem:s11+$0xFFFFFC00] =	vst v12;
	v12 =	vand.u32 $0xFFFF, v15  }
0x371: {  	s0 =	sor.u32 s0, s1;
	v16 =	vxor.u32 v18, v16;
	v15 =	vand.u32 $0xFFFF, v19;
	[tilespmem:s11+$0x0] =	vst v13;
	v12 =	vor.u32 $0x40000, v12  }
0x372: {  	v14 =	vxor.u32 v14, v17;
	v13 =	vor.u32 $0x40000, v15;
	v15 =	vand.u32 $0xFFFF, v16;
	[tilespmem:s0+$0x1800] =	vst v12  }
0x373: {  	v12 =	vand.u32 $0xFFFF, v14;
	v14 =	vor.u32 $0x40000, v15;
	[tilespmem:s0+$0x1400] =	vst v13  }
0x374: {  	v12 =	vor.u32 $0x40000, v12;
	[tilespmem:s0+$0x1C00] =	vst v14  }
0x375: {  	s1 =	simm.s32 $0x1000;
	[tilespmem:s0+$0x1000] =	vst v12  }
0x376: {  	[tilespmem:s15], [sflag:$0x1] =	stream.indirect.gather [hbm4b:s4+s13], $0x8, s1, s13, $0xb8;
	[tilespmem:$0x1C000] =	vst v63  }
0x377: {  	s5 =	simm.s32 $0x1080;
	s11 =	simm.s32 $0x4400  }
0x378: {  	[tilespmem:s11], [sflag:$0x1] =	stream.indirect.gather [hbm4b:s4+s13], $0x8, s5, s13, $0xb8;
	[tilespmem:$0x1C000] =	vst v63  }
0x379: {  	s5 =	simm.s32 $0x1100;
	s11 =	simm.s32 $0x4800  }
0x37a: {  	[tilespmem:s11], [sflag:$0x1] =	stream.indirect.gather [hbm4b:s4+s13], $0x8, s5, s13, $0xb8;
	[tilespmem:$0x1C000] =	vst v63  }
0x37b: {  	s5 =	simm.s32 $0x1180;
	s11 =	simm.s32 $0x4C00  }
0x37c: {  	[tilespmem:s11], [sflag:$0x1] =	stream.indirect.gather [hbm4b:s4+s13], $0x8, s5, s13, $0xb8;
	[tilespmem:$0x1C000] =	vst v63  }
0x37d: {  	s5 =	simm.s32 $0x1200;
	s11 =	simm.s32 $0x5000  }
0x37e: {  	[tilespmem:s11], [sflag:$0x1] =	stream.indirect.gather [hbm4b:s4+s13], $0x8, s5, s13, $0xb8;
	[tilespmem:$0x1C000] =	vst v63  }
0x37f: {  	s5 =	simm.s32 $0x1280;
	s11 =	simm.s32 $0x5400  }
0x380: {  	[tilespmem:s11], [sflag:$0x1] =	stream.indirect.gather [hbm4b:s4+s13], $0x8, s5, s13, $0xb8;
	[tilespmem:$0x1C000] =	vst v63  }
0x381: {  	s5 =	simm.s32 $0x1300;
	s11 =	simm.s32 $0x5800  }
0x382: {  	[tilespmem:s11], [sflag:$0x1] =	stream.indirect.gather [hbm4b:s4+s13], $0x8, s5, s13, $0xb8;
	[tilespmem:$0x1C000] =	vst v63  }
0x383: {  	s5 =	simm.s32 $0x1380;
	s11 =	simm.s32 $0x5C00  }
0x384: {  	[tilespmem:s11], [sflag:$0x1] =	stream.indirect.gather [hbm4b:s4+s13], $0x8, s5, s13, $0xb8;
	[tilespmem:$0x1C000] =	vst v63  }
0x385: {  	s5 =	simm.s32 $0x1400;
	s11 =	simm.s32 $0x6000  }
0x386: {  	[tilespmem:s11], [sflag:$0x1] =	stream.indirect.gather [hbm4b:s4+s13], $0x8, s5, s13, $0xb8;
	[tilespmem:$0x1C000] =	vst v63  }
0x387: {  	s5 =	simm.s32 $0x1480;
	s11 =	simm.s32 $0x6400  }
0x388: {  	[tilespmem:s11], [sflag:$0x1] =	stream.indirect.gather [hbm4b:s4+s13], $0x8, s5, s13, $0xb8;
	[tilespmem:$0x1C000] =	vst v63  }
0x389: {  	s5 =	simm.s32 $0x1500;
	s11 =	simm.s32 $0x6800  }
0x38a: {  	[tilespmem:s11], [sflag:$0x1] =	stream.indirect.gather [hbm4b:s4+s13], $0x8, s5, s13, $0xb8;
	[tilespmem:$0x1C000] =	vst v63  }
0x38b: {  	s5 =	simm.s32 $0x1580;
	s11 =	simm.s32 $0x6C00  }
0x38c: {  	[tilespmem:s11], [sflag:$0x1] =	stream.indirect.gather [hbm4b:s4+s13], $0x8, s5, s13, $0xb8;
	[tilespmem:$0x1C000] =	vst v63  }
0x38d: {  	s5 =	simm.s32 $0x1600;
	s11 =	simm.s32 $0x7000  }
0x38e: {  	[tilespmem:s11], [sflag:$0x1] =	stream.indirect.gather [hbm4b:s4+s13], $0x8, s5, s13, $0xb8;
	[tilespmem:$0x1C000] =	vst v63  }
0x38f: {  	s5 =	simm.s32 $0x1680;
	s11 =	simm.s32 $0x7400  }
0x390: {  	[tilespmem:s11], [sflag:$0x1] =	stream.indirect.gather [hbm4b:s4+s13], $0x8, s5, s13, $0xb8;
	[tilespmem:$0x1C000] =	vst v63  }
0x391: {  	s5 =	simm.s32 $0x1700;
	s11 =	simm.s32 $0x7800  }
0x392: {  	[tilespmem:s11], [sflag:$0x1] =	stream.indirect.gather [hbm4b:s4+s13], $0x8, s5, s13, $0xb8;
	[tilespmem:$0x1C000] =	vst v63  }
0x393: {  	s5 =	simm.s32 $0x1780;
	s11 =	simm.s32 $0x7C00  }
0x394: {  	[tilespmem:s11], [sflag:$0x1] =	stream.indirect.gather [hbm4b:s4+s13], $0x8, s5, s13, $0xb8;
	[tilespmem:$0x1C000] =	vst v63  }
0x395: {  	s5 =	simm.s32 $0x1800;
	s11 =	simm.s32 $0x8000  }
0x396: {  	[tilespmem:s11], [sflag:$0x1] =	stream.indirect.gather [hbm4b:s4+s13], $0x8, s5, s13, $0xb8;
	[tilespmem:$0x1C000] =	vst v63  }
0x397: {  	s5 =	simm.s32 $0x1880;
	s11 =	simm.s32 $0x8400  }
0x398: {  	[tilespmem:s11], [sflag:$0x1] =	stream.indirect.gather [hbm4b:s4+s13], $0x8, s5, s13, $0xb8;
	[tilespmem:$0x1C000] =	vst v63  }
0x399: {  	s5 =	simm.s32 $0x1900;
	s11 =	simm.s32 $0x8800  }
0x39a: {  	[tilespmem:s11], [sflag:$0x1] =	stream.indirect.gather [hbm4b:s4+s13], $0x8, s5, s13, $0xb8;
	[tilespmem:$0x1C000] =	vst v63  }
0x39b: {  	s5 =	simm.s32 $0x1980;
	s11 =	simm.s32 $0x8C00  }
0x39c: {  	[tilespmem:s11], [sflag:$0x1] =	stream.indirect.gather [hbm4b:s4+s13], $0x8, s5, s13, $0xb8;
	[tilespmem:$0x1C000] =	vst v63  }
0x39d: {  	s5 =	simm.s32 $0x1A00;
	s11 =	simm.s32 $0x9000  }
0x39e: {  	[tilespmem:s11], [sflag:$0x1] =	stream.indirect.gather [hbm4b:s4+s13], $0x8, s5, s13, $0xb8;
	[tilespmem:$0x1C000] =	vst v63  }
0x39f: {  	s5 =	simm.s32 $0x1A80;
	s11 =	simm.s32 $0x9400  }
0x3a0: {  	[tilespmem:s11], [sflag:$0x1] =	stream.indirect.gather [hbm4b:s4+s13], $0x8, s5, s13, $0xb8;
	[tilespmem:$0x1C000] =	vst v63  }
0x3a1: {  	s5 =	simm.s32 $0x1B00;
	s11 =	simm.s32 $0x9800  }
0x3a2: {  	[tilespmem:s11], [sflag:$0x1] =	stream.indirect.gather [hbm4b:s4+s13], $0x8, s5, s13, $0xb8;
	[tilespmem:$0x1C000] =	vst v63  }
0x3a3: {  	s5 =	simm.s32 $0x1B80;
	s11 =	simm.s32 $0x9C00  }
0x3a4: {  	[tilespmem:s11], [sflag:$0x1] =	stream.indirect.gather [hbm4b:s4+s13], $0x8, s5, s13, $0xb8;
	[tilespmem:$0x1C000] =	vst v63  }
0x3a5: {  	s1 =	simm.s32 $0x1C00  }
0x3a6: {  	[tilespmem:s2], [sflag:$0x1] =	stream.indirect.gather [hbm4b:s4+s13], $0x8, s1, s13, $0xb8;
	[tilespmem:$0x1C000] =	vst v63  }
0x3a7: {  	_ = 	snop  }
0x3a8: {  	[tilespmem:s7], [sflag:$0x1] =	stream.indirect.gather [hbm4b:s4+s13], $0x8, s6, s13, $0xb8;
	[tilespmem:$0x1C000] =	vst v63  }
0x3a9: {  	_ = 	snop  }
0x3aa: {  	[tilespmem:s9], [sflag:$0x1] =	stream.indirect.gather [hbm4b:s4+s13], $0x8, s8, s13, $0xb8;
	[tilespmem:$0x1C000] =	vst v63  }
0x3ab: {  	_ = 	snop  }
0x3ac: {  	[tilespmem:s12], [sflag:$0x1] =	stream.indirect.gather [hbm4b:s4+s13], $0x8, s10, s13, $0xb8;
	[tilespmem:$0x1C000] =	vst v63  }
0x3ad: {  	_ = 	snop  }
0x3ae: {  	[tilespmem:s16], [sflag:$0x1] =	stream.indirect.gather [hbm4b:s4+s13], $0x8, s14, s13, $0xb8;
	[tilespmem:$0x1C000] =	vst v63  }
0x3af: {  	_ = 	snop  }
0x3b0: {  	[tilespmem:s18], [sflag:$0x1] =	stream.indirect.gather [hbm4b:s4+s13], $0x8, s17, s13, $0xb8;
	[tilespmem:$0x1C000] =	vst v63  }
0x3b1: {  	_ = 	snop  }
0x3b2: {  	[tilespmem:s20], [sflag:$0x1] =	stream.indirect.gather [hbm4b:s4+s13], $0x8, s19, s13, $0xb8;
	[tilespmem:$0x1C000] =	vst v63  }
0x3b3: {  	_ = 	snop  }
0x3b4: {  	[tilespmem:s22], [sflag:$0x1] =	stream.indirect.gather [hbm4b:s4+s13], $0x8, s21, s13, $0xb8;
	[tilespmem:$0x1C000] =	vst v63  }
0x3b5: {  	_ =	swait.ge [sflag:s25], $0x400  }
0x3b6: {  	[sflag:s25] =	ssyncset.done $0x0  }
0x3b7: {  	[sflag:s25] =	ssyncadd.s32 $0xFFFFFC00  }
0x3b8: {  	_ =	swait.ge [sflag:s25], $0x400  }
0x3b9: {  	[sflag:s25] =	ssyncset.done $0x0  }
0x3ba: {  	[sflag:s25] =	ssyncadd.s32 $0xFFFFFC00  }
0x3bb: {  	_ =	swait.ge [sflag:s25], $0x400  }
0x3bc: {  	[sflag:s25] =	ssyncset.done $0x0  }
0x3bd: {  	[sflag:s25] =	ssyncadd.s32 $0xFFFFFC00  }
0x3be: {  	_ =	swait.ge [sflag:s25], $0x400  }
0x3bf: {  	[sflag:s25] =	ssyncset.done $0x0  }
0x3c0: {  	[sflag:s25] =	ssyncadd.s32 $0xFFFFFC00  }
0x3c1: {  	_ =	swait.ge [sflag:s25], $0x400  }
0x3c2: {  	[sflag:s25] =	ssyncset.done $0x0  }
0x3c3: {  	[sflag:s25] =	ssyncadd.s32 $0xFFFFFC00  }
0x3c4: {  	_ =	swait.ge [sflag:s25], $0x400  }
0x3c5: {  	[sflag:s25] =	ssyncset.done $0x0  }
0x3c6: {  	[sflag:s25] =	ssyncadd.s32 $0xFFFFFC00  }
0x3c7: {  	_ =	swait.ge [sflag:s25], $0x400  }
0x3c8: {  	[sflag:s25] =	ssyncset.done $0x0  }
0x3c9: {  	[sflag:s25] =	ssyncadd.s32 $0xFFFFFC00  }
0x3ca: {  	_ =	swait.ge [sflag:s25], $0x400  }
0x3cb: {  	[sflag:s25] =	ssyncset.done $0x0  }
0x3cc: {  	[sflag:s25] =	ssyncadd.s32 $0xFFFFFC00  }
0x3cd: {  	_ =	swait.ge [sflag:s25], $0x400  }
0x3ce: {  	[sflag:s25] =	ssyncset.done $0x0  }
0x3cf: {  	[sflag:s25] =	ssyncadd.s32 $0xFFFFFC00  }
0x3d0: {  	_ =	swait.ge [sflag:s25], $0x400  }
0x3d1: {  	[sflag:s25] =	ssyncset.done $0x0  }
0x3d2: {  	[sflag:s25] =	ssyncadd.s32 $0xFFFFFC00  }
0x3d3: {  	_ =	swait.ge [sflag:s25], $0x400  }
0x3d4: {  	[sflag:s25] =	ssyncset.done $0x0  }
0x3d5: {  	[sflag:s25] =	ssyncadd.s32 $0xFFFFFC00  }
0x3d6: {  	_ =	swait.ge [sflag:s25], $0x400  }
0x3d7: {  	[sflag:s25] =	ssyncset.done $0x0  }
0x3d8: {  	[sflag:s25] =	ssyncadd.s32 $0xFFFFFC00  }
0x3d9: {  	_ =	swait.ge [sflag:s25], $0x400  }
0x3da: {  	[sflag:s25] =	ssyncset.done $0x0  }
0x3db: {  	[sflag:s25] =	ssyncadd.s32 $0xFFFFFC00  }
0x3dc: {  	_ =	swait.ge [sflag:s25], $0x400  }
0x3dd: {  	[sflag:s25] =	ssyncset.done $0x0  }
0x3de: {  	[sflag:s25] =	ssyncadd.s32 $0xFFFFFC00  }
0x3df: {  	_ =	swait.ge [sflag:s25], $0x400  }
0x3e0: {  	[sflag:s25] =	ssyncset.done $0x0  }
0x3e1: {  	[sflag:s25] =	ssyncadd.s32 $0xFFFFFC00  }
0x3e2: {  	_ =	swait.ge [sflag:s25], $0x400  }
0x3e3: {  	[sflag:s25] =	ssyncset.done $0x0  }
0x3e4: {  	[sflag:s25] =	ssyncadd.s32 $0xFFFFFC00  }
0x3e5: {  	_ =	swait.ge [sflag:s25], $0x400  }
0x3e6: {  	[sflag:s25] =	ssyncset.done $0x0  }
0x3e7: {  	[sflag:s25] =	ssyncadd.s32 $0xFFFFFC00  }
0x3e8: {  	_ =	swait.ge [sflag:s25], $0x400  }
0x3e9: {  	[sflag:s25] =	ssyncset.done $0x0  }
0x3ea: {  	[sflag:s25] =	ssyncadd.s32 $0xFFFFFC00  }
0x3eb: {  	_ =	swait.ge [sflag:s25], $0x400  }
0x3ec: {  	[sflag:s25] =	ssyncset.done $0x0  }
0x3ed: {  	[sflag:s25] =	ssyncadd.s32 $0xFFFFFC00  }
0x3ee: {  	_ =	swait.ge [sflag:s25], $0x400  }
0x3ef: {  	[sflag:s25] =	ssyncset.done $0x0  }
0x3f0: {  	[sflag:s25] =	ssyncadd.s32 $0xFFFFFC00  }
0x3f1: {  	_ =	swait.ge [sflag:s25], $0x400  }
0x3f2: {  	[sflag:s25] =	ssyncset.done $0x0  }
0x3f3: {  	[sflag:s25] =	ssyncadd.s32 $0xFFFFFC00  }
0x3f4: {  	_ =	swait.ge [sflag:s25], $0x400  }
0x3f5: {  	[sflag:s25] =	ssyncset.done $0x0  }
0x3f6: {  	[sflag:s25] =	ssyncadd.s32 $0xFFFFFC00  }
0x3f7: {  	_ =	swait.ge [sflag:s25], $0x400  }
0x3f8: {  	[sflag:s25] =	ssyncset.done $0x0  }
0x3f9: {  	[sflag:s25] =	ssyncadd.s32 $0xFFFFFC00  }
0x3fa: {  	_ =	swait.ge [sflag:s25], $0x400  }
0x3fb: {  	[sflag:s25] =	ssyncset.done $0x0  }
0x3fc: {  	[sflag:s25] =	ssyncadd.s32 $0xFFFFFC00  }
0x3fd: {  	_ =	swait.ge [sflag:s25], $0x400  }
0x3fe: {  	[sflag:s25] =	ssyncset.done $0x0  }
0x3ff: {  	[sflag:s25] =	ssyncadd.s32 $0xFFFFFC00  }
0x400: {  	_ =	swait.ge [sflag:s25], $0x400  }
0x401: {  	[sflag:s25] =	ssyncset.done $0x0  }
0x402: {  	[sflag:s25] =	ssyncadd.s32 $0xFFFFFC00  }
0x403: {  	_ =	swait.ge [sflag:s25], $0x400  }
0x404: {  	[sflag:s25] =	ssyncset.done $0x0  }
0x405: {  	[sflag:s25] =	ssyncadd.s32 $0xFFFFFC00  }
0x406: {  	_ =	swait.ge [sflag:s25], $0x400  }
0x407: {  	[sflag:s25] =	ssyncset.done $0x0  }
0x408: {  	[sflag:s25] =	ssyncadd.s32 $0xFFFFFC00  }
0x409: {  	_ =	swait.ge [sflag:s25], $0x400  }
0x40a: {  	[sflag:s25] =	ssyncset.done $0x0  }
0x40b: {  	[sflag:s25] =	ssyncadd.s32 $0xFFFFFC00  }
0x40c: {  	s29 =	simm.s32 $0x0;
	_ =	swait.ge [sflag:s25], $0x400  }
0x40d: {  	v12 =	vmov s29;
	[sflag:s25] =	ssyncset.done $0x0  }
0x40e: {  	v12 =	vshll.u32 v12, $0x3;
	[sflag:s25] =	ssyncadd.s32 $0xFFFFFC00  }
0x40f: {  	v13 =	vadd.s32 v8, v12;
	_ =	swait.ge [sflag:s25], $0x400  }
0x410: {  	v13 =	vor.u32 v4, v13;
	[sflag:s25] =	ssyncset.done $0x0  }
0x411: {  	v14 =	vor.u32 s29, v6;
	v15 =	vadd.s32 v11, v12;
	[sflag:s25] =	ssyncadd.s32 $0xFFFFFC00  }
0x412: {  	v16 =	vadd.s32 v10, v12;
	v12 =	vadd.s32 v9, v12;
	v15 =	vor.u32 v4, v15;
	_ =	swait.ge [sflag:s25], $0x400  }
0x413: {  	v12 =	vor.u32 v4, v12;
	[sflag:s25] =	ssyncset.done $0x0  }
0x414: {  	v16 =	vor.u32 v4, v16;
	[sflag:s25] =	ssyncadd.s32 $0xFFFFFC00  }
0x415: {  	v17 =	vor.u32 s29, v7;
	v13 =	vld.idx.msk [tilespmem:v13+s15+$0x0], $0xffff  }
0x416: {  	v14 =	vld.idx.msk [tilespmem:v14+s23+$0x0], $0xffff  }
0x417: {  	v15 =	vld.idx.msk [tilespmem:v15+s15+$0x0], $0xffff  }
0x418: {  	v12 =	vld.idx.msk [tilespmem:v12+s15+$0x0], $0xffff  }
0x419: {  	v16 =	vld.idx.msk [tilespmem:v16+s15+$0x0], $0xffff  }
0x41a: {  	v17 =	vld.idx.msk [tilespmem:v17+s23+$0x0], $0xffff;
	_ =	sdelay $0x1  }
0x41b: {  	v18 =	vsub.f32 $1.000000000e+00, v14  }
0x41c: {  	v15 =	vmul.f32 v15, v14;
	v14 =	vmul.f32 v12, v14  }
0x41d: {  	s30 =	simm.s32 $0x4;
	s5 =	sand.u32 $0x1C00, s29;
	s11 =	sand.u32 $0x7C, s29;
	v13 =	vmul.f32 v13, v18;
	v16 =	vmul.f32 v16, v18  }
0x41e: {  	s0 =	sor.u32 s5, s11;
	v12 =	vmov s30;
	v18 =	vsub.f32 $1.000000000e+00, v17  }
0x41f: {  	s0 =	sor.u32 $0x2200, s0;
	v12 =	vshll.u32 v12, $0x3;
	v15 =	vadd.f32 v15, v13;
	v19 =	vadd.f32 v14, v16  }
0x420: {  	v13 =	vadd.s32 v8, v12;
	v14 =	vor.u32 s0, v5  }
0x421: {  	v13 =	vor.u32 v4, v13;
	v16 =	vmul.f32 v15, v18;
	v17 =	vmul.f32 v19, v17  }
0x422: {  	s31 =	simm.s32 $0x0;
	s0 =	simm.s32 $0x8;
	v15 =	vor.u32 s30, v6;
	v18 =	vadd.s32 v11, v12  }
.LBB2_23:
0x423: {  	p0 =	sne.s32 s0, $0x3FC;
	v18 =	vor.u32 v4, v18;
	v19 =	vadd.s32 v10, v12;
	v16 =	vadd.f32 v17, v16  }
0x424: {  	v12 =	vadd.s32 v9, v12;
	v17 =	vor.u32 v4, v19  }
0x425: {  	v12 =	vor.u32 v4, v12;
	[tilespmem:v14+s24+$0x0] =	vst.idx.msk $0xffff, v16  }
0x426: {  	v14 =	vor.u32 s30, v7;
	v13 =	vld.idx.msk [tilespmem:v13+s15+$0x0], $0xffff  }
0x427: {  	v15 =	vld.idx.msk [tilespmem:v15+s23+$0x0], $0xffff  }
0x428: {  	v16 =	vld.idx.msk [tilespmem:v18+s15+$0x0], $0xffff  }
0x429: {  	v17 =	vld.idx.msk [tilespmem:v17+s15+$0x0], $0xffff  }
0x42a: {  	v12 =	vld.idx.msk [tilespmem:v12+s15+$0x0], $0xffff  }
0x42b: {  	v18 =	vld.idx.msk [tilespmem:v14+s23+$0x0], $0xffff;
	_ =	sdelay $0x1  }
0x42c: {  	v14 =	vsub.f32 $1.000000000e+00, v15;
	_ =	sdelay $0x1  }
0x42d: {  	s31 =	sadd.s32 $0x20, s31;
	v16 =	vmul.f32 v16, v15;
	v13 =	vmul.f32 v13, v14  }
0x42e: {  	s5 =	sand.u32 $0x7C, s30;
	s1 =	sand.u32 $0x1C00, s31;
	s30 =	smov.u32 s0;
	v14 =	vmul.f32 v17, v14;
	v15 =	vmul.f32 v12, v15  }
.Ltmp10:
0x42f: {  	s1 =	sor.u32 s1, s5;
	v12 =	vmov s0;
	v17 =	vsub.f32 $1.000000000e+00, v18;
	(pc) =	sbr.rel @p0 .LBB2_23-.Ltmp10, $4  }
0x430: {  	s1 =	sor.u32 $0x2200, s1;
	v12 =	vshll.u32 v12, $0x3;
	v16 =	vadd.f32 v16, v13;
	v15 =	vadd.f32 v15, v14  }
0x431: {  	v13 =	vadd.s32 v8, v12;
	v14 =	vor.u32 s1, v5  }
0x432: {  	v13 =	vor.u32 v4, v13;
	v16 =	vmul.f32 v16, v17;
	v17 =	vmul.f32 v15, v18  }
0x433: {  	s0 =	sadd.s32 $0x4, s0;
	v15 =	vor.u32 s30, v6;
	v18 =	vadd.s32 v11, v12  }
0x434: {  	_ =	sdelay $0x1  }
0x435: {  	v18 =	vor.u32 v4, v18;
	v19 =	vadd.s32 v10, v12;
	v16 =	vadd.f32 v17, v16  }
0x436: {  	v12 =	vadd.s32 v9, v12;
	v56 =	vor.u32 v4, v19  }
0x437: {  	v12 =	vor.u32 v4, v12;
	[tilespmem:v14+s24+$0x0] =	vst.idx.msk $0xffff, v16  }
0x438: {  	v14 =	vor.u32 s30, v7;
	v13 =	vld.idx.msk [tilespmem:v13+s15+$0x0], $0xffff  }
0x439: {  	v15 =	vld.idx.msk [tilespmem:v15+s23+$0x0], $0xffff  }
0x43a: {  	v16 =	vld.idx.msk [tilespmem:v18+s15+$0x0], $0xffff  }
0x43b: {  	v17 =	vld.idx.msk [tilespmem:v56+s15+$0x0], $0xffff  }
0x43c: {  	v12 =	vld.idx.msk [tilespmem:v12+s15+$0x0], $0xffff  }
0x43d: {  	v14 =	vld.idx.msk [tilespmem:v14+s23+$0x0], $0xffff  }
0x43e: {  	v57 =	vsub.f32 $1.000000000e+00, v15;
	_ =	sdelay $0x1  }
0x43f: {  	s0 =	sadd.s32 $0x20, s31;
	v13 =	vmul.f32 v13, v57;
	v16 =	vmul.f32 v16, v15  }
0x440: {  	s1 =	sand.u32 $0x7C, s30;
	s0 =	sand.u32 $0x1C00, s0;
	v17 =	vmul.f32 v17, v57;
	v12 =	vmul.f32 v12, v15  }
0x441: {  	s0 =	sor.u32 s0, s1;
	v15 =	vsub.f32 $1.000000000e+00, v14  }
0x442: {  	s0 =	sor.u32 $0x2200, s0;
	v13 =	vadd.f32 v16, v13;
	v12 =	vadd.f32 v12, v17  }
0x443: {  	v58 =	vor.u32 s0, v5  }
0x444: {  	v13 =	vmul.f32 v13, v15;
	v12 =	vmul.f32 v12, v14  }
0x445: {  	s5 =	simm.s32 $0x0  }
0x446: {  	s0 =	sand.u32 $0x3FFFFF00, s5;
	v12 =	vadd.f32 v12, v13  }
0x447: {  	s11 =	sand.u32 $0x70, s29;
	s0 =	sadd.s32 s0, s28  }
0x448: {  	s0 =	sadd.s32 s11, s0;
	[tilespmem:v58+s24+$0x0] =	vst.idx.msk $0xffff, v12  }
0x449: {  	v12 =	vld [tilespmem:s0+$0x0]  }
0x44a: {  	v13 =	vld [tilespmem:s0+$0x80];
	_ =	sdelay $0x4  }
0x44b: {  	v12 =	vmul.f32 $9.985160150e+03, v12;
	v13 =	vmul.f32 $9.985160150e+03, v13;
	_ =	sdelay $0x1  }
0x44c: {  	v12 =	vadd.f32 $5.000000000e-01, v12;
	v13 =	vadd.f32 $5.000000000e-01, v13;
	_ =	sdelay $0x1  }
0x44d: {  	v14 =	vtrunc.f32 v12;
	v15 =	vtrunc.f32 v13  }
0x44e: {  	v14 =	vcvt.f32.s32 v14;
	v15 =	vcvt.f32.s32 v15;
	_ =	sdelay $0x1  }
0x44f: {  	v59 =	vcvt.s32.f32 v14;
	v60 =	vmul.u32 $0x9E3779B1, v15  }
0x450: {  	v15 =	vcvt.s32.f32 v15  }
0x451: {  	v61 =	vadd.s32 $0x1, v14;
	v12 =	vsub.f32 v12, v59;
	v62 =	vadd.s32 $0x9E3779B1, v60  }
0x452: {  	s29 =	simm.s32 $0x3C00;
	s5 =	simm.s32 $0x0;
	v63 =	vxor.u32 v61, v60;
	v13 =	vsub.f32 v13, v15;
	v15 =	vxor.u32 v14, v62  }
0x453: {  	s0 =	sand.u32 $0x3FFFFF80, s5;
	v19 =	vand.u32 $0xFFFF, v63;
	[tilespmem:s29+$0xFFFFFC00] =	vst v12;
	v12 =	vand.u32 $0xFFFF, v15  }
0x454: {  	s1 =	sor.u32 s11, s0;
	v15 =	vxor.u32 v61, v62;
	[tilespmem:s29+$0x0] =	vst v13;
	v13 =	vxor.u32 v14, v60;
	v14 =	vor.u32 $0x50000, v19  }
0x455: {  	s31 =	simm.s32 $0x2;
	s11 =	simm.s32 $0x20;
	v12 =	vor.u32 $0x50000, v12;
	v15 =	vand.u32 $0xFFFF, v15;
	v13 =	vand.u32 $0xFFFF, v13;
	[tilespmem:s1+$0x2400] =	vst v14  }
0x456: {  	s30 =	simm.s32 $0x1;
	s0 =	simm.s32 $0x10;
	s11 =	sand.u32 $0x3FFFFF00, s11;
	[tilespmem:s1+$0x2800] =	vst v12;
	v12 =	vor.u32 $0x50000, v15;
	v13 =	vor.u32 $0x50000, v13  }
.LBB2_25:
0x457: {  	p0 =	sne.s32 s31, $0x3F;
	s5 =	sand.u32 $0x70, s0;
	s11 =	sadd.s32 s11, s28;
	[tilespmem:s1+$0x2C00] =	vst v12  }
0x458: {  	s11 =	sadd.s32 s5, s11;
	[tilespmem:s1+$0x2000] =	vst v13  }
0x459: {  	v12 =	vld [tilespmem:s11+$0x0]  }
0x45a: {  	v13 =	vld [tilespmem:s11+$0x80];
	_ =	sdelay $0x4  }
0x45b: {  	v12 =	vmul.f32 $9.985160150e+03, v12;
	v13 =	vmul.f32 $9.985160150e+03, v13;
	_ =	sdelay $0x1  }
0x45c: {  	v12 =	vadd.f32 $5.000000000e-01, v12;
	v13 =	vadd.f32 $5.000000000e-01, v13;
	_ =	sdelay $0x1  }
0x45d: {  	v14 =	vtrunc.f32 v12;
	v15 =	vtrunc.f32 v13  }
0x45e: {  	v14 =	vcvt.f32.s32 v14;
	v15 =	vcvt.f32.s32 v15;
	_ =	sdelay $0x1  }
0x45f: {  	v16 =	vcvt.s32.f32 v14;
	v18 =	vadd.s32 $0x1, v14;
	v17 =	vmul.u32 $0x9E3779B1, v15  }
0x460: {  	v15 =	vcvt.s32.f32 v15  }
0x461: {  	v12 =	vsub.f32 v12, v16;
	v16 =	vadd.s32 $0x9E3779B1, v17;
	v19 =	vxor.u32 v18, v17  }
.Ltmp11:
0x462: {  	s29 =	sadd.s32 $0x10, s29;
	s1 =	sshll.u32 s30, $0x4;
	v13 =	vsub.f32 v13, v15;
	v15 =	vand.u32 $0xFFFF, v19;
	v19 =	vxor.u32 v14, v16;
	(pc) =	sbr.rel @p0 .LBB2_25-.Ltmp11, $4  }
0x463: {  	s30 =	smov.u32 s31;
	s1 =	sand.u32 $0x3FFFFF80, s1;
	v16 =	vxor.u32 v18, v16;
	[tilespmem:s29+$0xFFFFFC00] =	vst v12;
	v15 =	vor.u32 $0x50000, v15;
	v12 =	vand.u32 $0xFFFF, v19  }
0x464: {  	s1 =	sor.u32 s5, s1;
	[tilespmem:s29+$0x0] =	vst v13;
	v13 =	vxor.u32 v14, v17;
	v12 =	vor.u32 $0x50000, v12;
	v14 =	vand.u32 $0xFFFF, v16  }
0x465: {  	s5 =	sshll.u32 s31, $0x5;
	v13 =	vand.u32 $0xFFFF, v13;
	[tilespmem:s1+$0x2800] =	vst v12;
	v12 =	vor.u32 $0x50000, v14  }
0x466: {  	s0 =	sadd.s32 $0x10, s0;
	s31 =	sadd.s32 $0x1, s31;
	s11 =	sand.u32 $0x3FFFFF00, s5;
	v13 =	vor.u32 $0x50000, v13;
	[tilespmem:s1+$0x2400] =	vst v15  }
0x467: {  	s0 =	sand.u32 $0x70, s0;
	s5 =	sadd.s32 s11, s28;
	[tilespmem:s1+$0x2C00] =	vst v12  }
0x468: {  	[tilespmem:s1+$0x2000] =	vst v13;
	s5 =	sadd.s32 s0, s5  }
0x469: {  	v12 =	vld [tilespmem:s5+$0x0]  }
0x46a: {  	v13 =	vld [tilespmem:s5+$0x80];
	_ =	sdelay $0x3  }
0x46b: {  	v12 =	vmul.f32 $9.985160150e+03, v12  }
0x46c: {  	v13 =	vmul.f32 $9.985160150e+03, v13  }
0x46d: {  	v12 =	vadd.f32 $5.000000000e-01, v12  }
0x46e: {  	v13 =	vadd.f32 $5.000000000e-01, v13  }
0x46f: {  	v14 =	vtrunc.f32 v12  }
0x470: {  	v15 =	vtrunc.f32 v13;
	v14 =	vcvt.f32.s32 v14  }
0x471: {  	v15 =	vcvt.f32.s32 v15  }
0x472: {  	v16 =	vcvt.s32.f32 v14  }
0x473: {  	v17 =	vmul.u32 $0x9E3779B1, v15;
	v15 =	vcvt.s32.f32 v15  }
0x474: {  	v18 =	vadd.s32 $0x1, v14;
	v12 =	vsub.f32 v12, v16  }
0x475: {  	s11 =	sshll.u32 s30, $0x4;
	s30 =	sadd.s32 $0x10, s29;
	v56 =	vadd.s32 $0x9E3779B1, v17;
	v13 =	vsub.f32 v13, v15;
	v19 =	vxor.u32 v18, v17  }
0x476: {  	s1 =	sand.u32 $0x3FFFFF80, s11;
	v57 =	vxor.u32 v14, v56;
	v59 =	vand.u32 $0xFFFF, v19;
	[tilespmem:s30+$0xFFFFFC00] =	vst v12  }
0x477: {  	s0 =	sor.u32 s0, s1;
	v16 =	vxor.u32 v18, v56;
	v58 =	vand.u32 $0xFFFF, v57;
	[tilespmem:s30+$0x0] =	vst v13;
	v60 =	vor.u32 $0x50000, v59  }
0x478: {  	v14 =	vxor.u32 v14, v17;
	v61 =	vand.u32 $0xFFFF, v16;
	v12 =	vor.u32 $0x50000, v58;
	[tilespmem:s0+$0x2400] =	vst v60  }
0x479: {  	v62 =	vand.u32 $0xFFFF, v14;
	v63 =	vor.u32 $0x50000, v61;
	[tilespmem:s0+$0x2800] =	vst v12  }
0x47a: {  	v12 =	vor.u32 $0x50000, v62;
	[tilespmem:s0+$0x2C00] =	vst v63  }
0x47b: {  	s31 =	simm.s32 $0x2000;
	s1 =	simm.s32 $0x200;
	[tilespmem:s0+$0x2000] =	vst v12;
	s0 =	simm.s32 $0xC000  }
0x47c: {  	[tilespmem:s0], [sflag:$0x2] =	stream.indirect.gather [hbm4b:s4+s13], $0x8, s31, s13, $0xb8;
	[tilespmem:$0x1C000] =	vst v63  }
.LBB2_27:
0x47d: {  	p0 =	sne.s32 s1, $0x3E00  }
.Ltmp12:
0x47e: {  	_ = 	snop;
	(pc) =	sbr.rel @p0 .LBB2_27-.Ltmp12, $4  }
0x47f: {  	_ = 	snop  }
0x480: {  	s5 =	sshra.s32 s1, $0x2;
	s1 =	sadd.s32 $0x200, s1  }
0x481: {  	s0 =	sadd.s32 $0x400, s0;
	s5 =	sadd.s32 $0x2000, s5  }
0x482: {  	[tilespmem:s0], [sflag:$0x2] =	stream.indirect.gather [hbm4b:s4+s13], $0x8, s5, s13, $0xb8;
	[tilespmem:$0x1C000] =	vst v63  }
0x483: {  	_ =	swait.ge [sflag:s3], $0x400  }
0x484: {  	[sflag:s3] =	ssyncset.done $0x0  }
0x485: {  	[sflag:s3] =	ssyncadd.s32 $0xFFFFFC00  }
0x486: {  	_ =	swait.ge [sflag:s3], $0x400  }
0x487: {  	[sflag:s3] =	ssyncset.done $0x0  }
0x488: {  	[sflag:s3] =	ssyncadd.s32 $0xFFFFFC00  }
0x489: {  	_ =	swait.ge [sflag:s3], $0x400  }
0x48a: {  	[sflag:s3] =	ssyncset.done $0x0  }
0x48b: {  	[sflag:s3] =	ssyncadd.s32 $0xFFFFFC00  }
0x48c: {  	_ =	swait.ge [sflag:s3], $0x400  }
0x48d: {  	[sflag:s3] =	ssyncset.done $0x0  }
0x48e: {  	[sflag:s3] =	ssyncadd.s32 $0xFFFFFC00  }
0x48f: {  	_ =	swait.ge [sflag:s3], $0x400  }
0x490: {  	[sflag:s3] =	ssyncset.done $0x0  }
0x491: {  	[sflag:s3] =	ssyncadd.s32 $0xFFFFFC00  }
0x492: {  	_ =	swait.ge [sflag:s3], $0x400  }
0x493: {  	[sflag:s3] =	ssyncset.done $0x0  }
0x494: {  	[sflag:s3] =	ssyncadd.s32 $0xFFFFFC00  }
0x495: {  	_ =	swait.ge [sflag:s3], $0x400  }
0x496: {  	[sflag:s3] =	ssyncset.done $0x0  }
0x497: {  	[sflag:s3] =	ssyncadd.s32 $0xFFFFFC00  }
0x498: {  	_ =	swait.ge [sflag:s3], $0x400  }
0x499: {  	[sflag:s3] =	ssyncset.done $0x0  }
0x49a: {  	[sflag:s3] =	ssyncadd.s32 $0xFFFFFC00  }
0x49b: {  	_ =	swait.ge [sflag:s3], $0x400  }
0x49c: {  	[sflag:s3] =	ssyncset.done $0x0  }
0x49d: {  	[sflag:s3] =	ssyncadd.s32 $0xFFFFFC00  }
0x49e: {  	_ =	swait.ge [sflag:s3], $0x400  }
0x49f: {  	[sflag:s3] =	ssyncset.done $0x0  }
0x4a0: {  	[sflag:s3] =	ssyncadd.s32 $0xFFFFFC00  }
0x4a1: {  	_ =	swait.ge [sflag:s3], $0x400  }
0x4a2: {  	[sflag:s3] =	ssyncset.done $0x0  }
0x4a3: {  	[sflag:s3] =	ssyncadd.s32 $0xFFFFFC00  }
0x4a4: {  	_ =	swait.ge [sflag:s3], $0x400  }
0x4a5: {  	[sflag:s3] =	ssyncset.done $0x0  }
0x4a6: {  	[sflag:s3] =	ssyncadd.s32 $0xFFFFFC00  }
0x4a7: {  	_ =	swait.ge [sflag:s3], $0x400  }
0x4a8: {  	[sflag:s3] =	ssyncset.done $0x0  }
0x4a9: {  	[sflag:s3] =	ssyncadd.s32 $0xFFFFFC00  }
0x4aa: {  	_ =	swait.ge [sflag:s3], $0x400  }
0x4ab: {  	[sflag:s3] =	ssyncset.done $0x0  }
0x4ac: {  	[sflag:s3] =	ssyncadd.s32 $0xFFFFFC00  }
0x4ad: {  	_ =	swait.ge [sflag:s3], $0x400  }
0x4ae: {  	[sflag:s3] =	ssyncset.done $0x0  }
0x4af: {  	[sflag:s3] =	ssyncadd.s32 $0xFFFFFC00  }
0x4b0: {  	_ =	swait.ge [sflag:s3], $0x400  }
0x4b1: {  	[sflag:s3] =	ssyncset.done $0x0  }
0x4b2: {  	[sflag:s3] =	ssyncadd.s32 $0xFFFFFC00  }
0x4b3: {  	_ =	swait.ge [sflag:s3], $0x400  }
0x4b4: {  	[sflag:s3] =	ssyncset.done $0x0  }
0x4b5: {  	[sflag:s3] =	ssyncadd.s32 $0xFFFFFC00  }
0x4b6: {  	_ =	swait.ge [sflag:s3], $0x400  }
0x4b7: {  	[sflag:s3] =	ssyncset.done $0x0  }
0x4b8: {  	[sflag:s3] =	ssyncadd.s32 $0xFFFFFC00  }
0x4b9: {  	_ =	swait.ge [sflag:s3], $0x400  }
0x4ba: {  	[sflag:s3] =	ssyncset.done $0x0  }
0x4bb: {  	[sflag:s3] =	ssyncadd.s32 $0xFFFFFC00  }
0x4bc: {  	_ =	swait.ge [sflag:s3], $0x400  }
0x4bd: {  	[sflag:s3] =	ssyncset.done $0x0  }
0x4be: {  	[sflag:s3] =	ssyncadd.s32 $0xFFFFFC00  }
0x4bf: {  	_ =	swait.ge [sflag:s3], $0x400  }
0x4c0: {  	[sflag:s3] =	ssyncset.done $0x0  }
0x4c1: {  	[sflag:s3] =	ssyncadd.s32 $0xFFFFFC00  }
0x4c2: {  	_ =	swait.ge [sflag:s3], $0x400  }
0x4c3: {  	[sflag:s3] =	ssyncset.done $0x0  }
0x4c4: {  	[sflag:s3] =	ssyncadd.s32 $0xFFFFFC00  }
0x4c5: {  	_ =	swait.ge [sflag:s3], $0x400  }
0x4c6: {  	[sflag:s3] =	ssyncset.done $0x0  }
0x4c7: {  	[sflag:s3] =	ssyncadd.s32 $0xFFFFFC00  }
0x4c8: {  	_ =	swait.ge [sflag:s3], $0x400  }
0x4c9: {  	[sflag:s3] =	ssyncset.done $0x0  }
0x4ca: {  	[sflag:s3] =	ssyncadd.s32 $0xFFFFFC00  }
0x4cb: {  	_ =	swait.ge [sflag:s3], $0x400  }
0x4cc: {  	[sflag:s3] =	ssyncset.done $0x0  }
0x4cd: {  	[sflag:s3] =	ssyncadd.s32 $0xFFFFFC00  }
0x4ce: {  	_ =	swait.ge [sflag:s3], $0x400  }
0x4cf: {  	[sflag:s3] =	ssyncset.done $0x0  }
0x4d0: {  	[sflag:s3] =	ssyncadd.s32 $0xFFFFFC00  }
0x4d1: {  	_ =	swait.ge [sflag:s3], $0x400  }
0x4d2: {  	[sflag:s3] =	ssyncset.done $0x0  }
0x4d3: {  	[sflag:s3] =	ssyncadd.s32 $0xFFFFFC00  }
0x4d4: {  	_ =	swait.ge [sflag:s3], $0x400  }
0x4d5: {  	[sflag:s3] =	ssyncset.done $0x0  }
0x4d6: {  	[sflag:s3] =	ssyncadd.s32 $0xFFFFFC00  }
0x4d7: {  	_ =	swait.ge [sflag:s3], $0x400  }
0x4d8: {  	[sflag:s3] =	ssyncset.done $0x0  }
0x4d9: {  	[sflag:s3] =	ssyncadd.s32 $0xFFFFFC00  }
0x4da: {  	_ =	swait.ge [sflag:s3], $0x400  }
0x4db: {  	s29 =	simm.s32 $0x0;
	[sflag:s3] =	ssyncset.done $0x0  }
0x4dc: {  	v12 =	vor.u32 s29, v0;
	[sflag:s3] =	ssyncadd.s32 $0xFFFFFC00  }
0x4dd: {  	v13 =	vshll.u32 v12, $0x3;
	_ =	swait.ge [sflag:s3], $0x400  }
0x4de: {  	v14 =	vor.u32 s29, v1;
	v15 =	vmov s29;
	v13 =	vor.u32 v4, v13;
	[sflag:s3] =	ssyncset.done $0x0  }
0x4df: {  	v16 =	vshll.u32 v14, $0x3;
	v15 =	vshll.u32 v15, $0x3;
	[sflag:s3] =	ssyncadd.s32 $0xFFFFFC00  }
0x4e0: {  	v16 =	vor.u32 v4, v16;
	v17 =	vadd.s32 v3, v15;
	v15 =	vadd.s32 v2, v15;
	_ =	swait.ge [sflag:s3], $0x400  }
0x4e1: {  	v15 =	vor.u32 v4, v15;
	[sflag:s3] =	ssyncset.done $0x0  }
0x4e2: {  	v17 =	vor.u32 v4, v17;
	[sflag:s3] =	ssyncadd.s32 $0xFFFFFC00  }
0x4e3: {  	v13 =	vld.idx.msk [tilespmem:v13+s15+$0x0], $0xffff  }
0x4e4: {  	v12 =	vld.idx.msk [tilespmem:v12+s23+$0x0], $0xffff  }
0x4e5: {  	v16 =	vld.idx.msk [tilespmem:v16+s15+$0x0], $0xffff  }
0x4e6: {  	v15 =	vld.idx.msk [tilespmem:v15+s15+$0x0], $0xffff  }
0x4e7: {  	v17 =	vld.idx.msk [tilespmem:v17+s15+$0x0], $0xffff  }
0x4e8: {  	v18 =	vld.idx.msk [tilespmem:v14+s23+$0x0], $0xffff;
	_ =	sdelay $0x1  }
0x4e9: {  	v14 =	vsub.f32 $1.000000000e+00, v12  }
0x4ea: {  	v16 =	vmul.f32 v16, v12;
	v15 =	vmul.f32 v15, v12  }
0x4eb: {  	s30 =	simm.s32 $0x4;
	s0 =	sand.u32 $0x1C00, s29;
	s1 =	sand.u32 $0x7C, s29;
	v19 =	vmul.f32 v13, v14;
	v14 =	vmul.f32 v17, v14  }
0x4ec: {  	v20 =	vmov s30;
	s0 =	sor.u32 s0, s1;
	v17 =	vsub.f32 $1.000000000e+00, v18  }
0x4ed: {  	s0 =	sor.u32 $0x4000, s0;
	v13 =	vor.u32 s30, v0;
	v16 =	vadd.f32 v16, v19;
	v19 =	vadd.f32 v15, v14  }
0x4ee: {  	v12 =	vor.u32 s30, v1;
	v15 =	vshll.u32 v13, $0x3;
	v14 =	vor.u32 s0, v5  }
0x4ef: {  	v15 =	vor.u32 v4, v15;
	v16 =	vmul.f32 v16, v17;
	v18 =	vmul.f32 v19, v18  }
0x4f0: {  	s31 =	simm.s32 $0x0;
	s0 =	simm.s32 $0x8;
	v19 =	vshll.u32 v12, $0x3;
	v17 =	vshll.u32 v20, $0x3  }
.LBB2_29:
0x4f1: {  	p0 =	sne.s32 s0, $0x3FC;
	v19 =	vor.u32 v4, v19;
	v20 =	vadd.s32 v3, v17;
	v16 =	vadd.f32 v18, v16  }
0x4f2: {  	v17 =	vadd.s32 v2, v17;
	v18 =	vor.u32 v4, v20  }
0x4f3: {  	v17 =	vor.u32 v4, v17;
	[tilespmem:v14+s24+$0x0] =	vst.idx.msk $0xffff, v16  }
0x4f4: {  	v14 =	vld.idx.msk [tilespmem:v15+s15+$0x0], $0xffff  }
0x4f5: {  	v13 =	vld.idx.msk [tilespmem:v13+s23+$0x0], $0xffff  }
0x4f6: {  	v15 =	vld.idx.msk [tilespmem:v19+s15+$0x0], $0xffff  }
0x4f7: {  	v16 =	vld.idx.msk [tilespmem:v18+s15+$0x0], $0xffff  }
0x4f8: {  	v17 =	vld.idx.msk [tilespmem:v17+s15+$0x0], $0xffff  }
0x4f9: {  	v18 =	vld.idx.msk [tilespmem:v12+s23+$0x0], $0xffff;
	_ =	sdelay $0x1  }
0x4fa: {  	v12 =	vsub.f32 $1.000000000e+00, v13;
	_ =	sdelay $0x1  }
0x4fb: {  	s31 =	sadd.s32 $0x20, s31;
	v15 =	vmul.f32 v15, v13;
	v14 =	vmul.f32 v14, v12  }
0x4fc: {  	s5 =	sand.u32 $0x7C, s30;
	s30 =	smov.u32 s0;
	s1 =	sand.u32 $0x1C00, s31;
	v16 =	vmul.f32 v16, v12;
	v17 =	vmul.f32 v17, v13  }
.Ltmp13:
0x4fd: {  	s1 =	sor.u32 s1, s5;
	v13 =	vor.u32 s0, v0;
	v19 =	vsub.f32 $1.000000000e+00, v18;
	(pc) =	sbr.rel @p0 .LBB2_29-.Ltmp13, $4  }
0x4fe: {  	s1 =	sor.u32 $0x4000, s1;
	v12 =	vor.u32 s0, v1;
	v20 =	vadd.f32 v15, v14;
	v17 =	vadd.f32 v17, v16  }
0x4ff: {  	v21 =	vmov s0;
	v15 =	vshll.u32 v13, $0x3;
	v14 =	vor.u32 s1, v5  }
0x500: {  	v15 =	vor.u32 v4, v15;
	v16 =	vmul.f32 v20, v19;
	v18 =	vmul.f32 v17, v18  }
0x501: {  	s0 =	sadd.s32 $0x4, s0;
	v19 =	vshll.u32 v12, $0x3;
	v17 =	vshll.u32 v21, $0x3  }
0x502: {  	_ =	sdelay $0x1  }
0x503: {  	v19 =	vor.u32 v4, v19;
	v20 =	vadd.s32 v3, v17;
	v16 =	vadd.f32 v18, v16  }
0x504: {  	v56 =	vadd.s32 v2, v17;
	v55 =	vor.u32 v4, v20  }
0x505: {  	v17 =	vor.u32 v4, v56;
	[tilespmem:v14+s24+$0x0] =	vst.idx.msk $0xffff, v16  }
0x506: {  	v14 =	vld.idx.msk [tilespmem:v15+s15+$0x0], $0xffff  }
0x507: {  	v13 =	vld.idx.msk [tilespmem:v13+s23+$0x0], $0xffff  }
0x508: {  	v15 =	vld.idx.msk [tilespmem:v19+s15+$0x0], $0xffff  }
0x509: {  	v16 =	vld.idx.msk [tilespmem:v55+s15+$0x0], $0xffff  }
0x50a: {  	v17 =	vld.idx.msk [tilespmem:v17+s15+$0x0], $0xffff  }
0x50b: {  	v12 =	vld.idx.msk [tilespmem:v12+s23+$0x0], $0xffff  }
0x50c: {  	v57 =	vsub.f32 $1.000000000e+00, v13;
	_ =	sdelay $0x1  }
0x50d: {  	s0 =	sadd.s32 $0x20, s31;
	v14 =	vmul.f32 v14, v57;
	v15 =	vmul.f32 v15, v13  }
0x50e: {  	s1 =	sand.u32 $0x7C, s30;
	s0 =	sand.u32 $0x1C00, s0;
	v16 =	vmul.f32 v16, v57;
	v13 =	vmul.f32 v17, v13  }
0x50f: {  	s0 =	sor.u32 s0, s1;
	v58 =	vsub.f32 $1.000000000e+00, v12  }
0x510: {  	s0 =	sor.u32 $0x4000, s0;
	v14 =	vadd.f32 v15, v14;
	v13 =	vadd.f32 v13, v16  }
0x511: {  	v15 =	vor.u32 s0, v5  }
0x512: {  	v14 =	vmul.f32 v14, v58;
	v12 =	vmul.f32 v13, v12  }
0x513: {  	s5 =	simm.s32 $0x0  }
0x514: {  	s0 =	sand.u32 $0x3FFFFF00, s5;
	v12 =	vadd.f32 v12, v14  }
0x515: {  	s11 =	sand.u32 $0x70, s29;
	s0 =	sadd.s32 s0, s28  }
0x516: {  	s0 =	sadd.s32 s11, s0;
	[tilespmem:v15+s24+$0x0] =	vst.idx.msk $0xffff, v12  }
0x517: {  	v12 =	vld [tilespmem:s0+$0x0]  }
0x518: {  	v13 =	vld [tilespmem:s0+$0x80];
	_ =	sdelay $0x4  }
0x519: {  	v12 =	vmul.f32 $1.808840230e+04, v12;
	v13 =	vmul.f32 $1.808840230e+04, v13;
	_ =	sdelay $0x1  }
0x51a: {  	v12 =	vadd.f32 $5.000000000e-01, v12;
	v13 =	vadd.f32 $5.000000000e-01, v13;
	_ =	sdelay $0x1  }
0x51b: {  	v14 =	vtrunc.f32 v12;
	v15 =	vtrunc.f32 v13  }
0x51c: {  	v14 =	vcvt.f32.s32 v14;
	v15 =	vcvt.f32.s32 v15;
	_ =	sdelay $0x1  }
0x51d: {  	v59 =	vcvt.s32.f32 v14;
	v60 =	vmul.u32 $0x9E3779B1, v15  }
0x51e: {  	v15 =	vcvt.s32.f32 v15  }
0x51f: {  	v61 =	vadd.s32 $0x1, v14;
	v12 =	vsub.f32 v12, v59;
	v62 =	vadd.s32 $0x9E3779B1, v60  }
0x520: {  	s29 =	simm.s32 $0x3400;
	s5 =	simm.s32 $0x0;
	v63 =	vxor.u32 v61, v60;
	v13 =	vsub.f32 v13, v15;
	v15 =	vxor.u32 v14, v62  }
0x521: {  	s0 =	sand.u32 $0x3FFFFF80, s5;
	v19 =	vand.u32 $0xFFFF, v63;
	[tilespmem:s29+$0xFFFFFC00] =	vst v12;
	v12 =	vand.u32 $0xFFFF, v15  }
0x522: {  	s1 =	sor.u32 s11, s0;
	v15 =	vxor.u32 v61, v62;
	[tilespmem:s29+$0x0] =	vst v13;
	v13 =	vxor.u32 v14, v60;
	v14 =	vor.u32 $0x60000, v19  }
0x523: {  	s30 =	simm.s32 $0x1;
	s11 =	simm.s32 $0x20;
	v12 =	vor.u32 $0x60000, v12;
	v15 =	vand.u32 $0xFFFF, v15;
	v13 =	vand.u32 $0xFFFF, v13;
	[tilespmem:s1+$0x1400] =	vst v14  }
0x524: {  	s31 =	simm.s32 $0x2;
	s0 =	simm.s32 $0x10;
	s11 =	sand.u32 $0x3FFFFF00, s11;
	[tilespmem:s1+$0x1800] =	vst v12;
	v12 =	vor.u32 $0x60000, v15;
	v13 =	vor.u32 $0x60000, v13  }
.LBB2_31:
0x525: {  	p0 =	sne.s32 s31, $0x3F;
	s5 =	sand.u32 $0x70, s0;
	s11 =	sadd.s32 s11, s28;
	[tilespmem:s1+$0x1C00] =	vst v12  }
0x526: {  	s11 =	sadd.s32 s5, s11;
	[tilespmem:s1+$0x1000] =	vst v13  }
0x527: {  	v12 =	vld [tilespmem:s11+$0x0]  }
0x528: {  	v13 =	vld [tilespmem:s11+$0x80];
	_ =	sdelay $0x4  }
0x529: {  	v12 =	vmul.f32 $1.808840230e+04, v12;
	v13 =	vmul.f32 $1.808840230e+04, v13;
	_ =	sdelay $0x1  }
0x52a: {  	v12 =	vadd.f32 $5.000000000e-01, v12;
	v13 =	vadd.f32 $5.000000000e-01, v13;
	_ =	sdelay $0x1  }
0x52b: {  	v14 =	vtrunc.f32 v12;
	v15 =	vtrunc.f32 v13  }
0x52c: {  	v14 =	vcvt.f32.s32 v14;
	v15 =	vcvt.f32.s32 v15;
	_ =	sdelay $0x1  }
0x52d: {  	v16 =	vcvt.s32.f32 v14;
	v18 =	vadd.s32 $0x1, v14;
	v17 =	vmul.u32 $0x9E3779B1, v15  }
0x52e: {  	v15 =	vcvt.s32.f32 v15  }
0x52f: {  	v12 =	vsub.f32 v12, v16;
	v16 =	vadd.s32 $0x9E3779B1, v17;
	v19 =	vxor.u32 v18, v17  }
.Ltmp14:
0x530: {  	s29 =	sadd.s32 $0x10, s29;
	s1 =	sshll.u32 s30, $0x4;
	v13 =	vsub.f32 v13, v15;
	v15 =	vand.u32 $0xFFFF, v19;
	v19 =	vxor.u32 v14, v16;
	(pc) =	sbr.rel @p0 .LBB2_31-.Ltmp14, $4  }
0x531: {  	s30 =	smov.u32 s31;
	s1 =	sand.u32 $0x3FFFFF80, s1;
	v16 =	vxor.u32 v18, v16;
	[tilespmem:s29+$0xFFFFFC00] =	vst v12;
	v15 =	vor.u32 $0x60000, v15;
	v12 =	vand.u32 $0xFFFF, v19  }
0x532: {  	s1 =	sor.u32 s5, s1;
	[tilespmem:s29+$0x0] =	vst v13;
	v13 =	vxor.u32 v14, v17;
	v12 =	vor.u32 $0x60000, v12;
	v14 =	vand.u32 $0xFFFF, v16  }
0x533: {  	s5 =	sshll.u32 s31, $0x5;
	v13 =	vand.u32 $0xFFFF, v13;
	[tilespmem:s1+$0x1800] =	vst v12;
	v12 =	vor.u32 $0x60000, v14  }
0x534: {  	s0 =	sadd.s32 $0x10, s0;
	s31 =	sadd.s32 $0x1, s31;
	s11 =	sand.u32 $0x3FFFFF00, s5;
	v13 =	vor.u32 $0x60000, v13;
	[tilespmem:s1+$0x1400] =	vst v15  }
0x535: {  	s0 =	sand.u32 $0x70, s0;
	s5 =	sadd.s32 s11, s28;
	[tilespmem:s1+$0x1C00] =	vst v12  }
0x536: {  	[tilespmem:s1+$0x1000] =	vst v13;
	s11 =	sadd.s32 s0, s5  }
0x537: {  	v12 =	vld [tilespmem:s11+$0x0]  }
0x538: {  	v13 =	vld [tilespmem:s11+$0x80];
	_ =	sdelay $0x4  }
0x539: {  	v12 =	vmul.f32 $1.808840230e+04, v12;
	v13 =	vmul.f32 $1.808840230e+04, v13;
	_ =	sdelay $0x1  }
0x53a: {  	v12 =	vadd.f32 $5.000000000e-01, v12;
	v13 =	vadd.f32 $5.000000000e-01, v13;
	_ =	sdelay $0x1  }
0x53b: {  	v14 =	vtrunc.f32 v12;
	v15 =	vtrunc.f32 v13  }
0x53c: {  	v14 =	vcvt.f32.s32 v14;
	v15 =	vcvt.f32.s32 v15;
	_ =	sdelay $0x1  }
0x53d: {  	v16 =	vcvt.s32.f32 v14;
	v17 =	vmul.u32 $0x9E3779B1, v15  }
0x53e: {  	v15 =	vcvt.s32.f32 v15  }
0x53f: {  	v12 =	vsub.f32 v12, v16;
	v16 =	vadd.s32 $0x9E3779B1, v17  }
0x540: {  	s5 =	sshll.u32 s30, $0x4;
	s11 =	sadd.s32 $0x10, s29;
	v18 =	vadd.s32 $0x1, v14;
	v13 =	vsub.f32 v13, v15;
	v15 =	vxor.u32 v14, v16  }
0x541: {  	s1 =	sand.u32 $0x3FFFFF80, s5;
	v19 =	vxor.u32 v18, v17;
	[tilespmem:s11+$0xFFFFFC00] =	vst v12;
	v12 =	vand.u32 $0xFFFF, v15  }
0x542: {  	s0 =	sor.u32 s0, s1;
	v16 =	vxor.u32 v18, v16;
	v15 =	vand.u32 $0xFFFF, v19;
	[tilespmem:s11+$0x0] =	vst v13;
	v12 =	vor.u32 $0x60000, v12  }
0x543: {  	v14 =	vxor.u32 v14, v17;
	v13 =	vor.u32 $0x60000, v15;
	v15 =	vand.u32 $0xFFFF, v16;
	[tilespmem:s0+$0x1800] =	vst v12  }
0x544: {  	v12 =	vand.u32 $0xFFFF, v14;
	v14 =	vor.u32 $0x60000, v15;
	[tilespmem:s0+$0x1400] =	vst v13  }
0x545: {  	v12 =	vor.u32 $0x60000, v12;
	[tilespmem:s0+$0x1C00] =	vst v14  }
0x546: {  	s1 =	simm.s32 $0x1000;
	[tilespmem:s0+$0x1000] =	vst v12  }
0x547: {  	[tilespmem:s15], [sflag:$0x1] =	stream.indirect.gather [hbm4b:s4+s13], $0x8, s1, s13, $0xb8;
	[tilespmem:$0x1C000] =	vst v63  }
0x548: {  	s5 =	simm.s32 $0x1080;
	s11 =	simm.s32 $0x4400  }
0x549: {  	[tilespmem:s11], [sflag:$0x1] =	stream.indirect.gather [hbm4b:s4+s13], $0x8, s5, s13, $0xb8;
	[tilespmem:$0x1C000] =	vst v63  }
0x54a: {  	s5 =	simm.s32 $0x1100;
	s11 =	simm.s32 $0x4800  }
0x54b: {  	[tilespmem:s11], [sflag:$0x1] =	stream.indirect.gather [hbm4b:s4+s13], $0x8, s5, s13, $0xb8;
	[tilespmem:$0x1C000] =	vst v63  }
0x54c: {  	s5 =	simm.s32 $0x1180;
	s11 =	simm.s32 $0x4C00  }
0x54d: {  	[tilespmem:s11], [sflag:$0x1] =	stream.indirect.gather [hbm4b:s4+s13], $0x8, s5, s13, $0xb8;
	[tilespmem:$0x1C000] =	vst v63  }
0x54e: {  	s5 =	simm.s32 $0x1200;
	s11 =	simm.s32 $0x5000  }
0x54f: {  	[tilespmem:s11], [sflag:$0x1] =	stream.indirect.gather [hbm4b:s4+s13], $0x8, s5, s13, $0xb8;
	[tilespmem:$0x1C000] =	vst v63  }
0x550: {  	s5 =	simm.s32 $0x1280;
	s11 =	simm.s32 $0x5400  }
0x551: {  	[tilespmem:s11], [sflag:$0x1] =	stream.indirect.gather [hbm4b:s4+s13], $0x8, s5, s13, $0xb8;
	[tilespmem:$0x1C000] =	vst v63  }
0x552: {  	s5 =	simm.s32 $0x1300;
	s11 =	simm.s32 $0x5800  }
0x553: {  	[tilespmem:s11], [sflag:$0x1] =	stream.indirect.gather [hbm4b:s4+s13], $0x8, s5, s13, $0xb8;
	[tilespmem:$0x1C000] =	vst v63  }
0x554: {  	s5 =	simm.s32 $0x1380;
	s11 =	simm.s32 $0x5C00  }
0x555: {  	[tilespmem:s11], [sflag:$0x1] =	stream.indirect.gather [hbm4b:s4+s13], $0x8, s5, s13, $0xb8;
	[tilespmem:$0x1C000] =	vst v63  }
0x556: {  	s5 =	simm.s32 $0x1400;
	s11 =	simm.s32 $0x6000  }
0x557: {  	[tilespmem:s11], [sflag:$0x1] =	stream.indirect.gather [hbm4b:s4+s13], $0x8, s5, s13, $0xb8;
	[tilespmem:$0x1C000] =	vst v63  }
0x558: {  	s5 =	simm.s32 $0x1480;
	s11 =	simm.s32 $0x6400  }
0x559: {  	[tilespmem:s11], [sflag:$0x1] =	stream.indirect.gather [hbm4b:s4+s13], $0x8, s5, s13, $0xb8;
	[tilespmem:$0x1C000] =	vst v63  }
0x55a: {  	s5 =	simm.s32 $0x1500;
	s11 =	simm.s32 $0x6800  }
0x55b: {  	[tilespmem:s11], [sflag:$0x1] =	stream.indirect.gather [hbm4b:s4+s13], $0x8, s5, s13, $0xb8;
	[tilespmem:$0x1C000] =	vst v63  }
0x55c: {  	s5 =	simm.s32 $0x1580;
	s11 =	simm.s32 $0x6C00  }
0x55d: {  	[tilespmem:s11], [sflag:$0x1] =	stream.indirect.gather [hbm4b:s4+s13], $0x8, s5, s13, $0xb8;
	[tilespmem:$0x1C000] =	vst v63  }
0x55e: {  	s5 =	simm.s32 $0x1600;
	s11 =	simm.s32 $0x7000  }
0x55f: {  	[tilespmem:s11], [sflag:$0x1] =	stream.indirect.gather [hbm4b:s4+s13], $0x8, s5, s13, $0xb8;
	[tilespmem:$0x1C000] =	vst v63  }
0x560: {  	s5 =	simm.s32 $0x1680;
	s11 =	simm.s32 $0x7400  }
0x561: {  	[tilespmem:s11], [sflag:$0x1] =	stream.indirect.gather [hbm4b:s4+s13], $0x8, s5, s13, $0xb8;
	[tilespmem:$0x1C000] =	vst v63  }
0x562: {  	s5 =	simm.s32 $0x1700;
	s11 =	simm.s32 $0x7800  }
0x563: {  	[tilespmem:s11], [sflag:$0x1] =	stream.indirect.gather [hbm4b:s4+s13], $0x8, s5, s13, $0xb8;
	[tilespmem:$0x1C000] =	vst v63  }
0x564: {  	s5 =	simm.s32 $0x1780;
	s11 =	simm.s32 $0x7C00  }
0x565: {  	[tilespmem:s11], [sflag:$0x1] =	stream.indirect.gather [hbm4b:s4+s13], $0x8, s5, s13, $0xb8;
	[tilespmem:$0x1C000] =	vst v63  }
0x566: {  	s5 =	simm.s32 $0x1800;
	s11 =	simm.s32 $0x8000  }
0x567: {  	[tilespmem:s11], [sflag:$0x1] =	stream.indirect.gather [hbm4b:s4+s13], $0x8, s5, s13, $0xb8;
	[tilespmem:$0x1C000] =	vst v63  }
0x568: {  	s5 =	simm.s32 $0x1880;
	s11 =	simm.s32 $0x8400  }
0x569: {  	[tilespmem:s11], [sflag:$0x1] =	stream.indirect.gather [hbm4b:s4+s13], $0x8, s5, s13, $0xb8;
	[tilespmem:$0x1C000] =	vst v63  }
0x56a: {  	s5 =	simm.s32 $0x1900;
	s11 =	simm.s32 $0x8800  }
0x56b: {  	[tilespmem:s11], [sflag:$0x1] =	stream.indirect.gather [hbm4b:s4+s13], $0x8, s5, s13, $0xb8;
	[tilespmem:$0x1C000] =	vst v63  }
0x56c: {  	s5 =	simm.s32 $0x1980;
	s11 =	simm.s32 $0x8C00  }
0x56d: {  	[tilespmem:s11], [sflag:$0x1] =	stream.indirect.gather [hbm4b:s4+s13], $0x8, s5, s13, $0xb8;
	[tilespmem:$0x1C000] =	vst v63  }
0x56e: {  	s5 =	simm.s32 $0x1A00;
	s11 =	simm.s32 $0x9000  }
0x56f: {  	[tilespmem:s11], [sflag:$0x1] =	stream.indirect.gather [hbm4b:s4+s13], $0x8, s5, s13, $0xb8;
	[tilespmem:$0x1C000] =	vst v63  }
0x570: {  	s5 =	simm.s32 $0x1A80;
	s11 =	simm.s32 $0x9400  }
0x571: {  	[tilespmem:s11], [sflag:$0x1] =	stream.indirect.gather [hbm4b:s4+s13], $0x8, s5, s13, $0xb8;
	[tilespmem:$0x1C000] =	vst v63  }
0x572: {  	s5 =	simm.s32 $0x1B00;
	s11 =	simm.s32 $0x9800  }
0x573: {  	[tilespmem:s11], [sflag:$0x1] =	stream.indirect.gather [hbm4b:s4+s13], $0x8, s5, s13, $0xb8;
	[tilespmem:$0x1C000] =	vst v63  }
0x574: {  	s5 =	simm.s32 $0x1B80;
	s11 =	simm.s32 $0x9C00  }
0x575: {  	[tilespmem:s11], [sflag:$0x1] =	stream.indirect.gather [hbm4b:s4+s13], $0x8, s5, s13, $0xb8;
	[tilespmem:$0x1C000] =	vst v63  }
0x576: {  	s1 =	simm.s32 $0x1C00  }
0x577: {  	[tilespmem:s2], [sflag:$0x1] =	stream.indirect.gather [hbm4b:s4+s13], $0x8, s1, s13, $0xb8;
	[tilespmem:$0x1C000] =	vst v63  }
0x578: {  	_ = 	snop  }
0x579: {  	[tilespmem:s7], [sflag:$0x1] =	stream.indirect.gather [hbm4b:s4+s13], $0x8, s6, s13, $0xb8;
	[tilespmem:$0x1C000] =	vst v63  }
0x57a: {  	_ = 	snop  }
0x57b: {  	[tilespmem:s9], [sflag:$0x1] =	stream.indirect.gather [hbm4b:s4+s13], $0x8, s8, s13, $0xb8;
	[tilespmem:$0x1C000] =	vst v63  }
0x57c: {  	_ = 	snop  }
0x57d: {  	[tilespmem:s12], [sflag:$0x1] =	stream.indirect.gather [hbm4b:s4+s13], $0x8, s10, s13, $0xb8;
	[tilespmem:$0x1C000] =	vst v63  }
0x57e: {  	_ = 	snop  }
0x57f: {  	[tilespmem:s16], [sflag:$0x1] =	stream.indirect.gather [hbm4b:s4+s13], $0x8, s14, s13, $0xb8;
	[tilespmem:$0x1C000] =	vst v63  }
0x580: {  	_ = 	snop  }
0x581: {  	[tilespmem:s18], [sflag:$0x1] =	stream.indirect.gather [hbm4b:s4+s13], $0x8, s17, s13, $0xb8;
	[tilespmem:$0x1C000] =	vst v63  }
0x582: {  	_ = 	snop  }
0x583: {  	[tilespmem:s20], [sflag:$0x1] =	stream.indirect.gather [hbm4b:s4+s13], $0x8, s19, s13, $0xb8;
	[tilespmem:$0x1C000] =	vst v63  }
0x584: {  	_ = 	snop  }
0x585: {  	[tilespmem:s22], [sflag:$0x1] =	stream.indirect.gather [hbm4b:s4+s13], $0x8, s21, s13, $0xb8;
	[tilespmem:$0x1C000] =	vst v63  }
0x586: {  	_ =	swait.ge [sflag:s25], $0x400  }
0x587: {  	[sflag:s25] =	ssyncset.done $0x0  }
0x588: {  	[sflag:s25] =	ssyncadd.s32 $0xFFFFFC00  }
0x589: {  	_ =	swait.ge [sflag:s25], $0x400  }
0x58a: {  	[sflag:s25] =	ssyncset.done $0x0  }
0x58b: {  	[sflag:s25] =	ssyncadd.s32 $0xFFFFFC00  }
0x58c: {  	_ =	swait.ge [sflag:s25], $0x400  }
0x58d: {  	[sflag:s25] =	ssyncset.done $0x0  }
0x58e: {  	[sflag:s25] =	ssyncadd.s32 $0xFFFFFC00  }
0x58f: {  	_ =	swait.ge [sflag:s25], $0x400  }
0x590: {  	[sflag:s25] =	ssyncset.done $0x0  }
0x591: {  	[sflag:s25] =	ssyncadd.s32 $0xFFFFFC00  }
0x592: {  	_ =	swait.ge [sflag:s25], $0x400  }
0x593: {  	[sflag:s25] =	ssyncset.done $0x0  }
0x594: {  	[sflag:s25] =	ssyncadd.s32 $0xFFFFFC00  }
0x595: {  	_ =	swait.ge [sflag:s25], $0x400  }
0x596: {  	[sflag:s25] =	ssyncset.done $0x0  }
0x597: {  	[sflag:s25] =	ssyncadd.s32 $0xFFFFFC00  }
0x598: {  	_ =	swait.ge [sflag:s25], $0x400  }
0x599: {  	[sflag:s25] =	ssyncset.done $0x0  }
0x59a: {  	[sflag:s25] =	ssyncadd.s32 $0xFFFFFC00  }
0x59b: {  	_ =	swait.ge [sflag:s25], $0x400  }
0x59c: {  	[sflag:s25] =	ssyncset.done $0x0  }
0x59d: {  	[sflag:s25] =	ssyncadd.s32 $0xFFFFFC00  }
0x59e: {  	_ =	swait.ge [sflag:s25], $0x400  }
0x59f: {  	[sflag:s25] =	ssyncset.done $0x0  }
0x5a0: {  	[sflag:s25] =	ssyncadd.s32 $0xFFFFFC00  }
0x5a1: {  	_ =	swait.ge [sflag:s25], $0x400  }
0x5a2: {  	[sflag:s25] =	ssyncset.done $0x0  }
0x5a3: {  	[sflag:s25] =	ssyncadd.s32 $0xFFFFFC00  }
0x5a4: {  	_ =	swait.ge [sflag:s25], $0x400  }
0x5a5: {  	[sflag:s25] =	ssyncset.done $0x0  }
0x5a6: {  	[sflag:s25] =	ssyncadd.s32 $0xFFFFFC00  }
0x5a7: {  	_ =	swait.ge [sflag:s25], $0x400  }
0x5a8: {  	[sflag:s25] =	ssyncset.done $0x0  }
0x5a9: {  	[sflag:s25] =	ssyncadd.s32 $0xFFFFFC00  }
0x5aa: {  	_ =	swait.ge [sflag:s25], $0x400  }
0x5ab: {  	[sflag:s25] =	ssyncset.done $0x0  }
0x5ac: {  	[sflag:s25] =	ssyncadd.s32 $0xFFFFFC00  }
0x5ad: {  	_ =	swait.ge [sflag:s25], $0x400  }
0x5ae: {  	[sflag:s25] =	ssyncset.done $0x0  }
0x5af: {  	[sflag:s25] =	ssyncadd.s32 $0xFFFFFC00  }
0x5b0: {  	_ =	swait.ge [sflag:s25], $0x400  }
0x5b1: {  	[sflag:s25] =	ssyncset.done $0x0  }
0x5b2: {  	[sflag:s25] =	ssyncadd.s32 $0xFFFFFC00  }
0x5b3: {  	_ =	swait.ge [sflag:s25], $0x400  }
0x5b4: {  	[sflag:s25] =	ssyncset.done $0x0  }
0x5b5: {  	[sflag:s25] =	ssyncadd.s32 $0xFFFFFC00  }
0x5b6: {  	_ =	swait.ge [sflag:s25], $0x400  }
0x5b7: {  	[sflag:s25] =	ssyncset.done $0x0  }
0x5b8: {  	[sflag:s25] =	ssyncadd.s32 $0xFFFFFC00  }
0x5b9: {  	_ =	swait.ge [sflag:s25], $0x400  }
0x5ba: {  	[sflag:s25] =	ssyncset.done $0x0  }
0x5bb: {  	[sflag:s25] =	ssyncadd.s32 $0xFFFFFC00  }
0x5bc: {  	_ =	swait.ge [sflag:s25], $0x400  }
0x5bd: {  	[sflag:s25] =	ssyncset.done $0x0  }
0x5be: {  	[sflag:s25] =	ssyncadd.s32 $0xFFFFFC00  }
0x5bf: {  	_ =	swait.ge [sflag:s25], $0x400  }
0x5c0: {  	[sflag:s25] =	ssyncset.done $0x0  }
0x5c1: {  	[sflag:s25] =	ssyncadd.s32 $0xFFFFFC00  }
0x5c2: {  	_ =	swait.ge [sflag:s25], $0x400  }
0x5c3: {  	[sflag:s25] =	ssyncset.done $0x0  }
0x5c4: {  	[sflag:s25] =	ssyncadd.s32 $0xFFFFFC00  }
0x5c5: {  	_ =	swait.ge [sflag:s25], $0x400  }
0x5c6: {  	[sflag:s25] =	ssyncset.done $0x0  }
0x5c7: {  	[sflag:s25] =	ssyncadd.s32 $0xFFFFFC00  }
0x5c8: {  	_ =	swait.ge [sflag:s25], $0x400  }
0x5c9: {  	[sflag:s25] =	ssyncset.done $0x0  }
0x5ca: {  	[sflag:s25] =	ssyncadd.s32 $0xFFFFFC00  }
0x5cb: {  	_ =	swait.ge [sflag:s25], $0x400  }
0x5cc: {  	[sflag:s25] =	ssyncset.done $0x0  }
0x5cd: {  	[sflag:s25] =	ssyncadd.s32 $0xFFFFFC00  }
0x5ce: {  	_ =	swait.ge [sflag:s25], $0x400  }
0x5cf: {  	[sflag:s25] =	ssyncset.done $0x0  }
0x5d0: {  	[sflag:s25] =	ssyncadd.s32 $0xFFFFFC00  }
0x5d1: {  	_ =	swait.ge [sflag:s25], $0x400  }
0x5d2: {  	[sflag:s25] =	ssyncset.done $0x0  }
0x5d3: {  	[sflag:s25] =	ssyncadd.s32 $0xFFFFFC00  }
0x5d4: {  	_ =	swait.ge [sflag:s25], $0x400  }
0x5d5: {  	[sflag:s25] =	ssyncset.done $0x0  }
0x5d6: {  	[sflag:s25] =	ssyncadd.s32 $0xFFFFFC00  }
0x5d7: {  	_ =	swait.ge [sflag:s25], $0x400  }
0x5d8: {  	[sflag:s25] =	ssyncset.done $0x0  }
0x5d9: {  	[sflag:s25] =	ssyncadd.s32 $0xFFFFFC00  }
0x5da: {  	_ =	swait.ge [sflag:s25], $0x400  }
0x5db: {  	[sflag:s25] =	ssyncset.done $0x0  }
0x5dc: {  	[sflag:s25] =	ssyncadd.s32 $0xFFFFFC00  }
0x5dd: {  	s29 =	simm.s32 $0x0;
	_ =	swait.ge [sflag:s25], $0x400  }
0x5de: {  	v12 =	vmov s29;
	[sflag:s25] =	ssyncset.done $0x0  }
0x5df: {  	v12 =	vshll.u32 v12, $0x3;
	[sflag:s25] =	ssyncadd.s32 $0xFFFFFC00  }
0x5e0: {  	v13 =	vadd.s32 v8, v12;
	_ =	swait.ge [sflag:s25], $0x400  }
0x5e1: {  	v13 =	vor.u32 v4, v13;
	[sflag:s25] =	ssyncset.done $0x0  }
0x5e2: {  	v14 =	vor.u32 s29, v6;
	v15 =	vadd.s32 v11, v12;
	[sflag:s25] =	ssyncadd.s32 $0xFFFFFC00  }
0x5e3: {  	v16 =	vadd.s32 v10, v12;
	v12 =	vadd.s32 v9, v12;
	v15 =	vor.u32 v4, v15;
	_ =	swait.ge [sflag:s25], $0x400  }
0x5e4: {  	v12 =	vor.u32 v4, v12;
	[sflag:s25] =	ssyncset.done $0x0  }
0x5e5: {  	v16 =	vor.u32 v4, v16;
	[sflag:s25] =	ssyncadd.s32 $0xFFFFFC00  }
0x5e6: {  	v17 =	vor.u32 s29, v7;
	v13 =	vld.idx.msk [tilespmem:v13+s15+$0x0], $0xffff  }
0x5e7: {  	v14 =	vld.idx.msk [tilespmem:v14+s23+$0x0], $0xffff  }
0x5e8: {  	v15 =	vld.idx.msk [tilespmem:v15+s15+$0x0], $0xffff  }
0x5e9: {  	v12 =	vld.idx.msk [tilespmem:v12+s15+$0x0], $0xffff  }
0x5ea: {  	v16 =	vld.idx.msk [tilespmem:v16+s15+$0x0], $0xffff  }
0x5eb: {  	v17 =	vld.idx.msk [tilespmem:v17+s23+$0x0], $0xffff;
	_ =	sdelay $0x1  }
0x5ec: {  	v18 =	vsub.f32 $1.000000000e+00, v14  }
0x5ed: {  	v15 =	vmul.f32 v15, v14;
	v14 =	vmul.f32 v12, v14  }
0x5ee: {  	s30 =	simm.s32 $0x4;
	s5 =	sand.u32 $0x1C00, s29;
	s11 =	sand.u32 $0x7C, s29;
	v13 =	vmul.f32 v13, v18;
	v16 =	vmul.f32 v16, v18  }
0x5ef: {  	s0 =	sor.u32 s5, s11;
	v12 =	vmov s30;
	v18 =	vsub.f32 $1.000000000e+00, v17  }
0x5f0: {  	s0 =	sor.u32 $0x4200, s0;
	v12 =	vshll.u32 v12, $0x3;
	v15 =	vadd.f32 v15, v13;
	v19 =	vadd.f32 v14, v16  }
0x5f1: {  	v13 =	vadd.s32 v8, v12;
	v14 =	vor.u32 s0, v5  }
0x5f2: {  	v13 =	vor.u32 v4, v13;
	v16 =	vmul.f32 v15, v18;
	v17 =	vmul.f32 v19, v17  }
0x5f3: {  	s31 =	simm.s32 $0x0;
	s0 =	simm.s32 $0x8;
	v15 =	vor.u32 s30, v6;
	v18 =	vadd.s32 v11, v12  }
.LBB2_33:
0x5f4: {  	p0 =	sne.s32 s0, $0x3FC;
	v18 =	vor.u32 v4, v18;
	v19 =	vadd.s32 v10, v12;
	v16 =	vadd.f32 v17, v16  }
0x5f5: {  	v12 =	vadd.s32 v9, v12;
	v17 =	vor.u32 v4, v19  }
0x5f6: {  	v12 =	vor.u32 v4, v12;
	[tilespmem:v14+s24+$0x0] =	vst.idx.msk $0xffff, v16  }
0x5f7: {  	v14 =	vor.u32 s30, v7;
	v13 =	vld.idx.msk [tilespmem:v13+s15+$0x0], $0xffff  }
0x5f8: {  	v15 =	vld.idx.msk [tilespmem:v15+s23+$0x0], $0xffff  }
0x5f9: {  	v16 =	vld.idx.msk [tilespmem:v18+s15+$0x0], $0xffff  }
0x5fa: {  	v17 =	vld.idx.msk [tilespmem:v17+s15+$0x0], $0xffff  }
0x5fb: {  	v12 =	vld.idx.msk [tilespmem:v12+s15+$0x0], $0xffff  }
0x5fc: {  	v18 =	vld.idx.msk [tilespmem:v14+s23+$0x0], $0xffff;
	_ =	sdelay $0x1  }
0x5fd: {  	v14 =	vsub.f32 $1.000000000e+00, v15;
	_ =	sdelay $0x1  }
0x5fe: {  	s31 =	sadd.s32 $0x20, s31;
	v16 =	vmul.f32 v16, v15;
	v13 =	vmul.f32 v13, v14  }
0x5ff: {  	s5 =	sand.u32 $0x7C, s30;
	s1 =	sand.u32 $0x1C00, s31;
	s30 =	smov.u32 s0;
	v14 =	vmul.f32 v17, v14;
	v15 =	vmul.f32 v12, v15  }
.Ltmp15:
0x600: {  	s1 =	sor.u32 s1, s5;
	v12 =	vmov s0;
	v17 =	vsub.f32 $1.000000000e+00, v18;
	(pc) =	sbr.rel @p0 .LBB2_33-.Ltmp15, $4  }
0x601: {  	s1 =	sor.u32 $0x4200, s1;
	v12 =	vshll.u32 v12, $0x3;
	v16 =	vadd.f32 v16, v13;
	v15 =	vadd.f32 v15, v14  }
0x602: {  	v13 =	vadd.s32 v8, v12;
	v14 =	vor.u32 s1, v5  }
0x603: {  	v13 =	vor.u32 v4, v13;
	v16 =	vmul.f32 v16, v17;
	v17 =	vmul.f32 v15, v18  }
0x604: {  	s0 =	sadd.s32 $0x4, s0;
	v15 =	vor.u32 s30, v6;
	v18 =	vadd.s32 v11, v12  }
0x605: {  	_ =	sdelay $0x1  }
0x606: {  	v18 =	vor.u32 v4, v18;
	v19 =	vadd.s32 v10, v12;
	v16 =	vadd.f32 v17, v16  }
0x607: {  	v12 =	vadd.s32 v9, v12;
	v56 =	vor.u32 v4, v19  }
0x608: {  	v12 =	vor.u32 v4, v12;
	[tilespmem:v14+s24+$0x0] =	vst.idx.msk $0xffff, v16  }
0x609: {  	v14 =	vor.u32 s30, v7;
	v13 =	vld.idx.msk [tilespmem:v13+s15+$0x0], $0xffff  }
0x60a: {  	v15 =	vld.idx.msk [tilespmem:v15+s23+$0x0], $0xffff  }
0x60b: {  	v16 =	vld.idx.msk [tilespmem:v18+s15+$0x0], $0xffff  }
0x60c: {  	v17 =	vld.idx.msk [tilespmem:v56+s15+$0x0], $0xffff  }
0x60d: {  	v12 =	vld.idx.msk [tilespmem:v12+s15+$0x0], $0xffff  }
0x60e: {  	v14 =	vld.idx.msk [tilespmem:v14+s23+$0x0], $0xffff  }
0x60f: {  	v57 =	vsub.f32 $1.000000000e+00, v15;
	_ =	sdelay $0x1  }
0x610: {  	s0 =	sadd.s32 $0x20, s31;
	v13 =	vmul.f32 v13, v57;
	v16 =	vmul.f32 v16, v15  }
0x611: {  	s1 =	sand.u32 $0x7C, s30;
	s0 =	sand.u32 $0x1C00, s0;
	v17 =	vmul.f32 v17, v57;
	v12 =	vmul.f32 v12, v15  }
0x612: {  	s0 =	sor.u32 s0, s1;
	v15 =	vsub.f32 $1.000000000e+00, v14  }
0x613: {  	s0 =	sor.u32 $0x4200, s0;
	v13 =	vadd.f32 v16, v13;
	v12 =	vadd.f32 v12, v17  }
0x614: {  	v58 =	vor.u32 s0, v5  }
0x615: {  	v13 =	vmul.f32 v13, v15;
	v12 =	vmul.f32 v12, v14  }
0x616: {  	s5 =	simm.s32 $0x0  }
0x617: {  	s0 =	sand.u32 $0x3FFFFF00, s5;
	v12 =	vadd.f32 v12, v13  }
0x618: {  	s11 =	sand.u32 $0x70, s29;
	s0 =	sadd.s32 s0, s28  }
0x619: {  	s0 =	sadd.s32 s11, s0;
	[tilespmem:v58+s24+$0x0] =	vst.idx.msk $0xffff, v12  }
0x61a: {  	v12 =	vld [tilespmem:s0+$0x0]  }
0x61b: {  	v13 =	vld [tilespmem:s0+$0x80];
	_ =	sdelay $0x4  }
0x61c: {  	v12 =	vmul.f32 $3.276700000e+04, v12;
	v13 =	vmul.f32 $3.276700000e+04, v13;
	_ =	sdelay $0x1  }
0x61d: {  	v12 =	vadd.f32 $5.000000000e-01, v12;
	v13 =	vadd.f32 $5.000000000e-01, v13;
	_ =	sdelay $0x1  }
0x61e: {  	v14 =	vtrunc.f32 v12;
	v15 =	vtrunc.f32 v13  }
0x61f: {  	v14 =	vcvt.f32.s32 v14;
	v15 =	vcvt.f32.s32 v15;
	_ =	sdelay $0x1  }
0x620: {  	v59 =	vcvt.s32.f32 v14;
	v60 =	vmul.u32 $0x9E3779B1, v15  }
0x621: {  	v15 =	vcvt.s32.f32 v15  }
0x622: {  	v61 =	vadd.s32 $0x1, v14;
	v12 =	vsub.f32 v12, v59;
	v62 =	vadd.s32 $0x9E3779B1, v60  }
0x623: {  	s29 =	simm.s32 $0x3C00;
	s5 =	simm.s32 $0x0;
	v63 =	vxor.u32 v61, v60;
	v13 =	vsub.f32 v13, v15;
	v15 =	vxor.u32 v14, v62  }
0x624: {  	s0 =	sand.u32 $0x3FFFFF80, s5;
	v19 =	vand.u32 $0xFFFF, v63;
	[tilespmem:s29+$0xFFFFFC00] =	vst v12;
	v12 =	vand.u32 $0xFFFF, v15  }
0x625: {  	s1 =	sor.u32 s11, s0;
	v15 =	vxor.u32 v61, v62;
	[tilespmem:s29+$0x0] =	vst v13;
	v13 =	vxor.u32 v14, v60;
	v14 =	vor.u32 $0x70000, v19  }
0x626: {  	s31 =	simm.s32 $0x2;
	s11 =	simm.s32 $0x20;
	v12 =	vor.u32 $0x70000, v12;
	v15 =	vand.u32 $0xFFFF, v15;
	v13 =	vand.u32 $0xFFFF, v13;
	[tilespmem:s1+$0x2400] =	vst v14  }
0x627: {  	s30 =	simm.s32 $0x1;
	s0 =	simm.s32 $0x10;
	s11 =	sand.u32 $0x3FFFFF00, s11;
	[tilespmem:s1+$0x2800] =	vst v12;
	v12 =	vor.u32 $0x70000, v15;
	v13 =	vor.u32 $0x70000, v13  }
.LBB2_35:
0x628: {  	p0 =	sne.s32 s31, $0x3F;
	s5 =	sand.u32 $0x70, s0;
	s11 =	sadd.s32 s11, s28;
	[tilespmem:s1+$0x2C00] =	vst v12  }
0x629: {  	s11 =	sadd.s32 s5, s11;
	[tilespmem:s1+$0x2000] =	vst v13  }
0x62a: {  	v12 =	vld [tilespmem:s11+$0x0]  }
0x62b: {  	v13 =	vld [tilespmem:s11+$0x80];
	_ =	sdelay $0x4  }
0x62c: {  	v12 =	vmul.f32 $3.276700000e+04, v12;
	v13 =	vmul.f32 $3.276700000e+04, v13;
	_ =	sdelay $0x1  }
0x62d: {  	v12 =	vadd.f32 $5.000000000e-01, v12;
	v13 =	vadd.f32 $5.000000000e-01, v13;
	_ =	sdelay $0x1  }
0x62e: {  	v14 =	vtrunc.f32 v12;
	v15 =	vtrunc.f32 v13  }
0x62f: {  	v14 =	vcvt.f32.s32 v14;
	v15 =	vcvt.f32.s32 v15;
	_ =	sdelay $0x1  }
0x630: {  	v16 =	vcvt.s32.f32 v14;
	v18 =	vadd.s32 $0x1, v14;
	v17 =	vmul.u32 $0x9E3779B1, v15  }
0x631: {  	v15 =	vcvt.s32.f32 v15  }
0x632: {  	v12 =	vsub.f32 v12, v16;
	v16 =	vadd.s32 $0x9E3779B1, v17;
	v19 =	vxor.u32 v18, v17  }
.Ltmp16:
0x633: {  	s29 =	sadd.s32 $0x10, s29;
	s1 =	sshll.u32 s30, $0x4;
	v13 =	vsub.f32 v13, v15;
	v15 =	vand.u32 $0xFFFF, v19;
	v19 =	vxor.u32 v14, v16;
	(pc) =	sbr.rel @p0 .LBB2_35-.Ltmp16, $4  }
0x634: {  	s30 =	smov.u32 s31;
	s1 =	sand.u32 $0x3FFFFF80, s1;
	v16 =	vxor.u32 v18, v16;
	[tilespmem:s29+$0xFFFFFC00] =	vst v12;
	v15 =	vor.u32 $0x70000, v15;
	v12 =	vand.u32 $0xFFFF, v19  }
0x635: {  	s1 =	sor.u32 s5, s1;
	[tilespmem:s29+$0x0] =	vst v13;
	v13 =	vxor.u32 v14, v17;
	v12 =	vor.u32 $0x70000, v12;
	v14 =	vand.u32 $0xFFFF, v16  }
0x636: {  	s5 =	sshll.u32 s31, $0x5;
	v13 =	vand.u32 $0xFFFF, v13;
	[tilespmem:s1+$0x2800] =	vst v12;
	v12 =	vor.u32 $0x70000, v14  }
0x637: {  	s0 =	sadd.s32 $0x10, s0;
	s31 =	sadd.s32 $0x1, s31;
	s11 =	sand.u32 $0x3FFFFF00, s5;
	v13 =	vor.u32 $0x70000, v13;
	[tilespmem:s1+$0x2400] =	vst v15  }
0x638: {  	s0 =	sand.u32 $0x70, s0;
	s5 =	sadd.s32 s11, s28;
	[tilespmem:s1+$0x2C00] =	vst v12  }
0x639: {  	[tilespmem:s1+$0x2000] =	vst v13;
	s5 =	sadd.s32 s0, s5  }
0x63a: {  	v12 =	vld [tilespmem:s5+$0x0]  }
0x63b: {  	v13 =	vld [tilespmem:s5+$0x80];
	_ =	sdelay $0x3  }
0x63c: {  	v12 =	vmul.f32 $3.276700000e+04, v12  }
0x63d: {  	v13 =	vmul.f32 $3.276700000e+04, v13  }
0x63e: {  	v12 =	vadd.f32 $5.000000000e-01, v12  }
0x63f: {  	v13 =	vadd.f32 $5.000000000e-01, v13  }
0x640: {  	v14 =	vtrunc.f32 v12  }
0x641: {  	v15 =	vtrunc.f32 v13;
	v14 =	vcvt.f32.s32 v14  }
0x642: {  	v15 =	vcvt.f32.s32 v15  }
0x643: {  	v16 =	vcvt.s32.f32 v14  }
0x644: {  	v17 =	vmul.u32 $0x9E3779B1, v15;
	v15 =	vcvt.s32.f32 v15  }
0x645: {  	v18 =	vadd.s32 $0x1, v14;
	v12 =	vsub.f32 v12, v16  }
0x646: {  	s28 =	sshll.u32 s30, $0x4;
	s30 =	sadd.s32 $0x10, s29;
	v56 =	vadd.s32 $0x9E3779B1, v17;
	v13 =	vsub.f32 v13, v15;
	v19 =	vxor.u32 v18, v17  }
0x647: {  	s1 =	sand.u32 $0x3FFFFF80, s28;
	v57 =	vxor.u32 v14, v56;
	v59 =	vand.u32 $0xFFFF, v19;
	[tilespmem:s30+$0xFFFFFC00] =	vst v12  }
0x648: {  	s0 =	sor.u32 s0, s1;
	v16 =	vxor.u32 v18, v56;
	v58 =	vand.u32 $0xFFFF, v57;
	[tilespmem:s30+$0x0] =	vst v13;
	v60 =	vor.u32 $0x70000, v59  }
0x649: {  	v14 =	vxor.u32 v14, v17;
	v61 =	vand.u32 $0xFFFF, v16;
	v12 =	vor.u32 $0x70000, v58;
	[tilespmem:s0+$0x2400] =	vst v60  }
0x64a: {  	v62 =	vand.u32 $0xFFFF, v14;
	v63 =	vor.u32 $0x70000, v61;
	[tilespmem:s0+$0x2800] =	vst v12  }
0x64b: {  	v12 =	vor.u32 $0x70000, v62;
	[tilespmem:s0+$0x2C00] =	vst v63  }
0x64c: {  	s31 =	simm.s32 $0x2000;
	s1 =	simm.s32 $0x200;
	[tilespmem:s0+$0x2000] =	vst v12;
	s0 =	simm.s32 $0xC000  }
0x64d: {  	[tilespmem:s0], [sflag:$0x2] =	stream.indirect.gather [hbm4b:s4+s13], $0x8, s31, s13, $0xb8;
	[tilespmem:$0x1C000] =	vst v63  }
.LBB2_37:
0x64e: {  	p0 =	sne.s32 s1, $0x3E00  }
.Ltmp17:
0x64f: {  	_ = 	snop;
	(pc) =	sbr.rel @p0 .LBB2_37-.Ltmp17, $4  }
0x650: {  	_ = 	snop  }
0x651: {  	s5 =	sshra.s32 s1, $0x2;
	s1 =	sadd.s32 $0x200, s1  }
0x652: {  	s0 =	sadd.s32 $0x400, s0;
	s5 =	sadd.s32 $0x2000, s5  }
0x653: {  	[tilespmem:s0], [sflag:$0x2] =	stream.indirect.gather [hbm4b:s4+s13], $0x8, s5, s13, $0xb8;
	[tilespmem:$0x1C000] =	vst v63  }
0x654: {  	_ =	swait.ge [sflag:s3], $0x400  }
0x655: {  	[sflag:s3] =	ssyncset.done $0x0  }
0x656: {  	[sflag:s3] =	ssyncadd.s32 $0xFFFFFC00  }
0x657: {  	_ =	swait.ge [sflag:s3], $0x400  }
0x658: {  	[sflag:s3] =	ssyncset.done $0x0  }
0x659: {  	[sflag:s3] =	ssyncadd.s32 $0xFFFFFC00  }
0x65a: {  	_ =	swait.ge [sflag:s3], $0x400  }
0x65b: {  	[sflag:s3] =	ssyncset.done $0x0  }
0x65c: {  	[sflag:s3] =	ssyncadd.s32 $0xFFFFFC00  }
0x65d: {  	_ =	swait.ge [sflag:s3], $0x400  }
0x65e: {  	[sflag:s3] =	ssyncset.done $0x0  }
0x65f: {  	[sflag:s3] =	ssyncadd.s32 $0xFFFFFC00  }
0x660: {  	_ =	swait.ge [sflag:s3], $0x400  }
0x661: {  	[sflag:s3] =	ssyncset.done $0x0  }
0x662: {  	[sflag:s3] =	ssyncadd.s32 $0xFFFFFC00  }
0x663: {  	_ =	swait.ge [sflag:s3], $0x400  }
0x664: {  	[sflag:s3] =	ssyncset.done $0x0  }
0x665: {  	[sflag:s3] =	ssyncadd.s32 $0xFFFFFC00  }
0x666: {  	_ =	swait.ge [sflag:s3], $0x400  }
0x667: {  	[sflag:s3] =	ssyncset.done $0x0  }
0x668: {  	[sflag:s3] =	ssyncadd.s32 $0xFFFFFC00  }
0x669: {  	_ =	swait.ge [sflag:s3], $0x400  }
0x66a: {  	[sflag:s3] =	ssyncset.done $0x0  }
0x66b: {  	[sflag:s3] =	ssyncadd.s32 $0xFFFFFC00  }
0x66c: {  	_ =	swait.ge [sflag:s3], $0x400  }
0x66d: {  	[sflag:s3] =	ssyncset.done $0x0  }
0x66e: {  	[sflag:s3] =	ssyncadd.s32 $0xFFFFFC00  }
0x66f: {  	_ =	swait.ge [sflag:s3], $0x400  }
0x670: {  	[sflag:s3] =	ssyncset.done $0x0  }
0x671: {  	[sflag:s3] =	ssyncadd.s32 $0xFFFFFC00  }
0x672: {  	_ =	swait.ge [sflag:s3], $0x400  }
0x673: {  	[sflag:s3] =	ssyncset.done $0x0  }
0x674: {  	[sflag:s3] =	ssyncadd.s32 $0xFFFFFC00  }
0x675: {  	_ =	swait.ge [sflag:s3], $0x400  }
0x676: {  	[sflag:s3] =	ssyncset.done $0x0  }
0x677: {  	[sflag:s3] =	ssyncadd.s32 $0xFFFFFC00  }
0x678: {  	_ =	swait.ge [sflag:s3], $0x400  }
0x679: {  	[sflag:s3] =	ssyncset.done $0x0  }
0x67a: {  	[sflag:s3] =	ssyncadd.s32 $0xFFFFFC00  }
0x67b: {  	_ =	swait.ge [sflag:s3], $0x400  }
0x67c: {  	[sflag:s3] =	ssyncset.done $0x0  }
0x67d: {  	[sflag:s3] =	ssyncadd.s32 $0xFFFFFC00  }
0x67e: {  	_ =	swait.ge [sflag:s3], $0x400  }
0x67f: {  	[sflag:s3] =	ssyncset.done $0x0  }
0x680: {  	[sflag:s3] =	ssyncadd.s32 $0xFFFFFC00  }
0x681: {  	_ =	swait.ge [sflag:s3], $0x400  }
0x682: {  	[sflag:s3] =	ssyncset.done $0x0  }
0x683: {  	[sflag:s3] =	ssyncadd.s32 $0xFFFFFC00  }
0x684: {  	_ =	swait.ge [sflag:s3], $0x400  }
0x685: {  	[sflag:s3] =	ssyncset.done $0x0  }
0x686: {  	[sflag:s3] =	ssyncadd.s32 $0xFFFFFC00  }
0x687: {  	_ =	swait.ge [sflag:s3], $0x400  }
0x688: {  	[sflag:s3] =	ssyncset.done $0x0  }
0x689: {  	[sflag:s3] =	ssyncadd.s32 $0xFFFFFC00  }
0x68a: {  	_ =	swait.ge [sflag:s3], $0x400  }
0x68b: {  	[sflag:s3] =	ssyncset.done $0x0  }
0x68c: {  	[sflag:s3] =	ssyncadd.s32 $0xFFFFFC00  }
0x68d: {  	_ =	swait.ge [sflag:s3], $0x400  }
0x68e: {  	[sflag:s3] =	ssyncset.done $0x0  }
0x68f: {  	[sflag:s3] =	ssyncadd.s32 $0xFFFFFC00  }
0x690: {  	_ =	swait.ge [sflag:s3], $0x400  }
0x691: {  	[sflag:s3] =	ssyncset.done $0x0  }
0x692: {  	[sflag:s3] =	ssyncadd.s32 $0xFFFFFC00  }
0x693: {  	_ =	swait.ge [sflag:s3], $0x400  }
0x694: {  	[sflag:s3] =	ssyncset.done $0x0  }
0x695: {  	[sflag:s3] =	ssyncadd.s32 $0xFFFFFC00  }
0x696: {  	_ =	swait.ge [sflag:s3], $0x400  }
0x697: {  	[sflag:s3] =	ssyncset.done $0x0  }
0x698: {  	[sflag:s3] =	ssyncadd.s32 $0xFFFFFC00  }
0x699: {  	_ =	swait.ge [sflag:s3], $0x400  }
0x69a: {  	[sflag:s3] =	ssyncset.done $0x0  }
0x69b: {  	[sflag:s3] =	ssyncadd.s32 $0xFFFFFC00  }
0x69c: {  	_ =	swait.ge [sflag:s3], $0x400  }
0x69d: {  	[sflag:s3] =	ssyncset.done $0x0  }
0x69e: {  	[sflag:s3] =	ssyncadd.s32 $0xFFFFFC00  }
0x69f: {  	_ =	swait.ge [sflag:s3], $0x400  }
0x6a0: {  	[sflag:s3] =	ssyncset.done $0x0  }
0x6a1: {  	[sflag:s3] =	ssyncadd.s32 $0xFFFFFC00  }
0x6a2: {  	_ =	swait.ge [sflag:s3], $0x400  }
0x6a3: {  	[sflag:s3] =	ssyncset.done $0x0  }
0x6a4: {  	[sflag:s3] =	ssyncadd.s32 $0xFFFFFC00  }
0x6a5: {  	_ =	swait.ge [sflag:s3], $0x400  }
0x6a6: {  	[sflag:s3] =	ssyncset.done $0x0  }
0x6a7: {  	[sflag:s3] =	ssyncadd.s32 $0xFFFFFC00  }
0x6a8: {  	_ =	swait.ge [sflag:s3], $0x400  }
0x6a9: {  	[sflag:s3] =	ssyncset.done $0x0  }
0x6aa: {  	[sflag:s3] =	ssyncadd.s32 $0xFFFFFC00  }
0x6ab: {  	_ =	swait.ge [sflag:s3], $0x400  }
0x6ac: {  	s28 =	simm.s32 $0x0;
	[sflag:s3] =	ssyncset.done $0x0  }
0x6ad: {  	v12 =	vor.u32 s28, v0;
	[sflag:s3] =	ssyncadd.s32 $0xFFFFFC00  }
0x6ae: {  	v13 =	vshll.u32 v12, $0x3;
	_ =	swait.ge [sflag:s3], $0x400  }
0x6af: {  	v14 =	vor.u32 s28, v1;
	v15 =	vmov s28;
	v13 =	vor.u32 v4, v13;
	[sflag:s3] =	ssyncset.done $0x0  }
0x6b0: {  	v16 =	vshll.u32 v14, $0x3;
	v15 =	vshll.u32 v15, $0x3;
	[sflag:s3] =	ssyncadd.s32 $0xFFFFFC00  }
0x6b1: {  	v16 =	vor.u32 v4, v16;
	v17 =	vadd.s32 v3, v15;
	v15 =	vadd.s32 v2, v15;
	_ =	swait.ge [sflag:s3], $0x400  }
0x6b2: {  	v15 =	vor.u32 v4, v15;
	[sflag:s3] =	ssyncset.done $0x0  }
0x6b3: {  	v17 =	vor.u32 v4, v17;
	[sflag:s3] =	ssyncadd.s32 $0xFFFFFC00  }
0x6b4: {  	v13 =	vld.idx.msk [tilespmem:v13+s15+$0x0], $0xffff  }
0x6b5: {  	v12 =	vld.idx.msk [tilespmem:v12+s23+$0x0], $0xffff  }
0x6b6: {  	v16 =	vld.idx.msk [tilespmem:v16+s15+$0x0], $0xffff  }
0x6b7: {  	v15 =	vld.idx.msk [tilespmem:v15+s15+$0x0], $0xffff  }
0x6b8: {  	v17 =	vld.idx.msk [tilespmem:v17+s15+$0x0], $0xffff  }
0x6b9: {  	v18 =	vld.idx.msk [tilespmem:v14+s23+$0x0], $0xffff;
	_ =	sdelay $0x1  }
0x6ba: {  	v14 =	vsub.f32 $1.000000000e+00, v12  }
0x6bb: {  	v16 =	vmul.f32 v16, v12;
	v15 =	vmul.f32 v15, v12  }
0x6bc: {  	s29 =	simm.s32 $0x4;
	s0 =	sand.u32 $0x1C00, s28;
	s1 =	sand.u32 $0x7C, s28;
	v19 =	vmul.f32 v13, v14;
	v14 =	vmul.f32 v17, v14  }
0x6bd: {  	v20 =	vmov s29;
	s0 =	sor.u32 s0, s1;
	v17 =	vsub.f32 $1.000000000e+00, v18  }
0x6be: {  	s0 =	sor.u32 $0x6000, s0;
	v13 =	vor.u32 s29, v0;
	v16 =	vadd.f32 v16, v19;
	v19 =	vadd.f32 v15, v14  }
0x6bf: {  	v12 =	vor.u32 s29, v1;
	v15 =	vshll.u32 v13, $0x3;
	v14 =	vor.u32 s0, v5  }
0x6c0: {  	v15 =	vor.u32 v4, v15;
	v16 =	vmul.f32 v16, v17;
	v18 =	vmul.f32 v19, v18  }
0x6c1: {  	s0 =	simm.s32 $0x8;
	v19 =	vshll.u32 v12, $0x3;
	v17 =	vshll.u32 v20, $0x3  }
.LBB2_39:
0x6c2: {  	p0 =	sne.s32 s0, $0x3FC;
	v19 =	vor.u32 v4, v19;
	v20 =	vadd.s32 v3, v17;
	v16 =	vadd.f32 v18, v16  }
0x6c3: {  	v17 =	vadd.s32 v2, v17;
	v18 =	vor.u32 v4, v20  }
0x6c4: {  	v17 =	vor.u32 v4, v17;
	[tilespmem:v14+s24+$0x0] =	vst.idx.msk $0xffff, v16  }
0x6c5: {  	v14 =	vld.idx.msk [tilespmem:v15+s15+$0x0], $0xffff  }
0x6c6: {  	v13 =	vld.idx.msk [tilespmem:v13+s23+$0x0], $0xffff  }
0x6c7: {  	v15 =	vld.idx.msk [tilespmem:v19+s15+$0x0], $0xffff  }
0x6c8: {  	v16 =	vld.idx.msk [tilespmem:v18+s15+$0x0], $0xffff  }
0x6c9: {  	v17 =	vld.idx.msk [tilespmem:v17+s15+$0x0], $0xffff  }
0x6ca: {  	v18 =	vld.idx.msk [tilespmem:v12+s23+$0x0], $0xffff;
	_ =	sdelay $0x1  }
0x6cb: {  	v12 =	vsub.f32 $1.000000000e+00, v13;
	_ =	sdelay $0x1  }
0x6cc: {  	s28 =	sadd.s32 $0x20, s28;
	v15 =	vmul.f32 v15, v13;
	v14 =	vmul.f32 v14, v12  }
0x6cd: {  	s5 =	sand.u32 $0x7C, s29;
	s29 =	smov.u32 s0;
	s1 =	sand.u32 $0x1C00, s28;
	v16 =	vmul.f32 v16, v12;
	v17 =	vmul.f32 v17, v13  }
.Ltmp18:
0x6ce: {  	s1 =	sor.u32 s1, s5;
	v13 =	vor.u32 s0, v0;
	v19 =	vsub.f32 $1.000000000e+00, v18;
	(pc) =	sbr.rel @p0 .LBB2_39-.Ltmp18, $4  }
0x6cf: {  	s1 =	sor.u32 $0x6000, s1;
	v12 =	vor.u32 s0, v1;
	v20 =	vadd.f32 v15, v14;
	v17 =	vadd.f32 v17, v16  }
0x6d0: {  	v21 =	vmov s0;
	v15 =	vshll.u32 v13, $0x3;
	v14 =	vor.u32 s1, v5  }
0x6d1: {  	v15 =	vor.u32 v4, v15;
	v16 =	vmul.f32 v20, v19;
	v18 =	vmul.f32 v17, v18  }
0x6d2: {  	s0 =	sadd.s32 $0x4, s0;
	v19 =	vshll.u32 v12, $0x3;
	v17 =	vshll.u32 v21, $0x3  }
0x6d3: {  	_ =	sdelay $0x1  }
0x6d4: {  	v19 =	vor.u32 v4, v19;
	v20 =	vadd.s32 v3, v17;
	v16 =	vadd.f32 v18, v16  }
0x6d5: {  	v17 =	vadd.s32 v2, v17;
	v18 =	vor.u32 v4, v20  }
0x6d6: {  	v17 =	vor.u32 v4, v17;
	[tilespmem:v14+s24+$0x0] =	vst.idx.msk $0xffff, v16  }
0x6d7: {  	v14 =	vld.idx.msk [tilespmem:v15+s15+$0x0], $0xffff  }
0x6d8: {  	v13 =	vld.idx.msk [tilespmem:v13+s23+$0x0], $0xffff  }
0x6d9: {  	v15 =	vld.idx.msk [tilespmem:v19+s15+$0x0], $0xffff  }
0x6da: {  	v16 =	vld.idx.msk [tilespmem:v18+s15+$0x0], $0xffff  }
0x6db: {  	v17 =	vld.idx.msk [tilespmem:v17+s15+$0x0], $0xffff  }
0x6dc: {  	v12 =	vld.idx.msk [tilespmem:v12+s23+$0x0], $0xffff  }
0x6dd: {  	v18 =	vsub.f32 $1.000000000e+00, v13;
	_ =	sdelay $0x1  }
0x6de: {  	s0 =	sadd.s32 $0x20, s28;
	v14 =	vmul.f32 v14, v18;
	v15 =	vmul.f32 v15, v13  }
0x6df: {  	s1 =	sand.u32 $0x7C, s29;
	s0 =	sand.u32 $0x1C00, s0;
	v16 =	vmul.f32 v16, v18;
	v13 =	vmul.f32 v17, v13  }
0x6e0: {  	s0 =	sor.u32 s0, s1;
	v17 =	vsub.f32 $1.000000000e+00, v12  }
0x6e1: {  	s0 =	sor.u32 $0x6000, s0;
	v14 =	vadd.f32 v15, v14;
	v13 =	vadd.f32 v13, v16  }
0x6e2: {  	v15 =	vor.u32 s0, v5  }
0x6e3: {  	v14 =	vmul.f32 v14, v17;
	v12 =	vmul.f32 v13, v12;
	_ =	sdelay $0x1  }
0x6e4: {  	v12 =	vadd.f32 v12, v14;
	_ =	sdelay $0x1  }
0x6e5: {  	[tilespmem:v15+s24+$0x0] =	vst.idx.msk $0xffff, v12  }
0x6e6: {  	_ =	swait.ge [sflag:s25], $0x400  }
0x6e7: {  	[sflag:s25] =	ssyncset.done $0x0  }
0x6e8: {  	[sflag:s25] =	ssyncadd.s32 $0xFFFFFC00  }
0x6e9: {  	_ =	swait.ge [sflag:s25], $0x400  }
0x6ea: {  	[sflag:s25] =	ssyncset.done $0x0  }
0x6eb: {  	[sflag:s25] =	ssyncadd.s32 $0xFFFFFC00  }
0x6ec: {  	_ =	swait.ge [sflag:s25], $0x400  }
0x6ed: {  	[sflag:s25] =	ssyncset.done $0x0  }
0x6ee: {  	[sflag:s25] =	ssyncadd.s32 $0xFFFFFC00  }
0x6ef: {  	_ =	swait.ge [sflag:s25], $0x400  }
0x6f0: {  	[sflag:s25] =	ssyncset.done $0x0  }
0x6f1: {  	[sflag:s25] =	ssyncadd.s32 $0xFFFFFC00  }
0x6f2: {  	_ =	swait.ge [sflag:s25], $0x400  }
0x6f3: {  	[sflag:s25] =	ssyncset.done $0x0  }
0x6f4: {  	[sflag:s25] =	ssyncadd.s32 $0xFFFFFC00  }
0x6f5: {  	_ =	swait.ge [sflag:s25], $0x400  }
0x6f6: {  	[sflag:s25] =	ssyncset.done $0x0  }
0x6f7: {  	[sflag:s25] =	ssyncadd.s32 $0xFFFFFC00  }
0x6f8: {  	_ =	swait.ge [sflag:s25], $0x400  }
0x6f9: {  	[sflag:s25] =	ssyncset.done $0x0  }
0x6fa: {  	[sflag:s25] =	ssyncadd.s32 $0xFFFFFC00  }
0x6fb: {  	_ =	swait.ge [sflag:s25], $0x400  }
0x6fc: {  	[sflag:s25] =	ssyncset.done $0x0  }
0x6fd: {  	[sflag:s25] =	ssyncadd.s32 $0xFFFFFC00  }
0x6fe: {  	_ =	swait.ge [sflag:s25], $0x400  }
0x6ff: {  	[sflag:s25] =	ssyncset.done $0x0  }
0x700: {  	[sflag:s25] =	ssyncadd.s32 $0xFFFFFC00  }
0x701: {  	_ =	swait.ge [sflag:s25], $0x400  }
0x702: {  	[sflag:s25] =	ssyncset.done $0x0  }
0x703: {  	[sflag:s25] =	ssyncadd.s32 $0xFFFFFC00  }
0x704: {  	_ =	swait.ge [sflag:s25], $0x400  }
0x705: {  	[sflag:s25] =	ssyncset.done $0x0  }
0x706: {  	[sflag:s25] =	ssyncadd.s32 $0xFFFFFC00  }
0x707: {  	_ =	swait.ge [sflag:s25], $0x400  }
0x708: {  	[sflag:s25] =	ssyncset.done $0x0  }
0x709: {  	[sflag:s25] =	ssyncadd.s32 $0xFFFFFC00  }
0x70a: {  	_ =	swait.ge [sflag:s25], $0x400  }
0x70b: {  	[sflag:s25] =	ssyncset.done $0x0  }
0x70c: {  	[sflag:s25] =	ssyncadd.s32 $0xFFFFFC00  }
0x70d: {  	_ =	swait.ge [sflag:s25], $0x400  }
0x70e: {  	[sflag:s25] =	ssyncset.done $0x0  }
0x70f: {  	[sflag:s25] =	ssyncadd.s32 $0xFFFFFC00  }
0x710: {  	_ =	swait.ge [sflag:s25], $0x400  }
0x711: {  	[sflag:s25] =	ssyncset.done $0x0  }
0x712: {  	[sflag:s25] =	ssyncadd.s32 $0xFFFFFC00  }
0x713: {  	_ =	swait.ge [sflag:s25], $0x400  }
0x714: {  	[sflag:s25] =	ssyncset.done $0x0  }
0x715: {  	[sflag:s25] =	ssyncadd.s32 $0xFFFFFC00  }
0x716: {  	_ =	swait.ge [sflag:s25], $0x400  }
0x717: {  	[sflag:s25] =	ssyncset.done $0x0  }
0x718: {  	[sflag:s25] =	ssyncadd.s32 $0xFFFFFC00  }
0x719: {  	_ =	swait.ge [sflag:s25], $0x400  }
0x71a: {  	[sflag:s25] =	ssyncset.done $0x0  }
0x71b: {  	[sflag:s25] =	ssyncadd.s32 $0xFFFFFC00  }
0x71c: {  	_ =	swait.ge [sflag:s25], $0x400  }
0x71d: {  	[sflag:s25] =	ssyncset.done $0x0  }
0x71e: {  	[sflag:s25] =	ssyncadd.s32 $0xFFFFFC00  }
0x71f: {  	_ =	swait.ge [sflag:s25], $0x400  }
0x720: {  	[sflag:s25] =	ssyncset.done $0x0  }
0x721: {  	[sflag:s25] =	ssyncadd.s32 $0xFFFFFC00  }
0x722: {  	_ =	swait.ge [sflag:s25], $0x400  }
0x723: {  	[sflag:s25] =	ssyncset.done $0x0  }
0x724: {  	[sflag:s25] =	ssyncadd.s32 $0xFFFFFC00  }
0x725: {  	_ =	swait.ge [sflag:s25], $0x400  }
0x726: {  	[sflag:s25] =	ssyncset.done $0x0  }
0x727: {  	[sflag:s25] =	ssyncadd.s32 $0xFFFFFC00  }
0x728: {  	_ =	swait.ge [sflag:s25], $0x400  }
0x729: {  	[sflag:s25] =	ssyncset.done $0x0  }
0x72a: {  	[sflag:s25] =	ssyncadd.s32 $0xFFFFFC00  }
0x72b: {  	_ =	swait.ge [sflag:s25], $0x400  }
0x72c: {  	[sflag:s25] =	ssyncset.done $0x0  }
0x72d: {  	[sflag:s25] =	ssyncadd.s32 $0xFFFFFC00  }
0x72e: {  	_ =	swait.ge [sflag:s25], $0x400  }
0x72f: {  	[sflag:s25] =	ssyncset.done $0x0  }
0x730: {  	[sflag:s25] =	ssyncadd.s32 $0xFFFFFC00  }
0x731: {  	_ =	swait.ge [sflag:s25], $0x400  }
0x732: {  	[sflag:s25] =	ssyncset.done $0x0  }
0x733: {  	[sflag:s25] =	ssyncadd.s32 $0xFFFFFC00  }
0x734: {  	_ =	swait.ge [sflag:s25], $0x400  }
0x735: {  	[sflag:s25] =	ssyncset.done $0x0  }
0x736: {  	[sflag:s25] =	ssyncadd.s32 $0xFFFFFC00  }
0x737: {  	_ =	swait.ge [sflag:s25], $0x400  }
0x738: {  	[sflag:s25] =	ssyncset.done $0x0  }
0x739: {  	[sflag:s25] =	ssyncadd.s32 $0xFFFFFC00  }
0x73a: {  	_ =	swait.ge [sflag:s25], $0x400  }
0x73b: {  	[sflag:s25] =	ssyncset.done $0x0  }
0x73c: {  	[sflag:s25] =	ssyncadd.s32 $0xFFFFFC00  }
0x73d: {  	s28 =	simm.s32 $0x0;
	_ =	swait.ge [sflag:s25], $0x400  }
0x73e: {  	v12 =	vmov s28;
	[sflag:s25] =	ssyncset.done $0x0  }
0x73f: {  	v12 =	vshll.u32 v12, $0x3;
	[sflag:s25] =	ssyncadd.s32 $0xFFFFFC00  }
0x740: {  	v13 =	vadd.s32 v8, v12;
	_ =	swait.ge [sflag:s25], $0x400  }
0x741: {  	v13 =	vor.u32 v4, v13;
	[sflag:s25] =	ssyncset.done $0x0  }
0x742: {  	v14 =	vor.u32 s28, v6;
	v15 =	vadd.s32 v11, v12;
	[sflag:s25] =	ssyncadd.s32 $0xFFFFFC00  }
0x743: {  	v16 =	vadd.s32 v10, v12;
	v12 =	vadd.s32 v9, v12;
	v15 =	vor.u32 v4, v15;
	_ =	swait.ge [sflag:s25], $0x400  }
0x744: {  	v12 =	vor.u32 v4, v12;
	[sflag:s25] =	ssyncset.done $0x0  }
0x745: {  	v16 =	vor.u32 v4, v16;
	[sflag:s25] =	ssyncadd.s32 $0xFFFFFC00  }
0x746: {  	v17 =	vor.u32 s28, v7;
	v13 =	vld.idx.msk [tilespmem:v13+s15+$0x0], $0xffff  }
0x747: {  	v14 =	vld.idx.msk [tilespmem:v14+s23+$0x0], $0xffff  }
0x748: {  	v15 =	vld.idx.msk [tilespmem:v15+s15+$0x0], $0xffff  }
0x749: {  	v12 =	vld.idx.msk [tilespmem:v12+s15+$0x0], $0xffff  }
0x74a: {  	v16 =	vld.idx.msk [tilespmem:v16+s15+$0x0], $0xffff  }
0x74b: {  	v17 =	vld.idx.msk [tilespmem:v17+s23+$0x0], $0xffff;
	_ =	sdelay $0x1  }
0x74c: {  	v18 =	vsub.f32 $1.000000000e+00, v14  }
0x74d: {  	v15 =	vmul.f32 v15, v14;
	v14 =	vmul.f32 v12, v14  }
0x74e: {  	s29 =	simm.s32 $0x4;
	s30 =	sand.u32 $0x1C00, s28;
	s31 =	sand.u32 $0x7C, s28;
	v13 =	vmul.f32 v13, v18;
	v16 =	vmul.f32 v16, v18  }
0x74f: {  	s0 =	sor.u32 s30, s31;
	v12 =	vmov s29;
	v18 =	vsub.f32 $1.000000000e+00, v17  }
0x750: {  	s0 =	sor.u32 $0x6200, s0;
	v12 =	vshll.u32 v12, $0x3;
	v15 =	vadd.f32 v15, v13;
	v19 =	vadd.f32 v14, v16  }
0x751: {  	v13 =	vadd.s32 v8, v12;
	v14 =	vor.u32 s0, v5  }
0x752: {  	v13 =	vor.u32 v4, v13;
	v16 =	vmul.f32 v15, v18;
	v17 =	vmul.f32 v19, v17  }
0x753: {  	s0 =	simm.s32 $0x8;
	v15 =	vor.u32 s29, v6;
	v18 =	vadd.s32 v11, v12  }
.LBB2_41:
0x754: {  	p0 =	sne.s32 s0, $0x3FC;
	v18 =	vor.u32 v4, v18;
	v19 =	vadd.s32 v10, v12;
	v16 =	vadd.f32 v17, v16  }
0x755: {  	v12 =	vadd.s32 v9, v12;
	v17 =	vor.u32 v4, v19  }
0x756: {  	v12 =	vor.u32 v4, v12;
	[tilespmem:v14+s24+$0x0] =	vst.idx.msk $0xffff, v16  }
0x757: {  	v14 =	vor.u32 s29, v7;
	v13 =	vld.idx.msk [tilespmem:v13+s15+$0x0], $0xffff  }
0x758: {  	v15 =	vld.idx.msk [tilespmem:v15+s23+$0x0], $0xffff  }
0x759: {  	v16 =	vld.idx.msk [tilespmem:v18+s15+$0x0], $0xffff  }
0x75a: {  	v17 =	vld.idx.msk [tilespmem:v17+s15+$0x0], $0xffff  }
0x75b: {  	v12 =	vld.idx.msk [tilespmem:v12+s15+$0x0], $0xffff  }
0x75c: {  	v18 =	vld.idx.msk [tilespmem:v14+s23+$0x0], $0xffff;
	_ =	sdelay $0x1  }
0x75d: {  	v14 =	vsub.f32 $1.000000000e+00, v15;
	_ =	sdelay $0x1  }
0x75e: {  	s28 =	sadd.s32 $0x20, s28;
	v16 =	vmul.f32 v16, v15;
	v13 =	vmul.f32 v13, v14  }
0x75f: {  	s5 =	sand.u32 $0x7C, s29;
	s1 =	sand.u32 $0x1C00, s28;
	s29 =	smov.u32 s0;
	v14 =	vmul.f32 v17, v14;
	v15 =	vmul.f32 v12, v15  }
.Ltmp19:
0x760: {  	s1 =	sor.u32 s1, s5;
	v12 =	vmov s0;
	v17 =	vsub.f32 $1.000000000e+00, v18;
	(pc) =	sbr.rel @p0 .LBB2_41-.Ltmp19, $4  }
0x761: {  	s1 =	sor.u32 $0x6200, s1;
	v12 =	vshll.u32 v12, $0x3;
	v16 =	vadd.f32 v16, v13;
	v15 =	vadd.f32 v15, v14  }
0x762: {  	v13 =	vadd.s32 v8, v12;
	v14 =	vor.u32 s1, v5  }
0x763: {  	v13 =	vor.u32 v4, v13;
	v16 =	vmul.f32 v16, v17;
	v17 =	vmul.f32 v15, v18  }
0x764: {  	s0 =	sadd.s32 $0x4, s0;
	v15 =	vor.u32 s29, v6;
	v18 =	vadd.s32 v11, v12  }
0x765: {  	_ =	sdelay $0x1  }
0x766: {  	v18 =	vor.u32 v4, v18;
	v19 =	vadd.s32 v10, v12;
	v16 =	vadd.f32 v17, v16  }
0x767: {  	v59 =	vadd.s32 v9, v12;
	v58 =	vor.u32 v4, v19  }
0x768: {  	v12 =	vor.u32 v4, v59;
	[tilespmem:v14+s24+$0x0] =	vst.idx.msk $0xffff, v16  }
0x769: {  	v60 =	vor.u32 s29, v7;
	v13 =	vld.idx.msk [tilespmem:v13+s15+$0x0], $0xffff  }
0x76a: {  	v15 =	vld.idx.msk [tilespmem:v15+s23+$0x0], $0xffff  }
0x76b: {  	v16 =	vld.idx.msk [tilespmem:v18+s15+$0x0], $0xffff  }
0x76c: {  	v17 =	vld.idx.msk [tilespmem:v58+s15+$0x0], $0xffff  }
0x76d: {  	v12 =	vld.idx.msk [tilespmem:v12+s15+$0x0], $0xffff  }
0x76e: {  	v14 =	vld.idx.msk [tilespmem:v60+s23+$0x0], $0xffff  }
0x76f: {  	v61 =	vsub.f32 $1.000000000e+00, v15;
	_ =	sdelay $0x1  }
0x770: {  	s0 =	sadd.s32 $0x20, s28;
	v13 =	vmul.f32 v13, v61;
	v16 =	vmul.f32 v16, v15  }
0x771: {  	s1 =	sand.u32 $0x7C, s29;
	s0 =	sand.u32 $0x1C00, s0;
	v17 =	vmul.f32 v17, v61;
	v12 =	vmul.f32 v12, v15  }
0x772: {  	s0 =	sor.u32 s0, s1;
	v62 =	vsub.f32 $1.000000000e+00, v14  }
0x773: {  	s0 =	sor.u32 $0x6200, s0;
	v13 =	vadd.f32 v16, v13;
	v12 =	vadd.f32 v12, v17  }
0x774: {  	v63 =	vor.u32 s0, v5  }
0x775: {  	v13 =	vmul.f32 v13, v62;
	v12 =	vmul.f32 v12, v14  }
0x776: {  	s31 =	rddreg [dreg:$0x6]  }
0x777: {  	s30 =	sshll.u32 s26, $0xA;
	s5 =	rddreg [dreg:$0x2];
	v12 =	vadd.f32 v12, v13  }
0x778: {  	s11 =	rddreg [dreg:$0x7];
	s0 =	sadd.s32 s31, s30  }
0x779: {  	s26 =	sadd.s32 $0x1, s26;
	s1 =	sadd.s32 s5, s0;
	s5 =	simm.s32 $0x0;
	[tilespmem:v63+s24+$0x0] =	vst.idx.msk $0xffff, v12  }
0x77a: {  	[hbm4b:s1+s5] =	stream.linear.scatter [tilespmem:s24], [sflag:$0x4], $0x2000, $0x38;
	[tilespmem:$0x1C000] =	vst v63  }
0x77b: {  	p0 =	sne.s32 s26, $0x20;
	s1 =	sadd.s32 s0, s11;
	s11 =	simm.s32 $0x16000  }
0x77c: {  	[hbm4b:s1+s5] =	stream.linear.scatter [tilespmem:s11], [sflag:$0x4], $0x2000, $0x38;
	[tilespmem:$0x1C000] =	vst v63  }
.Ltmp20:
0x77d: {  	s28 =	rddreg [dreg:$0x8];
	(pc) =	sbr.rel @p0 .LBB2_2-.Ltmp20, $4  }
0x77e: {  	s29 =	simm.s32 $0x18000;
	s30 =	rddreg [dreg:$0x9];
	s1 =	sadd.s32 s0, s28  }
0x77f: {  	[hbm4b:s1+s5] =	stream.linear.scatter [tilespmem:s29], [sflag:$0x4], $0x2000, $0x38;
	[tilespmem:$0x1C000] =	vst v63  }
0x780: {  	s31 =	simm.s32 $0x1A000;
	s0 =	sadd.s32 s0, s30;
	s11 =	simm.s32 $0x0  }
0x781: {  	[hbm4b:s0+s5] =	stream.linear.scatter [tilespmem:s31], [sflag:$0x4], $0x2000, $0x38;
	[tilespmem:$0x1C000] =	vst v63  }
0x782: {  	s1 =	simm.s32 $0x4  }
0x783: {  	_ =	swait.ge [sflag:s1], $0x2000  }
0x784: {  	[sflag:s1] =	ssyncset.done $0x0  }
0x785: {  	[sflag:s1] =	ssyncadd.s32 $0xFFFFE000  }
0x786: {  	_ =	swait.ge [sflag:s1], $0x2000  }
0x787: {  	[sflag:s1] =	ssyncset.done $0x0  }
0x788: {  	[sflag:s1] =	ssyncadd.s32 $0xFFFFE000  }
0x789: {  	_ =	swait.ge [sflag:s1], $0x2000  }
0x78a: {  	[sflag:s1] =	ssyncset.done $0x0  }
0x78b: {  	[sflag:s1] =	ssyncadd.s32 $0xFFFFE000  }
0x78c: {  	_ =	swait.ge [sflag:s1], $0x2000  }
0x78d: {  	s5 =	rddreg [dreg:$0xb]  }
0x78e: {  	s0 =	rddreg [dreg:$0xa];
	s5 =	sadd.s32 $0x1, s5  }
0x78f: {  	p0 =	sne.s32 s5, s0  }
.Ltmp21:
0x790: {  	_ = 	snop;
	(pc) =	sbr.rel @p0 .LBB2_1-.Ltmp21, $3  }
0x791: {  	_ =	sdelay $0x1  }
0x792: {  	[sflag:s1] =	ssyncset.done $0x0  }
0x793: {  	[sflag:s1] =	ssyncadd.s32 $0xFFFFE000  }
0x794: {  	_ =	sfence.sel $0x180000  }
0x795: {  	[bflag:$0x0] =	sbarrier.arrive $0xFFFF  }
0x796: {  	_ =	strace $0x9000004A  }
0x797: {  	s0 =	stileid.u32;
	[bflag:$0x2] =	sbarrier.arrive $0xFFFF  }
0x798: {  	p0 =	sne.s32 s0, $0x0;
	s0 =	rddreg [dreg:$0x3]  }
0x799: {  	s0 =	sadd.s32 @!p0 $0x100000, s0  }
0x79a: {  	[sflag:s0] =	ssyncadd.tile.s32 @!p0 $0x1;
	_ =	shalt  }
.Lfunc_end2:
_tile_overlayer_lowered:
.L_overlay_start_2:
0x79b: {  	(tag) =	ssettag $0x2  }
0x79c: {  	s0 =	rddreg [dreg:$0x0];
	s2 =	stileid.u32  }
0x79d: {  	s1 =	rddreg [dreg:$0x1];
	p0 =	sne.s32 s2, $0x0  }
0x79e: {  	s3 =	rddreg [dreg:$0x2];
	[bflag:$0x3] =	sbarrier.arrive $0xFFFF;
	s2 =	simm.s32 @!p0 $0x1C05  }
0x79f: {  	[timem:s3], [sflag:s2] =	dma.local @!p0 [hbm:s0], s1  }
0x7a0: {  	s0 =	simm.s32 @!p0 $0x5  }
0x7a1: {  	_ =	swait.ge @!p0 [sflag:s0], s1  }
0x7a2: {  	s1 =	ssub.s32 @!p0 $0x0, s1;
	[sflag:s0] =	ssyncset.done @!p0 $0x0  }
0x7a3: {  	[sflag:s0] =	ssyncadd.s32 @!p0 s1  }
0x7a4: {  	[bflag:$0x3] =	sbarrier.arrive $0xFFFF  }
0x7a5: {  	_ =	shalt  }

</sc_bundles>
